<compile_context>
chip_gen: v7x
topology: tpu7x:2x2x1
jax: 0.10.2.dev20260603
libtpu: 0.0.44.dev20260713+nightly
codegen_flags: <defaults>
</compile_context>

<pallas_src>
import jax
import jax.numpy as jnp
from jax import lax
from jax.experimental import pallas as pl
from jax.experimental.pallas import tpu as pltpu
from jax.experimental.pallas import tpu_sc as plsc

N = 10000
D = 128
E = 320000
NC = 2
NS = 16
NW = NC * NS
EPW = E // NW
K = 80
NCHUNK = EPW // K
RPS = 624
REM = N - NS * RPS
ZROWS = 48
NBUF = 4
PF = 3
BN_EPS = 1e-5


def _sc_agg_body(x_hbm, pk_hbm, out_hbm,
                 pk_v, src_v, dst_v, rows_v, zbuf_v, agg_sh,
                 gs0, gs1, gs2, gs3, ss0, ss1, ss2, ss3,
                 is0, is1, is2, is3):
    gsem = (gs0, gs1, gs2, gs3)
    ssem = (ss0, ss1, ss2, ss3)
    isem = (is0, is1, is2, is3)
    c = lax.axis_index("c")
    s = lax.axis_index("s")
    wid = c * NS + s
    base = wid * EPW

    z = jnp.zeros((16,), jnp.float32)

    def zrow(i, carry):
        def zcol(j, carry2):
            zbuf_v[i, pl.ds(j * 16, 16)] = z
            return carry2
        return lax.fori_loop(0, D // 16, zcol, carry)

    lax.fori_loop(0, ZROWS, zrow, 0)

    def zcopy(t, carry):
        pltpu.sync_copy(zbuf_v, agg_sh.at[pl.ds(s * RPS + t * ZROWS, ZROWS)])
        return carry

    lax.fori_loop(0, RPS // ZROWS, zcopy, 0)

    @pl.when(s == NS - 1)
    def _zero_rem():
        pltpu.sync_copy(zbuf_v.at[pl.ds(0, REM)],
                        agg_sh.at[pl.ds(NS * RPS, REM)])

    plsc.subcore_barrier()

    def fire_pk(j, b):
        pltpu.async_copy(pk_hbm.at[pl.ds(base + j * K, K)], pk_v.at[b],
                         isem[b])

    def wait_pk(b):
        pltpu.make_async_copy(pk_hbm.at[pl.ds(base, K)], pk_v.at[b],
                              isem[b]).wait()

    def decode(b):
        for u in range(K // 16):
            v = pk_v[b, pl.ds(u * 16, 16)]
            src_v[b, pl.ds(u * 16, 16)] = v & 0xFFFF
            dst_v[b, pl.ds(u * 16, 16)] = lax.shift_right_logical(v, 16)

    def fire_gather(b):
        pltpu.async_copy(x_hbm.at[src_v.at[b]], rows_v.at[b], gsem[b])

    def wait_gather(b):
        pltpu.make_async_copy(x_hbm.at[src_v.at[b]], rows_v.at[b],
                              gsem[b]).wait()

    def fire_scatter(b):
        pltpu.async_copy(rows_v.at[b], agg_sh.at[dst_v.at[b]], ssem[b],
                         add=True)

    def wait_scatter(b):
        pltpu.make_async_copy(rows_v.at[b], agg_sh.at[dst_v.at[b]],
                              ssem[b]).wait()

    for jj in range(PF):
        fire_pk(jj, jj)
    for jj in range(PF):
        wait_pk(jj)
        decode(jj)
        fire_gather(jj)

    def quad(t, carry):
        for r in range(NBUF):
            j = NBUF * t + r
            wait_gather(r)
            fire_scatter(r)
            fb = (r + PF) % NBUF
            fj = j + PF

            @pl.when(fj < NCHUNK)
            def _prefetch(fb=fb, fj=fj):
                fire_pk(fj, fb)

                @pl.when(fj >= NBUF)
                def _free_bufs():
                    wait_scatter(fb)

                wait_pk(fb)
                decode(fb)
                fire_gather(fb)

        return carry

    lax.fori_loop(0, NCHUNK // NBUF, quad, 0)
    wait_gather(0)
    fire_scatter(0)
    wait_scatter(1)
    wait_scatter(2)
    wait_scatter(3)
    wait_scatter(0)
    plsc.subcore_barrier()

    pltpu.sync_copy(agg_sh.at[pl.ds(s * RPS, RPS)],
                    out_hbm.at[c, pl.ds(s * RPS, RPS)])

    @pl.when(s == NS - 1)
    def _write_rem():
        pltpu.sync_copy(agg_sh.at[pl.ds(NS * RPS, REM)],
                        out_hbm.at[c, pl.ds(NS * RPS, REM)])


def _sc_agg(x, packed):
    mesh = plsc.VectorSubcoreMesh(core_axis_name="c", subcore_axis_name="s")
    return pl.kernel(
        _sc_agg_body,
        out_type=jax.ShapeDtypeStruct((NC, N, D), jnp.float32),
        mesh=mesh,
        scratch_types=[
            pltpu.VMEM((NBUF, K), jnp.int32),
            pltpu.VMEM((NBUF, K), jnp.int32),
            pltpu.VMEM((NBUF, K), jnp.int32),
            pltpu.VMEM((NBUF, K, D), jnp.float32),
            pltpu.VMEM((ZROWS, D), jnp.float32),
            pltpu.VMEM_SHARED((N, D), jnp.float32),
        ] + [pltpu.SemaphoreType.DMA] * 12,
    )(x, packed)


NB = 10
BR = N // NB
PKB = 32000


def _pack_body(ei_ref, out_ref):
    out_ref[...] = ei_ref[0, :] | (ei_ref[1, :] << 16)


def _pack_idx(edge_index):
    return pl.pallas_call(
        _pack_body,
        out_shape=jax.ShapeDtypeStruct((E,), jnp.int32),
    )(edge_index)


def _mlp_phases(x_ref, agg_ref, w1, b1, g1, be1, w2, b2, g2, be2, wh, bh,
                out_ref, h1buf, h2buf, s1, s2, s3, s4, sc1, sh1, sc2, sh2):
    p = pl.program_id(0)
    i = pl.program_id(1)
    rows = pl.ds(i * BR, BR)

    @pl.when((p == 0) & (i == 0))
    def _init0():
        s1[...] = jnp.zeros_like(s1)
        s2[...] = jnp.zeros_like(s2)

    @pl.when(p == 0)
    def _phase0():
        z = x_ref[...] + agg_ref[0] + agg_ref[1]
        h = jnp.dot(z, w1[...], preferred_element_type=jnp.float32) + b1[...]
        h1buf[rows, :] = h
        s1[...] += jnp.sum(h, axis=0, keepdims=True)
        s2[...] += jnp.sum(h * h, axis=0, keepdims=True)

    @pl.when((p == 1) & (i == 0))
    def _stats1():
        m = s1[...] / N
        v = s2[...] / N - m * m
        sc = g1[...] * lax.rsqrt(v + BN_EPS)
        sc1[...] = sc
        sh1[...] = be1[...] - m * sc
        s3[...] = jnp.zeros_like(s3)
        s4[...] = jnp.zeros_like(s4)

    @pl.when(p == 1)
    def _phase1():
        a = jnp.maximum(h1buf[rows, :] * sc1[...] + sh1[...], 0.0)
        h = jnp.dot(a, w2[...], preferred_element_type=jnp.float32) + b2[...]
        h2buf[rows, :] = h
        s3[...] += jnp.sum(h, axis=0, keepdims=True)
        s4[...] += jnp.sum(h * h, axis=0, keepdims=True)

    @pl.when((p == 2) & (i == 0))
    def _stats2():
        m = s3[...] / N
        v = s4[...] / N - m * m
        sc = g2[...] * lax.rsqrt(v + BN_EPS)
        sc2[...] = sc
        sh2[...] = be2[...] - m * sc

    @pl.when(p == 2)
    def _phase2():
        a = jnp.maximum(h2buf[rows, :] * sc2[...] + sh2[...], 0.0)
        if wh is None:
            out_ref[...] = a
        else:
            hh = (jnp.dot(a, wh[...], preferred_element_type=jnp.float32)
                  + bh[...])
            mu_ref, ls_ref = out_ref
            mu_ref[...] = hh[:, :64]
            ls_ref[...] = hh[:, 64:]


def _mlp_body_plain(x_ref, agg_ref, w1, b1, g1, be1, w2, b2, g2, be2,
                    out_ref, h1buf, h2buf, s1, s2, s3, s4,
                    sc1, sh1, sc2, sh2):
    _mlp_phases(x_ref, agg_ref, w1, b1, g1, be1, w2, b2, g2, be2, None, None,
                out_ref, h1buf, h2buf, s1, s2, s3, s4, sc1, sh1, sc2, sh2)


def _mlp_body_heads(x_ref, agg_ref, w1, b1, g1, be1, w2, b2, g2, be2, wh, bh,
                    mu_ref, ls_ref, h1buf, h2buf, s1, s2, s3, s4,
                    sc1, sh1, sc2, sh2):
    _mlp_phases(x_ref, agg_ref, w1, b1, g1, be1, w2, b2, g2, be2, wh, bh,
                (mu_ref, ls_ref), h1buf, h2buf, s1, s2, s3, s4,
                sc1, sh1, sc2, sh2)


def _row_spec(shape):
    return pl.BlockSpec(shape, lambda p, i: (jnp.where(p == 0, i, NB - 1), 0))


def _full_spec(shape):
    zeros = (0,) * len(shape)
    return pl.BlockSpec(shape, lambda p, i, z=zeros: z)


def _mlp_call(body, out_specs, out_shape, operands):
    in_specs = [
        _row_spec((BR, D)),
        pl.BlockSpec((NC, BR, D),
                     lambda p, i: (0, jnp.where(p == 0, i, NB - 1), 0)),
    ] + [_full_spec(o.shape) for o in operands[2:]]
    return pl.pallas_call(
        body,
        grid=(3, NB),
        in_specs=in_specs,
        out_specs=out_specs,
        out_shape=out_shape,
        scratch_shapes=[
            pltpu.VMEM((N, D), jnp.float32),
            pltpu.VMEM((N, D), jnp.float32),
        ] + [pltpu.VMEM((1, D), jnp.float32)] * 8,
    )(*operands)


def _mlp1(x, agg, w1, b1, g1, be1, w2, b2, g2, be2):
    return _mlp_call(
        _mlp_body_plain,
        pl.BlockSpec((BR, D), lambda p, i: (jnp.where(p == 2, i, 0), 0)),
        jax.ShapeDtypeStruct((N, D), jnp.float32),
        (x, agg, w1, b1, g1, be1, w2, b2, g2, be2))


def _mlp2(x, agg, w1, b1, g1, be1, w2, b2, g2, be2, wh, bh):
    hspec = pl.BlockSpec((BR, 64), lambda p, i: (jnp.where(p == 2, i, 0), 0))
    return _mlp_call(
        _mlp_body_heads,
        (hspec, hspec),
        (jax.ShapeDtypeStruct((N, 64), jnp.float32),
         jax.ShapeDtypeStruct((N, 64), jnp.float32)),
        (x, agg, w1, b1, g1, be1, w2, b2, g2, be2, wh, bh))


def kernel(x, edge_index, W1a, b1a, g1a, be1a, W2a, b2a, g2a, be2a,
           W1b, b1b, g1b, be1b, W2b, b2b, g2b, be2b, Wmu, bmu, Wls, bls):
    packed = _pack_idx(edge_index.astype(jnp.int32))

    r = lambda v: v.reshape(1, -1)
    wh = jnp.concatenate([Wmu, Wls], axis=1)
    bh = jnp.concatenate([bmu, bls], axis=0).reshape(1, -1)

    agg1 = _sc_agg(x, packed)
    h1 = _mlp1(x, agg1, W1a, r(b1a), r(g1a), r(be1a),
               W2a, r(b2a), r(g2a), r(be2a))
    agg2 = _sc_agg(h1, packed)
    mu, ls = _mlp2(h1, agg2, W1b, r(b1b), r(g1b), r(be1b),
                   W2b, r(b2b), r(g2b), r(be2b), wh, bh)
    return (mu, ls)

# --- scband reference (transcript-rebuilt; emitter-appended) ---
"""Pipeline reference for scband-vgaeencoder-30288109371778 (READ-ONLY COPY).

The authoritative reference and input builder live on the scoring server;
editing this copy changes nothing except your own understanding.
"""

import jax, jax.numpy as jnp
import numpy as np

BN_EPS = 1e-5

def _bn(h, gamma, beta):
    m = jnp.mean(h, axis=0)
    v = jnp.var(h, axis=0)
    return (h - m) / jnp.sqrt(v + BN_EPS) * gamma + beta

def _gin_layer(x, edge_index, W1, b1, g1, be1, W2, b2, g2, be2):
    src = edge_index[0]
    dst = edge_index[1]
    msgs = x[src]
    agg = jax.ops.segment_sum(msgs, dst, num_segments=x.shape[0])
    # GINConv is re-instantiated each forward in the torch code, so eps=0 -> (1+eps)*x = x
    h = x + agg
    h = h @ W1 + b1
    h = jax.nn.relu(_bn(h, g1, be1))
    h = h @ W2 + b2
    h = jax.nn.relu(_bn(h, g2, be2))
    return h

def setup_inputs(seed: int = 0) -> dict:
    key = jax.random.key(seed)
    ks = jax.random.split(key, 24)
    N, D, H, O, E = 10000, 128, 128, 64, 320000
    inp = {}
    inp['x'] = jax.random.normal(ks[0], (N, D), dtype=jnp.float32)
    inp['edge_index'] = jax.random.randint(ks[1], (2, E), 0, N, dtype=jnp.int64)
    def lin(k, fan_in, fan_out):
        bound = 1.0 / np.sqrt(fan_in)
        k1, k2 = jax.random.split(k)
        W = jax.random.uniform(k1, (fan_in, fan_out), jnp.float32, -bound, bound)
        b = jax.random.uniform(k2, (fan_out,), jnp.float32, -bound, bound)
        return W, b
    # layer 1 mlp: Linear(D,H), BN(H), Linear(H,H), BN(H)
    inp['W1a'], inp['b1a'] = lin(ks[2], D, H)
    inp['g1a'] = jnp.ones((H,), jnp.float32); inp['be1a'] = jnp.zeros((H,), jnp.float32)
    inp['W2a'], inp['b2a'] = lin(ks[3], H, H)
    inp['g2a'] = jnp.ones((H,), jnp.float32); inp['be2a'] = jnp.zeros((H,), jnp.float32)
    # layer 2 mlp: Linear(H,H), BN(H), Linear(H,H), BN(H)
    inp['W1b'], inp['b1b'] = lin(ks[4], H, H)
    inp['g1b'] = jnp.ones((H,), jnp.float32); inp['be1b'] = jnp.zeros((H,), jnp.float32)
    inp['W2b'], inp['b2b'] = lin(ks[5], H, H)
    inp['g2b'] = jnp.ones((H,), jnp.float32); inp['be2b'] = jnp.zeros((H,), jnp.float32)
    # heads
    inp['Wmu'], inp['bmu'] = lin(ks[6], H, O)
    inp['Wls'], inp['bls'] = lin(ks[7], H, O)
    return inp

def reference(x, edge_index, W1a, b1a, g1a, be1a, W2a, b2a, g2a, be2a,
              W1b, b1b, g1b, be1b, W2b, b2b, g2b, be2b, Wmu, bmu, Wls, bls):
    h = _gin_layer(x, edge_index, W1a, b1a, g1a, be1a, W2a, b2a, g2a, be2a)
    h = _gin_layer(h, edge_index, W1b, b1b, g1b, be1b, W2b, b2b, g2b, be2b)
    mu = h @ Wmu + bmu
    log_sigma = h @ Wls + bls
    # reparameterize() is computed in the torch forward but z is discarded;
    # the module returns (mu, log_sigma)
    return (mu, log_sigma)

if __name__ == "__main__":
    import jax
    _d = setup_inputs()
    print(jax.jit(kernel)(*tuple(_d.values())))

</pallas_src>

<mosaic_0001>
#map = affine_map<(d0, d1) -> (0, 0)>
#map1 = affine_map<(d0, d1) -> (0)>
#map2 = affine_map<(d0, d1) -> (0, 0, 0)>
module attributes {stable_mosaic.version = 14 : i64} {
  func.func @_sc_agg_body(%arg0: i32, %arg1: i32, %arg2: memref<10000x128xf32, #tpu.memory_space<hbm>>, %arg3: memref<320000xi32, #tpu.memory_space<hbm>>, %arg4: memref<2x10000x128xf32, #tpu.memory_space<hbm>>, %arg5: memref<4x80xi32, #tpu.memory_space<vmem>>, %arg6: memref<4x80xi32, #tpu.memory_space<vmem>>, %arg7: memref<4x80xi32, #tpu.memory_space<vmem>>, %arg8: memref<4x80x128xf32, #tpu.memory_space<vmem>>, %arg9: memref<48x128xf32, #tpu.memory_space<vmem>>, %arg10: memref<10000x128xf32, #tpu.memory_space<vmem_shared>>, %arg11: memref<!tpu.dma_semaphore, #tpu.memory_space<semaphore_mem>>, %arg12: memref<!tpu.dma_semaphore, #tpu.memory_space<semaphore_mem>>, %arg13: memref<!tpu.dma_semaphore, #tpu.memory_space<semaphore_mem>>, %arg14: memref<!tpu.dma_semaphore, #tpu.memory_space<semaphore_mem>>, %arg15: memref<!tpu.dma_semaphore, #tpu.memory_space<semaphore_mem>>, %arg16: memref<!tpu.dma_semaphore, #tpu.memory_space<semaphore_mem>>, %arg17: memref<!tpu.dma_semaphore, #tpu.memory_space<semaphore_mem>>, %arg18: memref<!tpu.dma_semaphore, #tpu.memory_space<semaphore_mem>>, %arg19: memref<!tpu.dma_semaphore, #tpu.memory_space<semaphore_mem>>, %arg20: memref<!tpu.dma_semaphore, #tpu.memory_space<semaphore_mem>>, %arg21: memref<!tpu.dma_semaphore, #tpu.memory_space<semaphore_mem>>, %arg22: memref<!tpu.dma_semaphore, #tpu.memory_space<semaphore_mem>>) attributes {dimension_semantics = [#tpu.dimension_semantics<core_parallel>, #tpu.dimension_semantics<subcore_parallel>], iteration_bounds = array<i64: 2, 16>, scalar_prefetch = 0 : i64, scratch_operands = 18 : i64, tpu.core_type = #tpu.core_type<sc_vector_subcore>, window_params = [{transform_indices = #map}, {transform_indices = #map1}, {transform_indices = #map2}]} {
    %mul3A = arith.constant 16 : i32
    %mul3A_0 = arith.muli %arg0, %mul3A : i32
    %add3A = arith.addi %mul3A_0, %arg1 : i32
    %mul3A_1 = arith.constant 10000 : i32
    %mul3A_2 = arith.muli %add3A, %mul3A_1 : i32
    %broadcast_in_dim3A = arith.constant 0.000000e+00 : f32
    %broadcast_in_dim3A_3 = vector.broadcast %broadcast_in_dim3A : f32 to vector<16xf32>
    %scan3A = arith.constant 0 : i32
    %scan3A_4 = arith.constant 0 : i32
    %scan3A_5 = arith.constant 48 : i32
    %scan3A_6 = arith.addi %scan3A_4, %scan3A_5 : i32
    %scan3A_7 = arith.constant 1 : i32
    scf.for %scan3A_540 = %scan3A_4 to %scan3A_6 step %scan3A_7  : i32 {
      %scan3A_541 = arith.constant 0 : i32
      %scan3A_542 = arith.constant 8 : i32
      %scan3A_543 = arith.addi %scan3A_541, %scan3A_542 : i32
      %scan3A_544 = arith.constant 1 : i32
      scf.for %scan3A_546 = %scan3A_541 to %scan3A_543 step %scan3A_544  : i32 {
        %mul3A_547 = arith.constant 16 : i32
        %mul3A_548 = arith.muli %scan3A_546, %mul3A_547 : i32
        %swap3A_549 = arith.index_cast %scan3A_540 : i32 to index
        %swap3A_550 = arith.index_cast %mul3A_548 : i32 to index
        %swap3A_551 = tpu.vector_load %arg9[%swap3A_549, %swap3A_550] {strides = array<i32>} : memref<48x128xf32, #tpu.memory_space<vmem>>, vector<1x16xf32>,
        %swap3A_552 = vector.shape_cast %swap3A_551 : vector<1x16xf32> to vector<16xf32>
        %swap3A_553 = vector.shape_cast %broadcast_in_dim3A_3 : vector<16xf32> to vector<1x16xf32>
        tpu.vector_store %arg9[%swap3A_549, %swap3A_550], %swap3A_553 {strides = array<i32>} : memref<48x128xf32, #tpu.memory_space<vmem>>, vector<1x16xf32>,
      }
      %scan3A_545 = arith.constant 8 : i32
    }
    %scan3A_8 = arith.constant 48 : i32
    %scan3A_9 = arith.constant 0 : i32
    %scan3A_10 = arith.constant 0 : i32
    %scan3A_11 = arith.constant 13 : i32
    %scan3A_12 = arith.addi %scan3A_10, %scan3A_11 : i32
    %scan3A_13 = arith.constant 1 : i32
    scf.for %scan3A_540 = %scan3A_10 to %scan3A_12 step %scan3A_13  : i32 {
      %mul3A_541 = arith.constant 624 : i32
      %mul3A_542 = arith.muli %arg1, %mul3A_541 : i32
      %mul3A_543 = arith.constant 48 : i32
      %mul3A_544 = arith.muli %scan3A_540, %mul3A_543 : i32
      %add3A_545 = arith.addi %mul3A_542, %mul3A_544 : i32
      "tpu.region"() ({
        %run_scoped3A = tpu.sem_alloc : memref<!tpu.dma_semaphore, #tpu.memory_space<semaphore_mem>>
        %dma_start3A_546 = arith.constant 0 : i32
        %dma_start3A_547 = tpu.memref_slice %arg10[%add3A_545, %dma_start3A_546] : memref<10000x128xf32, #tpu.memory_space<vmem_shared>> -> memref<48x128xf32, #tpu.memory_space<vmem_shared>>
        %dma_start3A_548 = arith.constant 0 : i32
        %dma_start3A_549 = tpu.memref_slice %arg10[%add3A_545, %dma_start3A_548] : memref<10000x128xf32, #tpu.memory_space<vmem_shared>> -> memref<48x128xf32, #tpu.memory_space<vmem_shared>>
        tpu.enqueue_dma source(%arg9 : memref<48x128xf32, #tpu.memory_space<vmem>>) target(%dma_start3A_549 : memref<48x128xf32, #tpu.memory_space<vmem_shared>>) target_semaphore(%run_scoped3A : memref<!tpu.dma_semaphore, #tpu.memory_space<semaphore_mem>>)
        %dma_wait3A_550 = arith.constant 0 : i32
        %dma_wait3A_551 = tpu.memref_slice %arg10[%add3A_545, %dma_wait3A_550] : memref<10000x128xf32, #tpu.memory_space<vmem_shared>> -> memref<48x128xf32, #tpu.memory_space<vmem_shared>>
        %dma_wait3A_552 = arith.constant 0 : i32
        %dma_wait3A_553 = tpu.memref_slice %arg10[%add3A_545, %dma_wait3A_552] : memref<10000x128xf32, #tpu.memory_space<vmem_shared>> -> memref<48x128xf32, #tpu.memory_space<vmem_shared>>
        tpu.wait_dma2 semaphore(%run_scoped3A : memref<!tpu.dma_semaphore, #tpu.memory_space<semaphore_mem>>) src(%arg9 : memref<48x128xf32, #tpu.memory_space<vmem>>) dst(%dma_wait3A_553 : memref<48x128xf32, #tpu.memory_space<vmem_shared>>)
        tpu.yield
      }) : () -> ()
    }
    %scan3A_14 = arith.constant 13 : i32
    %eq3A = arith.constant 15 : i32
    %eq3A_15 = arith.cmpi eq, %arg1, %eq3A : i32
    %convert_element_type3A = arith.extui %eq3A_15 : i1 to i32
    %cond3A = arith.constant 0 : i32
    %cond3A_16 = arith.cmpi ne, %convert_element_type3A, %cond3A : i32
    scf.if %cond3A_16 {
      "tpu.region"() ({
        %run_scoped3A = tpu.sem_alloc : memref<!tpu.dma_semaphore, #tpu.memory_space<semaphore_mem>>
        %dma_start3A_540 = arith.constant 0 : i32
        %dma_start3A_541 = arith.constant 0 : i32
        %dma_start3A_542 = tpu.memref_slice %arg9[%dma_start3A_540, %dma_start3A_541] : memref<48x128xf32, #tpu.memory_space<vmem>> -> memref<16x128xf32, #tpu.memory_space<vmem>>
        %dma_start3A_543 = arith.constant 9984 : i32
        %dma_start3A_544 = arith.constant 0 : i32
        %dma_start3A_545 = tpu.memref_slice %arg10[%dma_start3A_543, %dma_start3A_544] : memref<10000x128xf32, #tpu.memory_space<vmem_shared>> -> memref<16x128xf32, #tpu.memory_space<vmem_shared>>
        %dma_start3A_546 = arith.constant 9984 : i32
        %dma_start3A_547 = arith.constant 0 : i32
        %dma_start3A_548 = tpu.memref_slice %arg10[%dma_start3A_546, %dma_start3A_547] : memref<10000x128xf32, #tpu.memory_space<vmem_shared>> -> memref<16x128xf32, #tpu.memory_space<vmem_shared>>
        %dma_start3A_549 = arith.constant 0 : i32
        %dma_start3A_550 = arith.constant 0 : i32
        %dma_start3A_551 = tpu.memref_slice %arg9[%dma_start3A_549, %dma_start3A_550] : memref<48x128xf32, #tpu.memory_space<vmem>> -> memref<16x128xf32, #tpu.memory_space<vmem>>
        tpu.enqueue_dma source(%dma_start3A_551 : memref<16x128xf32, #tpu.memory_space<vmem>>) target(%dma_start3A_548 : memref<16x128xf32, #tpu.memory_space<vmem_shared>>) target_semaphore(%run_scoped3A : memref<!tpu.dma_semaphore, #tpu.memory_space<semaphore_mem>>)
        %dma_wait3A_552 = arith.constant 0 : i32
        %dma_wait3A_553 = arith.constant 0 : i32
        %dma_wait3A_554 = tpu.memref_slice %arg9[%dma_wait3A_552, %dma_wait3A_553] : memref<48x128xf32, #tpu.memory_space<vmem>> -> memref<16x128xf32, #tpu.memory_space<vmem>>
        %dma_wait3A_555 = arith.constant 9984 : i32
        %dma_wait3A_556 = arith.constant 0 : i32
        %dma_wait3A_557 = tpu.memref_slice %arg10[%dma_wait3A_555, %dma_wait3A_556] : memref<10000x128xf32, #tpu.memory_space<vmem_shared>> -> memref<16x128xf32, #tpu.memory_space<vmem_shared>>
        %dma_wait3A_558 = arith.constant 9984 : i32
        %dma_wait3A_559 = arith.constant 0 : i32
        %dma_wait3A_560 = tpu.memref_slice %arg10[%dma_wait3A_558, %dma_wait3A_559] : memref<10000x128xf32, #tpu.memory_space<vmem_shared>> -> memref<16x128xf32, #tpu.memory_space<vmem_shared>>
        %dma_wait3A_561 = arith.constant 0 : i32
        %dma_wait3A_562 = arith.constant 0 : i32
        %dma_wait3A_563 = tpu.memref_slice %arg9[%dma_wait3A_561, %dma_wait3A_562] : memref<48x128xf32, #tpu.memory_space<vmem>> -> memref<16x128xf32, #tpu.memory_space<vmem>>
        tpu.wait_dma2 semaphore(%run_scoped3A : memref<!tpu.dma_semaphore, #tpu.memory_space<semaphore_mem>>) src(%dma_wait3A_563 : memref<16x128xf32, #tpu.memory_space<vmem>>) dst(%dma_wait3A_560 : memref<16x128xf32, #tpu.memory_space<vmem_shared>>)
        tpu.yield
      }) : () -> ()
    } else {
    }
    %barrier3A = arith.constant 0 : index
    tpu.barrier barrier_id(%barrier3A)
    %add3A_17 = arith.constant 0 : i32
    %add3A_18 = arith.addi %mul3A_2, %add3A_17 : i32
    %dma_start3A = arith.constant 0 : i32
    %dma_start3A_19 = arith.constant 0 : i32
    %dma_start3A_20 = tpu.memref_slice %arg5[%dma_start3A, %dma_start3A_19] : memref<4x80xi32, #tpu.memory_space<vmem>> -> memref<1x80xi32, #tpu.memory_space<vmem>>
    %dma_start3A_21 = tpu.memref_squeeze %dma_start3A_20 : memref<1x80xi32, #tpu.memory_space<vmem>> -> memref<80xi32, #tpu.memory_space<vmem>>
    %dma_start3A_22 = tpu.memref_slice %arg3[%add3A_18] : memref<320000xi32, #tpu.memory_space<hbm>> -> memref<80xi32, #tpu.memory_space<hbm>>
    %dma_start3A_23 = arith.constant 0 : i32
    %dma_start3A_24 = tpu.memref_slice %arg5[%dma_start3A, %dma_start3A_23] : memref<4x80xi32, #tpu.memory_space<vmem>> -> memref<1x80xi32, #tpu.memory_space<vmem>>
    %dma_start3A_25 = tpu.memref_squeeze %dma_start3A_24 : memref<1x80xi32, #tpu.memory_space<vmem>> -> memref<80xi32, #tpu.memory_space<vmem>>
    %dma_start3A_26 = tpu.memref_slice %arg3[%add3A_18] : memref<320000xi32, #tpu.memory_space<hbm>> -> memref<80xi32, #tpu.memory_space<hbm>>
    tpu.enqueue_dma source(%dma_start3A_26 : memref<80xi32, #tpu.memory_space<hbm>>) target(%dma_start3A_25 : memref<80xi32, #tpu.memory_space<vmem>>) target_semaphore(%arg19 : memref<!tpu.dma_semaphore, #tpu.memory_space<semaphore_mem>>)
    %add3A_27 = arith.constant 80 : i32
    %add3A_28 = arith.addi %mul3A_2, %add3A_27 : i32
    %dma_start3A_29 = arith.constant 1 : i32
    %dma_start3A_30 = arith.constant 0 : i32
    %dma_start3A_31 = tpu.memref_slice %arg5[%dma_start3A_29, %dma_start3A_30] : memref<4x80xi32, #tpu.memory_space<vmem>> -> memref<1x80xi32, #tpu.memory_space<vmem>>
    %dma_start3A_32 = tpu.memref_squeeze %dma_start3A_31 : memref<1x80xi32, #tpu.memory_space<vmem>> -> memref<80xi32, #tpu.memory_space<vmem>>
    %dma_start3A_33 = tpu.memref_slice %arg3[%add3A_28] : memref<320000xi32, #tpu.memory_space<hbm>> -> memref<80xi32, #tpu.memory_space<hbm>>
    %dma_start3A_34 = arith.constant 0 : i32
    %dma_start3A_35 = tpu.memref_slice %arg5[%dma_start3A_29, %dma_start3A_34] : memref<4x80xi32, #tpu.memory_space<vmem>> -> memref<1x80xi32, #tpu.memory_space<vmem>>
    %dma_start3A_36 = tpu.memref_squeeze %dma_start3A_35 : memref<1x80xi32, #tpu.memory_space<vmem>> -> memref<80xi32, #tpu.memory_space<vmem>>
    %dma_start3A_37 = tpu.memref_slice %arg3[%add3A_28] : memref<320000xi32, #tpu.memory_space<hbm>> -> memref<80xi32, #tpu.memory_space<hbm>>
    tpu.enqueue_dma source(%dma_start3A_37 : memref<80xi32, #tpu.memory_space<hbm>>) target(%dma_start3A_36 : memref<80xi32, #tpu.memory_space<vmem>>) target_semaphore(%arg20 : memref<!tpu.dma_semaphore, #tpu.memory_space<semaphore_mem>>)
    %add3A_38 = arith.constant 160 : i32
    %add3A_39 = arith.addi %mul3A_2, %add3A_38 : i32
    %dma_start3A_40 = arith.constant 2 : i32
    %dma_start3A_41 = arith.constant 0 : i32
    %dma_start3A_42 = tpu.memref_slice %arg5[%dma_start3A_40, %dma_start3A_41] : memref<4x80xi32, #tpu.memory_space<vmem>> -> memref<1x80xi32, #tpu.memory_space<vmem>>
    %dma_start3A_43 = tpu.memref_squeeze %dma_start3A_42 : memref<1x80xi32, #tpu.memory_space<vmem>> -> memref<80xi32, #tpu.memory_space<vmem>>
    %dma_start3A_44 = tpu.memref_slice %arg3[%add3A_39] : memref<320000xi32, #tpu.memory_space<hbm>> -> memref<80xi32, #tpu.memory_space<hbm>>
    %dma_start3A_45 = arith.constant 0 : i32
    %dma_start3A_46 = tpu.memref_slice %arg5[%dma_start3A_40, %dma_start3A_45] : memref<4x80xi32, #tpu.memory_space<vmem>> -> memref<1x80xi32, #tpu.memory_space<vmem>>
    %dma_start3A_47 = tpu.memref_squeeze %dma_start3A_46 : memref<1x80xi32, #tpu.memory_space<vmem>> -> memref<80xi32, #tpu.memory_space<vmem>>
    %dma_start3A_48 = tpu.memref_slice %arg3[%add3A_39] : memref<320000xi32, #tpu.memory_space<hbm>> -> memref<80xi32, #tpu.memory_space<hbm>>
    tpu.enqueue_dma source(%dma_start3A_48 : memref<80xi32, #tpu.memory_space<hbm>>) target(%dma_start3A_47 : memref<80xi32, #tpu.memory_space<vmem>>) target_semaphore(%arg21 : memref<!tpu.dma_semaphore, #tpu.memory_space<semaphore_mem>>)
    %dma_wait3A = arith.constant 0 : i32
    %dma_wait3A_49 = arith.constant 0 : i32
    %dma_wait3A_50 = tpu.memref_slice %arg5[%dma_wait3A, %dma_wait3A_49] : memref<4x80xi32, #tpu.memory_space<vmem>> -> memref<1x80xi32, #tpu.memory_space<vmem>>
    %dma_wait3A_51 = tpu.memref_squeeze %dma_wait3A_50 : memref<1x80xi32, #tpu.memory_space<vmem>> -> memref<80xi32, #tpu.memory_space<vmem>>
    %dma_wait3A_52 = tpu.memref_slice %arg3[%mul3A_2] : memref<320000xi32, #tpu.memory_space<hbm>> -> memref<80xi32, #tpu.memory_space<hbm>>
    %dma_wait3A_53 = arith.constant 0 : i32
    %dma_wait3A_54 = tpu.memref_slice %arg5[%dma_wait3A, %dma_wait3A_53] : memref<4x80xi32, #tpu.memory_space<vmem>> -> memref<1x80xi32, #tpu.memory_space<vmem>>
    %dma_wait3A_55 = tpu.memref_squeeze %dma_wait3A_54 : memref<1x80xi32, #tpu.memory_space<vmem>> -> memref<80xi32, #tpu.memory_space<vmem>>
    %dma_wait3A_56 = tpu.memref_slice %arg3[%mul3A_2] : memref<320000xi32, #tpu.memory_space<hbm>> -> memref<80xi32, #tpu.memory_space<hbm>>
    tpu.wait_dma2 semaphore(%arg19 : memref<!tpu.dma_semaphore, #tpu.memory_space<semaphore_mem>>) src(%dma_wait3A_56 : memref<80xi32, #tpu.memory_space<hbm>>) dst(%dma_wait3A_55 : memref<80xi32, #tpu.memory_space<vmem>>)
    %get3A = arith.constant 0 : i32
    %get3A_57 = arith.index_cast %get3A : i32 to index
    %get3A_58 = arith.constant 0 : index
    %get3A_59 = tpu.vector_load %arg5[%get3A_57, %get3A_58] {strides = array<i32>} : memref<4x80xi32, #tpu.memory_space<vmem>>, vector<1x16xi32>,
    %get3A_60 = vector.shape_cast %get3A_59 : vector<1x16xi32> to vector<16xi32>
    %and3A = arith.constant 65535 : i32
    %and3A_61 = vector.broadcast %and3A : i32 to vector<16xi32>
    %and3A_62 = arith.andi %get3A_60, %and3A_61 : vector<16xi32>
    %swap3A = arith.constant 0 : i32
    %swap3A_63 = arith.index_cast %swap3A : i32 to index
    %swap3A_64 = arith.constant 0 : index
    %swap3A_65 = tpu.vector_load %arg6[%swap3A_63, %swap3A_64] {strides = array<i32>} : memref<4x80xi32, #tpu.memory_space<vmem>>, vector<1x16xi32>,
    %swap3A_66 = vector.shape_cast %swap3A_65 : vector<1x16xi32> to vector<16xi32>
    %swap3A_67 = vector.shape_cast %and3A_62 : vector<16xi32> to vector<1x16xi32>
    tpu.vector_store %arg6[%swap3A_63, %swap3A_64], %swap3A_67 {strides = array<i32>} : memref<4x80xi32, #tpu.memory_space<vmem>>, vector<1x16xi32>,
    %shift_right_logical3A = arith.constant 16 : i32
    %shift_right_logical3A_68 = vector.broadcast %shift_right_logical3A : i32 to vector<16xi32>
    %shift_right_logical3A_69 = arith.shrui %get3A_60, %shift_right_logical3A_68 : vector<16xi32>
    %swap3A_70 = arith.constant 0 : i32
    %swap3A_71 = arith.index_cast %swap3A_70 : i32 to index
    %swap3A_72 = arith.constant 0 : index
    %swap3A_73 = tpu.vector_load %arg7[%swap3A_71, %swap3A_72] {strides = array<i32>} : memref<4x80xi32, #tpu.memory_space<vmem>>, vector<1x16xi32>,
    %swap3A_74 = vector.shape_cast %swap3A_73 : vector<1x16xi32> to vector<16xi32>
    %swap3A_75 = vector.shape_cast %shift_right_logical3A_69 : vector<16xi32> to vector<1x16xi32>
    tpu.vector_store %arg7[%swap3A_71, %swap3A_72], %swap3A_75 {strides = array<i32>} : memref<4x80xi32, #tpu.memory_space<vmem>>, vector<1x16xi32>,
    %get3A_76 = arith.constant 0 : i32
    %get3A_77 = arith.index_cast %get3A_76 : i32 to index
    %get3A_78 = arith.constant 16 : index
    %get3A_79 = tpu.vector_load %arg5[%get3A_77, %get3A_78] {strides = array<i32>} : memref<4x80xi32, #tpu.memory_space<vmem>>, vector<1x16xi32>,
    %get3A_80 = vector.shape_cast %get3A_79 : vector<1x16xi32> to vector<16xi32>
    %and3A_81 = arith.constant 65535 : i32
    %and3A_82 = vector.broadcast %and3A_81 : i32 to vector<16xi32>
    %and3A_83 = arith.andi %get3A_80, %and3A_82 : vector<16xi32>
    %swap3A_84 = arith.constant 0 : i32
    %swap3A_85 = arith.index_cast %swap3A_84 : i32 to index
    %swap3A_86 = arith.constant 16 : index
    %swap3A_87 = tpu.vector_load %arg6[%swap3A_85, %swap3A_86] {strides = array<i32>} : memref<4x80xi32, #tpu.memory_space<vmem>>, vector<1x16xi32>,
    %swap3A_88 = vector.shape_cast %swap3A_87 : vector<1x16xi32> to vector<16xi32>
    %swap3A_89 = vector.shape_cast %and3A_83 : vector<16xi32> to vector<1x16xi32>
    tpu.vector_store %arg6[%swap3A_85, %swap3A_86], %swap3A_89 {strides = array<i32>} : memref<4x80xi32, #tpu.memory_space<vmem>>, vector<1x16xi32>,
    %shift_right_logical3A_90 = arith.constant 16 : i32
    %shift_right_logical3A_91 = vector.broadcast %shift_right_logical3A_90 : i32 to vector<16xi32>
    %shift_right_logical3A_92 = arith.shrui %get3A_80, %shift_right_logical3A_91 : vector<16xi32>
    %swap3A_93 = arith.constant 0 : i32
    %swap3A_94 = arith.index_cast %swap3A_93 : i32 to index
    %swap3A_95 = arith.constant 16 : index
    %swap3A_96 = tpu.vector_load %arg7[%swap3A_94, %swap3A_95] {strides = array<i32>} : memref<4x80xi32, #tpu.memory_space<vmem>>, vector<1x16xi32>,
    %swap3A_97 = vector.shape_cast %swap3A_96 : vector<1x16xi32> to vector<16xi32>
    %swap3A_98 = vector.shape_cast %shift_right_logical3A_92 : vector<16xi32> to vector<1x16xi32>
    tpu.vector_store %arg7[%swap3A_94, %swap3A_95], %swap3A_98 {strides = array<i32>} : memref<4x80xi32, #tpu.memory_space<vmem>>, vector<1x16xi32>,
    %get3A_99 = arith.constant 0 : i32
    %get3A_100 = arith.index_cast %get3A_99 : i32 to index
    %get3A_101 = arith.constant 32 : index
    %get3A_102 = tpu.vector_load %arg5[%get3A_100, %get3A_101] {strides = array<i32>} : memref<4x80xi32, #tpu.memory_space<vmem>>, vector<1x16xi32>,
    %get3A_103 = vector.shape_cast %get3A_102 : vector<1x16xi32> to vector<16xi32>
    %and3A_104 = arith.constant 65535 : i32
    %and3A_105 = vector.broadcast %and3A_104 : i32 to vector<16xi32>
    %and3A_106 = arith.andi %get3A_103, %and3A_105 : vector<16xi32>
    %swap3A_107 = arith.constant 0 : i32
    %swap3A_108 = arith.index_cast %swap3A_107 : i32 to index
    %swap3A_109 = arith.constant 32 : index
    %swap3A_110 = tpu.vector_load %arg6[%swap3A_108, %swap3A_109] {strides = array<i32>} : memref<4x80xi32, #tpu.memory_space<vmem>>, vector<1x16xi32>,
    %swap3A_111 = vector.shape_cast %swap3A_110 : vector<1x16xi32> to vector<16xi32>
    %swap3A_112 = vector.shape_cast %and3A_106 : vector<16xi32> to vector<1x16xi32>
    tpu.vector_store %arg6[%swap3A_108, %swap3A_109], %swap3A_112 {strides = array<i32>} : memref<4x80xi32, #tpu.memory_space<vmem>>, vector<1x16xi32>,
    %shift_right_logical3A_113 = arith.constant 16 : i32
    %shift_right_logical3A_114 = vector.broadcast %shift_right_logical3A_113 : i32 to vector<16xi32>
    %shift_right_logical3A_115 = arith.shrui %get3A_103, %shift_right_logical3A_114 : vector<16xi32>
    %swap3A_116 = arith.constant 0 : i32
    %swap3A_117 = arith.index_cast %swap3A_116 : i32 to index
    %swap3A_118 = arith.constant 32 : index
    %swap3A_119 = tpu.vector_load %arg7[%swap3A_117, %swap3A_118] {strides = array<i32>} : memref<4x80xi32, #tpu.memory_space<vmem>>, vector<1x16xi32>,
    %swap3A_120 = vector.shape_cast %swap3A_119 : vector<1x16xi32> to vector<16xi32>
    %swap3A_121 = vector.shape_cast %shift_right_logical3A_115 : vector<16xi32> to vector<1x16xi32>
    tpu.vector_store %arg7[%swap3A_117, %swap3A_118], %swap3A_121 {strides = array<i32>} : memref<4x80xi32, #tpu.memory_space<vmem>>, vector<1x16xi32>,
    %get3A_122 = arith.constant 0 : i32
    %get3A_123 = arith.index_cast %get3A_122 : i32 to index
    %get3A_124 = arith.constant 48 : index
    %get3A_125 = tpu.vector_load %arg5[%get3A_123, %get3A_124] {strides = array<i32>} : memref<4x80xi32, #tpu.memory_space<vmem>>, vector<1x16xi32>,
    %get3A_126 = vector.shape_cast %get3A_125 : vector<1x16xi32> to vector<16xi32>
    %and3A_127 = arith.constant 65535 : i32
    %and3A_128 = vector.broadcast %and3A_127 : i32 to vector<16xi32>
    %and3A_129 = arith.andi %get3A_126, %and3A_128 : vector<16xi32>
    %swap3A_130 = arith.constant 0 : i32
    %swap3A_131 = arith.index_cast %swap3A_130 : i32 to index
    %swap3A_132 = arith.constant 48 : index
    %swap3A_133 = tpu.vector_load %arg6[%swap3A_131, %swap3A_132] {strides = array<i32>} : memref<4x80xi32, #tpu.memory_space<vmem>>, vector<1x16xi32>,
    %swap3A_134 = vector.shape_cast %swap3A_133 : vector<1x16xi32> to vector<16xi32>
    %swap3A_135 = vector.shape_cast %and3A_129 : vector<16xi32> to vector<1x16xi32>
    tpu.vector_store %arg6[%swap3A_131, %swap3A_132], %swap3A_135 {strides = array<i32>} : memref<4x80xi32, #tpu.memory_space<vmem>>, vector<1x16xi32>,
    %shift_right_logical3A_136 = arith.constant 16 : i32
    %shift_right_logical3A_137 = vector.broadcast %shift_right_logical3A_136 : i32 to vector<16xi32>
    %shift_right_logical3A_138 = arith.shrui %get3A_126, %shift_right_logical3A_137 : vector<16xi32>
    %swap3A_139 = arith.constant 0 : i32
    %swap3A_140 = arith.index_cast %swap3A_139 : i32 to index
    %swap3A_141 = arith.constant 48 : index
    %swap3A_142 = tpu.vector_load %arg7[%swap3A_140, %swap3A_141] {strides = array<i32>} : memref<4x80xi32, #tpu.memory_space<vmem>>, vector<1x16xi32>,
    %swap3A_143 = vector.shape_cast %swap3A_142 : vector<1x16xi32> to vector<16xi32>
    %swap3A_144 = vector.shape_cast %shift_right_logical3A_138 : vector<16xi32> to vector<1x16xi32>
    tpu.vector_store %arg7[%swap3A_140, %swap3A_141], %swap3A_144 {strides = array<i32>} : memref<4x80xi32, #tpu.memory_space<vmem>>, vector<1x16xi32>,
    %get3A_145 = arith.constant 0 : i32
    %get3A_146 = arith.index_cast %get3A_145 : i32 to index
    %get3A_147 = arith.constant 64 : index
    %get3A_148 = tpu.vector_load %arg5[%get3A_146, %get3A_147] {strides = array<i32>} : memref<4x80xi32, #tpu.memory_space<vmem>>, vector<1x16xi32>,
    %get3A_149 = vector.shape_cast %get3A_148 : vector<1x16xi32> to vector<16xi32>
    %and3A_150 = arith.constant 65535 : i32
    %and3A_151 = vector.broadcast %and3A_150 : i32 to vector<16xi32>
    %and3A_152 = arith.andi %get3A_149, %and3A_151 : vector<16xi32>
    %swap3A_153 = arith.constant 0 : i32
    %swap3A_154 = arith.index_cast %swap3A_153 : i32 to index
    %swap3A_155 = arith.constant 64 : index
    %swap3A_156 = tpu.vector_load %arg6[%swap3A_154, %swap3A_155] {strides = array<i32>} : memref<4x80xi32, #tpu.memory_space<vmem>>, vector<1x16xi32>,
    %swap3A_157 = vector.shape_cast %swap3A_156 : vector<1x16xi32> to vector<16xi32>
    %swap3A_158 = vector.shape_cast %and3A_152 : vector<16xi32> to vector<1x16xi32>
    tpu.vector_store %arg6[%swap3A_154, %swap3A_155], %swap3A_158 {strides = array<i32>} : memref<4x80xi32, #tpu.memory_space<vmem>>, vector<1x16xi32>,
    %shift_right_logical3A_159 = arith.constant 16 : i32
    %shift_right_logical3A_160 = vector.broadcast %shift_right_logical3A_159 : i32 to vector<16xi32>
    %shift_right_logical3A_161 = arith.shrui %get3A_149, %shift_right_logical3A_160 : vector<16xi32>
    %swap3A_162 = arith.constant 0 : i32
    %swap3A_163 = arith.index_cast %swap3A_162 : i32 to index
    %swap3A_164 = arith.constant 64 : index
    %swap3A_165 = tpu.vector_load %arg7[%swap3A_163, %swap3A_164] {strides = array<i32>} : memref<4x80xi32, #tpu.memory_space<vmem>>, vector<1x16xi32>,
    %swap3A_166 = vector.shape_cast %swap3A_165 : vector<1x16xi32> to vector<16xi32>
    %swap3A_167 = vector.shape_cast %shift_right_logical3A_161 : vector<16xi32> to vector<1x16xi32>
    tpu.vector_store %arg7[%swap3A_163, %swap3A_164], %swap3A_167 {strides = array<i32>} : memref<4x80xi32, #tpu.memory_space<vmem>>, vector<1x16xi32>,
    %dma_start3A_168 = arith.constant 0 : i32
    %dma_start3A_169 = arith.constant 0 : i32
    %dma_start3A_170 = arith.constant 0 : i32
    %dma_start3A_171 = arith.constant 0 : i32
    %dma_start3A_172 = tpu.memref_slice %arg8[%dma_start3A_169, %dma_start3A_170, %dma_start3A_171] : memref<4x80x128xf32, #tpu.memory_space<vmem>> -> memref<1x80x128xf32, #tpu.memory_space<vmem>>
    %dma_start3A_173 = tpu.memref_squeeze %dma_start3A_172 : memref<1x80x128xf32, #tpu.memory_space<vmem>> -> memref<80x128xf32, #tpu.memory_space<vmem>>
    %dma_start3A_174 = arith.constant 0 : i32
    %dma_start3A_175 = tpu.memref_slice %arg6[%dma_start3A_168, %dma_start3A_174] : memref<4x80xi32, #tpu.memory_space<vmem>> -> memref<1x80xi32, #tpu.memory_space<vmem>>
    %dma_start3A_176 = tpu.memref_squeeze %dma_start3A_175 : memref<1x80xi32, #tpu.memory_space<vmem>> -> memref<80xi32, #tpu.memory_space<vmem>>
    %dma_start3A_177 = arith.constant 0 : i32
    %dma_start3A_178 = arith.constant 0 : i32
    %dma_start3A_179 = tpu.memref_slice %arg2[%dma_start3A_177, %dma_start3A_178] : memref<10000x128xf32, #tpu.memory_space<hbm>> -> memref<10000x128xf32, #tpu.memory_space<hbm>>
    tpu.enqueue_indirect_dma source(%dma_start3A_179 : memref<10000x128xf32, #tpu.memory_space<hbm>>) target(%dma_start3A_173 : memref<80x128xf32, #tpu.memory_space<vmem>>) offsets(%dma_start3A_176 : memref<80xi32, #tpu.memory_space<vmem>>) semaphore(%arg11 : memref<!tpu.dma_semaphore, #tpu.memory_space<semaphore_mem>>)
    %dma_wait3A_180 = arith.constant 1 : i32
    %dma_wait3A_181 = arith.constant 0 : i32
    %dma_wait3A_182 = tpu.memref_slice %arg5[%dma_wait3A_180, %dma_wait3A_181] : memref<4x80xi32, #tpu.memory_space<vmem>> -> memref<1x80xi32, #tpu.memory_space<vmem>>
    %dma_wait3A_183 = tpu.memref_squeeze %dma_wait3A_182 : memref<1x80xi32, #tpu.memory_space<vmem>> -> memref<80xi32, #tpu.memory_space<vmem>>
    %dma_wait3A_184 = tpu.memref_slice %arg3[%mul3A_2] : memref<320000xi32, #tpu.memory_space<hbm>> -> memref<80xi32, #tpu.memory_space<hbm>>
    %dma_wait3A_185 = arith.constant 0 : i32
    %dma_wait3A_186 = tpu.memref_slice %arg5[%dma_wait3A_180, %dma_wait3A_185] : memref<4x80xi32, #tpu.memory_space<vmem>> -> memref<1x80xi32, #tpu.memory_space<vmem>>
    %dma_wait3A_187 = tpu.memref_squeeze %dma_wait3A_186 : memref<1x80xi32, #tpu.memory_space<vmem>> -> memref<80xi32, #tpu.memory_space<vmem>>
    %dma_wait3A_188 = tpu.memref_slice %arg3[%mul3A_2] : memref<320000xi32, #tpu.memory_space<hbm>> -> memref<80xi32, #tpu.memory_space<hbm>>
    tpu.wait_dma2 semaphore(%arg20 : memref<!tpu.dma_semaphore, #tpu.memory_space<semaphore_mem>>) src(%dma_wait3A_188 : memref<80xi32, #tpu.memory_space<hbm>>) dst(%dma_wait3A_187 : memref<80xi32, #tpu.memory_space<vmem>>)
    %get3A_189 = arith.constant 1 : i32
    %get3A_190 = arith.index_cast %get3A_189 : i32 to index
    %get3A_191 = arith.constant 0 : index
    %get3A_192 = tpu.vector_load %arg5[%get3A_190, %get3A_191] {strides = array<i32>} : memref<4x80xi32, #tpu.memory_space<vmem>>, vector<1x16xi32>,
    %get3A_193 = vector.shape_cast %get3A_192 : vector<1x16xi32> to vector<16xi32>
    %and3A_194 = arith.constant 65535 : i32
    %and3A_195 = vector.broadcast %and3A_194 : i32 to vector<16xi32>
    %and3A_196 = arith.andi %get3A_193, %and3A_195 : vector<16xi32>
    %swap3A_197 = arith.constant 1 : i32
    %swap3A_198 = arith.index_cast %swap3A_197 : i32 to index
    %swap3A_199 = arith.constant 0 : index
    %swap3A_200 = tpu.vector_load %arg6[%swap3A_198, %swap3A_199] {strides = array<i32>} : memref<4x80xi32, #tpu.memory_space<vmem>>, vector<1x16xi32>,
    %swap3A_201 = vector.shape_cast %swap3A_200 : vector<1x16xi32> to vector<16xi32>
    %swap3A_202 = vector.shape_cast %and3A_196 : vector<16xi32> to vector<1x16xi32>
    tpu.vector_store %arg6[%swap3A_198, %swap3A_199], %swap3A_202 {strides = array<i32>} : memref<4x80xi32, #tpu.memory_space<vmem>>, vector<1x16xi32>,
    %shift_right_logical3A_203 = arith.constant 16 : i32
    %shift_right_logical3A_204 = vector.broadcast %shift_right_logical3A_203 : i32 to vector<16xi32>
    %shift_right_logical3A_205 = arith.shrui %get3A_193, %shift_right_logical3A_204 : vector<16xi32>
    %swap3A_206 = arith.constant 1 : i32
    %swap3A_207 = arith.index_cast %swap3A_206 : i32 to index
    %swap3A_208 = arith.constant 0 : index
    %swap3A_209 = tpu.vector_load %arg7[%swap3A_207, %swap3A_208] {strides = array<i32>} : memref<4x80xi32, #tpu.memory_space<vmem>>, vector<1x16xi32>,
    %swap3A_210 = vector.shape_cast %swap3A_209 : vector<1x16xi32> to vector<16xi32>
    %swap3A_211 = vector.shape_cast %shift_right_logical3A_205 : vector<16xi32> to vector<1x16xi32>
    tpu.vector_store %arg7[%swap3A_207, %swap3A_208], %swap3A_211 {strides = array<i32>} : memref<4x80xi32, #tpu.memory_space<vmem>>, vector<1x16xi32>,
    %get3A_212 = arith.constant 1 : i32
    %get3A_213 = arith.index_cast %get3A_212 : i32 to index
    %get3A_214 = arith.constant 16 : index
    %get3A_215 = tpu.vector_load %arg5[%get3A_213, %get3A_214] {strides = array<i32>} : memref<4x80xi32, #tpu.memory_space<vmem>>, vector<1x16xi32>,
    %get3A_216 = vector.shape_cast %get3A_215 : vector<1x16xi32> to vector<16xi32>
    %and3A_217 = arith.constant 65535 : i32
    %and3A_218 = vector.broadcast %and3A_217 : i32 to vector<16xi32>
    %and3A_219 = arith.andi %get3A_216, %and3A_218 : vector<16xi32>
    %swap3A_220 = arith.constant 1 : i32
    %swap3A_221 = arith.index_cast %swap3A_220 : i32 to index
    %swap3A_222 = arith.constant 16 : index
    %swap3A_223 = tpu.vector_load %arg6[%swap3A_221, %swap3A_222] {strides = array<i32>} : memref<4x80xi32, #tpu.memory_space<vmem>>, vector<1x16xi32>,
    %swap3A_224 = vector.shape_cast %swap3A_223 : vector<1x16xi32> to vector<16xi32>
    %swap3A_225 = vector.shape_cast %and3A_219 : vector<16xi32> to vector<1x16xi32>
    tpu.vector_store %arg6[%swap3A_221, %swap3A_222], %swap3A_225 {strides = array<i32>} : memref<4x80xi32, #tpu.memory_space<vmem>>, vector<1x16xi32>,
    %shift_right_logical3A_226 = arith.constant 16 : i32
    %shift_right_logical3A_227 = vector.broadcast %shift_right_logical3A_226 : i32 to vector<16xi32>
    %shift_right_logical3A_228 = arith.shrui %get3A_216, %shift_right_logical3A_227 : vector<16xi32>
    %swap3A_229 = arith.constant 1 : i32
    %swap3A_230 = arith.index_cast %swap3A_229 : i32 to index
    %swap3A_231 = arith.constant 16 : index
    %swap3A_232 = tpu.vector_load %arg7[%swap3A_230, %swap3A_231] {strides = array<i32>} : memref<4x80xi32, #tpu.memory_space<vmem>>, vector<1x16xi32>,
    %swap3A_233 = vector.shape_cast %swap3A_232 : vector<1x16xi32> to vector<16xi32>
    %swap3A_234 = vector.shape_cast %shift_right_logical3A_228 : vector<16xi32> to vector<1x16xi32>
    tpu.vector_store %arg7[%swap3A_230, %swap3A_231], %swap3A_234 {strides = array<i32>} : memref<4x80xi32, #tpu.memory_space<vmem>>, vector<1x16xi32>,
    %get3A_235 = arith.constant 1 : i32
    %get3A_236 = arith.index_cast %get3A_235 : i32 to index
    %get3A_237 = arith.constant 32 : index
    %get3A_238 = tpu.vector_load %arg5[%get3A_236, %get3A_237] {strides = array<i32>} : memref<4x80xi32, #tpu.memory_space<vmem>>, vector<1x16xi32>,
    %get3A_239 = vector.shape_cast %get3A_238 : vector<1x16xi32> to vector<16xi32>
    %and3A_240 = arith.constant 65535 : i32
    %and3A_241 = vector.broadcast %and3A_240 : i32 to vector<16xi32>
    %and3A_242 = arith.andi %get3A_239, %and3A_241 : vector<16xi32>
    %swap3A_243 = arith.constant 1 : i32
    %swap3A_244 = arith.index_cast %swap3A_243 : i32 to index
    %swap3A_245 = arith.constant 32 : index
    %swap3A_246 = tpu.vector_load %arg6[%swap3A_244, %swap3A_245] {strides = array<i32>} : memref<4x80xi32, #tpu.memory_space<vmem>>, vector<1x16xi32>,
    %swap3A_247 = vector.shape_cast %swap3A_246 : vector<1x16xi32> to vector<16xi32>
    %swap3A_248 = vector.shape_cast %and3A_242 : vector<16xi32> to vector<1x16xi32>
    tpu.vector_store %arg6[%swap3A_244, %swap3A_245], %swap3A_248 {strides = array<i32>} : memref<4x80xi32, #tpu.memory_space<vmem>>, vector<1x16xi32>,
    %shift_right_logical3A_249 = arith.constant 16 : i32
    %shift_right_logical3A_250 = vector.broadcast %shift_right_logical3A_249 : i32 to vector<16xi32>
    %shift_right_logical3A_251 = arith.shrui %get3A_239, %shift_right_logical3A_250 : vector<16xi32>
    %swap3A_252 = arith.constant 1 : i32
    %swap3A_253 = arith.index_cast %swap3A_252 : i32 to index
    %swap3A_254 = arith.constant 32 : index
    %swap3A_255 = tpu.vector_load %arg7[%swap3A_253, %swap3A_254] {strides = array<i32>} : memref<4x80xi32, #tpu.memory_space<vmem>>, vector<1x16xi32>,
    %swap3A_256 = vector.shape_cast %swap3A_255 : vector<1x16xi32> to vector<16xi32>
    %swap3A_257 = vector.shape_cast %shift_right_logical3A_251 : vector<16xi32> to vector<1x16xi32>
    tpu.vector_store %arg7[%swap3A_253, %swap3A_254], %swap3A_257 {strides = array<i32>} : memref<4x80xi32, #tpu.memory_space<vmem>>, vector<1x16xi32>,
    %get3A_258 = arith.constant 1 : i32
    %get3A_259 = arith.index_cast %get3A_258 : i32 to index
    %get3A_260 = arith.constant 48 : index
    %get3A_261 = tpu.vector_load %arg5[%get3A_259, %get3A_260] {strides = array<i32>} : memref<4x80xi32, #tpu.memory_space<vmem>>, vector<1x16xi32>,
    %get3A_262 = vector.shape_cast %get3A_261 : vector<1x16xi32> to vector<16xi32>
    %and3A_263 = arith.constant 65535 : i32
    %and3A_264 = vector.broadcast %and3A_263 : i32 to vector<16xi32>
    %and3A_265 = arith.andi %get3A_262, %and3A_264 : vector<16xi32>
    %swap3A_266 = arith.constant 1 : i32
    %swap3A_267 = arith.index_cast %swap3A_266 : i32 to index
    %swap3A_268 = arith.constant 48 : index
    %swap3A_269 = tpu.vector_load %arg6[%swap3A_267, %swap3A_268] {strides = array<i32>} : memref<4x80xi32, #tpu.memory_space<vmem>>, vector<1x16xi32>,
    %swap3A_270 = vector.shape_cast %swap3A_269 : vector<1x16xi32> to vector<16xi32>
    %swap3A_271 = vector.shape_cast %and3A_265 : vector<16xi32> to vector<1x16xi32>
    tpu.vector_store %arg6[%swap3A_267, %swap3A_268], %swap3A_271 {strides = array<i32>} : memref<4x80xi32, #tpu.memory_space<vmem>>, vector<1x16xi32>,
    %shift_right_logical3A_272 = arith.constant 16 : i32
    %shift_right_logical3A_273 = vector.broadcast %shift_right_logical3A_272 : i32 to vector<16xi32>
    %shift_right_logical3A_274 = arith.shrui %get3A_262, %shift_right_logical3A_273 : vector<16xi32>
    %swap3A_275 = arith.constant 1 : i32
    %swap3A_276 = arith.index_cast %swap3A_275 : i32 to index
    %swap3A_277 = arith.constant 48 : index
    %swap3A_278 = tpu.vector_load %arg7[%swap3A_276, %swap3A_277] {strides = array<i32>} : memref<4x80xi32, #tpu.memory_space<vmem>>, vector<1x16xi32>,
    %swap3A_279 = vector.shape_cast %swap3A_278 : vector<1x16xi32> to vector<16xi32>
    %swap3A_280 = vector.shape_cast %shift_right_logical3A_274 : vector<16xi32> to vector<1x16xi32>
    tpu.vector_store %arg7[%swap3A_276, %swap3A_277], %swap3A_280 {strides = array<i32>} : memref<4x80xi32, #tpu.memory_space<vmem>>, vector<1x16xi32>,
    %get3A_281 = arith.constant 1 : i32
    %get3A_282 = arith.index_cast %get3A_281 : i32 to index
    %get3A_283 = arith.constant 64 : index
    %get3A_284 = tpu.vector_load %arg5[%get3A_282, %get3A_283] {strides = array<i32>} : memref<4x80xi32, #tpu.memory_space<vmem>>, vector<1x16xi32>,
    %get3A_285 = vector.shape_cast %get3A_284 : vector<1x16xi32> to vector<16xi32>
    %and3A_286 = arith.constant 65535 : i32
    %and3A_287 = vector.broadcast %and3A_286 : i32 to vector<16xi32>
    %and3A_288 = arith.andi %get3A_285, %and3A_287 : vector<16xi32>
    %swap3A_289 = arith.constant 1 : i32
    %swap3A_290 = arith.index_cast %swap3A_289 : i32 to index
    %swap3A_291 = arith.constant 64 : index
    %swap3A_292 = tpu.vector_load %arg6[%swap3A_290, %swap3A_291] {strides = array<i32>} : memref<4x80xi32, #tpu.memory_space<vmem>>, vector<1x16xi32>,
    %swap3A_293 = vector.shape_cast %swap3A_292 : vector<1x16xi32> to vector<16xi32>
    %swap3A_294 = vector.shape_cast %and3A_288 : vector<16xi32> to vector<1x16xi32>
    tpu.vector_store %arg6[%swap3A_290, %swap3A_291], %swap3A_294 {strides = array<i32>} : memref<4x80xi32, #tpu.memory_space<vmem>>, vector<1x16xi32>,
    %shift_right_logical3A_295 = arith.constant 16 : i32
    %shift_right_logical3A_296 = vector.broadcast %shift_right_logical3A_295 : i32 to vector<16xi32>
    %shift_right_logical3A_297 = arith.shrui %get3A_285, %shift_right_logical3A_296 : vector<16xi32>
    %swap3A_298 = arith.constant 1 : i32
    %swap3A_299 = arith.index_cast %swap3A_298 : i32 to index
    %swap3A_300 = arith.constant 64 : index
    %swap3A_301 = tpu.vector_load %arg7[%swap3A_299, %swap3A_300] {strides = array<i32>} : memref<4x80xi32, #tpu.memory_space<vmem>>, vector<1x16xi32>,
    %swap3A_302 = vector.shape_cast %swap3A_301 : vector<1x16xi32> to vector<16xi32>
    %swap3A_303 = vector.shape_cast %shift_right_logical3A_297 : vector<16xi32> to vector<1x16xi32>
    tpu.vector_store %arg7[%swap3A_299, %swap3A_300], %swap3A_303 {strides = array<i32>} : memref<4x80xi32, #tpu.memory_space<vmem>>, vector<1x16xi32>,
    %dma_start3A_304 = arith.constant 1 : i32
    %dma_start3A_305 = arith.constant 1 : i32
    %dma_start3A_306 = arith.constant 0 : i32
    %dma_start3A_307 = arith.constant 0 : i32
    %dma_start3A_308 = tpu.memref_slice %arg8[%dma_start3A_305, %dma_start3A_306, %dma_start3A_307] : memref<4x80x128xf32, #tpu.memory_space<vmem>> -> memref<1x80x128xf32, #tpu.memory_space<vmem>>
    %dma_start3A_309 = tpu.memref_squeeze %dma_start3A_308 : memref<1x80x128xf32, #tpu.memory_space<vmem>> -> memref<80x128xf32, #tpu.memory_space<vmem>>
    %dma_start3A_310 = arith.constant 0 : i32
    %dma_start3A_311 = tpu.memref_slice %arg6[%dma_start3A_304, %dma_start3A_310] : memref<4x80xi32, #tpu.memory_space<vmem>> -> memref<1x80xi32, #tpu.memory_space<vmem>>
    %dma_start3A_312 = tpu.memref_squeeze %dma_start3A_311 : memref<1x80xi32, #tpu.memory_space<vmem>> -> memref<80xi32, #tpu.memory_space<vmem>>
    %dma_start3A_313 = arith.constant 0 : i32
    %dma_start3A_314 = arith.constant 0 : i32
    %dma_start3A_315 = tpu.memref_slice %arg2[%dma_start3A_313, %dma_start3A_314] : memref<10000x128xf32, #tpu.memory_space<hbm>> -> memref<10000x128xf32, #tpu.memory_space<hbm>>
    tpu.enqueue_indirect_dma source(%dma_start3A_315 : memref<10000x128xf32, #tpu.memory_space<hbm>>) target(%dma_start3A_309 : memref<80x128xf32, #tpu.memory_space<vmem>>) offsets(%dma_start3A_312 : memref<80xi32, #tpu.memory_space<vmem>>) semaphore(%arg12 : memref<!tpu.dma_semaphore, #tpu.memory_space<semaphore_mem>>)
    %dma_wait3A_316 = arith.constant 2 : i32
    %dma_wait3A_317 = arith.constant 0 : i32
    %dma_wait3A_318 = tpu.memref_slice %arg5[%dma_wait3A_316, %dma_wait3A_317] : memref<4x80xi32, #tpu.memory_space<vmem>> -> memref<1x80xi32, #tpu.memory_space<vmem>>
    %dma_wait3A_319 = tpu.memref_squeeze %dma_wait3A_318 : memref<1x80xi32, #tpu.memory_space<vmem>> -> memref<80xi32, #tpu.memory_space<vmem>>
    %dma_wait3A_320 = tpu.memref_slice %arg3[%mul3A_2] : memref<320000xi32, #tpu.memory_space<hbm>> -> memref<80xi32, #tpu.memory_space<hbm>>
    %dma_wait3A_321 = arith.constant 0 : i32
    %dma_wait3A_322 = tpu.memref_slice %arg5[%dma_wait3A_316, %dma_wait3A_321] : memref<4x80xi32, #tpu.memory_space<vmem>> -> memref<1x80xi32, #tpu.memory_space<vmem>>
    %dma_wait3A_323 = tpu.memref_squeeze %dma_wait3A_322 : memref<1x80xi32, #tpu.memory_space<vmem>> -> memref<80xi32, #tpu.memory_space<vmem>>
    %dma_wait3A_324 = tpu.memref_slice %arg3[%mul3A_2] : memref<320000xi32, #tpu.memory_space<hbm>> -> memref<80xi32, #tpu.memory_space<hbm>>
    tpu.wait_dma2 semaphore(%arg21 : memref<!tpu.dma_semaphore, #tpu.memory_space<semaphore_mem>>) src(%dma_wait3A_324 : memref<80xi32, #tpu.memory_space<hbm>>) dst(%dma_wait3A_323 : memref<80xi32, #tpu.memory_space<vmem>>)
    %get3A_325 = arith.constant 2 : i32
    %get3A_326 = arith.index_cast %get3A_325 : i32 to index
    %get3A_327 = arith.constant 0 : index
    %get3A_328 = tpu.vector_load %arg5[%get3A_326, %get3A_327] {strides = array<i32>} : memref<4x80xi32, #tpu.memory_space<vmem>>, vector<1x16xi32>,
    %get3A_329 = vector.shape_cast %get3A_328 : vector<1x16xi32> to vector<16xi32>
    %and3A_330 = arith.constant 65535 : i32
    %and3A_331 = vector.broadcast %and3A_330 : i32 to vector<16xi32>
    %and3A_332 = arith.andi %get3A_329, %and3A_331 : vector<16xi32>
    %swap3A_333 = arith.constant 2 : i32
    %swap3A_334 = arith.index_cast %swap3A_333 : i32 to index
    %swap3A_335 = arith.constant 0 : index
    %swap3A_336 = tpu.vector_load %arg6[%swap3A_334, %swap3A_335] {strides = array<i32>} : memref<4x80xi32, #tpu.memory_space<vmem>>, vector<1x16xi32>,
    %swap3A_337 = vector.shape_cast %swap3A_336 : vector<1x16xi32> to vector<16xi32>
    %swap3A_338 = vector.shape_cast %and3A_332 : vector<16xi32> to vector<1x16xi32>
    tpu.vector_store %arg6[%swap3A_334, %swap3A_335], %swap3A_338 {strides = array<i32>} : memref<4x80xi32, #tpu.memory_space<vmem>>, vector<1x16xi32>,
    %shift_right_logical3A_339 = arith.constant 16 : i32
    %shift_right_logical3A_340 = vector.broadcast %shift_right_logical3A_339 : i32 to vector<16xi32>
    %shift_right_logical3A_341 = arith.shrui %get3A_329, %shift_right_logical3A_340 : vector<16xi32>
    %swap3A_342 = arith.constant 2 : i32
    %swap3A_343 = arith.index_cast %swap3A_342 : i32 to index
    %swap3A_344 = arith.constant 0 : index
    %swap3A_345 = tpu.vector_load %arg7[%swap3A_343, %swap3A_344] {strides = array<i32>} : memref<4x80xi32, #tpu.memory_space<vmem>>, vector<1x16xi32>,
    %swap3A_346 = vector.shape_cast %swap3A_345 : vector<1x16xi32> to vector<16xi32>
    %swap3A_347 = vector.shape_cast %shift_right_logical3A_341 : vector<16xi32> to vector<1x16xi32>
    tpu.vector_store %arg7[%swap3A_343, %swap3A_344], %swap3A_347 {strides = array<i32>} : memref<4x80xi32, #tpu.memory_space<vmem>>, vector<1x16xi32>,
    %get3A_348 = arith.constant 2 : i32
    %get3A_349 = arith.index_cast %get3A_348 : i32 to index
    %get3A_350 = arith.constant 16 : index
    %get3A_351 = tpu.vector_load %arg5[%get3A_349, %get3A_350] {strides = array<i32>} : memref<4x80xi32, #tpu.memory_space<vmem>>, vector<1x16xi32>,
    %get3A_352 = vector.shape_cast %get3A_351 : vector<1x16xi32> to vector<16xi32>
    %and3A_353 = arith.constant 65535 : i32
    %and3A_354 = vector.broadcast %and3A_353 : i32 to vector<16xi32>
    %and3A_355 = arith.andi %get3A_352, %and3A_354 : vector<16xi32>
    %swap3A_356 = arith.constant 2 : i32
    %swap3A_357 = arith.index_cast %swap3A_356 : i32 to index
    %swap3A_358 = arith.constant 16 : index
    %swap3A_359 = tpu.vector_load %arg6[%swap3A_357, %swap3A_358] {strides = array<i32>} : memref<4x80xi32, #tpu.memory_space<vmem>>, vector<1x16xi32>,
    %swap3A_360 = vector.shape_cast %swap3A_359 : vector<1x16xi32> to vector<16xi32>
    %swap3A_361 = vector.shape_cast %and3A_355 : vector<16xi32> to vector<1x16xi32>
    tpu.vector_store %arg6[%swap3A_357, %swap3A_358], %swap3A_361 {strides = array<i32>} : memref<4x80xi32, #tpu.memory_space<vmem>>, vector<1x16xi32>,
    %shift_right_logical3A_362 = arith.constant 16 : i32
    %shift_right_logical3A_363 = vector.broadcast %shift_right_logical3A_362 : i32 to vector<16xi32>
    %shift_right_logical3A_364 = arith.shrui %get3A_352, %shift_right_logical3A_363 : vector<16xi32>
    %swap3A_365 = arith.constant 2 : i32
    %swap3A_366 = arith.index_cast %swap3A_365 : i32 to index
    %swap3A_367 = arith.constant 16 : index
    %swap3A_368 = tpu.vector_load %arg7[%swap3A_366, %swap3A_367] {strides = array<i32>} : memref<4x80xi32, #tpu.memory_space<vmem>>, vector<1x16xi32>,
    %swap3A_369 = vector.shape_cast %swap3A_368 : vector<1x16xi32> to vector<16xi32>
    %swap3A_370 = vector.shape_cast %shift_right_logical3A_364 : vector<16xi32> to vector<1x16xi32>
    tpu.vector_store %arg7[%swap3A_366, %swap3A_367], %swap3A_370 {strides = array<i32>} : memref<4x80xi32, #tpu.memory_space<vmem>>, vector<1x16xi32>,
    %get3A_371 = arith.constant 2 : i32
    %get3A_372 = arith.index_cast %get3A_371 : i32 to index
    %get3A_373 = arith.constant 32 : index
    %get3A_374 = tpu.vector_load %arg5[%get3A_372, %get3A_373] {strides = array<i32>} : memref<4x80xi32, #tpu.memory_space<vmem>>, vector<1x16xi32>,
    %get3A_375 = vector.shape_cast %get3A_374 : vector<1x16xi32> to vector<16xi32>
    %and3A_376 = arith.constant 65535 : i32
    %and3A_377 = vector.broadcast %and3A_376 : i32 to vector<16xi32>
    %and3A_378 = arith.andi %get3A_375, %and3A_377 : vector<16xi32>
    %swap3A_379 = arith.constant 2 : i32
    %swap3A_380 = arith.index_cast %swap3A_379 : i32 to index
    %swap3A_381 = arith.constant 32 : index
    %swap3A_382 = tpu.vector_load %arg6[%swap3A_380, %swap3A_381] {strides = array<i32>} : memref<4x80xi32, #tpu.memory_space<vmem>>, vector<1x16xi32>,
    %swap3A_383 = vector.shape_cast %swap3A_382 : vector<1x16xi32> to vector<16xi32>
    %swap3A_384 = vector.shape_cast %and3A_378 : vector<16xi32> to vector<1x16xi32>
    tpu.vector_store %arg6[%swap3A_380, %swap3A_381], %swap3A_384 {strides = array<i32>} : memref<4x80xi32, #tpu.memory_space<vmem>>, vector<1x16xi32>,
    %shift_right_logical3A_385 = arith.constant 16 : i32
    %shift_right_logical3A_386 = vector.broadcast %shift_right_logical3A_385 : i32 to vector<16xi32>
    %shift_right_logical3A_387 = arith.shrui %get3A_375, %shift_right_logical3A_386 : vector<16xi32>
    %swap3A_388 = arith.constant 2 : i32
    %swap3A_389 = arith.index_cast %swap3A_388 : i32 to index
    %swap3A_390 = arith.constant 32 : index
    %swap3A_391 = tpu.vector_load %arg7[%swap3A_389, %swap3A_390] {strides = array<i32>} : memref<4x80xi32, #tpu.memory_space<vmem>>, vector<1x16xi32>,
    %swap3A_392 = vector.shape_cast %swap3A_391 : vector<1x16xi32> to vector<16xi32>
    %swap3A_393 = vector.shape_cast %shift_right_logical3A_387 : vector<16xi32> to vector<1x16xi32>
    tpu.vector_store %arg7[%swap3A_389, %swap3A_390], %swap3A_393 {strides = array<i32>} : memref<4x80xi32, #tpu.memory_space<vmem>>, vector<1x16xi32>,
    %get3A_394 = arith.constant 2 : i32
    %get3A_395 = arith.index_cast %get3A_394 : i32 to index
    %get3A_396 = arith.constant 48 : index
    %get3A_397 = tpu.vector_load %arg5[%get3A_395, %get3A_396] {strides = array<i32>} : memref<4x80xi32, #tpu.memory_space<vmem>>, vector<1x16xi32>,
    %get3A_398 = vector.shape_cast %get3A_397 : vector<1x16xi32> to vector<16xi32>
    %and3A_399 = arith.constant 65535 : i32
    %and3A_400 = vector.broadcast %and3A_399 : i32 to vector<16xi32>
    %and3A_401 = arith.andi %get3A_398, %and3A_400 : vector<16xi32>
    %swap3A_402 = arith.constant 2 : i32
    %swap3A_403 = arith.index_cast %swap3A_402 : i32 to index
    %swap3A_404 = arith.constant 48 : index
    %swap3A_405 = tpu.vector_load %arg6[%swap3A_403, %swap3A_404] {strides = array<i32>} : memref<4x80xi32, #tpu.memory_space<vmem>>, vector<1x16xi32>,
    %swap3A_406 = vector.shape_cast %swap3A_405 : vector<1x16xi32> to vector<16xi32>
    %swap3A_407 = vector.shape_cast %and3A_401 : vector<16xi32> to vector<1x16xi32>
    tpu.vector_store %arg6[%swap3A_403, %swap3A_404], %swap3A_407 {strides = array<i32>} : memref<4x80xi32, #tpu.memory_space<vmem>>, vector<1x16xi32>,
    %shift_right_logical3A_408 = arith.constant 16 : i32
    %shift_right_logical3A_409 = vector.broadcast %shift_right_logical3A_408 : i32 to vector<16xi32>
    %shift_right_logical3A_410 = arith.shrui %get3A_398, %shift_right_logical3A_409 : vector<16xi32>
    %swap3A_411 = arith.constant 2 : i32
    %swap3A_412 = arith.index_cast %swap3A_411 : i32 to index
    %swap3A_413 = arith.constant 48 : index
    %swap3A_414 = tpu.vector_load %arg7[%swap3A_412, %swap3A_413] {strides = array<i32>} : memref<4x80xi32, #tpu.memory_space<vmem>>, vector<1x16xi32>,
    %swap3A_415 = vector.shape_cast %swap3A_414 : vector<1x16xi32> to vector<16xi32>
    %swap3A_416 = vector.shape_cast %shift_right_logical3A_410 : vector<16xi32> to vector<1x16xi32>
    tpu.vector_store %arg7[%swap3A_412, %swap3A_413], %swap3A_416 {strides = array<i32>} : memref<4x80xi32, #tpu.memory_space<vmem>>, vector<1x16xi32>,
    %get3A_417 = arith.constant 2 : i32
    %get3A_418 = arith.index_cast %get3A_417 : i32 to index
    %get3A_419 = arith.constant 64 : index
    %get3A_420 = tpu.vector_load %arg5[%get3A_418, %get3A_419] {strides = array<i32>} : memref<4x80xi32, #tpu.memory_space<vmem>>, vector<1x16xi32>,
    %get3A_421 = vector.shape_cast %get3A_420 : vector<1x16xi32> to vector<16xi32>
    %and3A_422 = arith.constant 65535 : i32
    %and3A_423 = vector.broadcast %and3A_422 : i32 to vector<16xi32>
    %and3A_424 = arith.andi %get3A_421, %and3A_423 : vector<16xi32>
    %swap3A_425 = arith.constant 2 : i32
    %swap3A_426 = arith.index_cast %swap3A_425 : i32 to index
    %swap3A_427 = arith.constant 64 : index
    %swap3A_428 = tpu.vector_load %arg6[%swap3A_426, %swap3A_427] {strides = array<i32>} : memref<4x80xi32, #tpu.memory_space<vmem>>, vector<1x16xi32>,
    %swap3A_429 = vector.shape_cast %swap3A_428 : vector<1x16xi32> to vector<16xi32>
    %swap3A_430 = vector.shape_cast %and3A_424 : vector<16xi32> to vector<1x16xi32>
    tpu.vector_store %arg6[%swap3A_426, %swap3A_427], %swap3A_430 {strides = array<i32>} : memref<4x80xi32, #tpu.memory_space<vmem>>, vector<1x16xi32>,
    %shift_right_logical3A_431 = arith.constant 16 : i32
    %shift_right_logical3A_432 = vector.broadcast %shift_right_logical3A_431 : i32 to vector<16xi32>
    %shift_right_logical3A_433 = arith.shrui %get3A_421, %shift_right_logical3A_432 : vector<16xi32>
    %swap3A_434 = arith.constant 2 : i32
    %swap3A_435 = arith.index_cast %swap3A_434 : i32 to index
    %swap3A_436 = arith.constant 64 : index
    %swap3A_437 = tpu.vector_load %arg7[%swap3A_435, %swap3A_436] {strides = array<i32>} : memref<4x80xi32, #tpu.memory_space<vmem>>, vector<1x16xi32>,
    %swap3A_438 = vector.shape_cast %swap3A_437 : vector<1x16xi32> to vector<16xi32>
    %swap3A_439 = vector.shape_cast %shift_right_logical3A_433 : vector<16xi32> to vector<1x16xi32>
    tpu.vector_store %arg7[%swap3A_435, %swap3A_436], %swap3A_439 {strides = array<i32>} : memref<4x80xi32, #tpu.memory_space<vmem>>, vector<1x16xi32>,
    %dma_start3A_440 = arith.constant 2 : i32
    %dma_start3A_441 = arith.constant 2 : i32
    %dma_start3A_442 = arith.constant 0 : i32
    %dma_start3A_443 = arith.constant 0 : i32
    %dma_start3A_444 = tpu.memref_slice %arg8[%dma_start3A_441, %dma_start3A_442, %dma_start3A_443] : memref<4x80x128xf32, #tpu.memory_space<vmem>> -> memref<1x80x128xf32, #tpu.memory_space<vmem>>
    %dma_start3A_445 = tpu.memref_squeeze %dma_start3A_444 : memref<1x80x128xf32, #tpu.memory_space<vmem>> -> memref<80x128xf32, #tpu.memory_space<vmem>>
    %dma_start3A_446 = arith.constant 0 : i32
    %dma_start3A_447 = tpu.memref_slice %arg6[%dma_start3A_440, %dma_start3A_446] : memref<4x80xi32, #tpu.memory_space<vmem>> -> memref<1x80xi32, #tpu.memory_space<vmem>>
    %dma_start3A_448 = tpu.memref_squeeze %dma_start3A_447 : memref<1x80xi32, #tpu.memory_space<vmem>> -> memref<80xi32, #tpu.memory_space<vmem>>
    %dma_start3A_449 = arith.constant 0 : i32
    %dma_start3A_450 = arith.constant 0 : i32
    %dma_start3A_451 = tpu.memref_slice %arg2[%dma_start3A_449, %dma_start3A_450] : memref<10000x128xf32, #tpu.memory_space<hbm>> -> memref<10000x128xf32, #tpu.memory_space<hbm>>
    tpu.enqueue_indirect_dma source(%dma_start3A_451 : memref<10000x128xf32, #tpu.memory_space<hbm>>) target(%dma_start3A_445 : memref<80x128xf32, #tpu.memory_space<vmem>>) offsets(%dma_start3A_448 : memref<80xi32, #tpu.memory_space<vmem>>) semaphore(%arg13 : memref<!tpu.dma_semaphore, #tpu.memory_space<semaphore_mem>>)
    %scan3A_452 = arith.constant 0 : i32
    %scan3A_453 = arith.constant 0 : i32
    %scan3A_454 = arith.constant 31 : i32
    %scan3A_455 = arith.addi %scan3A_453, %scan3A_454 : i32
    %scan3A_456 = arith.constant 1 : i32
    scf.for %scan3A_540 = %scan3A_453 to %scan3A_455 step %scan3A_456  : i32 {
      %mul3A_541 = arith.constant 4 : i32
      %mul3A_542 = arith.muli %mul3A_541, %scan3A_540 : i32
      %add3A_543 = arith.constant 0 : i32
      %add3A_544 = arith.addi %mul3A_542, %add3A_543 : i32
      %dma_wait3A_545 = arith.constant 0 : i32
      %dma_wait3A_546 = arith.constant 0 : i32
      %dma_wait3A_547 = arith.constant 0 : i32
      %dma_wait3A_548 = arith.constant 0 : i32
      %dma_wait3A_549 = tpu.memref_slice %arg8[%dma_wait3A_546, %dma_wait3A_547, %dma_wait3A_548] : memref<4x80x128xf32, #tpu.memory_space<vmem>> -> memref<1x80x128xf32, #tpu.memory_space<vmem>>
      %dma_wait3A_550 = tpu.memref_squeeze %dma_wait3A_549 : memref<1x80x128xf32, #tpu.memory_space<vmem>> -> memref<80x128xf32, #tpu.memory_space<vmem>>
      %dma_wait3A_551 = arith.constant 0 : i32
      %dma_wait3A_552 = tpu.memref_slice %arg6[%dma_wait3A_545, %dma_wait3A_551] : memref<4x80xi32, #tpu.memory_space<vmem>> -> memref<1x80xi32, #tpu.memory_space<vmem>>
      %dma_wait3A_553 = tpu.memref_squeeze %dma_wait3A_552 : memref<1x80xi32, #tpu.memory_space<vmem>> -> memref<80xi32, #tpu.memory_space<vmem>>
      %dma_wait3A_554 = arith.constant 0 : i32
      %dma_wait3A_555 = arith.constant 0 : i32
      %dma_wait3A_556 = tpu.memref_slice %arg2[%dma_wait3A_554, %dma_wait3A_555] : memref<10000x128xf32, #tpu.memory_space<hbm>> -> memref<10000x128xf32, #tpu.memory_space<hbm>>
      tpu.wait_indirect_dma semaphore(%arg11 : memref<!tpu.dma_semaphore, #tpu.memory_space<semaphore_mem>>) src(%dma_wait3A_556 : memref<10000x128xf32, #tpu.memory_space<hbm>>) dst(%dma_wait3A_550 : memref<80x128xf32, #tpu.memory_space<vmem>>)
      %dma_start3A_557 = arith.constant 0 : i32
      %dma_start3A_558 = arith.constant 0 : i32
      %dma_start3A_559 = arith.constant 0 : i32
      %dma_start3A_560 = arith.constant 0 : i32
      %dma_start3A_561 = tpu.memref_slice %arg8[%dma_start3A_557, %dma_start3A_559, %dma_start3A_560] : memref<4x80x128xf32, #tpu.memory_space<vmem>> -> memref<1x80x128xf32, #tpu.memory_space<vmem>>
      %dma_start3A_562 = tpu.memref_squeeze %dma_start3A_561 : memref<1x80x128xf32, #tpu.memory_space<vmem>> -> memref<80x128xf32, #tpu.memory_space<vmem>>
      %dma_start3A_563 = arith.constant 0 : i32
      %dma_start3A_564 = tpu.memref_slice %arg7[%dma_start3A_558, %dma_start3A_563] : memref<4x80xi32, #tpu.memory_space<vmem>> -> memref<1x80xi32, #tpu.memory_space<vmem>>
      %dma_start3A_565 = tpu.memref_squeeze %dma_start3A_564 : memref<1x80xi32, #tpu.memory_space<vmem>> -> memref<80xi32, #tpu.memory_space<vmem>>
      %dma_start3A_566 = arith.constant 0 : i32
      %dma_start3A_567 = arith.constant 0 : i32
      %dma_start3A_568 = tpu.memref_slice %arg10[%dma_start3A_566, %dma_start3A_567] : memref<10000x128xf32, #tpu.memory_space<vmem_shared>> -> memref<10000x128xf32, #tpu.memory_space<vmem_shared>>
      tpu.enqueue_indirect_dma source(%dma_start3A_562 : memref<80x128xf32, #tpu.memory_space<vmem>>) target(%dma_start3A_568 : memref<10000x128xf32, #tpu.memory_space<vmem_shared>>) offsets(%dma_start3A_565 : memref<80xi32, #tpu.memory_space<vmem>>) semaphore(%arg15 : memref<!tpu.dma_semaphore, #tpu.memory_space<semaphore_mem>>) {add = true}
      %add3A_569 = arith.constant 3 : i32
      %add3A_570 = arith.addi %add3A_544, %add3A_569 : i32
      %lt3A = arith.constant 125 : i32
      %lt3A_571 = arith.cmpi slt, %add3A_570, %lt3A : i32
      %convert_element_type3A_572 = arith.extui %lt3A_571 : i1 to i32
      %cond3A_573 = arith.constant 0 : i32
      %cond3A_574 = arith.cmpi ne, %convert_element_type3A_572, %cond3A_573 : i32
      scf.if %cond3A_574 {
        %mul3A_680 = arith.constant 80 : i32
        %mul3A_681 = arith.muli %add3A_570, %mul3A_680 : i32
        %add3A_682 = arith.addi %mul3A_2, %mul3A_681 : i32
        %dma_start3A_683 = arith.constant 3 : i32
        %dma_start3A_684 = arith.constant 0 : i32
        %dma_start3A_685 = tpu.memref_slice %arg5[%dma_start3A_683, %dma_start3A_684] : memref<4x80xi32, #tpu.memory_space<vmem>> -> memref<1x80xi32, #tpu.memory_space<vmem>>
        %dma_start3A_686 = tpu.memref_squeeze %dma_start3A_685 : memref<1x80xi32, #tpu.memory_space<vmem>> -> memref<80xi32, #tpu.memory_space<vmem>>
        %dma_start3A_687 = tpu.memref_slice %arg3[%add3A_682] : memref<320000xi32, #tpu.memory_space<hbm>> -> memref<80xi32, #tpu.memory_space<hbm>>
        %dma_start3A_688 = arith.constant 0 : i32
        %dma_start3A_689 = tpu.memref_slice %arg5[%dma_start3A_683, %dma_start3A_688] : memref<4x80xi32, #tpu.memory_space<vmem>> -> memref<1x80xi32, #tpu.memory_space<vmem>>
        %dma_start3A_690 = tpu.memref_squeeze %dma_start3A_689 : memref<1x80xi32, #tpu.memory_space<vmem>> -> memref<80xi32, #tpu.memory_space<vmem>>
        %dma_start3A_691 = tpu.memref_slice %arg3[%add3A_682] : memref<320000xi32, #tpu.memory_space<hbm>> -> memref<80xi32, #tpu.memory_space<hbm>>
        tpu.enqueue_dma source(%dma_start3A_691 : memref<80xi32, #tpu.memory_space<hbm>>) target(%dma_start3A_690 : memref<80xi32, #tpu.memory_space<vmem>>) target_semaphore(%arg22 : memref<!tpu.dma_semaphore, #tpu.memory_space<semaphore_mem>>)
        %ge3A = arith.constant 4 : i32
        %ge3A_692 = arith.cmpi sge, %add3A_570, %ge3A : i32
        %convert_element_type3A_693 = arith.extui %ge3A_692 : i1 to i32
        %cond3A_694 = arith.constant 0 : i32
        %cond3A_695 = arith.cmpi ne, %convert_element_type3A_693, %cond3A_694 : i32
        scf.if %cond3A_695 {
          %dma_wait3A_832 = arith.constant 3 : i32
          %dma_wait3A_833 = arith.constant 3 : i32
          %dma_wait3A_834 = arith.constant 0 : i32
          %dma_wait3A_835 = arith.constant 0 : i32
          %dma_wait3A_836 = tpu.memref_slice %arg8[%dma_wait3A_832, %dma_wait3A_834, %dma_wait3A_835] : memref<4x80x128xf32, #tpu.memory_space<vmem>> -> memref<1x80x128xf32, #tpu.memory_space<vmem>>
          %dma_wait3A_837 = tpu.memref_squeeze %dma_wait3A_836 : memref<1x80x128xf32, #tpu.memory_space<vmem>> -> memref<80x128xf32, #tpu.memory_space<vmem>>
          %dma_wait3A_838 = arith.constant 0 : i32
          %dma_wait3A_839 = tpu.memref_slice %arg7[%dma_wait3A_833, %dma_wait3A_838] : memref<4x80xi32, #tpu.memory_space<vmem>> -> memref<1x80xi32, #tpu.memory_space<vmem>>
          %dma_wait3A_840 = tpu.memref_squeeze %dma_wait3A_839 : memref<1x80xi32, #tpu.memory_space<vmem>> -> memref<80xi32, #tpu.memory_space<vmem>>
          %dma_wait3A_841 = arith.constant 0 : i32
          %dma_wait3A_842 = arith.constant 0 : i32
          %dma_wait3A_843 = tpu.memref_slice %arg10[%dma_wait3A_841, %dma_wait3A_842] : memref<10000x128xf32, #tpu.memory_space<vmem_shared>> -> memref<10000x128xf32, #tpu.memory_space<vmem_shared>>
          tpu.wait_indirect_dma semaphore(%arg18 : memref<!tpu.dma_semaphore, #tpu.memory_space<semaphore_mem>>) src(%dma_wait3A_837 : memref<80x128xf32, #tpu.memory_space<vmem>>) dst(%dma_wait3A_843 : memref<10000x128xf32, #tpu.memory_space<vmem_shared>>)
        } else {
        }
        %dma_wait3A_696 = arith.constant 3 : i32
        %dma_wait3A_697 = arith.constant 0 : i32
        %dma_wait3A_698 = tpu.memref_slice %arg5[%dma_wait3A_696, %dma_wait3A_697] : memref<4x80xi32, #tpu.memory_space<vmem>> -> memref<1x80xi32, #tpu.memory_space<vmem>>
        %dma_wait3A_699 = tpu.memref_squeeze %dma_wait3A_698 : memref<1x80xi32, #tpu.memory_space<vmem>> -> memref<80xi32, #tpu.memory_space<vmem>>
        %dma_wait3A_700 = tpu.memref_slice %arg3[%mul3A_2] : memref<320000xi32, #tpu.memory_space<hbm>> -> memref<80xi32, #tpu.memory_space<hbm>>
        %dma_wait3A_701 = arith.constant 0 : i32
        %dma_wait3A_702 = tpu.memref_slice %arg5[%dma_wait3A_696, %dma_wait3A_701] : memref<4x80xi32, #tpu.memory_space<vmem>> -> memref<1x80xi32, #tpu.memory_space<vmem>>
        %dma_wait3A_703 = tpu.memref_squeeze %dma_wait3A_702 : memref<1x80xi32, #tpu.memory_space<vmem>> -> memref<80xi32, #tpu.memory_space<vmem>>
        %dma_wait3A_704 = tpu.memref_slice %arg3[%mul3A_2] : memref<320000xi32, #tpu.memory_space<hbm>> -> memref<80xi32, #tpu.memory_space<hbm>>
        tpu.wait_dma2 semaphore(%arg22 : memref<!tpu.dma_semaphore, #tpu.memory_space<semaphore_mem>>) src(%dma_wait3A_704 : memref<80xi32, #tpu.memory_space<hbm>>) dst(%dma_wait3A_703 : memref<80xi32, #tpu.memory_space<vmem>>)
        %get3A_705 = arith.constant 3 : i32
        %get3A_706 = arith.index_cast %get3A_705 : i32 to index
        %get3A_707 = arith.constant 0 : index
        %get3A_708 = tpu.vector_load %arg5[%get3A_706, %get3A_707] {strides = array<i32>} : memref<4x80xi32, #tpu.memory_space<vmem>>, vector<1x16xi32>,
        %get3A_709 = vector.shape_cast %get3A_708 : vector<1x16xi32> to vector<16xi32>
        %and3A_710 = arith.constant 65535 : i32
        %and3A_711 = vector.broadcast %and3A_710 : i32 to vector<16xi32>
        %and3A_712 = arith.andi %get3A_709, %and3A_711 : vector<16xi32>
        %swap3A_713 = arith.constant 3 : i32
        %swap3A_714 = arith.index_cast %swap3A_713 : i32 to index
        %swap3A_715 = arith.constant 0 : index
        %swap3A_716 = tpu.vector_load %arg6[%swap3A_714, %swap3A_715] {strides = array<i32>} : memref<4x80xi32, #tpu.memory_space<vmem>>, vector<1x16xi32>,
        %swap3A_717 = vector.shape_cast %swap3A_716 : vector<1x16xi32> to vector<16xi32>
        %swap3A_718 = vector.shape_cast %and3A_712 : vector<16xi32> to vector<1x16xi32>
        tpu.vector_store %arg6[%swap3A_714, %swap3A_715], %swap3A_718 {strides = array<i32>} : memref<4x80xi32, #tpu.memory_space<vmem>>, vector<1x16xi32>,
        %shift_right_logical3A_719 = arith.constant 16 : i32
        %shift_right_logical3A_720 = vector.broadcast %shift_right_logical3A_719 : i32 to vector<16xi32>
        %shift_right_logical3A_721 = arith.shrui %get3A_709, %shift_right_logical3A_720 : vector<16xi32>
        %swap3A_722 = arith.constant 3 : i32
        %swap3A_723 = arith.index_cast %swap3A_722 : i32 to index
        %swap3A_724 = arith.constant 0 : index
        %swap3A_725 = tpu.vector_load %arg7[%swap3A_723, %swap3A_724] {strides = array<i32>} : memref<4x80xi32, #tpu.memory_space<vmem>>, vector<1x16xi32>,
        %swap3A_726 = vector.shape_cast %swap3A_725 : vector<1x16xi32> to vector<16xi32>
        %swap3A_727 = vector.shape_cast %shift_right_logical3A_721 : vector<16xi32> to vector<1x16xi32>
        tpu.vector_store %arg7[%swap3A_723, %swap3A_724], %swap3A_727 {strides = array<i32>} : memref<4x80xi32, #tpu.memory_space<vmem>>, vector<1x16xi32>,
        %get3A_728 = arith.constant 3 : i32
        %get3A_729 = arith.index_cast %get3A_728 : i32 to index
        %get3A_730 = arith.constant 16 : index
        %get3A_731 = tpu.vector_load %arg5[%get3A_729, %get3A_730] {strides = array<i32>} : memref<4x80xi32, #tpu.memory_space<vmem>>, vector<1x16xi32>,
        %get3A_732 = vector.shape_cast %get3A_731 : vector<1x16xi32> to vector<16xi32>
        %and3A_733 = arith.constant 65535 : i32
        %and3A_734 = vector.broadcast %and3A_733 : i32 to vector<16xi32>
        %and3A_735 = arith.andi %get3A_732, %and3A_734 : vector<16xi32>
        %swap3A_736 = arith.constant 3 : i32
        %swap3A_737 = arith.index_cast %swap3A_736 : i32 to index
        %swap3A_738 = arith.constant 16 : index
        %swap3A_739 = tpu.vector_load %arg6[%swap3A_737, %swap3A_738] {strides = array<i32>} : memref<4x80xi32, #tpu.memory_space<vmem>>, vector<1x16xi32>,
        %swap3A_740 = vector.shape_cast %swap3A_739 : vector<1x16xi32> to vector<16xi32>
        %swap3A_741 = vector.shape_cast %and3A_735 : vector<16xi32> to vector<1x16xi32>
        tpu.vector_store %arg6[%swap3A_737, %swap3A_738], %swap3A_741 {strides = array<i32>} : memref<4x80xi32, #tpu.memory_space<vmem>>, vector<1x16xi32>,
        %shift_right_logical3A_742 = arith.constant 16 : i32
        %shift_right_logical3A_743 = vector.broadcast %shift_right_logical3A_742 : i32 to vector<16xi32>
        %shift_right_logical3A_744 = arith.shrui %get3A_732, %shift_right_logical3A_743 : vector<16xi32>
        %swap3A_745 = arith.constant 3 : i32
        %swap3A_746 = arith.index_cast %swap3A_745 : i32 to index
        %swap3A_747 = arith.constant 16 : index
        %swap3A_748 = tpu.vector_load %arg7[%swap3A_746, %swap3A_747] {strides = array<i32>} : memref<4x80xi32, #tpu.memory_space<vmem>>, vector<1x16xi32>,
        %swap3A_749 = vector.shape_cast %swap3A_748 : vector<1x16xi32> to vector<16xi32>
        %swap3A_750 = vector.shape_cast %shift_right_logical3A_744 : vector<16xi32> to vector<1x16xi32>
        tpu.vector_store %arg7[%swap3A_746, %swap3A_747], %swap3A_750 {strides = array<i32>} : memref<4x80xi32, #tpu.memory_space<vmem>>, vector<1x16xi32>,
        %get3A_751 = arith.constant 3 : i32
        %get3A_752 = arith.index_cast %get3A_751 : i32 to index
        %get3A_753 = arith.constant 32 : index
        %get3A_754 = tpu.vector_load %arg5[%get3A_752, %get3A_753] {strides = array<i32>} : memref<4x80xi32, #tpu.memory_space<vmem>>, vector<1x16xi32>,
        %get3A_755 = vector.shape_cast %get3A_754 : vector<1x16xi32> to vector<16xi32>
        %and3A_756 = arith.constant 65535 : i32
        %and3A_757 = vector.broadcast %and3A_756 : i32 to vector<16xi32>
        %and3A_758 = arith.andi %get3A_755, %and3A_757 : vector<16xi32>
        %swap3A_759 = arith.constant 3 : i32
        %swap3A_760 = arith.index_cast %swap3A_759 : i32 to index
        %swap3A_761 = arith.constant 32 : index
        %swap3A_762 = tpu.vector_load %arg6[%swap3A_760, %swap3A_761] {strides = array<i32>} : memref<4x80xi32, #tpu.memory_space<vmem>>, vector<1x16xi32>,
        %swap3A_763 = vector.shape_cast %swap3A_762 : vector<1x16xi32> to vector<16xi32>
        %swap3A_764 = vector.shape_cast %and3A_758 : vector<16xi32> to vector<1x16xi32>
        tpu.vector_store %arg6[%swap3A_760, %swap3A_761], %swap3A_764 {strides = array<i32>} : memref<4x80xi32, #tpu.memory_space<vmem>>, vector<1x16xi32>,
        %shift_right_logical3A_765 = arith.constant 16 : i32
        %shift_right_logical3A_766 = vector.broadcast %shift_right_logical3A_765 : i32 to vector<16xi32>
        %shift_right_logical3A_767 = arith.shrui %get3A_755, %shift_right_logical3A_766 : vector<16xi32>
        %swap3A_768 = arith.constant 3 : i32
        %swap3A_769 = arith.index_cast %swap3A_768 : i32 to index
        %swap3A_770 = arith.constant 32 : index
        %swap3A_771 = tpu.vector_load %arg7[%swap3A_769, %swap3A_770] {strides = array<i32>} : memref<4x80xi32, #tpu.memory_space<vmem>>, vector<1x16xi32>,
        %swap3A_772 = vector.shape_cast %swap3A_771 : vector<1x16xi32> to vector<16xi32>
        %swap3A_773 = vector.shape_cast %shift_right_logical3A_767 : vector<16xi32> to vector<1x16xi32>
        tpu.vector_store %arg7[%swap3A_769, %swap3A_770], %swap3A_773 {strides = array<i32>} : memref<4x80xi32, #tpu.memory_space<vmem>>, vector<1x16xi32>,
        %get3A_774 = arith.constant 3 : i32
        %get3A_775 = arith.index_cast %get3A_774 : i32 to index
        %get3A_776 = arith.constant 48 : index
        %get3A_777 = tpu.vector_load %arg5[%get3A_775, %get3A_776] {strides = array<i32>} : memref<4x80xi32, #tpu.memory_space<vmem>>, vector<1x16xi32>,
        %get3A_778 = vector.shape_cast %get3A_777 : vector<1x16xi32> to vector<16xi32>
        %and3A_779 = arith.constant 65535 : i32
        %and3A_780 = vector.broadcast %and3A_779 : i32 to vector<16xi32>
        %and3A_781 = arith.andi %get3A_778, %and3A_780 : vector<16xi32>
        %swap3A_782 = arith.constant 3 : i32
        %swap3A_783 = arith.index_cast %swap3A_782 : i32 to index
        %swap3A_784 = arith.constant 48 : index
        %swap3A_785 = tpu.vector_load %arg6[%swap3A_783, %swap3A_784] {strides = array<i32>} : memref<4x80xi32, #tpu.memory_space<vmem>>, vector<1x16xi32>,
        %swap3A_786 = vector.shape_cast %swap3A_785 : vector<1x16xi32> to vector<16xi32>
        %swap3A_787 = vector.shape_cast %and3A_781 : vector<16xi32> to vector<1x16xi32>
        tpu.vector_store %arg6[%swap3A_783, %swap3A_784], %swap3A_787 {strides = array<i32>} : memref<4x80xi32, #tpu.memory_space<vmem>>, vector<1x16xi32>,
        %shift_right_logical3A_788 = arith.constant 16 : i32
        %shift_right_logical3A_789 = vector.broadcast %shift_right_logical3A_788 : i32 to vector<16xi32>
        %shift_right_logical3A_790 = arith.shrui %get3A_778, %shift_right_logical3A_789 : vector<16xi32>
        %swap3A_791 = arith.constant 3 : i32
        %swap3A_792 = arith.index_cast %swap3A_791 : i32 to index
        %swap3A_793 = arith.constant 48 : index
        %swap3A_794 = tpu.vector_load %arg7[%swap3A_792, %swap3A_793] {strides = array<i32>} : memref<4x80xi32, #tpu.memory_space<vmem>>, vector<1x16xi32>,
        %swap3A_795 = vector.shape_cast %swap3A_794 : vector<1x16xi32> to vector<16xi32>
        %swap3A_796 = vector.shape_cast %shift_right_logical3A_790 : vector<16xi32> to vector<1x16xi32>
        tpu.vector_store %arg7[%swap3A_792, %swap3A_793], %swap3A_796 {strides = array<i32>} : memref<4x80xi32, #tpu.memory_space<vmem>>, vector<1x16xi32>,
        %get3A_797 = arith.constant 3 : i32
        %get3A_798 = arith.index_cast %get3A_797 : i32 to index
        %get3A_799 = arith.constant 64 : index
        %get3A_800 = tpu.vector_load %arg5[%get3A_798, %get3A_799] {strides = array<i32>} : memref<4x80xi32, #tpu.memory_space<vmem>>, vector<1x16xi32>,
        %get3A_801 = vector.shape_cast %get3A_800 : vector<1x16xi32> to vector<16xi32>
        %and3A_802 = arith.constant 65535 : i32
        %and3A_803 = vector.broadcast %and3A_802 : i32 to vector<16xi32>
        %and3A_804 = arith.andi %get3A_801, %and3A_803 : vector<16xi32>
        %swap3A_805 = arith.constant 3 : i32
        %swap3A_806 = arith.index_cast %swap3A_805 : i32 to index
        %swap3A_807 = arith.constant 64 : index
        %swap3A_808 = tpu.vector_load %arg6[%swap3A_806, %swap3A_807] {strides = array<i32>} : memref<4x80xi32, #tpu.memory_space<vmem>>, vector<1x16xi32>,
        %swap3A_809 = vector.shape_cast %swap3A_808 : vector<1x16xi32> to vector<16xi32>
        %swap3A_810 = vector.shape_cast %and3A_804 : vector<16xi32> to vector<1x16xi32>
        tpu.vector_store %arg6[%swap3A_806, %swap3A_807], %swap3A_810 {strides = array<i32>} : memref<4x80xi32, #tpu.memory_space<vmem>>, vector<1x16xi32>,
        %shift_right_logical3A_811 = arith.constant 16 : i32
        %shift_right_logical3A_812 = vector.broadcast %shift_right_logical3A_811 : i32 to vector<16xi32>
        %shift_right_logical3A_813 = arith.shrui %get3A_801, %shift_right_logical3A_812 : vector<16xi32>
        %swap3A_814 = arith.constant 3 : i32
        %swap3A_815 = arith.index_cast %swap3A_814 : i32 to index
        %swap3A_816 = arith.constant 64 : index
        %swap3A_817 = tpu.vector_load %arg7[%swap3A_815, %swap3A_816] {strides = array<i32>} : memref<4x80xi32, #tpu.memory_space<vmem>>, vector<1x16xi32>,
        %swap3A_818 = vector.shape_cast %swap3A_817 : vector<1x16xi32> to vector<16xi32>
        %swap3A_819 = vector.shape_cast %shift_right_logical3A_813 : vector<16xi32> to vector<1x16xi32>
        tpu.vector_store %arg7[%swap3A_815, %swap3A_816], %swap3A_819 {strides = array<i32>} : memref<4x80xi32, #tpu.memory_space<vmem>>, vector<1x16xi32>,
        %dma_start3A_820 = arith.constant 3 : i32
        %dma_start3A_821 = arith.constant 3 : i32
        %dma_start3A_822 = arith.constant 0 : i32
        %dma_start3A_823 = arith.constant 0 : i32
        %dma_start3A_824 = tpu.memref_slice %arg8[%dma_start3A_821, %dma_start3A_822, %dma_start3A_823] : memref<4x80x128xf32, #tpu.memory_space<vmem>> -> memref<1x80x128xf32, #tpu.memory_space<vmem>>
        %dma_start3A_825 = tpu.memref_squeeze %dma_start3A_824 : memref<1x80x128xf32, #tpu.memory_space<vmem>> -> memref<80x128xf32, #tpu.memory_space<vmem>>
        %dma_start3A_826 = arith.constant 0 : i32
        %dma_start3A_827 = tpu.memref_slice %arg6[%dma_start3A_820, %dma_start3A_826] : memref<4x80xi32, #tpu.memory_space<vmem>> -> memref<1x80xi32, #tpu.memory_space<vmem>>
        %dma_start3A_828 = tpu.memref_squeeze %dma_start3A_827 : memref<1x80xi32, #tpu.memory_space<vmem>> -> memref<80xi32, #tpu.memory_space<vmem>>
        %dma_start3A_829 = arith.constant 0 : i32
        %dma_start3A_830 = arith.constant 0 : i32
        %dma_start3A_831 = tpu.memref_slice %arg2[%dma_start3A_829, %dma_start3A_830] : memref<10000x128xf32, #tpu.memory_space<hbm>> -> memref<10000x128xf32, #tpu.memory_space<hbm>>
        tpu.enqueue_indirect_dma source(%dma_start3A_831 : memref<10000x128xf32, #tpu.memory_space<hbm>>) target(%dma_start3A_825 : memref<80x128xf32, #tpu.memory_space<vmem>>) offsets(%dma_start3A_828 : memref<80xi32, #tpu.memory_space<vmem>>) semaphore(%arg14 : memref<!tpu.dma_semaphore, #tpu.memory_space<semaphore_mem>>)
      } else {
      }
      %mul3A_575 = arith.constant 4 : i32
      %mul3A_576 = arith.muli %mul3A_575, %scan3A_540 : i32
      %add3A_577 = arith.constant 1 : i32
      %add3A_578 = arith.addi %mul3A_576, %add3A_577 : i32
      %dma_wait3A_579 = arith.constant 1 : i32
      %dma_wait3A_580 = arith.constant 1 : i32
      %dma_wait3A_581 = arith.constant 0 : i32
      %dma_wait3A_582 = arith.constant 0 : i32
      %dma_wait3A_583 = tpu.memref_slice %arg8[%dma_wait3A_580, %dma_wait3A_581, %dma_wait3A_582] : memref<4x80x128xf32, #tpu.memory_space<vmem>> -> memref<1x80x128xf32, #tpu.memory_space<vmem>>
      %dma_wait3A_584 = tpu.memref_squeeze %dma_wait3A_583 : memref<1x80x128xf32, #tpu.memory_space<vmem>> -> memref<80x128xf32, #tpu.memory_space<vmem>>
      %dma_wait3A_585 = arith.constant 0 : i32
      %dma_wait3A_586 = tpu.memref_slice %arg6[%dma_wait3A_579, %dma_wait3A_585] : memref<4x80xi32, #tpu.memory_space<vmem>> -> memref<1x80xi32, #tpu.memory_space<vmem>>
      %dma_wait3A_587 = tpu.memref_squeeze %dma_wait3A_586 : memref<1x80xi32, #tpu.memory_space<vmem>> -> memref<80xi32, #tpu.memory_space<vmem>>
      %dma_wait3A_588 = arith.constant 0 : i32
      %dma_wait3A_589 = arith.constant 0 : i32
      %dma_wait3A_590 = tpu.memref_slice %arg2[%dma_wait3A_588, %dma_wait3A_589] : memref<10000x128xf32, #tpu.memory_space<hbm>> -> memref<10000x128xf32, #tpu.memory_space<hbm>>
      tpu.wait_indirect_dma semaphore(%arg12 : memref<!tpu.dma_semaphore, #tpu.memory_space<semaphore_mem>>) src(%dma_wait3A_590 : memref<10000x128xf32, #tpu.memory_space<hbm>>) dst(%dma_wait3A_584 : memref<80x128xf32, #tpu.memory_space<vmem>>)
      %dma_start3A_591 = arith.constant 1 : i32
      %dma_start3A_592 = arith.constant 1 : i32
      %dma_start3A_593 = arith.constant 0 : i32
      %dma_start3A_594 = arith.constant 0 : i32
      %dma_start3A_595 = tpu.memref_slice %arg8[%dma_start3A_591, %dma_start3A_593, %dma_start3A_594] : memref<4x80x128xf32, #tpu.memory_space<vmem>> -> memref<1x80x128xf32, #tpu.memory_space<vmem>>
      %dma_start3A_596 = tpu.memref_squeeze %dma_start3A_595 : memref<1x80x128xf32, #tpu.memory_space<vmem>> -> memref<80x128xf32, #tpu.memory_space<vmem>>
      %dma_start3A_597 = arith.constant 0 : i32
      %dma_start3A_598 = tpu.memref_slice %arg7[%dma_start3A_592, %dma_start3A_597] : memref<4x80xi32, #tpu.memory_space<vmem>> -> memref<1x80xi32, #tpu.memory_space<vmem>>
      %dma_start3A_599 = tpu.memref_squeeze %dma_start3A_598 : memref<1x80xi32, #tpu.memory_space<vmem>> -> memref<80xi32, #tpu.memory_space<vmem>>
      %dma_start3A_600 = arith.constant 0 : i32
      %dma_start3A_601 = arith.constant 0 : i32
      %dma_start3A_602 = tpu.memref_slice %arg10[%dma_start3A_600, %dma_start3A_601] : memref<10000x128xf32, #tpu.memory_space<vmem_shared>> -> memref<10000x128xf32, #tpu.memory_space<vmem_shared>>
      tpu.enqueue_indirect_dma source(%dma_start3A_596 : memref<80x128xf32, #tpu.memory_space<vmem>>) target(%dma_start3A_602 : memref<10000x128xf32, #tpu.memory_space<vmem_shared>>) offsets(%dma_start3A_599 : memref<80xi32, #tpu.memory_space<vmem>>) semaphore(%arg16 : memref<!tpu.dma_semaphore, #tpu.memory_space<semaphore_mem>>) {add = true}
      %add3A_603 = arith.constant 3 : i32
      %add3A_604 = arith.addi %add3A_578, %add3A_603 : i32
      %lt3A_605 = arith.constant 125 : i32
      %lt3A_606 = arith.cmpi slt, %add3A_604, %lt3A_605 : i32
      %convert_element_type3A_607 = arith.extui %lt3A_606 : i1 to i32
      %cond3A_608 = arith.constant 0 : i32
      %cond3A_609 = arith.cmpi ne, %convert_element_type3A_607, %cond3A_608 : i32
      scf.if %cond3A_609 {
        %mul3A_680 = arith.constant 80 : i32
        %mul3A_681 = arith.muli %add3A_604, %mul3A_680 : i32
        %add3A_682 = arith.addi %mul3A_2, %mul3A_681 : i32
        %dma_start3A_683 = arith.constant 0 : i32
        %dma_start3A_684 = arith.constant 0 : i32
        %dma_start3A_685 = tpu.memref_slice %arg5[%dma_start3A_683, %dma_start3A_684] : memref<4x80xi32, #tpu.memory_space<vmem>> -> memref<1x80xi32, #tpu.memory_space<vmem>>
        %dma_start3A_686 = tpu.memref_squeeze %dma_start3A_685 : memref<1x80xi32, #tpu.memory_space<vmem>> -> memref<80xi32, #tpu.memory_space<vmem>>
        %dma_start3A_687 = tpu.memref_slice %arg3[%add3A_682] : memref<320000xi32, #tpu.memory_space<hbm>> -> memref<80xi32, #tpu.memory_space<hbm>>
        %dma_start3A_688 = arith.constant 0 : i32
        %dma_start3A_689 = tpu.memref_slice %arg5[%dma_start3A_683, %dma_start3A_688] : memref<4x80xi32, #tpu.memory_space<vmem>> -> memref<1x80xi32, #tpu.memory_space<vmem>>
        %dma_start3A_690 = tpu.memref_squeeze %dma_start3A_689 : memref<1x80xi32, #tpu.memory_space<vmem>> -> memref<80xi32, #tpu.memory_space<vmem>>
        %dma_start3A_691 = tpu.memref_slice %arg3[%add3A_682] : memref<320000xi32, #tpu.memory_space<hbm>> -> memref<80xi32, #tpu.memory_space<hbm>>
        tpu.enqueue_dma source(%dma_start3A_691 : memref<80xi32, #tpu.memory_space<hbm>>) target(%dma_start3A_690 : memref<80xi32, #tpu.memory_space<vmem>>) target_semaphore(%arg19 : memref<!tpu.dma_semaphore, #tpu.memory_space<semaphore_mem>>)
        %ge3A = arith.constant 4 : i32
        %ge3A_692 = arith.cmpi sge, %add3A_604, %ge3A : i32
        %convert_element_type3A_693 = arith.extui %ge3A_692 : i1 to i32
        %cond3A_694 = arith.constant 0 : i32
        %cond3A_695 = arith.cmpi ne, %convert_element_type3A_693, %cond3A_694 : i32
        scf.if %cond3A_695 {
          %dma_wait3A_832 = arith.constant 0 : i32
          %dma_wait3A_833 = arith.constant 0 : i32
          %dma_wait3A_834 = arith.constant 0 : i32
          %dma_wait3A_835 = arith.constant 0 : i32
          %dma_wait3A_836 = tpu.memref_slice %arg8[%dma_wait3A_832, %dma_wait3A_834, %dma_wait3A_835] : memref<4x80x128xf32, #tpu.memory_space<vmem>> -> memref<1x80x128xf32, #tpu.memory_space<vmem>>
          %dma_wait3A_837 = tpu.memref_squeeze %dma_wait3A_836 : memref<1x80x128xf32, #tpu.memory_space<vmem>> -> memref<80x128xf32, #tpu.memory_space<vmem>>
          %dma_wait3A_838 = arith.constant 0 : i32
          %dma_wait3A_839 = tpu.memref_slice %arg7[%dma_wait3A_833, %dma_wait3A_838] : memref<4x80xi32, #tpu.memory_space<vmem>> -> memref<1x80xi32, #tpu.memory_space<vmem>>
          %dma_wait3A_840 = tpu.memref_squeeze %dma_wait3A_839 : memref<1x80xi32, #tpu.memory_space<vmem>> -> memref<80xi32, #tpu.memory_space<vmem>>
          %dma_wait3A_841 = arith.constant 0 : i32
          %dma_wait3A_842 = arith.constant 0 : i32
          %dma_wait3A_843 = tpu.memref_slice %arg10[%dma_wait3A_841, %dma_wait3A_842] : memref<10000x128xf32, #tpu.memory_space<vmem_shared>> -> memref<10000x128xf32, #tpu.memory_space<vmem_shared>>
          tpu.wait_indirect_dma semaphore(%arg15 : memref<!tpu.dma_semaphore, #tpu.memory_space<semaphore_mem>>) src(%dma_wait3A_837 : memref<80x128xf32, #tpu.memory_space<vmem>>) dst(%dma_wait3A_843 : memref<10000x128xf32, #tpu.memory_space<vmem_shared>>)
        } else {
        }
        %dma_wait3A_696 = arith.constant 0 : i32
        %dma_wait3A_697 = arith.constant 0 : i32
        %dma_wait3A_698 = tpu.memref_slice %arg5[%dma_wait3A_696, %dma_wait3A_697] : memref<4x80xi32, #tpu.memory_space<vmem>> -> memref<1x80xi32, #tpu.memory_space<vmem>>
        %dma_wait3A_699 = tpu.memref_squeeze %dma_wait3A_698 : memref<1x80xi32, #tpu.memory_space<vmem>> -> memref<80xi32, #tpu.memory_space<vmem>>
        %dma_wait3A_700 = tpu.memref_slice %arg3[%mul3A_2] : memref<320000xi32, #tpu.memory_space<hbm>> -> memref<80xi32, #tpu.memory_space<hbm>>
        %dma_wait3A_701 = arith.constant 0 : i32
        %dma_wait3A_702 = tpu.memref_slice %arg5[%dma_wait3A_696, %dma_wait3A_701] : memref<4x80xi32, #tpu.memory_space<vmem>> -> memref<1x80xi32, #tpu.memory_space<vmem>>
        %dma_wait3A_703 = tpu.memref_squeeze %dma_wait3A_702 : memref<1x80xi32, #tpu.memory_space<vmem>> -> memref<80xi32, #tpu.memory_space<vmem>>
        %dma_wait3A_704 = tpu.memref_slice %arg3[%mul3A_2] : memref<320000xi32, #tpu.memory_space<hbm>> -> memref<80xi32, #tpu.memory_space<hbm>>
        tpu.wait_dma2 semaphore(%arg19 : memref<!tpu.dma_semaphore, #tpu.memory_space<semaphore_mem>>) src(%dma_wait3A_704 : memref<80xi32, #tpu.memory_space<hbm>>) dst(%dma_wait3A_703 : memref<80xi32, #tpu.memory_space<vmem>>)
        %get3A_705 = arith.constant 0 : i32
        %get3A_706 = arith.index_cast %get3A_705 : i32 to index
        %get3A_707 = arith.constant 0 : index
        %get3A_708 = tpu.vector_load %arg5[%get3A_706, %get3A_707] {strides = array<i32>} : memref<4x80xi32, #tpu.memory_space<vmem>>, vector<1x16xi32>,
        %get3A_709 = vector.shape_cast %get3A_708 : vector<1x16xi32> to vector<16xi32>
        %and3A_710 = arith.constant 65535 : i32
        %and3A_711 = vector.broadcast %and3A_710 : i32 to vector<16xi32>
        %and3A_712 = arith.andi %get3A_709, %and3A_711 : vector<16xi32>
        %swap3A_713 = arith.constant 0 : i32
        %swap3A_714 = arith.index_cast %swap3A_713 : i32 to index
        %swap3A_715 = arith.constant 0 : index
        %swap3A_716 = tpu.vector_load %arg6[%swap3A_714, %swap3A_715] {strides = array<i32>} : memref<4x80xi32, #tpu.memory_space<vmem>>, vector<1x16xi32>,
        %swap3A_717 = vector.shape_cast %swap3A_716 : vector<1x16xi32> to vector<16xi32>
        %swap3A_718 = vector.shape_cast %and3A_712 : vector<16xi32> to vector<1x16xi32>
        tpu.vector_store %arg6[%swap3A_714, %swap3A_715], %swap3A_718 {strides = array<i32>} : memref<4x80xi32, #tpu.memory_space<vmem>>, vector<1x16xi32>,
        %shift_right_logical3A_719 = arith.constant 16 : i32
        %shift_right_logical3A_720 = vector.broadcast %shift_right_logical3A_719 : i32 to vector<16xi32>
        %shift_right_logical3A_721 = arith.shrui %get3A_709, %shift_right_logical3A_720 : vector<16xi32>
        %swap3A_722 = arith.constant 0 : i32
        %swap3A_723 = arith.index_cast %swap3A_722 : i32 to index
        %swap3A_724 = arith.constant 0 : index
        %swap3A_725 = tpu.vector_load %arg7[%swap3A_723, %swap3A_724] {strides = array<i32>} : memref<4x80xi32, #tpu.memory_space<vmem>>, vector<1x16xi32>,
        %swap3A_726 = vector.shape_cast %swap3A_725 : vector<1x16xi32> to vector<16xi32>
        %swap3A_727 = vector.shape_cast %shift_right_logical3A_721 : vector<16xi32> to vector<1x16xi32>
        tpu.vector_store %arg7[%swap3A_723, %swap3A_724], %swap3A_727 {strides = array<i32>} : memref<4x80xi32, #tpu.memory_space<vmem>>, vector<1x16xi32>,
        %get3A_728 = arith.constant 0 : i32
        %get3A_729 = arith.index_cast %get3A_728 : i32 to index
        %get3A_730 = arith.constant 16 : index
        %get3A_731 = tpu.vector_load %arg5[%get3A_729, %get3A_730] {strides = array<i32>} : memref<4x80xi32, #tpu.memory_space<vmem>>, vector<1x16xi32>,
        %get3A_732 = vector.shape_cast %get3A_731 : vector<1x16xi32> to vector<16xi32>
        %and3A_733 = arith.constant 65535 : i32
        %and3A_734 = vector.broadcast %and3A_733 : i32 to vector<16xi32>
        %and3A_735 = arith.andi %get3A_732, %and3A_734 : vector<16xi32>
        %swap3A_736 = arith.constant 0 : i32
        %swap3A_737 = arith.index_cast %swap3A_736 : i32 to index
        %swap3A_738 = arith.constant 16 : index
        %swap3A_739 = tpu.vector_load %arg6[%swap3A_737, %swap3A_738] {strides = array<i32>} : memref<4x80xi32, #tpu.memory_space<vmem>>, vector<1x16xi32>,
        %swap3A_740 = vector.shape_cast %swap3A_739 : vector<1x16xi32> to vector<16xi32>
        %swap3A_741 = vector.shape_cast %and3A_735 : vector<16xi32> to vector<1x16xi32>
        tpu.vector_store %arg6[%swap3A_737, %swap3A_738], %swap3A_741 {strides = array<i32>} : memref<4x80xi32, #tpu.memory_space<vmem>>, vector<1x16xi32>,
        %shift_right_logical3A_742 = arith.constant 16 : i32
        %shift_right_logical3A_743 = vector.broadcast %shift_right_logical3A_742 : i32 to vector<16xi32>
        %shift_right_logical3A_744 = arith.shrui %get3A_732, %shift_right_logical3A_743 : vector<16xi32>
        %swap3A_745 = arith.constant 0 : i32
        %swap3A_746 = arith.index_cast %swap3A_745 : i32 to index
        %swap3A_747 = arith.constant 16 : index
        %swap3A_748 = tpu.vector_load %arg7[%swap3A_746, %swap3A_747] {strides = array<i32>} : memref<4x80xi32, #tpu.memory_space<vmem>>, vector<1x16xi32>,
        %swap3A_749 = vector.shape_cast %swap3A_748 : vector<1x16xi32> to vector<16xi32>
        %swap3A_750 = vector.shape_cast %shift_right_logical3A_744 : vector<16xi32> to vector<1x16xi32>
        tpu.vector_store %arg7[%swap3A_746, %swap3A_747], %swap3A_750 {strides = array<i32>} : memref<4x80xi32, #tpu.memory_space<vmem>>, vector<1x16xi32>,
        %get3A_751 = arith.constant 0 : i32
        %get3A_752 = arith.index_cast %get3A_751 : i32 to index
        %get3A_753 = arith.constant 32 : index
        %get3A_754 = tpu.vector_load %arg5[%get3A_752, %get3A_753] {strides = array<i32>} : memref<4x80xi32, #tpu.memory_space<vmem>>, vector<1x16xi32>,
        %get3A_755 = vector.shape_cast %get3A_754 : vector<1x16xi32> to vector<16xi32>
        %and3A_756 = arith.constant 65535 : i32
        %and3A_757 = vector.broadcast %and3A_756 : i32 to vector<16xi32>
        %and3A_758 = arith.andi %get3A_755, %and3A_757 : vector<16xi32>
        %swap3A_759 = arith.constant 0 : i32
        %swap3A_760 = arith.index_cast %swap3A_759 : i32 to index
        %swap3A_761 = arith.constant 32 : index
        %swap3A_762 = tpu.vector_load %arg6[%swap3A_760, %swap3A_761] {strides = array<i32>} : memref<4x80xi32, #tpu.memory_space<vmem>>, vector<1x16xi32>,
        %swap3A_763 = vector.shape_cast %swap3A_762 : vector<1x16xi32> to vector<16xi32>
        %swap3A_764 = vector.shape_cast %and3A_758 : vector<16xi32> to vector<1x16xi32>
        tpu.vector_store %arg6[%swap3A_760, %swap3A_761], %swap3A_764 {strides = array<i32>} : memref<4x80xi32, #tpu.memory_space<vmem>>, vector<1x16xi32>,
        %shift_right_logical3A_765 = arith.constant 16 : i32
        %shift_right_logical3A_766 = vector.broadcast %shift_right_logical3A_765 : i32 to vector<16xi32>
        %shift_right_logical3A_767 = arith.shrui %get3A_755, %shift_right_logical3A_766 : vector<16xi32>
        %swap3A_768 = arith.constant 0 : i32
        %swap3A_769 = arith.index_cast %swap3A_768 : i32 to index
        %swap3A_770 = arith.constant 32 : index
        %swap3A_771 = tpu.vector_load %arg7[%swap3A_769, %swap3A_770] {strides = array<i32>} : memref<4x80xi32, #tpu.memory_space<vmem>>, vector<1x16xi32>,
        %swap3A_772 = vector.shape_cast %swap3A_771 : vector<1x16xi32> to vector<16xi32>
        %swap3A_773 = vector.shape_cast %shift_right_logical3A_767 : vector<16xi32> to vector<1x16xi32>
        tpu.vector_store %arg7[%swap3A_769, %swap3A_770], %swap3A_773 {strides = array<i32>} : memref<4x80xi32, #tpu.memory_space<vmem>>, vector<1x16xi32>,
        %get3A_774 = arith.constant 0 : i32
        %get3A_775 = arith.index_cast %get3A_774 : i32 to index
        %get3A_776 = arith.constant 48 : index
        %get3A_777 = tpu.vector_load %arg5[%get3A_775, %get3A_776] {strides = array<i32>} : memref<4x80xi32, #tpu.memory_space<vmem>>, vector<1x16xi32>,
        %get3A_778 = vector.shape_cast %get3A_777 : vector<1x16xi32> to vector<16xi32>
        %and3A_779 = arith.constant 65535 : i32
        %and3A_780 = vector.broadcast %and3A_779 : i32 to vector<16xi32>
        %and3A_781 = arith.andi %get3A_778, %and3A_780 : vector<16xi32>
        %swap3A_782 = arith.constant 0 : i32
        %swap3A_783 = arith.index_cast %swap3A_782 : i32 to index
        %swap3A_784 = arith.constant 48 : index
        %swap3A_785 = tpu.vector_load %arg6[%swap3A_783, %swap3A_784] {strides = array<i32>} : memref<4x80xi32, #tpu.memory_space<vmem>>, vector<1x16xi32>,
        %swap3A_786 = vector.shape_cast %swap3A_785 : vector<1x16xi32> to vector<16xi32>
        %swap3A_787 = vector.shape_cast %and3A_781 : vector<16xi32> to vector<1x16xi32>
        tpu.vector_store %arg6[%swap3A_783, %swap3A_784], %swap3A_787 {strides = array<i32>} : memref<4x80xi32, #tpu.memory_space<vmem>>, vector<1x16xi32>,
        %shift_right_logical3A_788 = arith.constant 16 : i32
        %shift_right_logical3A_789 = vector.broadcast %shift_right_logical3A_788 : i32 to vector<16xi32>
        %shift_right_logical3A_790 = arith.shrui %get3A_778, %shift_right_logical3A_789 : vector<16xi32>
        %swap3A_791 = arith.constant 0 : i32
        %swap3A_792 = arith.index_cast %swap3A_791 : i32 to index
        %swap3A_793 = arith.constant 48 : index
        %swap3A_794 = tpu.vector_load %arg7[%swap3A_792, %swap3A_793] {strides = array<i32>} : memref<4x80xi32, #tpu.memory_space<vmem>>, vector<1x16xi32>,
        %swap3A_795 = vector.shape_cast %swap3A_794 : vector<1x16xi32> to vector<16xi32>
        %swap3A_796 = vector.shape_cast %shift_right_logical3A_790 : vector<16xi32> to vector<1x16xi32>
        tpu.vector_store %arg7[%swap3A_792, %swap3A_793], %swap3A_796 {strides = array<i32>} : memref<4x80xi32, #tpu.memory_space<vmem>>, vector<1x16xi32>,
        %get3A_797 = arith.constant 0 : i32
        %get3A_798 = arith.index_cast %get3A_797 : i32 to index
        %get3A_799 = arith.constant 64 : index
        %get3A_800 = tpu.vector_load %arg5[%get3A_798, %get3A_799] {strides = array<i32>} : memref<4x80xi32, #tpu.memory_space<vmem>>, vector<1x16xi32>,
        %get3A_801 = vector.shape_cast %get3A_800 : vector<1x16xi32> to vector<16xi32>
        %and3A_802 = arith.constant 65535 : i32
        %and3A_803 = vector.broadcast %and3A_802 : i32 to vector<16xi32>
        %and3A_804 = arith.andi %get3A_801, %and3A_803 : vector<16xi32>
        %swap3A_805 = arith.constant 0 : i32
        %swap3A_806 = arith.index_cast %swap3A_805 : i32 to index
        %swap3A_807 = arith.constant 64 : index
        %swap3A_808 = tpu.vector_load %arg6[%swap3A_806, %swap3A_807] {strides = array<i32>} : memref<4x80xi32, #tpu.memory_space<vmem>>, vector<1x16xi32>,
        %swap3A_809 = vector.shape_cast %swap3A_808 : vector<1x16xi32> to vector<16xi32>
        %swap3A_810 = vector.shape_cast %and3A_804 : vector<16xi32> to vector<1x16xi32>
        tpu.vector_store %arg6[%swap3A_806, %swap3A_807], %swap3A_810 {strides = array<i32>} : memref<4x80xi32, #tpu.memory_space<vmem>>, vector<1x16xi32>,
        %shift_right_logical3A_811 = arith.constant 16 : i32
        %shift_right_logical3A_812 = vector.broadcast %shift_right_logical3A_811 : i32 to vector<16xi32>
        %shift_right_logical3A_813 = arith.shrui %get3A_801, %shift_right_logical3A_812 : vector<16xi32>
        %swap3A_814 = arith.constant 0 : i32
        %swap3A_815 = arith.index_cast %swap3A_814 : i32 to index
        %swap3A_816 = arith.constant 64 : index
        %swap3A_817 = tpu.vector_load %arg7[%swap3A_815, %swap3A_816] {strides = array<i32>} : memref<4x80xi32, #tpu.memory_space<vmem>>, vector<1x16xi32>,
        %swap3A_818 = vector.shape_cast %swap3A_817 : vector<1x16xi32> to vector<16xi32>
        %swap3A_819 = vector.shape_cast %shift_right_logical3A_813 : vector<16xi32> to vector<1x16xi32>
        tpu.vector_store %arg7[%swap3A_815, %swap3A_816], %swap3A_819 {strides = array<i32>} : memref<4x80xi32, #tpu.memory_space<vmem>>, vector<1x16xi32>,
        %dma_start3A_820 = arith.constant 0 : i32
        %dma_start3A_821 = arith.constant 0 : i32
        %dma_start3A_822 = arith.constant 0 : i32
        %dma_start3A_823 = arith.constant 0 : i32
        %dma_start3A_824 = tpu.memref_slice %arg8[%dma_start3A_821, %dma_start3A_822, %dma_start3A_823] : memref<4x80x128xf32, #tpu.memory_space<vmem>> -> memref<1x80x128xf32, #tpu.memory_space<vmem>>
        %dma_start3A_825 = tpu.memref_squeeze %dma_start3A_824 : memref<1x80x128xf32, #tpu.memory_space<vmem>> -> memref<80x128xf32, #tpu.memory_space<vmem>>
        %dma_start3A_826 = arith.constant 0 : i32
        %dma_start3A_827 = tpu.memref_slice %arg6[%dma_start3A_820, %dma_start3A_826] : memref<4x80xi32, #tpu.memory_space<vmem>> -> memref<1x80xi32, #tpu.memory_space<vmem>>
        %dma_start3A_828 = tpu.memref_squeeze %dma_start3A_827 : memref<1x80xi32, #tpu.memory_space<vmem>> -> memref<80xi32, #tpu.memory_space<vmem>>
        %dma_start3A_829 = arith.constant 0 : i32
        %dma_start3A_830 = arith.constant 0 : i32
        %dma_start3A_831 = tpu.memref_slice %arg2[%dma_start3A_829, %dma_start3A_830] : memref<10000x128xf32, #tpu.memory_space<hbm>> -> memref<10000x128xf32, #tpu.memory_space<hbm>>
        tpu.enqueue_indirect_dma source(%dma_start3A_831 : memref<10000x128xf32, #tpu.memory_space<hbm>>) target(%dma_start3A_825 : memref<80x128xf32, #tpu.memory_space<vmem>>) offsets(%dma_start3A_828 : memref<80xi32, #tpu.memory_space<vmem>>) semaphore(%arg11 : memref<!tpu.dma_semaphore, #tpu.memory_space<semaphore_mem>>)
      } else {
      }
      %mul3A_610 = arith.constant 4 : i32
      %mul3A_611 = arith.muli %mul3A_610, %scan3A_540 : i32
      %add3A_612 = arith.constant 2 : i32
      %add3A_613 = arith.addi %mul3A_611, %add3A_612 : i32
      %dma_wait3A_614 = arith.constant 2 : i32
      %dma_wait3A_615 = arith.constant 2 : i32
      %dma_wait3A_616 = arith.constant 0 : i32
      %dma_wait3A_617 = arith.constant 0 : i32
      %dma_wait3A_618 = tpu.memref_slice %arg8[%dma_wait3A_615, %dma_wait3A_616, %dma_wait3A_617] : memref<4x80x128xf32, #tpu.memory_space<vmem>> -> memref<1x80x128xf32, #tpu.memory_space<vmem>>
      %dma_wait3A_619 = tpu.memref_squeeze %dma_wait3A_618 : memref<1x80x128xf32, #tpu.memory_space<vmem>> -> memref<80x128xf32, #tpu.memory_space<vmem>>
      %dma_wait3A_620 = arith.constant 0 : i32
      %dma_wait3A_621 = tpu.memref_slice %arg6[%dma_wait3A_614, %dma_wait3A_620] : memref<4x80xi32, #tpu.memory_space<vmem>> -> memref<1x80xi32, #tpu.memory_space<vmem>>
      %dma_wait3A_622 = tpu.memref_squeeze %dma_wait3A_621 : memref<1x80xi32, #tpu.memory_space<vmem>> -> memref<80xi32, #tpu.memory_space<vmem>>
      %dma_wait3A_623 = arith.constant 0 : i32
      %dma_wait3A_624 = arith.constant 0 : i32
      %dma_wait3A_625 = tpu.memref_slice %arg2[%dma_wait3A_623, %dma_wait3A_624] : memref<10000x128xf32, #tpu.memory_space<hbm>> -> memref<10000x128xf32, #tpu.memory_space<hbm>>
      tpu.wait_indirect_dma semaphore(%arg13 : memref<!tpu.dma_semaphore, #tpu.memory_space<semaphore_mem>>) src(%dma_wait3A_625 : memref<10000x128xf32, #tpu.memory_space<hbm>>) dst(%dma_wait3A_619 : memref<80x128xf32, #tpu.memory_space<vmem>>)
      %dma_start3A_626 = arith.constant 2 : i32
      %dma_start3A_627 = arith.constant 2 : i32
      %dma_start3A_628 = arith.constant 0 : i32
      %dma_start3A_629 = arith.constant 0 : i32
      %dma_start3A_630 = tpu.memref_slice %arg8[%dma_start3A_626, %dma_start3A_628, %dma_start3A_629] : memref<4x80x128xf32, #tpu.memory_space<vmem>> -> memref<1x80x128xf32, #tpu.memory_space<vmem>>
      %dma_start3A_631 = tpu.memref_squeeze %dma_start3A_630 : memref<1x80x128xf32, #tpu.memory_space<vmem>> -> memref<80x128xf32, #tpu.memory_space<vmem>>
      %dma_start3A_632 = arith.constant 0 : i32
      %dma_start3A_633 = tpu.memref_slice %arg7[%dma_start3A_627, %dma_start3A_632] : memref<4x80xi32, #tpu.memory_space<vmem>> -> memref<1x80xi32, #tpu.memory_space<vmem>>
      %dma_start3A_634 = tpu.memref_squeeze %dma_start3A_633 : memref<1x80xi32, #tpu.memory_space<vmem>> -> memref<80xi32, #tpu.memory_space<vmem>>
      %dma_start3A_635 = arith.constant 0 : i32
      %dma_start3A_636 = arith.constant 0 : i32
      %dma_start3A_637 = tpu.memref_slice %arg10[%dma_start3A_635, %dma_start3A_636] : memref<10000x128xf32, #tpu.memory_space<vmem_shared>> -> memref<10000x128xf32, #tpu.memory_space<vmem_shared>>
      tpu.enqueue_indirect_dma source(%dma_start3A_631 : memref<80x128xf32, #tpu.memory_space<vmem>>) target(%dma_start3A_637 : memref<10000x128xf32, #tpu.memory_space<vmem_shared>>) offsets(%dma_start3A_634 : memref<80xi32, #tpu.memory_space<vmem>>) semaphore(%arg17 : memref<!tpu.dma_semaphore, #tpu.memory_space<semaphore_mem>>) {add = true}
      %add3A_638 = arith.constant 3 : i32
      %add3A_639 = arith.addi %add3A_613, %add3A_638 : i32
      %lt3A_640 = arith.constant 125 : i32
      %lt3A_641 = arith.cmpi slt, %add3A_639, %lt3A_640 : i32
      %convert_element_type3A_642 = arith.extui %lt3A_641 : i1 to i32
      %cond3A_643 = arith.constant 0 : i32
      %cond3A_644 = arith.cmpi ne, %convert_element_type3A_642, %cond3A_643 : i32
      scf.if %cond3A_644 {
        %mul3A_680 = arith.constant 80 : i32
        %mul3A_681 = arith.muli %add3A_639, %mul3A_680 : i32
        %add3A_682 = arith.addi %mul3A_2, %mul3A_681 : i32
        %dma_start3A_683 = arith.constant 1 : i32
        %dma_start3A_684 = arith.constant 0 : i32
        %dma_start3A_685 = tpu.memref_slice %arg5[%dma_start3A_683, %dma_start3A_684] : memref<4x80xi32, #tpu.memory_space<vmem>> -> memref<1x80xi32, #tpu.memory_space<vmem>>
        %dma_start3A_686 = tpu.memref_squeeze %dma_start3A_685 : memref<1x80xi32, #tpu.memory_space<vmem>> -> memref<80xi32, #tpu.memory_space<vmem>>
        %dma_start3A_687 = tpu.memref_slice %arg3[%add3A_682] : memref<320000xi32, #tpu.memory_space<hbm>> -> memref<80xi32, #tpu.memory_space<hbm>>
        %dma_start3A_688 = arith.constant 0 : i32
        %dma_start3A_689 = tpu.memref_slice %arg5[%dma_start3A_683, %dma_start3A_688] : memref<4x80xi32, #tpu.memory_space<vmem>> -> memref<1x80xi32, #tpu.memory_space<vmem>>
        %dma_start3A_690 = tpu.memref_squeeze %dma_start3A_689 : memref<1x80xi32, #tpu.memory_space<vmem>> -> memref<80xi32, #tpu.memory_space<vmem>>
        %dma_start3A_691 = tpu.memref_slice %arg3[%add3A_682] : memref<320000xi32, #tpu.memory_space<hbm>> -> memref<80xi32, #tpu.memory_space<hbm>>
        tpu.enqueue_dma source(%dma_start3A_691 : memref<80xi32, #tpu.memory_space<hbm>>) target(%dma_start3A_690 : memref<80xi32, #tpu.memory_space<vmem>>) target_semaphore(%arg20 : memref<!tpu.dma_semaphore, #tpu.memory_space<semaphore_mem>>)
        %ge3A = arith.constant 4 : i32
        %ge3A_692 = arith.cmpi sge, %add3A_639, %ge3A : i32
        %convert_element_type3A_693 = arith.extui %ge3A_692 : i1 to i32
        %cond3A_694 = arith.constant 0 : i32
        %cond3A_695 = arith.cmpi ne, %convert_element_type3A_693, %cond3A_694 : i32
        scf.if %cond3A_695 {
          %dma_wait3A_832 = arith.constant 1 : i32
          %dma_wait3A_833 = arith.constant 1 : i32
          %dma_wait3A_834 = arith.constant 0 : i32
          %dma_wait3A_835 = arith.constant 0 : i32
          %dma_wait3A_836 = tpu.memref_slice %arg8[%dma_wait3A_832, %dma_wait3A_834, %dma_wait3A_835] : memref<4x80x128xf32, #tpu.memory_space<vmem>> -> memref<1x80x128xf32, #tpu.memory_space<vmem>>
          %dma_wait3A_837 = tpu.memref_squeeze %dma_wait3A_836 : memref<1x80x128xf32, #tpu.memory_space<vmem>> -> memref<80x128xf32, #tpu.memory_space<vmem>>
          %dma_wait3A_838 = arith.constant 0 : i32
          %dma_wait3A_839 = tpu.memref_slice %arg7[%dma_wait3A_833, %dma_wait3A_838] : memref<4x80xi32, #tpu.memory_space<vmem>> -> memref<1x80xi32, #tpu.memory_space<vmem>>
          %dma_wait3A_840 = tpu.memref_squeeze %dma_wait3A_839 : memref<1x80xi32, #tpu.memory_space<vmem>> -> memref<80xi32, #tpu.memory_space<vmem>>
          %dma_wait3A_841 = arith.constant 0 : i32
          %dma_wait3A_842 = arith.constant 0 : i32
          %dma_wait3A_843 = tpu.memref_slice %arg10[%dma_wait3A_841, %dma_wait3A_842] : memref<10000x128xf32, #tpu.memory_space<vmem_shared>> -> memref<10000x128xf32, #tpu.memory_space<vmem_shared>>
          tpu.wait_indirect_dma semaphore(%arg16 : memref<!tpu.dma_semaphore, #tpu.memory_space<semaphore_mem>>) src(%dma_wait3A_837 : memref<80x128xf32, #tpu.memory_space<vmem>>) dst(%dma_wait3A_843 : memref<10000x128xf32, #tpu.memory_space<vmem_shared>>)
        } else {
        }
        %dma_wait3A_696 = arith.constant 1 : i32
        %dma_wait3A_697 = arith.constant 0 : i32
        %dma_wait3A_698 = tpu.memref_slice %arg5[%dma_wait3A_696, %dma_wait3A_697] : memref<4x80xi32, #tpu.memory_space<vmem>> -> memref<1x80xi32, #tpu.memory_space<vmem>>
        %dma_wait3A_699 = tpu.memref_squeeze %dma_wait3A_698 : memref<1x80xi32, #tpu.memory_space<vmem>> -> memref<80xi32, #tpu.memory_space<vmem>>
        %dma_wait3A_700 = tpu.memref_slice %arg3[%mul3A_2] : memref<320000xi32, #tpu.memory_space<hbm>> -> memref<80xi32, #tpu.memory_space<hbm>>
        %dma_wait3A_701 = arith.constant 0 : i32
        %dma_wait3A_702 = tpu.memref_slice %arg5[%dma_wait3A_696, %dma_wait3A_701] : memref<4x80xi32, #tpu.memory_space<vmem>> -> memref<1x80xi32, #tpu.memory_space<vmem>>
        %dma_wait3A_703 = tpu.memref_squeeze %dma_wait3A_702 : memref<1x80xi32, #tpu.memory_space<vmem>> -> memref<80xi32, #tpu.memory_space<vmem>>
        %dma_wait3A_704 = tpu.memref_slice %arg3[%mul3A_2] : memref<320000xi32, #tpu.memory_space<hbm>> -> memref<80xi32, #tpu.memory_space<hbm>>
        tpu.wait_dma2 semaphore(%arg20 : memref<!tpu.dma_semaphore, #tpu.memory_space<semaphore_mem>>) src(%dma_wait3A_704 : memref<80xi32, #tpu.memory_space<hbm>>) dst(%dma_wait3A_703 : memref<80xi32, #tpu.memory_space<vmem>>)
        %get3A_705 = arith.constant 1 : i32
        %get3A_706 = arith.index_cast %get3A_705 : i32 to index
        %get3A_707 = arith.constant 0 : index
        %get3A_708 = tpu.vector_load %arg5[%get3A_706, %get3A_707] {strides = array<i32>} : memref<4x80xi32, #tpu.memory_space<vmem>>, vector<1x16xi32>,
        %get3A_709 = vector.shape_cast %get3A_708 : vector<1x16xi32> to vector<16xi32>
        %and3A_710 = arith.constant 65535 : i32
        %and3A_711 = vector.broadcast %and3A_710 : i32 to vector<16xi32>
        %and3A_712 = arith.andi %get3A_709, %and3A_711 : vector<16xi32>
        %swap3A_713 = arith.constant 1 : i32
        %swap3A_714 = arith.index_cast %swap3A_713 : i32 to index
        %swap3A_715 = arith.constant 0 : index
        %swap3A_716 = tpu.vector_load %arg6[%swap3A_714, %swap3A_715] {strides = array<i32>} : memref<4x80xi32, #tpu.memory_space<vmem>>, vector<1x16xi32>,
        %swap3A_717 = vector.shape_cast %swap3A_716 : vector<1x16xi32> to vector<16xi32>
        %swap3A_718 = vector.shape_cast %and3A_712 : vector<16xi32> to vector<1x16xi32>
        tpu.vector_store %arg6[%swap3A_714, %swap3A_715], %swap3A_718 {strides = array<i32>} : memref<4x80xi32, #tpu.memory_space<vmem>>, vector<1x16xi32>,
        %shift_right_logical3A_719 = arith.constant 16 : i32
        %shift_right_logical3A_720 = vector.broadcast %shift_right_logical3A_719 : i32 to vector<16xi32>
        %shift_right_logical3A_721 = arith.shrui %get3A_709, %shift_right_logical3A_720 : vector<16xi32>
        %swap3A_722 = arith.constant 1 : i32
        %swap3A_723 = arith.index_cast %swap3A_722 : i32 to index
        %swap3A_724 = arith.constant 0 : index
        %swap3A_725 = tpu.vector_load %arg7[%swap3A_723, %swap3A_724] {strides = array<i32>} : memref<4x80xi32, #tpu.memory_space<vmem>>, vector<1x16xi32>,
        %swap3A_726 = vector.shape_cast %swap3A_725 : vector<1x16xi32> to vector<16xi32>
        %swap3A_727 = vector.shape_cast %shift_right_logical3A_721 : vector<16xi32> to vector<1x16xi32>
        tpu.vector_store %arg7[%swap3A_723, %swap3A_724], %swap3A_727 {strides = array<i32>} : memref<4x80xi32, #tpu.memory_space<vmem>>, vector<1x16xi32>,
        %get3A_728 = arith.constant 1 : i32
        %get3A_729 = arith.index_cast %get3A_728 : i32 to index
        %get3A_730 = arith.constant 16 : index
        %get3A_731 = tpu.vector_load %arg5[%get3A_729, %get3A_730] {strides = array<i32>} : memref<4x80xi32, #tpu.memory_space<vmem>>, vector<1x16xi32>,
        %get3A_732 = vector.shape_cast %get3A_731 : vector<1x16xi32> to vector<16xi32>
        %and3A_733 = arith.constant 65535 : i32
        %and3A_734 = vector.broadcast %and3A_733 : i32 to vector<16xi32>
        %and3A_735 = arith.andi %get3A_732, %and3A_734 : vector<16xi32>
        %swap3A_736 = arith.constant 1 : i32
        %swap3A_737 = arith.index_cast %swap3A_736 : i32 to index
        %swap3A_738 = arith.constant 16 : index
        %swap3A_739 = tpu.vector_load %arg6[%swap3A_737, %swap3A_738] {strides = array<i32>} : memref<4x80xi32, #tpu.memory_space<vmem>>, vector<1x16xi32>,
        %swap3A_740 = vector.shape_cast %swap3A_739 : vector<1x16xi32> to vector<16xi32>
        %swap3A_741 = vector.shape_cast %and3A_735 : vector<16xi32> to vector<1x16xi32>
        tpu.vector_store %arg6[%swap3A_737, %swap3A_738], %swap3A_741 {strides = array<i32>} : memref<4x80xi32, #tpu.memory_space<vmem>>, vector<1x16xi32>,
        %shift_right_logical3A_742 = arith.constant 16 : i32
        %shift_right_logical3A_743 = vector.broadcast %shift_right_logical3A_742 : i32 to vector<16xi32>
        %shift_right_logical3A_744 = arith.shrui %get3A_732, %shift_right_logical3A_743 : vector<16xi32>
        %swap3A_745 = arith.constant 1 : i32
        %swap3A_746 = arith.index_cast %swap3A_745 : i32 to index
        %swap3A_747 = arith.constant 16 : index
        %swap3A_748 = tpu.vector_load %arg7[%swap3A_746, %swap3A_747] {strides = array<i32>} : memref<4x80xi32, #tpu.memory_space<vmem>>, vector<1x16xi32>,
        %swap3A_749 = vector.shape_cast %swap3A_748 : vector<1x16xi32> to vector<16xi32>
        %swap3A_750 = vector.shape_cast %shift_right_logical3A_744 : vector<16xi32> to vector<1x16xi32>
        tpu.vector_store %arg7[%swap3A_746, %swap3A_747], %swap3A_750 {strides = array<i32>} : memref<4x80xi32, #tpu.memory_space<vmem>>, vector<1x16xi32>,
        %get3A_751 = arith.constant 1 : i32
        %get3A_752 = arith.index_cast %get3A_751 : i32 to index
        %get3A_753 = arith.constant 32 : index
        %get3A_754 = tpu.vector_load %arg5[%get3A_752, %get3A_753] {strides = array<i32>} : memref<4x80xi32, #tpu.memory_space<vmem>>, vector<1x16xi32>,
        %get3A_755 = vector.shape_cast %get3A_754 : vector<1x16xi32> to vector<16xi32>
        %and3A_756 = arith.constant 65535 : i32
        %and3A_757 = vector.broadcast %and3A_756 : i32 to vector<16xi32>
        %and3A_758 = arith.andi %get3A_755, %and3A_757 : vector<16xi32>
        %swap3A_759 = arith.constant 1 : i32
        %swap3A_760 = arith.index_cast %swap3A_759 : i32 to index
        %swap3A_761 = arith.constant 32 : index
        %swap3A_762 = tpu.vector_load %arg6[%swap3A_760, %swap3A_761] {strides = array<i32>} : memref<4x80xi32, #tpu.memory_space<vmem>>, vector<1x16xi32>,
        %swap3A_763 = vector.shape_cast %swap3A_762 : vector<1x16xi32> to vector<16xi32>
        %swap3A_764 = vector.shape_cast %and3A_758 : vector<16xi32> to vector<1x16xi32>
        tpu.vector_store %arg6[%swap3A_760, %swap3A_761], %swap3A_764 {strides = array<i32>} : memref<4x80xi32, #tpu.memory_space<vmem>>, vector<1x16xi32>,
        %shift_right_logical3A_765 = arith.constant 16 : i32
        %shift_right_logical3A_766 = vector.broadcast %shift_right_logical3A_765 : i32 to vector<16xi32>
        %shift_right_logical3A_767 = arith.shrui %get3A_755, %shift_right_logical3A_766 : vector<16xi32>
        %swap3A_768 = arith.constant 1 : i32
        %swap3A_769 = arith.index_cast %swap3A_768 : i32 to index
        %swap3A_770 = arith.constant 32 : index
        %swap3A_771 = tpu.vector_load %arg7[%swap3A_769, %swap3A_770] {strides = array<i32>} : memref<4x80xi32, #tpu.memory_space<vmem>>, vector<1x16xi32>,
        %swap3A_772 = vector.shape_cast %swap3A_771 : vector<1x16xi32> to vector<16xi32>
        %swap3A_773 = vector.shape_cast %shift_right_logical3A_767 : vector<16xi32> to vector<1x16xi32>
        tpu.vector_store %arg7[%swap3A_769, %swap3A_770], %swap3A_773 {strides = array<i32>} : memref<4x80xi32, #tpu.memory_space<vmem>>, vector<1x16xi32>,
        %get3A_774 = arith.constant 1 : i32
        %get3A_775 = arith.index_cast %get3A_774 : i32 to index
        %get3A_776 = arith.constant 48 : index
        %get3A_777 = tpu.vector_load %arg5[%get3A_775, %get3A_776] {strides = array<i32>} : memref<4x80xi32, #tpu.memory_space<vmem>>, vector<1x16xi32>,
        %get3A_778 = vector.shape_cast %get3A_777 : vector<1x16xi32> to vector<16xi32>
        %and3A_779 = arith.constant 65535 : i32
        %and3A_780 = vector.broadcast %and3A_779 : i32 to vector<16xi32>
        %and3A_781 = arith.andi %get3A_778, %and3A_780 : vector<16xi32>
        %swap3A_782 = arith.constant 1 : i32
        %swap3A_783 = arith.index_cast %swap3A_782 : i32 to index
        %swap3A_784 = arith.constant 48 : index
        %swap3A_785 = tpu.vector_load %arg6[%swap3A_783, %swap3A_784] {strides = array<i32>} : memref<4x80xi32, #tpu.memory_space<vmem>>, vector<1x16xi32>,
        %swap3A_786 = vector.shape_cast %swap3A_785 : vector<1x16xi32> to vector<16xi32>
        %swap3A_787 = vector.shape_cast %and3A_781 : vector<16xi32> to vector<1x16xi32>
        tpu.vector_store %arg6[%swap3A_783, %swap3A_784], %swap3A_787 {strides = array<i32>} : memref<4x80xi32, #tpu.memory_space<vmem>>, vector<1x16xi32>,
        %shift_right_logical3A_788 = arith.constant 16 : i32
        %shift_right_logical3A_789 = vector.broadcast %shift_right_logical3A_788 : i32 to vector<16xi32>
        %shift_right_logical3A_790 = arith.shrui %get3A_778, %shift_right_logical3A_789 : vector<16xi32>
        %swap3A_791 = arith.constant 1 : i32
        %swap3A_792 = arith.index_cast %swap3A_791 : i32 to index
        %swap3A_793 = arith.constant 48 : index
        %swap3A_794 = tpu.vector_load %arg7[%swap3A_792, %swap3A_793] {strides = array<i32>} : memref<4x80xi32, #tpu.memory_space<vmem>>, vector<1x16xi32>,
        %swap3A_795 = vector.shape_cast %swap3A_794 : vector<1x16xi32> to vector<16xi32>
        %swap3A_796 = vector.shape_cast %shift_right_logical3A_790 : vector<16xi32> to vector<1x16xi32>
        tpu.vector_store %arg7[%swap3A_792, %swap3A_793], %swap3A_796 {strides = array<i32>} : memref<4x80xi32, #tpu.memory_space<vmem>>, vector<1x16xi32>,
        %get3A_797 = arith.constant 1 : i32
        %get3A_798 = arith.index_cast %get3A_797 : i32 to index
        %get3A_799 = arith.constant 64 : index
        %get3A_800 = tpu.vector_load %arg5[%get3A_798, %get3A_799] {strides = array<i32>} : memref<4x80xi32, #tpu.memory_space<vmem>>, vector<1x16xi32>,
        %get3A_801 = vector.shape_cast %get3A_800 : vector<1x16xi32> to vector<16xi32>
        %and3A_802 = arith.constant 65535 : i32
        %and3A_803 = vector.broadcast %and3A_802 : i32 to vector<16xi32>
        %and3A_804 = arith.andi %get3A_801, %and3A_803 : vector<16xi32>
        %swap3A_805 = arith.constant 1 : i32
        %swap3A_806 = arith.index_cast %swap3A_805 : i32 to index
        %swap3A_807 = arith.constant 64 : index
        %swap3A_808 = tpu.vector_load %arg6[%swap3A_806, %swap3A_807] {strides = array<i32>} : memref<4x80xi32, #tpu.memory_space<vmem>>, vector<1x16xi32>,
        %swap3A_809 = vector.shape_cast %swap3A_808 : vector<1x16xi32> to vector<16xi32>
        %swap3A_810 = vector.shape_cast %and3A_804 : vector<16xi32> to vector<1x16xi32>
        tpu.vector_store %arg6[%swap3A_806, %swap3A_807], %swap3A_810 {strides = array<i32>} : memref<4x80xi32, #tpu.memory_space<vmem>>, vector<1x16xi32>,
        %shift_right_logical3A_811 = arith.constant 16 : i32
        %shift_right_logical3A_812 = vector.broadcast %shift_right_logical3A_811 : i32 to vector<16xi32>
        %shift_right_logical3A_813 = arith.shrui %get3A_801, %shift_right_logical3A_812 : vector<16xi32>
        %swap3A_814 = arith.constant 1 : i32
        %swap3A_815 = arith.index_cast %swap3A_814 : i32 to index
        %swap3A_816 = arith.constant 64 : index
        %swap3A_817 = tpu.vector_load %arg7[%swap3A_815, %swap3A_816] {strides = array<i32>} : memref<4x80xi32, #tpu.memory_space<vmem>>, vector<1x16xi32>,
        %swap3A_818 = vector.shape_cast %swap3A_817 : vector<1x16xi32> to vector<16xi32>
        %swap3A_819 = vector.shape_cast %shift_right_logical3A_813 : vector<16xi32> to vector<1x16xi32>
        tpu.vector_store %arg7[%swap3A_815, %swap3A_816], %swap3A_819 {strides = array<i32>} : memref<4x80xi32, #tpu.memory_space<vmem>>, vector<1x16xi32>,
        %dma_start3A_820 = arith.constant 1 : i32
        %dma_start3A_821 = arith.constant 1 : i32
        %dma_start3A_822 = arith.constant 0 : i32
        %dma_start3A_823 = arith.constant 0 : i32
        %dma_start3A_824 = tpu.memref_slice %arg8[%dma_start3A_821, %dma_start3A_822, %dma_start3A_823] : memref<4x80x128xf32, #tpu.memory_space<vmem>> -> memref<1x80x128xf32, #tpu.memory_space<vmem>>
        %dma_start3A_825 = tpu.memref_squeeze %dma_start3A_824 : memref<1x80x128xf32, #tpu.memory_space<vmem>> -> memref<80x128xf32, #tpu.memory_space<vmem>>
        %dma_start3A_826 = arith.constant 0 : i32
        %dma_start3A_827 = tpu.memref_slice %arg6[%dma_start3A_820, %dma_start3A_826] : memref<4x80xi32, #tpu.memory_space<vmem>> -> memref<1x80xi32, #tpu.memory_space<vmem>>
        %dma_start3A_828 = tpu.memref_squeeze %dma_start3A_827 : memref<1x80xi32, #tpu.memory_space<vmem>> -> memref<80xi32, #tpu.memory_space<vmem>>
        %dma_start3A_829 = arith.constant 0 : i32
        %dma_start3A_830 = arith.constant 0 : i32
        %dma_start3A_831 = tpu.memref_slice %arg2[%dma_start3A_829, %dma_start3A_830] : memref<10000x128xf32, #tpu.memory_space<hbm>> -> memref<10000x128xf32, #tpu.memory_space<hbm>>
        tpu.enqueue_indirect_dma source(%dma_start3A_831 : memref<10000x128xf32, #tpu.memory_space<hbm>>) target(%dma_start3A_825 : memref<80x128xf32, #tpu.memory_space<vmem>>) offsets(%dma_start3A_828 : memref<80xi32, #tpu.memory_space<vmem>>) semaphore(%arg12 : memref<!tpu.dma_semaphore, #tpu.memory_space<semaphore_mem>>)
      } else {
      }
      %mul3A_645 = arith.constant 4 : i32
      %mul3A_646 = arith.muli %mul3A_645, %scan3A_540 : i32
      %add3A_647 = arith.constant 3 : i32
      %add3A_648 = arith.addi %mul3A_646, %add3A_647 : i32
      %dma_wait3A_649 = arith.constant 3 : i32
      %dma_wait3A_650 = arith.constant 3 : i32
      %dma_wait3A_651 = arith.constant 0 : i32
      %dma_wait3A_652 = arith.constant 0 : i32
      %dma_wait3A_653 = tpu.memref_slice %arg8[%dma_wait3A_650, %dma_wait3A_651, %dma_wait3A_652] : memref<4x80x128xf32, #tpu.memory_space<vmem>> -> memref<1x80x128xf32, #tpu.memory_space<vmem>>
      %dma_wait3A_654 = tpu.memref_squeeze %dma_wait3A_653 : memref<1x80x128xf32, #tpu.memory_space<vmem>> -> memref<80x128xf32, #tpu.memory_space<vmem>>
      %dma_wait3A_655 = arith.constant 0 : i32
      %dma_wait3A_656 = tpu.memref_slice %arg6[%dma_wait3A_649, %dma_wait3A_655] : memref<4x80xi32, #tpu.memory_space<vmem>> -> memref<1x80xi32, #tpu.memory_space<vmem>>
      %dma_wait3A_657 = tpu.memref_squeeze %dma_wait3A_656 : memref<1x80xi32, #tpu.memory_space<vmem>> -> memref<80xi32, #tpu.memory_space<vmem>>
      %dma_wait3A_658 = arith.constant 0 : i32
      %dma_wait3A_659 = arith.constant 0 : i32
      %dma_wait3A_660 = tpu.memref_slice %arg2[%dma_wait3A_658, %dma_wait3A_659] : memref<10000x128xf32, #tpu.memory_space<hbm>> -> memref<10000x128xf32, #tpu.memory_space<hbm>>
      tpu.wait_indirect_dma semaphore(%arg14 : memref<!tpu.dma_semaphore, #tpu.memory_space<semaphore_mem>>) src(%dma_wait3A_660 : memref<10000x128xf32, #tpu.memory_space<hbm>>) dst(%dma_wait3A_654 : memref<80x128xf32, #tpu.memory_space<vmem>>)
      %dma_start3A_661 = arith.constant 3 : i32
      %dma_start3A_662 = arith.constant 3 : i32
      %dma_start3A_663 = arith.constant 0 : i32
      %dma_start3A_664 = arith.constant 0 : i32
      %dma_start3A_665 = tpu.memref_slice %arg8[%dma_start3A_661, %dma_start3A_663, %dma_start3A_664] : memref<4x80x128xf32, #tpu.memory_space<vmem>> -> memref<1x80x128xf32, #tpu.memory_space<vmem>>
      %dma_start3A_666 = tpu.memref_squeeze %dma_start3A_665 : memref<1x80x128xf32, #tpu.memory_space<vmem>> -> memref<80x128xf32, #tpu.memory_space<vmem>>
      %dma_start3A_667 = arith.constant 0 : i32
      %dma_start3A_668 = tpu.memref_slice %arg7[%dma_start3A_662, %dma_start3A_667] : memref<4x80xi32, #tpu.memory_space<vmem>> -> memref<1x80xi32, #tpu.memory_space<vmem>>
      %dma_start3A_669 = tpu.memref_squeeze %dma_start3A_668 : memref<1x80xi32, #tpu.memory_space<vmem>> -> memref<80xi32, #tpu.memory_space<vmem>>
      %dma_start3A_670 = arith.constant 0 : i32
      %dma_start3A_671 = arith.constant 0 : i32
      %dma_start3A_672 = tpu.memref_slice %arg10[%dma_start3A_670, %dma_start3A_671] : memref<10000x128xf32, #tpu.memory_space<vmem_shared>> -> memref<10000x128xf32, #tpu.memory_space<vmem_shared>>
      tpu.enqueue_indirect_dma source(%dma_start3A_666 : memref<80x128xf32, #tpu.memory_space<vmem>>) target(%dma_start3A_672 : memref<10000x128xf32, #tpu.memory_space<vmem_shared>>) offsets(%dma_start3A_669 : memref<80xi32, #tpu.memory_space<vmem>>) semaphore(%arg18 : memref<!tpu.dma_semaphore, #tpu.memory_space<semaphore_mem>>) {add = true}
      %add3A_673 = arith.constant 3 : i32
      %add3A_674 = arith.addi %add3A_648, %add3A_673 : i32
      %lt3A_675 = arith.constant 125 : i32
      %lt3A_676 = arith.cmpi slt, %add3A_674, %lt3A_675 : i32
      %convert_element_type3A_677 = arith.extui %lt3A_676 : i1 to i32
      %cond3A_678 = arith.constant 0 : i32
      %cond3A_679 = arith.cmpi ne, %convert_element_type3A_677, %cond3A_678 : i32
      scf.if %cond3A_679 {
        %mul3A_680 = arith.constant 80 : i32
        %mul3A_681 = arith.muli %add3A_674, %mul3A_680 : i32
        %add3A_682 = arith.addi %mul3A_2, %mul3A_681 : i32
        %dma_start3A_683 = arith.constant 2 : i32
        %dma_start3A_684 = arith.constant 0 : i32
        %dma_start3A_685 = tpu.memref_slice %arg5[%dma_start3A_683, %dma_start3A_684] : memref<4x80xi32, #tpu.memory_space<vmem>> -> memref<1x80xi32, #tpu.memory_space<vmem>>
        %dma_start3A_686 = tpu.memref_squeeze %dma_start3A_685 : memref<1x80xi32, #tpu.memory_space<vmem>> -> memref<80xi32, #tpu.memory_space<vmem>>
        %dma_start3A_687 = tpu.memref_slice %arg3[%add3A_682] : memref<320000xi32, #tpu.memory_space<hbm>> -> memref<80xi32, #tpu.memory_space<hbm>>
        %dma_start3A_688 = arith.constant 0 : i32
        %dma_start3A_689 = tpu.memref_slice %arg5[%dma_start3A_683, %dma_start3A_688] : memref<4x80xi32, #tpu.memory_space<vmem>> -> memref<1x80xi32, #tpu.memory_space<vmem>>
        %dma_start3A_690 = tpu.memref_squeeze %dma_start3A_689 : memref<1x80xi32, #tpu.memory_space<vmem>> -> memref<80xi32, #tpu.memory_space<vmem>>
        %dma_start3A_691 = tpu.memref_slice %arg3[%add3A_682] : memref<320000xi32, #tpu.memory_space<hbm>> -> memref<80xi32, #tpu.memory_space<hbm>>
        tpu.enqueue_dma source(%dma_start3A_691 : memref<80xi32, #tpu.memory_space<hbm>>) target(%dma_start3A_690 : memref<80xi32, #tpu.memory_space<vmem>>) target_semaphore(%arg21 : memref<!tpu.dma_semaphore, #tpu.memory_space<semaphore_mem>>)
        %ge3A = arith.constant 4 : i32
        %ge3A_692 = arith.cmpi sge, %add3A_674, %ge3A : i32
        %convert_element_type3A_693 = arith.extui %ge3A_692 : i1 to i32
        %cond3A_694 = arith.constant 0 : i32
        %cond3A_695 = arith.cmpi ne, %convert_element_type3A_693, %cond3A_694 : i32
        scf.if %cond3A_695 {
          %dma_wait3A_832 = arith.constant 2 : i32
          %dma_wait3A_833 = arith.constant 2 : i32
          %dma_wait3A_834 = arith.constant 0 : i32
          %dma_wait3A_835 = arith.constant 0 : i32
          %dma_wait3A_836 = tpu.memref_slice %arg8[%dma_wait3A_832, %dma_wait3A_834, %dma_wait3A_835] : memref<4x80x128xf32, #tpu.memory_space<vmem>> -> memref<1x80x128xf32, #tpu.memory_space<vmem>>
          %dma_wait3A_837 = tpu.memref_squeeze %dma_wait3A_836 : memref<1x80x128xf32, #tpu.memory_space<vmem>> -> memref<80x128xf32, #tpu.memory_space<vmem>>
          %dma_wait3A_838 = arith.constant 0 : i32
          %dma_wait3A_839 = tpu.memref_slice %arg7[%dma_wait3A_833, %dma_wait3A_838] : memref<4x80xi32, #tpu.memory_space<vmem>> -> memref<1x80xi32, #tpu.memory_space<vmem>>
          %dma_wait3A_840 = tpu.memref_squeeze %dma_wait3A_839 : memref<1x80xi32, #tpu.memory_space<vmem>> -> memref<80xi32, #tpu.memory_space<vmem>>
          %dma_wait3A_841 = arith.constant 0 : i32
          %dma_wait3A_842 = arith.constant 0 : i32
          %dma_wait3A_843 = tpu.memref_slice %arg10[%dma_wait3A_841, %dma_wait3A_842] : memref<10000x128xf32, #tpu.memory_space<vmem_shared>> -> memref<10000x128xf32, #tpu.memory_space<vmem_shared>>
          tpu.wait_indirect_dma semaphore(%arg17 : memref<!tpu.dma_semaphore, #tpu.memory_space<semaphore_mem>>) src(%dma_wait3A_837 : memref<80x128xf32, #tpu.memory_space<vmem>>) dst(%dma_wait3A_843 : memref<10000x128xf32, #tpu.memory_space<vmem_shared>>)
        } else {
        }
        %dma_wait3A_696 = arith.constant 2 : i32
        %dma_wait3A_697 = arith.constant 0 : i32
        %dma_wait3A_698 = tpu.memref_slice %arg5[%dma_wait3A_696, %dma_wait3A_697] : memref<4x80xi32, #tpu.memory_space<vmem>> -> memref<1x80xi32, #tpu.memory_space<vmem>>
        %dma_wait3A_699 = tpu.memref_squeeze %dma_wait3A_698 : memref<1x80xi32, #tpu.memory_space<vmem>> -> memref<80xi32, #tpu.memory_space<vmem>>
        %dma_wait3A_700 = tpu.memref_slice %arg3[%mul3A_2] : memref<320000xi32, #tpu.memory_space<hbm>> -> memref<80xi32, #tpu.memory_space<hbm>>
        %dma_wait3A_701 = arith.constant 0 : i32
        %dma_wait3A_702 = tpu.memref_slice %arg5[%dma_wait3A_696, %dma_wait3A_701] : memref<4x80xi32, #tpu.memory_space<vmem>> -> memref<1x80xi32, #tpu.memory_space<vmem>>
        %dma_wait3A_703 = tpu.memref_squeeze %dma_wait3A_702 : memref<1x80xi32, #tpu.memory_space<vmem>> -> memref<80xi32, #tpu.memory_space<vmem>>
        %dma_wait3A_704 = tpu.memref_slice %arg3[%mul3A_2] : memref<320000xi32, #tpu.memory_space<hbm>> -> memref<80xi32, #tpu.memory_space<hbm>>
        tpu.wait_dma2 semaphore(%arg21 : memref<!tpu.dma_semaphore, #tpu.memory_space<semaphore_mem>>) src(%dma_wait3A_704 : memref<80xi32, #tpu.memory_space<hbm>>) dst(%dma_wait3A_703 : memref<80xi32, #tpu.memory_space<vmem>>)
        %get3A_705 = arith.constant 2 : i32
        %get3A_706 = arith.index_cast %get3A_705 : i32 to index
        %get3A_707 = arith.constant 0 : index
        %get3A_708 = tpu.vector_load %arg5[%get3A_706, %get3A_707] {strides = array<i32>} : memref<4x80xi32, #tpu.memory_space<vmem>>, vector<1x16xi32>,
        %get3A_709 = vector.shape_cast %get3A_708 : vector<1x16xi32> to vector<16xi32>
        %and3A_710 = arith.constant 65535 : i32
        %and3A_711 = vector.broadcast %and3A_710 : i32 to vector<16xi32>
        %and3A_712 = arith.andi %get3A_709, %and3A_711 : vector<16xi32>
        %swap3A_713 = arith.constant 2 : i32
        %swap3A_714 = arith.index_cast %swap3A_713 : i32 to index
        %swap3A_715 = arith.constant 0 : index
        %swap3A_716 = tpu.vector_load %arg6[%swap3A_714, %swap3A_715] {strides = array<i32>} : memref<4x80xi32, #tpu.memory_space<vmem>>, vector<1x16xi32>,
        %swap3A_717 = vector.shape_cast %swap3A_716 : vector<1x16xi32> to vector<16xi32>
        %swap3A_718 = vector.shape_cast %and3A_712 : vector<16xi32> to vector<1x16xi32>
        tpu.vector_store %arg6[%swap3A_714, %swap3A_715], %swap3A_718 {strides = array<i32>} : memref<4x80xi32, #tpu.memory_space<vmem>>, vector<1x16xi32>,
        %shift_right_logical3A_719 = arith.constant 16 : i32
        %shift_right_logical3A_720 = vector.broadcast %shift_right_logical3A_719 : i32 to vector<16xi32>
        %shift_right_logical3A_721 = arith.shrui %get3A_709, %shift_right_logical3A_720 : vector<16xi32>
        %swap3A_722 = arith.constant 2 : i32
        %swap3A_723 = arith.index_cast %swap3A_722 : i32 to index
        %swap3A_724 = arith.constant 0 : index
        %swap3A_725 = tpu.vector_load %arg7[%swap3A_723, %swap3A_724] {strides = array<i32>} : memref<4x80xi32, #tpu.memory_space<vmem>>, vector<1x16xi32>,
        %swap3A_726 = vector.shape_cast %swap3A_725 : vector<1x16xi32> to vector<16xi32>
        %swap3A_727 = vector.shape_cast %shift_right_logical3A_721 : vector<16xi32> to vector<1x16xi32>
        tpu.vector_store %arg7[%swap3A_723, %swap3A_724], %swap3A_727 {strides = array<i32>} : memref<4x80xi32, #tpu.memory_space<vmem>>, vector<1x16xi32>,
        %get3A_728 = arith.constant 2 : i32
        %get3A_729 = arith.index_cast %get3A_728 : i32 to index
        %get3A_730 = arith.constant 16 : index
        %get3A_731 = tpu.vector_load %arg5[%get3A_729, %get3A_730] {strides = array<i32>} : memref<4x80xi32, #tpu.memory_space<vmem>>, vector<1x16xi32>,
        %get3A_732 = vector.shape_cast %get3A_731 : vector<1x16xi32> to vector<16xi32>
        %and3A_733 = arith.constant 65535 : i32
        %and3A_734 = vector.broadcast %and3A_733 : i32 to vector<16xi32>
        %and3A_735 = arith.andi %get3A_732, %and3A_734 : vector<16xi32>
        %swap3A_736 = arith.constant 2 : i32
        %swap3A_737 = arith.index_cast %swap3A_736 : i32 to index
        %swap3A_738 = arith.constant 16 : index
        %swap3A_739 = tpu.vector_load %arg6[%swap3A_737, %swap3A_738] {strides = array<i32>} : memref<4x80xi32, #tpu.memory_space<vmem>>, vector<1x16xi32>,
        %swap3A_740 = vector.shape_cast %swap3A_739 : vector<1x16xi32> to vector<16xi32>
        %swap3A_741 = vector.shape_cast %and3A_735 : vector<16xi32> to vector<1x16xi32>
        tpu.vector_store %arg6[%swap3A_737, %swap3A_738], %swap3A_741 {strides = array<i32>} : memref<4x80xi32, #tpu.memory_space<vmem>>, vector<1x16xi32>,
        %shift_right_logical3A_742 = arith.constant 16 : i32
        %shift_right_logical3A_743 = vector.broadcast %shift_right_logical3A_742 : i32 to vector<16xi32>
        %shift_right_logical3A_744 = arith.shrui %get3A_732, %shift_right_logical3A_743 : vector<16xi32>
        %swap3A_745 = arith.constant 2 : i32
        %swap3A_746 = arith.index_cast %swap3A_745 : i32 to index
        %swap3A_747 = arith.constant 16 : index
        %swap3A_748 = tpu.vector_load %arg7[%swap3A_746, %swap3A_747] {strides = array<i32>} : memref<4x80xi32, #tpu.memory_space<vmem>>, vector<1x16xi32>,
        %swap3A_749 = vector.shape_cast %swap3A_748 : vector<1x16xi32> to vector<16xi32>
        %swap3A_750 = vector.shape_cast %shift_right_logical3A_744 : vector<16xi32> to vector<1x16xi32>
        tpu.vector_store %arg7[%swap3A_746, %swap3A_747], %swap3A_750 {strides = array<i32>} : memref<4x80xi32, #tpu.memory_space<vmem>>, vector<1x16xi32>,
        %get3A_751 = arith.constant 2 : i32
        %get3A_752 = arith.index_cast %get3A_751 : i32 to index
        %get3A_753 = arith.constant 32 : index
        %get3A_754 = tpu.vector_load %arg5[%get3A_752, %get3A_753] {strides = array<i32>} : memref<4x80xi32, #tpu.memory_space<vmem>>, vector<1x16xi32>,
        %get3A_755 = vector.shape_cast %get3A_754 : vector<1x16xi32> to vector<16xi32>
        %and3A_756 = arith.constant 65535 : i32
        %and3A_757 = vector.broadcast %and3A_756 : i32 to vector<16xi32>
        %and3A_758 = arith.andi %get3A_755, %and3A_757 : vector<16xi32>
        %swap3A_759 = arith.constant 2 : i32
        %swap3A_760 = arith.index_cast %swap3A_759 : i32 to index
        %swap3A_761 = arith.constant 32 : index
        %swap3A_762 = tpu.vector_load %arg6[%swap3A_760, %swap3A_761] {strides = array<i32>} : memref<4x80xi32, #tpu.memory_space<vmem>>, vector<1x16xi32>,
        %swap3A_763 = vector.shape_cast %swap3A_762 : vector<1x16xi32> to vector<16xi32>
        %swap3A_764 = vector.shape_cast %and3A_758 : vector<16xi32> to vector<1x16xi32>
        tpu.vector_store %arg6[%swap3A_760, %swap3A_761], %swap3A_764 {strides = array<i32>} : memref<4x80xi32, #tpu.memory_space<vmem>>, vector<1x16xi32>,
        %shift_right_logical3A_765 = arith.constant 16 : i32
        %shift_right_logical3A_766 = vector.broadcast %shift_right_logical3A_765 : i32 to vector<16xi32>
        %shift_right_logical3A_767 = arith.shrui %get3A_755, %shift_right_logical3A_766 : vector<16xi32>
        %swap3A_768 = arith.constant 2 : i32
        %swap3A_769 = arith.index_cast %swap3A_768 : i32 to index
        %swap3A_770 = arith.constant 32 : index
        %swap3A_771 = tpu.vector_load %arg7[%swap3A_769, %swap3A_770] {strides = array<i32>} : memref<4x80xi32, #tpu.memory_space<vmem>>, vector<1x16xi32>,
        %swap3A_772 = vector.shape_cast %swap3A_771 : vector<1x16xi32> to vector<16xi32>
        %swap3A_773 = vector.shape_cast %shift_right_logical3A_767 : vector<16xi32> to vector<1x16xi32>
        tpu.vector_store %arg7[%swap3A_769, %swap3A_770], %swap3A_773 {strides = array<i32>} : memref<4x80xi32, #tpu.memory_space<vmem>>, vector<1x16xi32>,
        %get3A_774 = arith.constant 2 : i32
        %get3A_775 = arith.index_cast %get3A_774 : i32 to index
        %get3A_776 = arith.constant 48 : index
        %get3A_777 = tpu.vector_load %arg5[%get3A_775, %get3A_776] {strides = array<i32>} : memref<4x80xi32, #tpu.memory_space<vmem>>, vector<1x16xi32>,
        %get3A_778 = vector.shape_cast %get3A_777 : vector<1x16xi32> to vector<16xi32>
        %and3A_779 = arith.constant 65535 : i32
        %and3A_780 = vector.broadcast %and3A_779 : i32 to vector<16xi32>
        %and3A_781 = arith.andi %get3A_778, %and3A_780 : vector<16xi32>
        %swap3A_782 = arith.constant 2 : i32
        %swap3A_783 = arith.index_cast %swap3A_782 : i32 to index
        %swap3A_784 = arith.constant 48 : index
        %swap3A_785 = tpu.vector_load %arg6[%swap3A_783, %swap3A_784] {strides = array<i32>} : memref<4x80xi32, #tpu.memory_space<vmem>>, vector<1x16xi32>,
        %swap3A_786 = vector.shape_cast %swap3A_785 : vector<1x16xi32> to vector<16xi32>
        %swap3A_787 = vector.shape_cast %and3A_781 : vector<16xi32> to vector<1x16xi32>
        tpu.vector_store %arg6[%swap3A_783, %swap3A_784], %swap3A_787 {strides = array<i32>} : memref<4x80xi32, #tpu.memory_space<vmem>>, vector<1x16xi32>,
        %shift_right_logical3A_788 = arith.constant 16 : i32
        %shift_right_logical3A_789 = vector.broadcast %shift_right_logical3A_788 : i32 to vector<16xi32>
        %shift_right_logical3A_790 = arith.shrui %get3A_778, %shift_right_logical3A_789 : vector<16xi32>
        %swap3A_791 = arith.constant 2 : i32
        %swap3A_792 = arith.index_cast %swap3A_791 : i32 to index
        %swap3A_793 = arith.constant 48 : index
        %swap3A_794 = tpu.vector_load %arg7[%swap3A_792, %swap3A_793] {strides = array<i32>} : memref<4x80xi32, #tpu.memory_space<vmem>>, vector<1x16xi32>,
        %swap3A_795 = vector.shape_cast %swap3A_794 : vector<1x16xi32> to vector<16xi32>
        %swap3A_796 = vector.shape_cast %shift_right_logical3A_790 : vector<16xi32> to vector<1x16xi32>
        tpu.vector_store %arg7[%swap3A_792, %swap3A_793], %swap3A_796 {strides = array<i32>} : memref<4x80xi32, #tpu.memory_space<vmem>>, vector<1x16xi32>,
        %get3A_797 = arith.constant 2 : i32
        %get3A_798 = arith.index_cast %get3A_797 : i32 to index
        %get3A_799 = arith.constant 64 : index
        %get3A_800 = tpu.vector_load %arg5[%get3A_798, %get3A_799] {strides = array<i32>} : memref<4x80xi32, #tpu.memory_space<vmem>>, vector<1x16xi32>,
        %get3A_801 = vector.shape_cast %get3A_800 : vector<1x16xi32> to vector<16xi32>
        %and3A_802 = arith.constant 65535 : i32
        %and3A_803 = vector.broadcast %and3A_802 : i32 to vector<16xi32>
        %and3A_804 = arith.andi %get3A_801, %and3A_803 : vector<16xi32>
        %swap3A_805 = arith.constant 2 : i32
        %swap3A_806 = arith.index_cast %swap3A_805 : i32 to index
        %swap3A_807 = arith.constant 64 : index
        %swap3A_808 = tpu.vector_load %arg6[%swap3A_806, %swap3A_807] {strides = array<i32>} : memref<4x80xi32, #tpu.memory_space<vmem>>, vector<1x16xi32>,
        %swap3A_809 = vector.shape_cast %swap3A_808 : vector<1x16xi32> to vector<16xi32>
        %swap3A_810 = vector.shape_cast %and3A_804 : vector<16xi32> to vector<1x16xi32>
        tpu.vector_store %arg6[%swap3A_806, %swap3A_807], %swap3A_810 {strides = array<i32>} : memref<4x80xi32, #tpu.memory_space<vmem>>, vector<1x16xi32>,
        %shift_right_logical3A_811 = arith.constant 16 : i32
        %shift_right_logical3A_812 = vector.broadcast %shift_right_logical3A_811 : i32 to vector<16xi32>
        %shift_right_logical3A_813 = arith.shrui %get3A_801, %shift_right_logical3A_812 : vector<16xi32>
        %swap3A_814 = arith.constant 2 : i32
        %swap3A_815 = arith.index_cast %swap3A_814 : i32 to index
        %swap3A_816 = arith.constant 64 : index
        %swap3A_817 = tpu.vector_load %arg7[%swap3A_815, %swap3A_816] {strides = array<i32>} : memref<4x80xi32, #tpu.memory_space<vmem>>, vector<1x16xi32>,
        %swap3A_818 = vector.shape_cast %swap3A_817 : vector<1x16xi32> to vector<16xi32>
        %swap3A_819 = vector.shape_cast %shift_right_logical3A_813 : vector<16xi32> to vector<1x16xi32>
        tpu.vector_store %arg7[%swap3A_815, %swap3A_816], %swap3A_819 {strides = array<i32>} : memref<4x80xi32, #tpu.memory_space<vmem>>, vector<1x16xi32>,
        %dma_start3A_820 = arith.constant 2 : i32
        %dma_start3A_821 = arith.constant 2 : i32
        %dma_start3A_822 = arith.constant 0 : i32
        %dma_start3A_823 = arith.constant 0 : i32
        %dma_start3A_824 = tpu.memref_slice %arg8[%dma_start3A_821, %dma_start3A_822, %dma_start3A_823] : memref<4x80x128xf32, #tpu.memory_space<vmem>> -> memref<1x80x128xf32, #tpu.memory_space<vmem>>
        %dma_start3A_825 = tpu.memref_squeeze %dma_start3A_824 : memref<1x80x128xf32, #tpu.memory_space<vmem>> -> memref<80x128xf32, #tpu.memory_space<vmem>>
        %dma_start3A_826 = arith.constant 0 : i32
        %dma_start3A_827 = tpu.memref_slice %arg6[%dma_start3A_820, %dma_start3A_826] : memref<4x80xi32, #tpu.memory_space<vmem>> -> memref<1x80xi32, #tpu.memory_space<vmem>>
        %dma_start3A_828 = tpu.memref_squeeze %dma_start3A_827 : memref<1x80xi32, #tpu.memory_space<vmem>> -> memref<80xi32, #tpu.memory_space<vmem>>
        %dma_start3A_829 = arith.constant 0 : i32
        %dma_start3A_830 = arith.constant 0 : i32
        %dma_start3A_831 = tpu.memref_slice %arg2[%dma_start3A_829, %dma_start3A_830] : memref<10000x128xf32, #tpu.memory_space<hbm>> -> memref<10000x128xf32, #tpu.memory_space<hbm>>
        tpu.enqueue_indirect_dma source(%dma_start3A_831 : memref<10000x128xf32, #tpu.memory_space<hbm>>) target(%dma_start3A_825 : memref<80x128xf32, #tpu.memory_space<vmem>>) offsets(%dma_start3A_828 : memref<80xi32, #tpu.memory_space<vmem>>) semaphore(%arg13 : memref<!tpu.dma_semaphore, #tpu.memory_space<semaphore_mem>>)
      } else {
      }
    }
    %scan3A_457 = arith.constant 31 : i32
    %dma_wait3A_458 = arith.constant 0 : i32
    %dma_wait3A_459 = arith.constant 0 : i32
    %dma_wait3A_460 = arith.constant 0 : i32
    %dma_wait3A_461 = arith.constant 0 : i32
    %dma_wait3A_462 = tpu.memref_slice %arg8[%dma_wait3A_459, %dma_wait3A_460, %dma_wait3A_461] : memref<4x80x128xf32, #tpu.memory_space<vmem>> -> memref<1x80x128xf32, #tpu.memory_space<vmem>>
    %dma_wait3A_463 = tpu.memref_squeeze %dma_wait3A_462 : memref<1x80x128xf32, #tpu.memory_space<vmem>> -> memref<80x128xf32, #tpu.memory_space<vmem>>
    %dma_wait3A_464 = arith.constant 0 : i32
    %dma_wait3A_465 = tpu.memref_slice %arg6[%dma_wait3A_458, %dma_wait3A_464] : memref<4x80xi32, #tpu.memory_space<vmem>> -> memref<1x80xi32, #tpu.memory_space<vmem>>
    %dma_wait3A_466 = tpu.memref_squeeze %dma_wait3A_465 : memref<1x80xi32, #tpu.memory_space<vmem>> -> memref<80xi32, #tpu.memory_space<vmem>>
    %dma_wait3A_467 = arith.constant 0 : i32
    %dma_wait3A_468 = arith.constant 0 : i32
    %dma_wait3A_469 = tpu.memref_slice %arg2[%dma_wait3A_467, %dma_wait3A_468] : memref<10000x128xf32, #tpu.memory_space<hbm>> -> memref<10000x128xf32, #tpu.memory_space<hbm>>
    tpu.wait_indirect_dma semaphore(%arg11 : memref<!tpu.dma_semaphore, #tpu.memory_space<semaphore_mem>>) src(%dma_wait3A_469 : memref<10000x128xf32, #tpu.memory_space<hbm>>) dst(%dma_wait3A_463 : memref<80x128xf32, #tpu.memory_space<vmem>>)
    %dma_start3A_470 = arith.constant 0 : i32
    %dma_start3A_471 = arith.constant 0 : i32
    %dma_start3A_472 = arith.constant 0 : i32
    %dma_start3A_473 = arith.constant 0 : i32
    %dma_start3A_474 = tpu.memref_slice %arg8[%dma_start3A_470, %dma_start3A_472, %dma_start3A_473] : memref<4x80x128xf32, #tpu.memory_space<vmem>> -> memref<1x80x128xf32, #tpu.memory_space<vmem>>
    %dma_start3A_475 = tpu.memref_squeeze %dma_start3A_474 : memref<1x80x128xf32, #tpu.memory_space<vmem>> -> memref<80x128xf32, #tpu.memory_space<vmem>>
    %dma_start3A_476 = arith.constant 0 : i32
    %dma_start3A_477 = tpu.memref_slice %arg7[%dma_start3A_471, %dma_start3A_476] : memref<4x80xi32, #tpu.memory_space<vmem>> -> memref<1x80xi32, #tpu.memory_space<vmem>>
    %dma_start3A_478 = tpu.memref_squeeze %dma_start3A_477 : memref<1x80xi32, #tpu.memory_space<vmem>> -> memref<80xi32, #tpu.memory_space<vmem>>
    %dma_start3A_479 = arith.constant 0 : i32
    %dma_start3A_480 = arith.constant 0 : i32
    %dma_start3A_481 = tpu.memref_slice %arg10[%dma_start3A_479, %dma_start3A_480] : memref<10000x128xf32, #tpu.memory_space<vmem_shared>> -> memref<10000x128xf32, #tpu.memory_space<vmem_shared>>
    tpu.enqueue_indirect_dma source(%dma_start3A_475 : memref<80x128xf32, #tpu.memory_space<vmem>>) target(%dma_start3A_481 : memref<10000x128xf32, #tpu.memory_space<vmem_shared>>) offsets(%dma_start3A_478 : memref<80xi32, #tpu.memory_space<vmem>>) semaphore(%arg15 : memref<!tpu.dma_semaphore, #tpu.memory_space<semaphore_mem>>) {add = true}
    %dma_wait3A_482 = arith.constant 1 : i32
    %dma_wait3A_483 = arith.constant 1 : i32
    %dma_wait3A_484 = arith.constant 0 : i32
    %dma_wait3A_485 = arith.constant 0 : i32
    %dma_wait3A_486 = tpu.memref_slice %arg8[%dma_wait3A_482, %dma_wait3A_484, %dma_wait3A_485] : memref<4x80x128xf32, #tpu.memory_space<vmem>> -> memref<1x80x128xf32, #tpu.memory_space<vmem>>
    %dma_wait3A_487 = tpu.memref_squeeze %dma_wait3A_486 : memref<1x80x128xf32, #tpu.memory_space<vmem>> -> memref<80x128xf32, #tpu.memory_space<vmem>>
    %dma_wait3A_488 = arith.constant 0 : i32
    %dma_wait3A_489 = tpu.memref_slice %arg7[%dma_wait3A_483, %dma_wait3A_488] : memref<4x80xi32, #tpu.memory_space<vmem>> -> memref<1x80xi32, #tpu.memory_space<vmem>>
    %dma_wait3A_490 = tpu.memref_squeeze %dma_wait3A_489 : memref<1x80xi32, #tpu.memory_space<vmem>> -> memref<80xi32, #tpu.memory_space<vmem>>
    %dma_wait3A_491 = arith.constant 0 : i32
    %dma_wait3A_492 = arith.constant 0 : i32
    %dma_wait3A_493 = tpu.memref_slice %arg10[%dma_wait3A_491, %dma_wait3A_492] : memref<10000x128xf32, #tpu.memory_space<vmem_shared>> -> memref<10000x128xf32, #tpu.memory_space<vmem_shared>>
    tpu.wait_indirect_dma semaphore(%arg16 : memref<!tpu.dma_semaphore, #tpu.memory_space<semaphore_mem>>) src(%dma_wait3A_487 : memref<80x128xf32, #tpu.memory_space<vmem>>) dst(%dma_wait3A_493 : memref<10000x128xf32, #tpu.memory_space<vmem_shared>>)
    %dma_wait3A_494 = arith.constant 2 : i32
    %dma_wait3A_495 = arith.constant 2 : i32
    %dma_wait3A_496 = arith.constant 0 : i32
    %dma_wait3A_497 = arith.constant 0 : i32
    %dma_wait3A_498 = tpu.memref_slice %arg8[%dma_wait3A_494, %dma_wait3A_496, %dma_wait3A_497] : memref<4x80x128xf32, #tpu.memory_space<vmem>> -> memref<1x80x128xf32, #tpu.memory_space<vmem>>
    %dma_wait3A_499 = tpu.memref_squeeze %dma_wait3A_498 : memref<1x80x128xf32, #tpu.memory_space<vmem>> -> memref<80x128xf32, #tpu.memory_space<vmem>>
    %dma_wait3A_500 = arith.constant 0 : i32
    %dma_wait3A_501 = tpu.memref_slice %arg7[%dma_wait3A_495, %dma_wait3A_500] : memref<4x80xi32, #tpu.memory_space<vmem>> -> memref<1x80xi32, #tpu.memory_space<vmem>>
    %dma_wait3A_502 = tpu.memref_squeeze %dma_wait3A_501 : memref<1x80xi32, #tpu.memory_space<vmem>> -> memref<80xi32, #tpu.memory_space<vmem>>
    %dma_wait3A_503 = arith.constant 0 : i32
    %dma_wait3A_504 = arith.constant 0 : i32
    %dma_wait3A_505 = tpu.memref_slice %arg10[%dma_wait3A_503, %dma_wait3A_504] : memref<10000x128xf32, #tpu.memory_space<vmem_shared>> -> memref<10000x128xf32, #tpu.memory_space<vmem_shared>>
    tpu.wait_indirect_dma semaphore(%arg17 : memref<!tpu.dma_semaphore, #tpu.memory_space<semaphore_mem>>) src(%dma_wait3A_499 : memref<80x128xf32, #tpu.memory_space<vmem>>) dst(%dma_wait3A_505 : memref<10000x128xf32, #tpu.memory_space<vmem_shared>>)
    %dma_wait3A_506 = arith.constant 3 : i32
    %dma_wait3A_507 = arith.constant 3 : i32
    %dma_wait3A_508 = arith.constant 0 : i32
    %dma_wait3A_509 = arith.constant 0 : i32
    %dma_wait3A_510 = tpu.memref_slice %arg8[%dma_wait3A_506, %dma_wait3A_508, %dma_wait3A_509] : memref<4x80x128xf32, #tpu.memory_space<vmem>> -> memref<1x80x128xf32, #tpu.memory_space<vmem>>
    %dma_wait3A_511 = tpu.memref_squeeze %dma_wait3A_510 : memref<1x80x128xf32, #tpu.memory_space<vmem>> -> memref<80x128xf32, #tpu.memory_space<vmem>>
    %dma_wait3A_512 = arith.constant 0 : i32
    %dma_wait3A_513 = tpu.memref_slice %arg7[%dma_wait3A_507, %dma_wait3A_512] : memref<4x80xi32, #tpu.memory_space<vmem>> -> memref<1x80xi32, #tpu.memory_space<vmem>>
    %dma_wait3A_514 = tpu.memref_squeeze %dma_wait3A_513 : memref<1x80xi32, #tpu.memory_space<vmem>> -> memref<80xi32, #tpu.memory_space<vmem>>
    %dma_wait3A_515 = arith.constant 0 : i32
    %dma_wait3A_516 = arith.constant 0 : i32
    %dma_wait3A_517 = tpu.memref_slice %arg10[%dma_wait3A_515, %dma_wait3A_516] : memref<10000x128xf32, #tpu.memory_space<vmem_shared>> -> memref<10000x128xf32, #tpu.memory_space<vmem_shared>>
    tpu.wait_indirect_dma semaphore(%arg18 : memref<!tpu.dma_semaphore, #tpu.memory_space<semaphore_mem>>) src(%dma_wait3A_511 : memref<80x128xf32, #tpu.memory_space<vmem>>) dst(%dma_wait3A_517 : memref<10000x128xf32, #tpu.memory_space<vmem_shared>>)
    %dma_wait3A_518 = arith.constant 0 : i32
    %dma_wait3A_519 = arith.constant 0 : i32
    %dma_wait3A_520 = arith.constant 0 : i32
    %dma_wait3A_521 = arith.constant 0 : i32
    %dma_wait3A_522 = tpu.memref_slice %arg8[%dma_wait3A_518, %dma_wait3A_520, %dma_wait3A_521] : memref<4x80x128xf32, #tpu.memory_space<vmem>> -> memref<1x80x128xf32, #tpu.memory_space<vmem>>
    %dma_wait3A_523 = tpu.memref_squeeze %dma_wait3A_522 : memref<1x80x128xf32, #tpu.memory_space<vmem>> -> memref<80x128xf32, #tpu.memory_space<vmem>>
    %dma_wait3A_524 = arith.constant 0 : i32
    %dma_wait3A_525 = tpu.memref_slice %arg7[%dma_wait3A_519, %dma_wait3A_524] : memref<4x80xi32, #tpu.memory_space<vmem>> -> memref<1x80xi32, #tpu.memory_space<vmem>>
    %dma_wait3A_526 = tpu.memref_squeeze %dma_wait3A_525 : memref<1x80xi32, #tpu.memory_space<vmem>> -> memref<80xi32, #tpu.memory_space<vmem>>
    %dma_wait3A_527 = arith.constant 0 : i32
    %dma_wait3A_528 = arith.constant 0 : i32
    %dma_wait3A_529 = tpu.memref_slice %arg10[%dma_wait3A_527, %dma_wait3A_528] : memref<10000x128xf32, #tpu.memory_space<vmem_shared>> -> memref<10000x128xf32, #tpu.memory_space<vmem_shared>>
    tpu.wait_indirect_dma semaphore(%arg15 : memref<!tpu.dma_semaphore, #tpu.memory_space<semaphore_mem>>) src(%dma_wait3A_523 : memref<80x128xf32, #tpu.memory_space<vmem>>) dst(%dma_wait3A_529 : memref<10000x128xf32, #tpu.memory_space<vmem_shared>>)
    %barrier3A_530 = arith.constant 0 : index
    tpu.barrier barrier_id(%barrier3A_530)
    %mul3A_531 = arith.constant 624 : i32
    %mul3A_532 = arith.muli %arg1, %mul3A_531 : i32
    %mul3A_533 = arith.constant 624 : i32
    %mul3A_534 = arith.muli %arg1, %mul3A_533 : i32
    "tpu.region"() ({
      %run_scoped3A = tpu.sem_alloc : memref<!tpu.dma_semaphore, #tpu.memory_space<semaphore_mem>>
      %dma_start3A_540 = arith.constant 0 : i32
      %dma_start3A_541 = tpu.memref_slice %arg4[%arg0, %mul3A_534, %dma_start3A_540] : memref<2x10000x128xf32, #tpu.memory_space<hbm>> -> memref<1x624x128xf32, #tpu.memory_space<hbm>>
      %dma_start3A_542 = tpu.memref_squeeze %dma_start3A_541 : memref<1x624x128xf32, #tpu.memory_space<hbm>> -> memref<624x128xf32, #tpu.memory_space<hbm>>
      %dma_start3A_543 = arith.constant 0 : i32
      %dma_start3A_544 = tpu.memref_slice %arg10[%mul3A_532, %dma_start3A_543] : memref<10000x128xf32, #tpu.memory_space<vmem_shared>> -> memref<624x128xf32, #tpu.memory_space<vmem_shared>>
      tpu.enqueue_dma source(%dma_start3A_544 : memref<624x128xf32, #tpu.memory_space<vmem_shared>>) target(%dma_start3A_542 : memref<624x128xf32, #tpu.memory_space<hbm>>) target_semaphore(%run_scoped3A : memref<!tpu.dma_semaphore, #tpu.memory_space<semaphore_mem>>)
      %dma_wait3A_545 = arith.constant 0 : i32
      %dma_wait3A_546 = tpu.memref_slice %arg4[%arg0, %mul3A_534, %dma_wait3A_545] : memref<2x10000x128xf32, #tpu.memory_space<hbm>> -> memref<1x624x128xf32, #tpu.memory_space<hbm>>
      %dma_wait3A_547 = tpu.memref_squeeze %dma_wait3A_546 : memref<1x624x128xf32, #tpu.memory_space<hbm>> -> memref<624x128xf32, #tpu.memory_space<hbm>>
      %dma_wait3A_548 = arith.constant 0 : i32
      %dma_wait3A_549 = tpu.memref_slice %arg10[%mul3A_532, %dma_wait3A_548] : memref<10000x128xf32, #tpu.memory_space<vmem_shared>> -> memref<624x128xf32, #tpu.memory_space<vmem_shared>>
      tpu.wait_dma2 semaphore(%run_scoped3A : memref<!tpu.dma_semaphore, #tpu.memory_space<semaphore_mem>>) src(%dma_wait3A_549 : memref<624x128xf32, #tpu.memory_space<vmem_shared>>) dst(%dma_wait3A_547 : memref<624x128xf32, #tpu.memory_space<hbm>>)
      tpu.yield
    }) : () -> ()
    %eq3A_535 = arith.constant 15 : i32
    %eq3A_536 = arith.cmpi eq, %arg1, %eq3A_535 : i32
    %convert_element_type3A_537 = arith.extui %eq3A_536 : i1 to i32
    %cond3A_538 = arith.constant 0 : i32
    %cond3A_539 = arith.cmpi ne, %convert_element_type3A_537, %cond3A_538 : i32
    scf.if %cond3A_539 {
      "tpu.region"() ({
        %run_scoped3A = tpu.sem_alloc : memref<!tpu.dma_semaphore, #tpu.memory_space<semaphore_mem>>
        %dma_start3A_540 = arith.constant 9984 : i32
        %dma_start3A_541 = arith.constant 0 : i32
        %dma_start3A_542 = tpu.memref_slice %arg4[%arg0, %dma_start3A_540, %dma_start3A_541] : memref<2x10000x128xf32, #tpu.memory_space<hbm>> -> memref<1x16x128xf32, #tpu.memory_space<hbm>>
        %dma_start3A_543 = tpu.memref_squeeze %dma_start3A_542 : memref<1x16x128xf32, #tpu.memory_space<hbm>> -> memref<16x128xf32, #tpu.memory_space<hbm>>
        %dma_start3A_544 = arith.constant 9984 : i32
        %dma_start3A_545 = arith.constant 0 : i32
        %dma_start3A_546 = tpu.memref_slice %arg10[%dma_start3A_544, %dma_start3A_545] : memref<10000x128xf32, #tpu.memory_space<vmem_shared>> -> memref<16x128xf32, #tpu.memory_space<vmem_shared>>
        tpu.enqueue_dma source(%dma_start3A_546 : memref<16x128xf32, #tpu.memory_space<vmem_shared>>) target(%dma_start3A_543 : memref<16x128xf32, #tpu.memory_space<hbm>>) target_semaphore(%run_scoped3A : memref<!tpu.dma_semaphore, #tpu.memory_space<semaphore_mem>>)
        %dma_wait3A_547 = arith.constant 9984 : i32
        %dma_wait3A_548 = arith.constant 0 : i32
        %dma_wait3A_549 = tpu.memref_slice %arg4[%arg0, %dma_wait3A_547, %dma_wait3A_548] : memref<2x10000x128xf32, #tpu.memory_space<hbm>> -> memref<1x16x128xf32, #tpu.memory_space<hbm>>
        %dma_wait3A_550 = tpu.memref_squeeze %dma_wait3A_549 : memref<1x16x128xf32, #tpu.memory_space<hbm>> -> memref<16x128xf32, #tpu.memory_space<hbm>>
        %dma_wait3A_551 = arith.constant 9984 : i32
        %dma_wait3A_552 = arith.constant 0 : i32
        %dma_wait3A_553 = tpu.memref_slice %arg10[%dma_wait3A_551, %dma_wait3A_552] : memref<10000x128xf32, #tpu.memory_space<vmem_shared>> -> memref<16x128xf32, #tpu.memory_space<vmem_shared>>
        tpu.wait_dma2 semaphore(%run_scoped3A : memref<!tpu.dma_semaphore, #tpu.memory_space<semaphore_mem>>) src(%dma_wait3A_553 : memref<16x128xf32, #tpu.memory_space<vmem_shared>>) dst(%dma_wait3A_550 : memref<16x128xf32, #tpu.memory_space<hbm>>)
        tpu.yield
      }) : () -> ()
    } else {
    }
    return
  }
}

#map = affine_map<(d0, d1) -> (0, 0)>
#map1 = affine_map<(d0, d1) -> (0)>
#map2 = affine_map<(d0, d1) -> (0, 0, 0)>
module attributes {stable_mosaic.version = 14 : i64} {
  func.func @_sc_agg_body(%arg0: i32, %arg1: i32, %arg2: memref<10000x128xf32, #tpu.memory_space<hbm>>, %arg3: memref<320000xi32, #tpu.memory_space<hbm>>, %arg4: memref<2x10000x128xf32, #tpu.memory_space<hbm>>, %arg5: memref<4x80xi32, #tpu.memory_space<vmem>>, %arg6: memref<4x80xi32, #tpu.memory_space<vmem>>, %arg7: memref<4x80xi32, #tpu.memory_space<vmem>>, %arg8: memref<4x80x128xf32, #tpu.memory_space<vmem>>, %arg9: memref<48x128xf32, #tpu.memory_space<vmem>>, %arg10: memref<10000x128xf32, #tpu.memory_space<vmem_shared>>, %arg11: memref<!tpu.dma_semaphore, #tpu.memory_space<semaphore_mem>>, %arg12: memref<!tpu.dma_semaphore, #tpu.memory_space<semaphore_mem>>, %arg13: memref<!tpu.dma_semaphore, #tpu.memory_space<semaphore_mem>>, %arg14: memref<!tpu.dma_semaphore, #tpu.memory_space<semaphore_mem>>, %arg15: memref<!tpu.dma_semaphore, #tpu.memory_space<semaphore_mem>>, %arg16: memref<!tpu.dma_semaphore, #tpu.memory_space<semaphore_mem>>, %arg17: memref<!tpu.dma_semaphore, #tpu.memory_space<semaphore_mem>>, %arg18: memref<!tpu.dma_semaphore, #tpu.memory_space<semaphore_mem>>, %arg19: memref<!tpu.dma_semaphore, #tpu.memory_space<semaphore_mem>>, %arg20: memref<!tpu.dma_semaphore, #tpu.memory_space<semaphore_mem>>, %arg21: memref<!tpu.dma_semaphore, #tpu.memory_space<semaphore_mem>>, %arg22: memref<!tpu.dma_semaphore, #tpu.memory_space<semaphore_mem>>) attributes {dimension_semantics = [#tpu.dimension_semantics<core_parallel>, #tpu.dimension_semantics<subcore_parallel>], iteration_bounds = array<i64: 2, 16>, scalar_prefetch = 0 : i64, scratch_operands = 18 : i64, tpu.core_type = #tpu.core_type<sc_vector_subcore>, window_params = [{transform_indices = #map}, {transform_indices = #map1}, {transform_indices = #map2}]} {
    %mul3A = arith.constant 16 : i32
    %mul3A_0 = arith.muli %arg0, %mul3A : i32
    %add3A = arith.addi %mul3A_0, %arg1 : i32
    %mul3A_1 = arith.constant 10000 : i32
    %mul3A_2 = arith.muli %add3A, %mul3A_1 : i32
    %broadcast_in_dim3A = arith.constant 0.000000e+00 : f32
    %broadcast_in_dim3A_3 = vector.broadcast %broadcast_in_dim3A : f32 to vector<16xf32>
    %scan3A = arith.constant 0 : i32
    %scan3A_4 = arith.constant 0 : i32
    %scan3A_5 = arith.constant 48 : i32
    %scan3A_6 = arith.addi %scan3A_4, %scan3A_5 : i32
    %scan3A_7 = arith.constant 1 : i32
    scf.for %scan3A_540 = %scan3A_4 to %scan3A_6 step %scan3A_7  : i32 {
      %scan3A_541 = arith.constant 0 : i32
      %scan3A_542 = arith.constant 8 : i32
      %scan3A_543 = arith.addi %scan3A_541, %scan3A_542 : i32
      %scan3A_544 = arith.constant 1 : i32
      scf.for %scan3A_546 = %scan3A_541 to %scan3A_543 step %scan3A_544  : i32 {
        %mul3A_547 = arith.constant 16 : i32
        %mul3A_548 = arith.muli %scan3A_546, %mul3A_547 : i32
        %swap3A_549 = arith.index_cast %scan3A_540 : i32 to index
        %swap3A_550 = arith.index_cast %mul3A_548 : i32 to index
        %swap3A_551 = tpu.vector_load %arg9[%swap3A_549, %swap3A_550] {strides = array<i32>} : memref<48x128xf32, #tpu.memory_space<vmem>>, vector<1x16xf32>,
        %swap3A_552 = vector.shape_cast %swap3A_551 : vector<1x16xf32> to vector<16xf32>
        %swap3A_553 = vector.shape_cast %broadcast_in_dim3A_3 : vector<16xf32> to vector<1x16xf32>
        tpu.vector_store %arg9[%swap3A_549, %swap3A_550], %swap3A_553 {strides = array<i32>} : memref<48x128xf32, #tpu.memory_space<vmem>>, vector<1x16xf32>,
      }
      %scan3A_545 = arith.constant 8 : i32
    }
    %scan3A_8 = arith.constant 48 : i32
    %scan3A_9 = arith.constant 0 : i32
    %scan3A_10 = arith.constant 0 : i32
    %scan3A_11 = arith.constant 13 : i32
    %scan3A_12 = arith.addi %scan3A_10, %scan3A_11 : i32
    %scan3A_13 = arith.constant 1 : i32
    scf.for %scan3A_540 = %scan3A_10 to %scan3A_12 step %scan3A_13  : i32 {
      %mul3A_541 = arith.constant 624 : i32
      %mul3A_542 = arith.muli %arg1, %mul3A_541 : i32
      %mul3A_543 = arith.constant 48 : i32
      %mul3A_544 = arith.muli %scan3A_540, %mul3A_543 : i32
      %add3A_545 = arith.addi %mul3A_542, %mul3A_544 : i32
      "tpu.region"() ({
        %run_scoped3A = tpu.sem_alloc : memref<!tpu.dma_semaphore, #tpu.memory_space<semaphore_mem>>
        %dma_start3A_546 = arith.constant 0 : i32
        %dma_start3A_547 = tpu.memref_slice %arg10[%add3A_545, %dma_start3A_546] : memref<10000x128xf32, #tpu.memory_space<vmem_shared>> -> memref<48x128xf32, #tpu.memory_space<vmem_shared>>
        %dma_start3A_548 = arith.constant 0 : i32
        %dma_start3A_549 = tpu.memref_slice %arg10[%add3A_545, %dma_start3A_548] : memref<10000x128xf32, #tpu.memory_space<vmem_shared>> -> memref<48x128xf32, #tpu.memory_space<vmem_shared>>
        tpu.enqueue_dma source(%arg9 : memref<48x128xf32, #tpu.memory_space<vmem>>) target(%dma_start3A_549 : memref<48x128xf32, #tpu.memory_space<vmem_shared>>) target_semaphore(%run_scoped3A : memref<!tpu.dma_semaphore, #tpu.memory_space<semaphore_mem>>)
        %dma_wait3A_550 = arith.constant 0 : i32
        %dma_wait3A_551 = tpu.memref_slice %arg10[%add3A_545, %dma_wait3A_550] : memref<10000x128xf32, #tpu.memory_space<vmem_shared>> -> memref<48x128xf32, #tpu.memory_space<vmem_shared>>
        %dma_wait3A_552 = arith.constant 0 : i32
        %dma_wait3A_553 = tpu.memref_slice %arg10[%add3A_545, %dma_wait3A_552] : memref<10000x128xf32, #tpu.memory_space<vmem_shared>> -> memref<48x128xf32, #tpu.memory_space<vmem_shared>>
        tpu.wait_dma2 semaphore(%run_scoped3A : memref<!tpu.dma_semaphore, #tpu.memory_space<semaphore_mem>>) src(%arg9 : memref<48x128xf32, #tpu.memory_space<vmem>>) dst(%dma_wait3A_553 : memref<48x128xf32, #tpu.memory_space<vmem_shared>>)
        tpu.yield
      }) : () -> ()
    }
    %scan3A_14 = arith.constant 13 : i32
    %eq3A = arith.constant 15 : i32
    %eq3A_15 = arith.cmpi eq, %arg1, %eq3A : i32
    %convert_element_type3A = arith.extui %eq3A_15 : i1 to i32
    %cond3A = arith.constant 0 : i32
    %cond3A_16 = arith.cmpi ne, %convert_element_type3A, %cond3A : i32
    scf.if %cond3A_16 {
      "tpu.region"() ({
        %run_scoped3A = tpu.sem_alloc : memref<!tpu.dma_semaphore, #tpu.memory_space<semaphore_mem>>
        %dma_start3A_540 = arith.constant 0 : i32
        %dma_start3A_541 = arith.constant 0 : i32
        %dma_start3A_542 = tpu.memref_slice %arg9[%dma_start3A_540, %dma_start3A_541] : memref<48x128xf32, #tpu.memory_space<vmem>> -> memref<16x128xf32, #tpu.memory_space<vmem>>
        %dma_start3A_543 = arith.constant 9984 : i32
        %dma_start3A_544 = arith.constant 0 : i32
        %dma_start3A_545 = tpu.memref_slice %arg10[%dma_start3A_543, %dma_start3A_544] : memref<10000x128xf32, #tpu.memory_space<vmem_shared>> -> memref<16x128xf32, #tpu.memory_space<vmem_shared>>
        %dma_start3A_546 = arith.constant 9984 : i32
        %dma_start3A_547 = arith.constant 0 : i32
        %dma_start3A_548 = tpu.memref_slice %arg10[%dma_start3A_546, %dma_start3A_547] : memref<10000x128xf32, #tpu.memory_space<vmem_shared>> -> memref<16x128xf32, #tpu.memory_space<vmem_shared>>
        %dma_start3A_549 = arith.constant 0 : i32
        %dma_start3A_550 = arith.constant 0 : i32
        %dma_start3A_551 = tpu.memref_slice %arg9[%dma_start3A_549, %dma_start3A_550] : memref<48x128xf32, #tpu.memory_space<vmem>> -> memref<16x128xf32, #tpu.memory_space<vmem>>
        tpu.enqueue_dma source(%dma_start3A_551 : memref<16x128xf32, #tpu.memory_space<vmem>>) target(%dma_start3A_548 : memref<16x128xf32, #tpu.memory_space<vmem_shared>>) target_semaphore(%run_scoped3A : memref<!tpu.dma_semaphore, #tpu.memory_space<semaphore_mem>>)
        %dma_wait3A_552 = arith.constant 0 : i32
        %dma_wait3A_553 = arith.constant 0 : i32
        %dma_wait3A_554 = tpu.memref_slice %arg9[%dma_wait3A_552, %dma_wait3A_553] : memref<48x128xf32, #tpu.memory_space<vmem>> -> memref<16x128xf32, #tpu.memory_space<vmem>>
        %dma_wait3A_555 = arith.constant 9984 : i32
        %dma_wait3A_556 = arith.constant 0 : i32
        %dma_wait3A_557 = tpu.memref_slice %arg10[%dma_wait3A_555, %dma_wait3A_556] : memref<10000x128xf32, #tpu.memory_space<vmem_shared>> -> memref<16x128xf32, #tpu.memory_space<vmem_shared>>
        %dma_wait3A_558 = arith.constant 9984 : i32
        %dma_wait3A_559 = arith.constant 0 : i32
        %dma_wait3A_560 = tpu.memref_slice %arg10[%dma_wait3A_558, %dma_wait3A_559] : memref<10000x128xf32, #tpu.memory_space<vmem_shared>> -> memref<16x128xf32, #tpu.memory_space<vmem_shared>>
        %dma_wait3A_561 = arith.constant 0 : i32
        %dma_wait3A_562 = arith.constant 0 : i32
        %dma_wait3A_563 = tpu.memref_slice %arg9[%dma_wait3A_561, %dma_wait3A_562] : memref<48x128xf32, #tpu.memory_space<vmem>> -> memref<16x128xf32, #tpu.memory_space<vmem>>
        tpu.wait_dma2 semaphore(%run_scoped3A : memref<!tpu.dma_semaphore, #tpu.memory_space<semaphore_mem>>) src(%dma_wait3A_563 : memref<16x128xf32, #tpu.memory_space<vmem>>) dst(%dma_wait3A_560 : memref<16x128xf32, #tpu.memory_space<vmem_shared>>)
        tpu.yield
      }) : () -> ()
    } else {
    }
    %barrier3A = arith.constant 0 : index
    tpu.barrier barrier_id(%barrier3A)
    %add3A_17 = arith.constant 0 : i32
    %add3A_18 = arith.addi %mul3A_2, %add3A_17 : i32
    %dma_start3A = arith.constant 0 : i32
    %dma_start3A_19 = arith.constant 0 : i32
    %dma_start3A_20 = tpu.memref_slice %arg5[%dma_start3A, %dma_start3A_19] : memref<4x80xi32, #tpu.memory_space<vmem>> -> memref<1x80xi32, #tpu.memory_space<vmem>>
    %dma_start3A_21 = tpu.memref_squeeze %dma_start3A_20 : memref<1x80xi32, #tpu.memory_space<vmem>> -> memref<80xi32, #tpu.memory_space<vmem>>
    %dma_start3A_22 = tpu.memref_slice %arg3[%add3A_18] : memref<320000xi32, #tpu.memory_space<hbm>> -> memref<80xi32, #tpu.memory_space<hbm>>
    %dma_start3A_23 = arith.constant 0 : i32
    %dma_start3A_24 = tpu.memref_slice %arg5[%dma_start3A, %dma_start3A_23] : memref<4x80xi32, #tpu.memory_space<vmem>> -> memref<1x80xi32, #tpu.memory_space<vmem>>
    %dma_start3A_25 = tpu.memref_squeeze %dma_start3A_24 : memref<1x80xi32, #tpu.memory_space<vmem>> -> memref<80xi32, #tpu.memory_space<vmem>>
    %dma_start3A_26 = tpu.memref_slice %arg3[%add3A_18] : memref<320000xi32, #tpu.memory_space<hbm>> -> memref<80xi32, #tpu.memory_space<hbm>>
    tpu.enqueue_dma source(%dma_start3A_26 : memref<80xi32, #tpu.memory_space<hbm>>) target(%dma_start3A_25 : memref<80xi32, #tpu.memory_space<vmem>>) target_semaphore(%arg19 : memref<!tpu.dma_semaphore, #tpu.memory_space<semaphore_mem>>)
    %add3A_27 = arith.constant 80 : i32
    %add3A_28 = arith.addi %mul3A_2, %add3A_27 : i32
    %dma_start3A_29 = arith.constant 1 : i32
    %dma_start3A_30 = arith.constant 0 : i32
    %dma_start3A_31 = tpu.memref_slice %arg5[%dma_start3A_29, %dma_start3A_30] : memref<4x80xi32, #tpu.memory_space<vmem>> -> memref<1x80xi32, #tpu.memory_space<vmem>>
    %dma_start3A_32 = tpu.memref_squeeze %dma_start3A_31 : memref<1x80xi32, #tpu.memory_space<vmem>> -> memref<80xi32, #tpu.memory_space<vmem>>
    %dma_start3A_33 = tpu.memref_slice %arg3[%add3A_28] : memref<320000xi32, #tpu.memory_space<hbm>> -> memref<80xi32, #tpu.memory_space<hbm>>
    %dma_start3A_34 = arith.constant 0 : i32
    %dma_start3A_35 = tpu.memref_slice %arg5[%dma_start3A_29, %dma_start3A_34] : memref<4x80xi32, #tpu.memory_space<vmem>> -> memref<1x80xi32, #tpu.memory_space<vmem>>
    %dma_start3A_36 = tpu.memref_squeeze %dma_start3A_35 : memref<1x80xi32, #tpu.memory_space<vmem>> -> memref<80xi32, #tpu.memory_space<vmem>>
    %dma_start3A_37 = tpu.memref_slice %arg3[%add3A_28] : memref<320000xi32, #tpu.memory_space<hbm>> -> memref<80xi32, #tpu.memory_space<hbm>>
    tpu.enqueue_dma source(%dma_start3A_37 : memref<80xi32, #tpu.memory_space<hbm>>) target(%dma_start3A_36 : memref<80xi32, #tpu.memory_space<vmem>>) target_semaphore(%arg20 : memref<!tpu.dma_semaphore, #tpu.memory_space<semaphore_mem>>)
    %add3A_38 = arith.constant 160 : i32
    %add3A_39 = arith.addi %mul3A_2, %add3A_38 : i32
    %dma_start3A_40 = arith.constant 2 : i32
    %dma_start3A_41 = arith.constant 0 : i32
    %dma_start3A_42 = tpu.memref_slice %arg5[%dma_start3A_40, %dma_start3A_41] : memref<4x80xi32, #tpu.memory_space<vmem>> -> memref<1x80xi32, #tpu.memory_space<vmem>>
    %dma_start3A_43 = tpu.memref_squeeze %dma_start3A_42 : memref<1x80xi32, #tpu.memory_space<vmem>> -> memref<80xi32, #tpu.memory_space<vmem>>
    %dma_start3A_44 = tpu.memref_slice %arg3[%add3A_39] : memref<320000xi32, #tpu.memory_space<hbm>> -> memref<80xi32, #tpu.memory_space<hbm>>
    %dma_start3A_45 = arith.constant 0 : i32
    %dma_start3A_46 = tpu.memref_slice %arg5[%dma_start3A_40, %dma_start3A_45] : memref<4x80xi32, #tpu.memory_space<vmem>> -> memref<1x80xi32, #tpu.memory_space<vmem>>
    %dma_start3A_47 = tpu.memref_squeeze %dma_start3A_46 : memref<1x80xi32, #tpu.memory_space<vmem>> -> memref<80xi32, #tpu.memory_space<vmem>>
    %dma_start3A_48 = tpu.memref_slice %arg3[%add3A_39] : memref<320000xi32, #tpu.memory_space<hbm>> -> memref<80xi32, #tpu.memory_space<hbm>>
    tpu.enqueue_dma source(%dma_start3A_48 : memref<80xi32, #tpu.memory_space<hbm>>) target(%dma_start3A_47 : memref<80xi32, #tpu.memory_space<vmem>>) target_semaphore(%arg21 : memref<!tpu.dma_semaphore, #tpu.memory_space<semaphore_mem>>)
    %dma_wait3A = arith.constant 0 : i32
    %dma_wait3A_49 = arith.constant 0 : i32
    %dma_wait3A_50 = tpu.memref_slice %arg5[%dma_wait3A, %dma_wait3A_49] : memref<4x80xi32, #tpu.memory_space<vmem>> -> memref<1x80xi32, #tpu.memory_space<vmem>>
    %dma_wait3A_51 = tpu.memref_squeeze %dma_wait3A_50 : memref<1x80xi32, #tpu.memory_space<vmem>> -> memref<80xi32, #tpu.memory_space<vmem>>
    %dma_wait3A_52 = tpu.memref_slice %arg3[%mul3A_2] : memref<320000xi32, #tpu.memory_space<hbm>> -> memref<80xi32, #tpu.memory_space<hbm>>
    %dma_wait3A_53 = arith.constant 0 : i32
    %dma_wait3A_54 = tpu.memref_slice %arg5[%dma_wait3A, %dma_wait3A_53] : memref<4x80xi32, #tpu.memory_space<vmem>> -> memref<1x80xi32, #tpu.memory_space<vmem>>
    %dma_wait3A_55 = tpu.memref_squeeze %dma_wait3A_54 : memref<1x80xi32, #tpu.memory_space<vmem>> -> memref<80xi32, #tpu.memory_space<vmem>>
    %dma_wait3A_56 = tpu.memref_slice %arg3[%mul3A_2] : memref<320000xi32, #tpu.memory_space<hbm>> -> memref<80xi32, #tpu.memory_space<hbm>>
    tpu.wait_dma2 semaphore(%arg19 : memref<!tpu.dma_semaphore, #tpu.memory_space<semaphore_mem>>) src(%dma_wait3A_56 : memref<80xi32, #tpu.memory_space<hbm>>) dst(%dma_wait3A_55 : memref<80xi32, #tpu.memory_space<vmem>>)
    %get3A = arith.constant 0 : i32
    %get3A_57 = arith.index_cast %get3A : i32 to index
    %get3A_58 = arith.constant 0 : index
    %get3A_59 = tpu.vector_load %arg5[%get3A_57, %get3A_58] {strides = array<i32>} : memref<4x80xi32, #tpu.memory_space<vmem>>, vector<1x16xi32>,
    %get3A_60 = vector.shape_cast %get3A_59 : vector<1x16xi32> to vector<16xi32>
    %and3A = arith.constant 65535 : i32
    %and3A_61 = vector.broadcast %and3A : i32 to vector<16xi32>
    %and3A_62 = arith.andi %get3A_60, %and3A_61 : vector<16xi32>
    %swap3A = arith.constant 0 : i32
    %swap3A_63 = arith.index_cast %swap3A : i32 to index
    %swap3A_64 = arith.constant 0 : index
    %swap3A_65 = tpu.vector_load %arg6[%swap3A_63, %swap3A_64] {strides = array<i32>} : memref<4x80xi32, #tpu.memory_space<vmem>>, vector<1x16xi32>,
    %swap3A_66 = vector.shape_cast %swap3A_65 : vector<1x16xi32> to vector<16xi32>
    %swap3A_67 = vector.shape_cast %and3A_62 : vector<16xi32> to vector<1x16xi32>
    tpu.vector_store %arg6[%swap3A_63, %swap3A_64], %swap3A_67 {strides = array<i32>} : memref<4x80xi32, #tpu.memory_space<vmem>>, vector<1x16xi32>,
    %shift_right_logical3A = arith.constant 16 : i32
    %shift_right_logical3A_68 = vector.broadcast %shift_right_logical3A : i32 to vector<16xi32>
    %shift_right_logical3A_69 = arith.shrui %get3A_60, %shift_right_logical3A_68 : vector<16xi32>
    %swap3A_70 = arith.constant 0 : i32
    %swap3A_71 = arith.index_cast %swap3A_70 : i32 to index
    %swap3A_72 = arith.constant 0 : index
    %swap3A_73 = tpu.vector_load %arg7[%swap3A_71, %swap3A_72] {strides = array<i32>} : memref<4x80xi32, #tpu.memory_space<vmem>>, vector<1x16xi32>,
    %swap3A_74 = vector.shape_cast %swap3A_73 : vector<1x16xi32> to vector<16xi32>
    %swap3A_75 = vector.shape_cast %shift_right_logical3A_69 : vector<16xi32> to vector<1x16xi32>
    tpu.vector_store %arg7[%swap3A_71, %swap3A_72], %swap3A_75 {strides = array<i32>} : memref<4x80xi32, #tpu.memory_space<vmem>>, vector<1x16xi32>,
    %get3A_76 = arith.constant 0 : i32
    %get3A_77 = arith.index_cast %get3A_76 : i32 to index
    %get3A_78 = arith.constant 16 : index
    %get3A_79 = tpu.vector_load %arg5[%get3A_77, %get3A_78] {strides = array<i32>} : memref<4x80xi32, #tpu.memory_space<vmem>>, vector<1x16xi32>,
    %get3A_80 = vector.shape_cast %get3A_79 : vector<1x16xi32> to vector<16xi32>
    %and3A_81 = arith.constant 65535 : i32
    %and3A_82 = vector.broadcast %and3A_81 : i32 to vector<16xi32>
    %and3A_83 = arith.andi %get3A_80, %and3A_82 : vector<16xi32>
    %swap3A_84 = arith.constant 0 : i32
    %swap3A_85 = arith.index_cast %swap3A_84 : i32 to index
    %swap3A_86 = arith.constant 16 : index
    %swap3A_87 = tpu.vector_load %arg6[%swap3A_85, %swap3A_86] {strides = array<i32>} : memref<4x80xi32, #tpu.memory_space<vmem>>, vector<1x16xi32>,
    %swap3A_88 = vector.shape_cast %swap3A_87 : vector<1x16xi32> to vector<16xi32>
    %swap3A_89 = vector.shape_cast %and3A_83 : vector<16xi32> to vector<1x16xi32>
    tpu.vector_store %arg6[%swap3A_85, %swap3A_86], %swap3A_89 {strides = array<i32>} : memref<4x80xi32, #tpu.memory_space<vmem>>, vector<1x16xi32>,
    %shift_right_logical3A_90 = arith.constant 16 : i32
    %shift_right_logical3A_91 = vector.broadcast %shift_right_logical3A_90 : i32 to vector<16xi32>
    %shift_right_logical3A_92 = arith.shrui %get3A_80, %shift_right_logical3A_91 : vector<16xi32>
    %swap3A_93 = arith.constant 0 : i32
    %swap3A_94 = arith.index_cast %swap3A_93 : i32 to index
    %swap3A_95 = arith.constant 16 : index
    %swap3A_96 = tpu.vector_load %arg7[%swap3A_94, %swap3A_95] {strides = array<i32>} : memref<4x80xi32, #tpu.memory_space<vmem>>, vector<1x16xi32>,
    %swap3A_97 = vector.shape_cast %swap3A_96 : vector<1x16xi32> to vector<16xi32>
    %swap3A_98 = vector.shape_cast %shift_right_logical3A_92 : vector<16xi32> to vector<1x16xi32>
    tpu.vector_store %arg7[%swap3A_94, %swap3A_95], %swap3A_98 {strides = array<i32>} : memref<4x80xi32, #tpu.memory_space<vmem>>, vector<1x16xi32>,
    %get3A_99 = arith.constant 0 : i32
    %get3A_100 = arith.index_cast %get3A_99 : i32 to index
    %get3A_101 = arith.constant 32 : index
    %get3A_102 = tpu.vector_load %arg5[%get3A_100, %get3A_101] {strides = array<i32>} : memref<4x80xi32, #tpu.memory_space<vmem>>, vector<1x16xi32>,
    %get3A_103 = vector.shape_cast %get3A_102 : vector<1x16xi32> to vector<16xi32>
    %and3A_104 = arith.constant 65535 : i32
    %and3A_105 = vector.broadcast %and3A_104 : i32 to vector<16xi32>
    %and3A_106 = arith.andi %get3A_103, %and3A_105 : vector<16xi32>
    %swap3A_107 = arith.constant 0 : i32
    %swap3A_108 = arith.index_cast %swap3A_107 : i32 to index
    %swap3A_109 = arith.constant 32 : index
    %swap3A_110 = tpu.vector_load %arg6[%swap3A_108, %swap3A_109] {strides = array<i32>} : memref<4x80xi32, #tpu.memory_space<vmem>>, vector<1x16xi32>,
    %swap3A_111 = vector.shape_cast %swap3A_110 : vector<1x16xi32> to vector<16xi32>
    %swap3A_112 = vector.shape_cast %and3A_106 : vector<16xi32> to vector<1x16xi32>
    tpu.vector_store %arg6[%swap3A_108, %swap3A_109], %swap3A_112 {strides = array<i32>} : memref<4x80xi32, #tpu.memory_space<vmem>>, vector<1x16xi32>,
    %shift_right_logical3A_113 = arith.constant 16 : i32
    %shift_right_logical3A_114 = vector.broadcast %shift_right_logical3A_113 : i32 to vector<16xi32>
    %shift_right_logical3A_115 = arith.shrui %get3A_103, %shift_right_logical3A_114 : vector<16xi32>
    %swap3A_116 = arith.constant 0 : i32
    %swap3A_117 = arith.index_cast %swap3A_116 : i32 to index
    %swap3A_118 = arith.constant 32 : index
    %swap3A_119 = tpu.vector_load %arg7[%swap3A_117, %swap3A_118] {strides = array<i32>} : memref<4x80xi32, #tpu.memory_space<vmem>>, vector<1x16xi32>,
    %swap3A_120 = vector.shape_cast %swap3A_119 : vector<1x16xi32> to vector<16xi32>
    %swap3A_121 = vector.shape_cast %shift_right_logical3A_115 : vector<16xi32> to vector<1x16xi32>
    tpu.vector_store %arg7[%swap3A_117, %swap3A_118], %swap3A_121 {strides = array<i32>} : memref<4x80xi32, #tpu.memory_space<vmem>>, vector<1x16xi32>,
    %get3A_122 = arith.constant 0 : i32
    %get3A_123 = arith.index_cast %get3A_122 : i32 to index
    %get3A_124 = arith.constant 48 : index
    %get3A_125 = tpu.vector_load %arg5[%get3A_123, %get3A_124] {strides = array<i32>} : memref<4x80xi32, #tpu.memory_space<vmem>>, vector<1x16xi32>,
    %get3A_126 = vector.shape_cast %get3A_125 : vector<1x16xi32> to vector<16xi32>
    %and3A_127 = arith.constant 65535 : i32
    %and3A_128 = vector.broadcast %and3A_127 : i32 to vector<16xi32>
    %and3A_129 = arith.andi %get3A_126, %and3A_128 : vector<16xi32>
    %swap3A_130 = arith.constant 0 : i32
    %swap3A_131 = arith.index_cast %swap3A_130 : i32 to index
    %swap3A_132 = arith.constant 48 : index
    %swap3A_133 = tpu.vector_load %arg6[%swap3A_131, %swap3A_132] {strides = array<i32>} : memref<4x80xi32, #tpu.memory_space<vmem>>, vector<1x16xi32>,
    %swap3A_134 = vector.shape_cast %swap3A_133 : vector<1x16xi32> to vector<16xi32>
    %swap3A_135 = vector.shape_cast %and3A_129 : vector<16xi32> to vector<1x16xi32>
    tpu.vector_store %arg6[%swap3A_131, %swap3A_132], %swap3A_135 {strides = array<i32>} : memref<4x80xi32, #tpu.memory_space<vmem>>, vector<1x16xi32>,
    %shift_right_logical3A_136 = arith.constant 16 : i32
    %shift_right_logical3A_137 = vector.broadcast %shift_right_logical3A_136 : i32 to vector<16xi32>
    %shift_right_logical3A_138 = arith.shrui %get3A_126, %shift_right_logical3A_137 : vector<16xi32>
    %swap3A_139 = arith.constant 0 : i32
    %swap3A_140 = arith.index_cast %swap3A_139 : i32 to index
    %swap3A_141 = arith.constant 48 : index
    %swap3A_142 = tpu.vector_load %arg7[%swap3A_140, %swap3A_141] {strides = array<i32>} : memref<4x80xi32, #tpu.memory_space<vmem>>, vector<1x16xi32>,
    %swap3A_143 = vector.shape_cast %swap3A_142 : vector<1x16xi32> to vector<16xi32>
    %swap3A_144 = vector.shape_cast %shift_right_logical3A_138 : vector<16xi32> to vector<1x16xi32>
    tpu.vector_store %arg7[%swap3A_140, %swap3A_141], %swap3A_144 {strides = array<i32>} : memref<4x80xi32, #tpu.memory_space<vmem>>, vector<1x16xi32>,
    %get3A_145 = arith.constant 0 : i32
    %get3A_146 = arith.index_cast %get3A_145 : i32 to index
    %get3A_147 = arith.constant 64 : index
    %get3A_148 = tpu.vector_load %arg5[%get3A_146, %get3A_147] {strides = array<i32>} : memref<4x80xi32, #tpu.memory_space<vmem>>, vector<1x16xi32>,
    %get3A_149 = vector.shape_cast %get3A_148 : vector<1x16xi32> to vector<16xi32>
    %and3A_150 = arith.constant 65535 : i32
    %and3A_151 = vector.broadcast %and3A_150 : i32 to vector<16xi32>
    %and3A_152 = arith.andi %get3A_149, %and3A_151 : vector<16xi32>
    %swap3A_153 = arith.constant 0 : i32
    %swap3A_154 = arith.index_cast %swap3A_153 : i32 to index
    %swap3A_155 = arith.constant 64 : index
    %swap3A_156 = tpu.vector_load %arg6[%swap3A_154, %swap3A_155] {strides = array<i32>} : memref<4x80xi32, #tpu.memory_space<vmem>>, vector<1x16xi32>,
    %swap3A_157 = vector.shape_cast %swap3A_156 : vector<1x16xi32> to vector<16xi32>
    %swap3A_158 = vector.shape_cast %and3A_152 : vector<16xi32> to vector<1x16xi32>
    tpu.vector_store %arg6[%swap3A_154, %swap3A_155], %swap3A_158 {strides = array<i32>} : memref<4x80xi32, #tpu.memory_space<vmem>>, vector<1x16xi32>,
    %shift_right_logical3A_159 = arith.constant 16 : i32
    %shift_right_logical3A_160 = vector.broadcast %shift_right_logical3A_159 : i32 to vector<16xi32>
    %shift_right_logical3A_161 = arith.shrui %get3A_149, %shift_right_logical3A_160 : vector<16xi32>
    %swap3A_162 = arith.constant 0 : i32
    %swap3A_163 = arith.index_cast %swap3A_162 : i32 to index
    %swap3A_164 = arith.constant 64 : index
    %swap3A_165 = tpu.vector_load %arg7[%swap3A_163, %swap3A_164] {strides = array<i32>} : memref<4x80xi32, #tpu.memory_space<vmem>>, vector<1x16xi32>,
    %swap3A_166 = vector.shape_cast %swap3A_165 : vector<1x16xi32> to vector<16xi32>
    %swap3A_167 = vector.shape_cast %shift_right_logical3A_161 : vector<16xi32> to vector<1x16xi32>
    tpu.vector_store %arg7[%swap3A_163, %swap3A_164], %swap3A_167 {strides = array<i32>} : memref<4x80xi32, #tpu.memory_space<vmem>>, vector<1x16xi32>,
    %dma_start3A_168 = arith.constant 0 : i32
    %dma_start3A_169 = arith.constant 0 : i32
    %dma_start3A_170 = arith.constant 0 : i32
    %dma_start3A_171 = arith.constant 0 : i32
    %dma_start3A_172 = tpu.memref_slice %arg8[%dma_start3A_169, %dma_start3A_170, %dma_start3A_171] : memref<4x80x128xf32, #tpu.memory_space<vmem>> -> memref<1x80x128xf32, #tpu.memory_space<vmem>>
    %dma_start3A_173 = tpu.memref_squeeze %dma_start3A_172 : memref<1x80x128xf32, #tpu.memory_space<vmem>> -> memref<80x128xf32, #tpu.memory_space<vmem>>
    %dma_start3A_174 = arith.constant 0 : i32
    %dma_start3A_175 = tpu.memref_slice %arg6[%dma_start3A_168, %dma_start3A_174] : memref<4x80xi32, #tpu.memory_space<vmem>> -> memref<1x80xi32, #tpu.memory_space<vmem>>
    %dma_start3A_176 = tpu.memref_squeeze %dma_start3A_175 : memref<1x80xi32, #tpu.memory_space<vmem>> -> memref<80xi32, #tpu.memory_space<vmem>>
    %dma_start3A_177 = arith.constant 0 : i32
    %dma_start3A_178 = arith.constant 0 : i32
    %dma_start3A_179 = tpu.memref_slice %arg2[%dma_start3A_177, %dma_start3A_178] : memref<10000x128xf32, #tpu.memory_space<hbm>> -> memref<10000x128xf32, #tpu.memory_space<hbm>>
    tpu.enqueue_indirect_dma source(%dma_start3A_179 : memref<10000x128xf32, #tpu.memory_space<hbm>>) target(%dma_start3A_173 : memref<80x128xf32, #tpu.memory_space<vmem>>) offsets(%dma_start3A_176 : memref<80xi32, #tpu.memory_space<vmem>>) semaphore(%arg11 : memref<!tpu.dma_semaphore, #tpu.memory_space<semaphore_mem>>)
    %dma_wait3A_180 = arith.constant 1 : i32
    %dma_wait3A_181 = arith.constant 0 : i32
    %dma_wait3A_182 = tpu.memref_slice %arg5[%dma_wait3A_180, %dma_wait3A_181] : memref<4x80xi32, #tpu.memory_space<vmem>> -> memref<1x80xi32, #tpu.memory_space<vmem>>
    %dma_wait3A_183 = tpu.memref_squeeze %dma_wait3A_182 : memref<1x80xi32, #tpu.memory_space<vmem>> -> memref<80xi32, #tpu.memory_space<vmem>>
    %dma_wait3A_184 = tpu.memref_slice %arg3[%mul3A_2] : memref<320000xi32, #tpu.memory_space<hbm>> -> memref<80xi32, #tpu.memory_space<hbm>>
    %dma_wait3A_185 = arith.constant 0 : i32
    %dma_wait3A_186 = tpu.memref_slice %arg5[%dma_wait3A_180, %dma_wait3A_185] : memref<4x80xi32, #tpu.memory_space<vmem>> -> memref<1x80xi32, #tpu.memory_space<vmem>>
    %dma_wait3A_187 = tpu.memref_squeeze %dma_wait3A_186 : memref<1x80xi32, #tpu.memory_space<vmem>> -> memref<80xi32, #tpu.memory_space<vmem>>
    %dma_wait3A_188 = tpu.memref_slice %arg3[%mul3A_2] : memref<320000xi32, #tpu.memory_space<hbm>> -> memref<80xi32, #tpu.memory_space<hbm>>
    tpu.wait_dma2 semaphore(%arg20 : memref<!tpu.dma_semaphore, #tpu.memory_space<semaphore_mem>>) src(%dma_wait3A_188 : memref<80xi32, #tpu.memory_space<hbm>>) dst(%dma_wait3A_187 : memref<80xi32, #tpu.memory_space<vmem>>)
    %get3A_189 = arith.constant 1 : i32
    %get3A_190 = arith.index_cast %get3A_189 : i32 to index
    %get3A_191 = arith.constant 0 : index
    %get3A_192 = tpu.vector_load %arg5[%get3A_190, %get3A_191] {strides = array<i32>} : memref<4x80xi32, #tpu.memory_space<vmem>>, vector<1x16xi32>,
    %get3A_193 = vector.shape_cast %get3A_192 : vector<1x16xi32> to vector<16xi32>
    %and3A_194 = arith.constant 65535 : i32
    %and3A_195 = vector.broadcast %and3A_194 : i32 to vector<16xi32>
    %and3A_196 = arith.andi %get3A_193, %and3A_195 : vector<16xi32>
    %swap3A_197 = arith.constant 1 : i32
    %swap3A_198 = arith.index_cast %swap3A_197 : i32 to index
    %swap3A_199 = arith.constant 0 : index
    %swap3A_200 = tpu.vector_load %arg6[%swap3A_198, %swap3A_199] {strides = array<i32>} : memref<4x80xi32, #tpu.memory_space<vmem>>, vector<1x16xi32>,
    %swap3A_201 = vector.shape_cast %swap3A_200 : vector<1x16xi32> to vector<16xi32>
    %swap3A_202 = vector.shape_cast %and3A_196 : vector<16xi32> to vector<1x16xi32>
    tpu.vector_store %arg6[%swap3A_198, %swap3A_199], %swap3A_202 {strides = array<i32>} : memref<4x80xi32, #tpu.memory_space<vmem>>, vector<1x16xi32>,
    %shift_right_logical3A_203 = arith.constant 16 : i32
    %shift_right_logical3A_204 = vector.broadcast %shift_right_logical3A_203 : i32 to vector<16xi32>
    %shift_right_logical3A_205 = arith.shrui %get3A_193, %shift_right_logical3A_204 : vector<16xi32>
    %swap3A_206 = arith.constant 1 : i32
    %swap3A_207 = arith.index_cast %swap3A_206 : i32 to index
    %swap3A_208 = arith.constant 0 : index
    %swap3A_209 = tpu.vector_load %arg7[%swap3A_207, %swap3A_208] {strides = array<i32>} : memref<4x80xi32, #tpu.memory_space<vmem>>, vector<1x16xi32>,
    %swap3A_210 = vector.shape_cast %swap3A_209 : vector<1x16xi32> to vector<16xi32>
    %swap3A_211 = vector.shape_cast %shift_right_logical3A_205 : vector<16xi32> to vector<1x16xi32>
    tpu.vector_store %arg7[%swap3A_207, %swap3A_208], %swap3A_211 {strides = array<i32>} : memref<4x80xi32, #tpu.memory_space<vmem>>, vector<1x16xi32>,
    %get3A_212 = arith.constant 1 : i32
    %get3A_213 = arith.index_cast %get3A_212 : i32 to index
    %get3A_214 = arith.constant 16 : index
    %get3A_215 = tpu.vector_load %arg5[%get3A_213, %get3A_214] {strides = array<i32>} : memref<4x80xi32, #tpu.memory_space<vmem>>, vector<1x16xi32>,
    %get3A_216 = vector.shape_cast %get3A_215 : vector<1x16xi32> to vector<16xi32>
    %and3A_217 = arith.constant 65535 : i32
    %and3A_218 = vector.broadcast %and3A_217 : i32 to vector<16xi32>
    %and3A_219 = arith.andi %get3A_216, %and3A_218 : vector<16xi32>
    %swap3A_220 = arith.constant 1 : i32
    %swap3A_221 = arith.index_cast %swap3A_220 : i32 to index
    %swap3A_222 = arith.constant 16 : index
    %swap3A_223 = tpu.vector_load %arg6[%swap3A_221, %swap3A_222] {strides = array<i32>} : memref<4x80xi32, #tpu.memory_space<vmem>>, vector<1x16xi32>,
    %swap3A_224 = vector.shape_cast %swap3A_223 : vector<1x16xi32> to vector<16xi32>
    %swap3A_225 = vector.shape_cast %and3A_219 : vector<16xi32> to vector<1x16xi32>
    tpu.vector_store %arg6[%swap3A_221, %swap3A_222], %swap3A_225 {strides = array<i32>} : memref<4x80xi32, #tpu.memory_space<vmem>>, vector<1x16xi32>,
    %shift_right_logical3A_226 = arith.constant 16 : i32
    %shift_right_logical3A_227 = vector.broadcast %shift_right_logical3A_226 : i32 to vector<16xi32>
    %shift_right_logical3A_228 = arith.shrui %get3A_216, %shift_right_logical3A_227 : vector<16xi32>
    %swap3A_229 = arith.constant 1 : i32
    %swap3A_230 = arith.index_cast %swap3A_229 : i32 to index
    %swap3A_231 = arith.constant 16 : index
    %swap3A_232 = tpu.vector_load %arg7[%swap3A_230, %swap3A_231] {strides = array<i32>} : memref<4x80xi32, #tpu.memory_space<vmem>>, vector<1x16xi32>,
    %swap3A_233 = vector.shape_cast %swap3A_232 : vector<1x16xi32> to vector<16xi32>
    %swap3A_234 = vector.shape_cast %shift_right_logical3A_228 : vector<16xi32> to vector<1x16xi32>
    tpu.vector_store %arg7[%swap3A_230, %swap3A_231], %swap3A_234 {strides = array<i32>} : memref<4x80xi32, #tpu.memory_space<vmem>>, vector<1x16xi32>,
    %get3A_235 = arith.constant 1 : i32
    %get3A_236 = arith.index_cast %get3A_235 : i32 to index
    %get3A_237 = arith.constant 32 : index
    %get3A_238 = tpu.vector_load %arg5[%get3A_236, %get3A_237] {strides = array<i32>} : memref<4x80xi32, #tpu.memory_space<vmem>>, vector<1x16xi32>,
    %get3A_239 = vector.shape_cast %get3A_238 : vector<1x16xi32> to vector<16xi32>
    %and3A_240 = arith.constant 65535 : i32
    %and3A_241 = vector.broadcast %and3A_240 : i32 to vector<16xi32>
    %and3A_242 = arith.andi %get3A_239, %and3A_241 : vector<16xi32>
    %swap3A_243 = arith.constant 1 : i32
    %swap3A_244 = arith.index_cast %swap3A_243 : i32 to index
    %swap3A_245 = arith.constant 32 : index
    %swap3A_246 = tpu.vector_load %arg6[%swap3A_244, %swap3A_245] {strides = array<i32>} : memref<4x80xi32, #tpu.memory_space<vmem>>, vector<1x16xi32>,
    %swap3A_247 = vector.shape_cast %swap3A_246 : vector<1x16xi32> to vector<16xi32>
    %swap3A_248 = vector.shape_cast %and3A_242 : vector<16xi32> to vector<1x16xi32>
    tpu.vector_store %arg6[%swap3A_244, %swap3A_245], %swap3A_248 {strides = array<i32>} : memref<4x80xi32, #tpu.memory_space<vmem>>, vector<1x16xi32>,
    %shift_right_logical3A_249 = arith.constant 16 : i32
    %shift_right_logical3A_250 = vector.broadcast %shift_right_logical3A_249 : i32 to vector<16xi32>
    %shift_right_logical3A_251 = arith.shrui %get3A_239, %shift_right_logical3A_250 : vector<16xi32>
    %swap3A_252 = arith.constant 1 : i32
    %swap3A_253 = arith.index_cast %swap3A_252 : i32 to index
    %swap3A_254 = arith.constant 32 : index
    %swap3A_255 = tpu.vector_load %arg7[%swap3A_253, %swap3A_254] {strides = array<i32>} : memref<4x80xi32, #tpu.memory_space<vmem>>, vector<1x16xi32>,
    %swap3A_256 = vector.shape_cast %swap3A_255 : vector<1x16xi32> to vector<16xi32>
    %swap3A_257 = vector.shape_cast %shift_right_logical3A_251 : vector<16xi32> to vector<1x16xi32>
    tpu.vector_store %arg7[%swap3A_253, %swap3A_254], %swap3A_257 {strides = array<i32>} : memref<4x80xi32, #tpu.memory_space<vmem>>, vector<1x16xi32>,
    %get3A_258 = arith.constant 1 : i32
    %get3A_259 = arith.index_cast %get3A_258 : i32 to index
    %get3A_260 = arith.constant 48 : index
    %get3A_261 = tpu.vector_load %arg5[%get3A_259, %get3A_260] {strides = array<i32>} : memref<4x80xi32, #tpu.memory_space<vmem>>, vector<1x16xi32>,
    %get3A_262 = vector.shape_cast %get3A_261 : vector<1x16xi32> to vector<16xi32>
    %and3A_263 = arith.constant 65535 : i32
    %and3A_264 = vector.broadcast %and3A_263 : i32 to vector<16xi32>
    %and3A_265 = arith.andi %get3A_262, %and3A_264 : vector<16xi32>
    %swap3A_266 = arith.constant 1 : i32
    %swap3A_267 = arith.index_cast %swap3A_266 : i32 to index
    %swap3A_268 = arith.constant 48 : index
    %swap3A_269 = tpu.vector_load %arg6[%swap3A_267, %swap3A_268] {strides = array<i32>} : memref<4x80xi32, #tpu.memory_space<vmem>>, vector<1x16xi32>,
    %swap3A_270 = vector.shape_cast %swap3A_269 : vector<1x16xi32> to vector<16xi32>
    %swap3A_271 = vector.shape_cast %and3A_265 : vector<16xi32> to vector<1x16xi32>
    tpu.vector_store %arg6[%swap3A_267, %swap3A_268], %swap3A_271 {strides = array<i32>} : memref<4x80xi32, #tpu.memory_space<vmem>>, vector<1x16xi32>,
    %shift_right_logical3A_272 = arith.constant 16 : i32
    %shift_right_logical3A_273 = vector.broadcast %shift_right_logical3A_272 : i32 to vector<16xi32>
    %shift_right_logical3A_274 = arith.shrui %get3A_262, %shift_right_logical3A_273 : vector<16xi32>
    %swap3A_275 = arith.constant 1 : i32
    %swap3A_276 = arith.index_cast %swap3A_275 : i32 to index
    %swap3A_277 = arith.constant 48 : index
    %swap3A_278 = tpu.vector_load %arg7[%swap3A_276, %swap3A_277] {strides = array<i32>} : memref<4x80xi32, #tpu.memory_space<vmem>>, vector<1x16xi32>,
    %swap3A_279 = vector.shape_cast %swap3A_278 : vector<1x16xi32> to vector<16xi32>
    %swap3A_280 = vector.shape_cast %shift_right_logical3A_274 : vector<16xi32> to vector<1x16xi32>
    tpu.vector_store %arg7[%swap3A_276, %swap3A_277], %swap3A_280 {strides = array<i32>} : memref<4x80xi32, #tpu.memory_space<vmem>>, vector<1x16xi32>,
    %get3A_281 = arith.constant 1 : i32
    %get3A_282 = arith.index_cast %get3A_281 : i32 to index
    %get3A_283 = arith.constant 64 : index
    %get3A_284 = tpu.vector_load %arg5[%get3A_282, %get3A_283] {strides = array<i32>} : memref<4x80xi32, #tpu.memory_space<vmem>>, vector<1x16xi32>,
    %get3A_285 = vector.shape_cast %get3A_284 : vector<1x16xi32> to vector<16xi32>
    %and3A_286 = arith.constant 65535 : i32
    %and3A_287 = vector.broadcast %and3A_286 : i32 to vector<16xi32>
    %and3A_288 = arith.andi %get3A_285, %and3A_287 : vector<16xi32>
    %swap3A_289 = arith.constant 1 : i32
    %swap3A_290 = arith.index_cast %swap3A_289 : i32 to index
    %swap3A_291 = arith.constant 64 : index
    %swap3A_292 = tpu.vector_load %arg6[%swap3A_290, %swap3A_291] {strides = array<i32>} : memref<4x80xi32, #tpu.memory_space<vmem>>, vector<1x16xi32>,
    %swap3A_293 = vector.shape_cast %swap3A_292 : vector<1x16xi32> to vector<16xi32>
    %swap3A_294 = vector.shape_cast %and3A_288 : vector<16xi32> to vector<1x16xi32>
    tpu.vector_store %arg6[%swap3A_290, %swap3A_291], %swap3A_294 {strides = array<i32>} : memref<4x80xi32, #tpu.memory_space<vmem>>, vector<1x16xi32>,
    %shift_right_logical3A_295 = arith.constant 16 : i32
    %shift_right_logical3A_296 = vector.broadcast %shift_right_logical3A_295 : i32 to vector<16xi32>
    %shift_right_logical3A_297 = arith.shrui %get3A_285, %shift_right_logical3A_296 : vector<16xi32>
    %swap3A_298 = arith.constant 1 : i32
    %swap3A_299 = arith.index_cast %swap3A_298 : i32 to index
    %swap3A_300 = arith.constant 64 : index
    %swap3A_301 = tpu.vector_load %arg7[%swap3A_299, %swap3A_300] {strides = array<i32>} : memref<4x80xi32, #tpu.memory_space<vmem>>, vector<1x16xi32>,
    %swap3A_302 = vector.shape_cast %swap3A_301 : vector<1x16xi32> to vector<16xi32>
    %swap3A_303 = vector.shape_cast %shift_right_logical3A_297 : vector<16xi32> to vector<1x16xi32>
    tpu.vector_store %arg7[%swap3A_299, %swap3A_300], %swap3A_303 {strides = array<i32>} : memref<4x80xi32, #tpu.memory_space<vmem>>, vector<1x16xi32>,
    %dma_start3A_304 = arith.constant 1 : i32
    %dma_start3A_305 = arith.constant 1 : i32
    %dma_start3A_306 = arith.constant 0 : i32
    %dma_start3A_307 = arith.constant 0 : i32
    %dma_start3A_308 = tpu.memref_slice %arg8[%dma_start3A_305, %dma_start3A_306, %dma_start3A_307] : memref<4x80x128xf32, #tpu.memory_space<vmem>> -> memref<1x80x128xf32, #tpu.memory_space<vmem>>
    %dma_start3A_309 = tpu.memref_squeeze %dma_start3A_308 : memref<1x80x128xf32, #tpu.memory_space<vmem>> -> memref<80x128xf32, #tpu.memory_space<vmem>>
    %dma_start3A_310 = arith.constant 0 : i32
    %dma_start3A_311 = tpu.memref_slice %arg6[%dma_start3A_304, %dma_start3A_310] : memref<4x80xi32, #tpu.memory_space<vmem>> -> memref<1x80xi32, #tpu.memory_space<vmem>>
    %dma_start3A_312 = tpu.memref_squeeze %dma_start3A_311 : memref<1x80xi32, #tpu.memory_space<vmem>> -> memref<80xi32, #tpu.memory_space<vmem>>
    %dma_start3A_313 = arith.constant 0 : i32
    %dma_start3A_314 = arith.constant 0 : i32
    %dma_start3A_315 = tpu.memref_slice %arg2[%dma_start3A_313, %dma_start3A_314] : memref<10000x128xf32, #tpu.memory_space<hbm>> -> memref<10000x128xf32, #tpu.memory_space<hbm>>
    tpu.enqueue_indirect_dma source(%dma_start3A_315 : memref<10000x128xf32, #tpu.memory_space<hbm>>) target(%dma_start3A_309 : memref<80x128xf32, #tpu.memory_space<vmem>>) offsets(%dma_start3A_312 : memref<80xi32, #tpu.memory_space<vmem>>) semaphore(%arg12 : memref<!tpu.dma_semaphore, #tpu.memory_space<semaphore_mem>>)
    %dma_wait3A_316 = arith.constant 2 : i32
    %dma_wait3A_317 = arith.constant 0 : i32
    %dma_wait3A_318 = tpu.memref_slice %arg5[%dma_wait3A_316, %dma_wait3A_317] : memref<4x80xi32, #tpu.memory_space<vmem>> -> memref<1x80xi32, #tpu.memory_space<vmem>>
    %dma_wait3A_319 = tpu.memref_squeeze %dma_wait3A_318 : memref<1x80xi32, #tpu.memory_space<vmem>> -> memref<80xi32, #tpu.memory_space<vmem>>
    %dma_wait3A_320 = tpu.memref_slice %arg3[%mul3A_2] : memref<320000xi32, #tpu.memory_space<hbm>> -> memref<80xi32, #tpu.memory_space<hbm>>
    %dma_wait3A_321 = arith.constant 0 : i32
    %dma_wait3A_322 = tpu.memref_slice %arg5[%dma_wait3A_316, %dma_wait3A_321] : memref<4x80xi32, #tpu.memory_space<vmem>> -> memref<1x80xi32, #tpu.memory_space<vmem>>
    %dma_wait3A_323 = tpu.memref_squeeze %dma_wait3A_322 : memref<1x80xi32, #tpu.memory_space<vmem>> -> memref<80xi32, #tpu.memory_space<vmem>>
    %dma_wait3A_324 = tpu.memref_slice %arg3[%mul3A_2] : memref<320000xi32, #tpu.memory_space<hbm>> -> memref<80xi32, #tpu.memory_space<hbm>>
    tpu.wait_dma2 semaphore(%arg21 : memref<!tpu.dma_semaphore, #tpu.memory_space<semaphore_mem>>) src(%dma_wait3A_324 : memref<80xi32, #tpu.memory_space<hbm>>) dst(%dma_wait3A_323 : memref<80xi32, #tpu.memory_space<vmem>>)
    %get3A_325 = arith.constant 2 : i32
    %get3A_326 = arith.index_cast %get3A_325 : i32 to index
    %get3A_327 = arith.constant 0 : index
    %get3A_328 = tpu.vector_load %arg5[%get3A_326, %get3A_327] {strides = array<i32>} : memref<4x80xi32, #tpu.memory_space<vmem>>, vector<1x16xi32>,
    %get3A_329 = vector.shape_cast %get3A_328 : vector<1x16xi32> to vector<16xi32>
    %and3A_330 = arith.constant 65535 : i32
    %and3A_331 = vector.broadcast %and3A_330 : i32 to vector<16xi32>
    %and3A_332 = arith.andi %get3A_329, %and3A_331 : vector<16xi32>
    %swap3A_333 = arith.constant 2 : i32
    %swap3A_334 = arith.index_cast %swap3A_333 : i32 to index
    %swap3A_335 = arith.constant 0 : index
    %swap3A_336 = tpu.vector_load %arg6[%swap3A_334, %swap3A_335] {strides = array<i32>} : memref<4x80xi32, #tpu.memory_space<vmem>>, vector<1x16xi32>,
    %swap3A_337 = vector.shape_cast %swap3A_336 : vector<1x16xi32> to vector<16xi32>
    %swap3A_338 = vector.shape_cast %and3A_332 : vector<16xi32> to vector<1x16xi32>
    tpu.vector_store %arg6[%swap3A_334, %swap3A_335], %swap3A_338 {strides = array<i32>} : memref<4x80xi32, #tpu.memory_space<vmem>>, vector<1x16xi32>,
    %shift_right_logical3A_339 = arith.constant 16 : i32
    %shift_right_logical3A_340 = vector.broadcast %shift_right_logical3A_339 : i32 to vector<16xi32>
    %shift_right_logical3A_341 = arith.shrui %get3A_329, %shift_right_logical3A_340 : vector<16xi32>
    %swap3A_342 = arith.constant 2 : i32
    %swap3A_343 = arith.index_cast %swap3A_342 : i32 to index
    %swap3A_344 = arith.constant 0 : index
    %swap3A_345 = tpu.vector_load %arg7[%swap3A_343, %swap3A_344] {strides = array<i32>} : memref<4x80xi32, #tpu.memory_space<vmem>>, vector<1x16xi32>,
    %swap3A_346 = vector.shape_cast %swap3A_345 : vector<1x16xi32> to vector<16xi32>
    %swap3A_347 = vector.shape_cast %shift_right_logical3A_341 : vector<16xi32> to vector<1x16xi32>
    tpu.vector_store %arg7[%swap3A_343, %swap3A_344], %swap3A_347 {strides = array<i32>} : memref<4x80xi32, #tpu.memory_space<vmem>>, vector<1x16xi32>,
    %get3A_348 = arith.constant 2 : i32
    %get3A_349 = arith.index_cast %get3A_348 : i32 to index
    %get3A_350 = arith.constant 16 : index
    %get3A_351 = tpu.vector_load %arg5[%get3A_349, %get3A_350] {strides = array<i32>} : memref<4x80xi32, #tpu.memory_space<vmem>>, vector<1x16xi32>,
    %get3A_352 = vector.shape_cast %get3A_351 : vector<1x16xi32> to vector<16xi32>
    %and3A_353 = arith.constant 65535 : i32
    %and3A_354 = vector.broadcast %and3A_353 : i32 to vector<16xi32>
    %and3A_355 = arith.andi %get3A_352, %and3A_354 : vector<16xi32>
    %swap3A_356 = arith.constant 2 : i32
    %swap3A_357 = arith.index_cast %swap3A_356 : i32 to index
    %swap3A_358 = arith.constant 16 : index
    %swap3A_359 = tpu.vector_load %arg6[%swap3A_357, %swap3A_358] {strides = array<i32>} : memref<4x80xi32, #tpu.memory_space<vmem>>, vector<1x16xi32>,
    %swap3A_360 = vector.shape_cast %swap3A_359 : vector<1x16xi32> to vector<16xi32>
    %swap3A_361 = vector.shape_cast %and3A_355 : vector<16xi32> to vector<1x16xi32>
    tpu.vector_store %arg6[%swap3A_357, %swap3A_358], %swap3A_361 {strides = array<i32>} : memref<4x80xi32, #tpu.memory_space<vmem>>, vector<1x16xi32>,
    %shift_right_logical3A_362 = arith.constant 16 : i32
    %shift_right_logical3A_363 = vector.broadcast %shift_right_logical3A_362 : i32 to vector<16xi32>
    %shift_right_logical3A_364 = arith.shrui %get3A_352, %shift_right_logical3A_363 : vector<16xi32>
    %swap3A_365 = arith.constant 2 : i32
    %swap3A_366 = arith.index_cast %swap3A_365 : i32 to index
    %swap3A_367 = arith.constant 16 : index
    %swap3A_368 = tpu.vector_load %arg7[%swap3A_366, %swap3A_367] {strides = array<i32>} : memref<4x80xi32, #tpu.memory_space<vmem>>, vector<1x16xi32>,
    %swap3A_369 = vector.shape_cast %swap3A_368 : vector<1x16xi32> to vector<16xi32>
    %swap3A_370 = vector.shape_cast %shift_right_logical3A_364 : vector<16xi32> to vector<1x16xi32>
    tpu.vector_store %arg7[%swap3A_366, %swap3A_367], %swap3A_370 {strides = array<i32>} : memref<4x80xi32, #tpu.memory_space<vmem>>, vector<1x16xi32>,
    %get3A_371 = arith.constant 2 : i32
    %get3A_372 = arith.index_cast %get3A_371 : i32 to index
    %get3A_373 = arith.constant 32 : index
    %get3A_374 = tpu.vector_load %arg5[%get3A_372, %get3A_373] {strides = array<i32>} : memref<4x80xi32, #tpu.memory_space<vmem>>, vector<1x16xi32>,
    %get3A_375 = vector.shape_cast %get3A_374 : vector<1x16xi32> to vector<16xi32>
    %and3A_376 = arith.constant 65535 : i32
    %and3A_377 = vector.broadcast %and3A_376 : i32 to vector<16xi32>
    %and3A_378 = arith.andi %get3A_375, %and3A_377 : vector<16xi32>
    %swap3A_379 = arith.constant 2 : i32
    %swap3A_380 = arith.index_cast %swap3A_379 : i32 to index
    %swap3A_381 = arith.constant 32 : index
    %swap3A_382 = tpu.vector_load %arg6[%swap3A_380, %swap3A_381] {strides = array<i32>} : memref<4x80xi32, #tpu.memory_space<vmem>>, vector<1x16xi32>,
    %swap3A_383 = vector.shape_cast %swap3A_382 : vector<1x16xi32> to vector<16xi32>
    %swap3A_384 = vector.shape_cast %and3A_378 : vector<16xi32> to vector<1x16xi32>
    tpu.vector_store %arg6[%swap3A_380, %swap3A_381], %swap3A_384 {strides = array<i32>} : memref<4x80xi32, #tpu.memory_space<vmem>>, vector<1x16xi32>,
    %shift_right_logical3A_385 = arith.constant 16 : i32
    %shift_right_logical3A_386 = vector.broadcast %shift_right_logical3A_385 : i32 to vector<16xi32>
    %shift_right_logical3A_387 = arith.shrui %get3A_375, %shift_right_logical3A_386 : vector<16xi32>
    %swap3A_388 = arith.constant 2 : i32
    %swap3A_389 = arith.index_cast %swap3A_388 : i32 to index
    %swap3A_390 = arith.constant 32 : index
    %swap3A_391 = tpu.vector_load %arg7[%swap3A_389, %swap3A_390] {strides = array<i32>} : memref<4x80xi32, #tpu.memory_space<vmem>>, vector<1x16xi32>,
    %swap3A_392 = vector.shape_cast %swap3A_391 : vector<1x16xi32> to vector<16xi32>
    %swap3A_393 = vector.shape_cast %shift_right_logical3A_387 : vector<16xi32> to vector<1x16xi32>
    tpu.vector_store %arg7[%swap3A_389, %swap3A_390], %swap3A_393 {strides = array<i32>} : memref<4x80xi32, #tpu.memory_space<vmem>>, vector<1x16xi32>,
    %get3A_394 = arith.constant 2 : i32
    %get3A_395 = arith.index_cast %get3A_394 : i32 to index
    %get3A_396 = arith.constant 48 : index
    %get3A_397 = tpu.vector_load %arg5[%get3A_395, %get3A_396] {strides = array<i32>} : memref<4x80xi32, #tpu.memory_space<vmem>>, vector<1x16xi32>,
    %get3A_398 = vector.shape_cast %get3A_397 : vector<1x16xi32> to vector<16xi32>
    %and3A_399 = arith.constant 65535 : i32
    %and3A_400 = vector.broadcast %and3A_399 : i32 to vector<16xi32>
    %and3A_401 = arith.andi %get3A_398, %and3A_400 : vector<16xi32>
    %swap3A_402 = arith.constant 2 : i32
    %swap3A_403 = arith.index_cast %swap3A_402 : i32 to index
    %swap3A_404 = arith.constant 48 : index
    %swap3A_405 = tpu.vector_load %arg6[%swap3A_403, %swap3A_404] {strides = array<i32>} : memref<4x80xi32, #tpu.memory_space<vmem>>, vector<1x16xi32>,
    %swap3A_406 = vector.shape_cast %swap3A_405 : vector<1x16xi32> to vector<16xi32>
    %swap3A_407 = vector.shape_cast %and3A_401 : vector<16xi32> to vector<1x16xi32>
    tpu.vector_store %arg6[%swap3A_403, %swap3A_404], %swap3A_407 {strides = array<i32>} : memref<4x80xi32, #tpu.memory_space<vmem>>, vector<1x16xi32>,
    %shift_right_logical3A_408 = arith.constant 16 : i32
    %shift_right_logical3A_409 = vector.broadcast %shift_right_logical3A_408 : i32 to vector<16xi32>
    %shift_right_logical3A_410 = arith.shrui %get3A_398, %shift_right_logical3A_409 : vector<16xi32>
    %swap3A_411 = arith.constant 2 : i32
    %swap3A_412 = arith.index_cast %swap3A_411 : i32 to index
    %swap3A_413 = arith.constant 48 : index
    %swap3A_414 = tpu.vector_load %arg7[%swap3A_412, %swap3A_413] {strides = array<i32>} : memref<4x80xi32, #tpu.memory_space<vmem>>, vector<1x16xi32>,
    %swap3A_415 = vector.shape_cast %swap3A_414 : vector<1x16xi32> to vector<16xi32>
    %swap3A_416 = vector.shape_cast %shift_right_logical3A_410 : vector<16xi32> to vector<1x16xi32>
    tpu.vector_store %arg7[%swap3A_412, %swap3A_413], %swap3A_416 {strides = array<i32>} : memref<4x80xi32, #tpu.memory_space<vmem>>, vector<1x16xi32>,
    %get3A_417 = arith.constant 2 : i32
    %get3A_418 = arith.index_cast %get3A_417 : i32 to index
    %get3A_419 = arith.constant 64 : index
    %get3A_420 = tpu.vector_load %arg5[%get3A_418, %get3A_419] {strides = array<i32>} : memref<4x80xi32, #tpu.memory_space<vmem>>, vector<1x16xi32>,
    %get3A_421 = vector.shape_cast %get3A_420 : vector<1x16xi32> to vector<16xi32>
    %and3A_422 = arith.constant 65535 : i32
    %and3A_423 = vector.broadcast %and3A_422 : i32 to vector<16xi32>
    %and3A_424 = arith.andi %get3A_421, %and3A_423 : vector<16xi32>
    %swap3A_425 = arith.constant 2 : i32
    %swap3A_426 = arith.index_cast %swap3A_425 : i32 to index
    %swap3A_427 = arith.constant 64 : index
    %swap3A_428 = tpu.vector_load %arg6[%swap3A_426, %swap3A_427] {strides = array<i32>} : memref<4x80xi32, #tpu.memory_space<vmem>>, vector<1x16xi32>,
    %swap3A_429 = vector.shape_cast %swap3A_428 : vector<1x16xi32> to vector<16xi32>
    %swap3A_430 = vector.shape_cast %and3A_424 : vector<16xi32> to vector<1x16xi32>
    tpu.vector_store %arg6[%swap3A_426, %swap3A_427], %swap3A_430 {strides = array<i32>} : memref<4x80xi32, #tpu.memory_space<vmem>>, vector<1x16xi32>,
    %shift_right_logical3A_431 = arith.constant 16 : i32
    %shift_right_logical3A_432 = vector.broadcast %shift_right_logical3A_431 : i32 to vector<16xi32>
    %shift_right_logical3A_433 = arith.shrui %get3A_421, %shift_right_logical3A_432 : vector<16xi32>
    %swap3A_434 = arith.constant 2 : i32
    %swap3A_435 = arith.index_cast %swap3A_434 : i32 to index
    %swap3A_436 = arith.constant 64 : index
    %swap3A_437 = tpu.vector_load %arg7[%swap3A_435, %swap3A_436] {strides = array<i32>} : memref<4x80xi32, #tpu.memory_space<vmem>>, vector<1x16xi32>,
    %swap3A_438 = vector.shape_cast %swap3A_437 : vector<1x16xi32> to vector<16xi32>
    %swap3A_439 = vector.shape_cast %shift_right_logical3A_433 : vector<16xi32> to vector<1x16xi32>
    tpu.vector_store %arg7[%swap3A_435, %swap3A_436], %swap3A_439 {strides = array<i32>} : memref<4x80xi32, #tpu.memory_space<vmem>>, vector<1x16xi32>,
    %dma_start3A_440 = arith.constant 2 : i32
    %dma_start3A_441 = arith.constant 2 : i32
    %dma_start3A_442 = arith.constant 0 : i32
    %dma_start3A_443 = arith.constant 0 : i32
    %dma_start3A_444 = tpu.memref_slice %arg8[%dma_start3A_441, %dma_start3A_442, %dma_start3A_443] : memref<4x80x128xf32, #tpu.memory_space<vmem>> -> memref<1x80x128xf32, #tpu.memory_space<vmem>>
    %dma_start3A_445 = tpu.memref_squeeze %dma_start3A_444 : memref<1x80x128xf32, #tpu.memory_space<vmem>> -> memref<80x128xf32, #tpu.memory_space<vmem>>
    %dma_start3A_446 = arith.constant 0 : i32
    %dma_start3A_447 = tpu.memref_slice %arg6[%dma_start3A_440, %dma_start3A_446] : memref<4x80xi32, #tpu.memory_space<vmem>> -> memref<1x80xi32, #tpu.memory_space<vmem>>
    %dma_start3A_448 = tpu.memref_squeeze %dma_start3A_447 : memref<1x80xi32, #tpu.memory_space<vmem>> -> memref<80xi32, #tpu.memory_space<vmem>>
    %dma_start3A_449 = arith.constant 0 : i32
    %dma_start3A_450 = arith.constant 0 : i32
    %dma_start3A_451 = tpu.memref_slice %arg2[%dma_start3A_449, %dma_start3A_450] : memref<10000x128xf32, #tpu.memory_space<hbm>> -> memref<10000x128xf32, #tpu.memory_space<hbm>>
    tpu.enqueue_indirect_dma source(%dma_start3A_451 : memref<10000x128xf32, #tpu.memory_space<hbm>>) target(%dma_start3A_445 : memref<80x128xf32, #tpu.memory_space<vmem>>) offsets(%dma_start3A_448 : memref<80xi32, #tpu.memory_space<vmem>>) semaphore(%arg13 : memref<!tpu.dma_semaphore, #tpu.memory_space<semaphore_mem>>)
    %scan3A_452 = arith.constant 0 : i32
    %scan3A_453 = arith.constant 0 : i32
    %scan3A_454 = arith.constant 31 : i32
    %scan3A_455 = arith.addi %scan3A_453, %scan3A_454 : i32
    %scan3A_456 = arith.constant 1 : i32
    scf.for %scan3A_540 = %scan3A_453 to %scan3A_455 step %scan3A_456  : i32 {
      %mul3A_541 = arith.constant 4 : i32
      %mul3A_542 = arith.muli %mul3A_541, %scan3A_540 : i32
      %add3A_543 = arith.constant 0 : i32
      %add3A_544 = arith.addi %mul3A_542, %add3A_543 : i32
      %dma_wait3A_545 = arith.constant 0 : i32
      %dma_wait3A_546 = arith.constant 0 : i32
      %dma_wait3A_547 = arith.constant 0 : i32
      %dma_wait3A_548 = arith.constant 0 : i32
      %dma_wait3A_549 = tpu.memref_slice %arg8[%dma_wait3A_546, %dma_wait3A_547, %dma_wait3A_548] : memref<4x80x128xf32, #tpu.memory_space<vmem>> -> memref<1x80x128xf32, #tpu.memory_space<vmem>>
      %dma_wait3A_550 = tpu.memref_squeeze %dma_wait3A_549 : memref<1x80x128xf32, #tpu.memory_space<vmem>> -> memref<80x128xf32, #tpu.memory_space<vmem>>
      %dma_wait3A_551 = arith.constant 0 : i32
      %dma_wait3A_552 = tpu.memref_slice %arg6[%dma_wait3A_545, %dma_wait3A_551] : memref<4x80xi32, #tpu.memory_space<vmem>> -> memref<1x80xi32, #tpu.memory_space<vmem>>
      %dma_wait3A_553 = tpu.memref_squeeze %dma_wait3A_552 : memref<1x80xi32, #tpu.memory_space<vmem>> -> memref<80xi32, #tpu.memory_space<vmem>>
      %dma_wait3A_554 = arith.constant 0 : i32
      %dma_wait3A_555 = arith.constant 0 : i32
      %dma_wait3A_556 = tpu.memref_slice %arg2[%dma_wait3A_554, %dma_wait3A_555] : memref<10000x128xf32, #tpu.memory_space<hbm>> -> memref<10000x128xf32, #tpu.memory_space<hbm>>
      tpu.wait_indirect_dma semaphore(%arg11 : memref<!tpu.dma_semaphore, #tpu.memory_space<semaphore_mem>>) src(%dma_wait3A_556 : memref<10000x128xf32, #tpu.memory_space<hbm>>) dst(%dma_wait3A_550 : memref<80x128xf32, #tpu.memory_space<vmem>>)
      %dma_start3A_557 = arith.constant 0 : i32
      %dma_start3A_558 = arith.constant 0 : i32
      %dma_start3A_559 = arith.constant 0 : i32
      %dma_start3A_560 = arith.constant 0 : i32
      %dma_start3A_561 = tpu.memref_slice %arg8[%dma_start3A_557, %dma_start3A_559, %dma_start3A_560] : memref<4x80x128xf32, #tpu.memory_space<vmem>> -> memref<1x80x128xf32, #tpu.memory_space<vmem>>
      %dma_start3A_562 = tpu.memref_squeeze %dma_start3A_561 : memref<1x80x128xf32, #tpu.memory_space<vmem>> -> memref<80x128xf32, #tpu.memory_space<vmem>>
      %dma_start3A_563 = arith.constant 0 : i32
      %dma_start3A_564 = tpu.memref_slice %arg7[%dma_start3A_558, %dma_start3A_563] : memref<4x80xi32, #tpu.memory_space<vmem>> -> memref<1x80xi32, #tpu.memory_space<vmem>>
      %dma_start3A_565 = tpu.memref_squeeze %dma_start3A_564 : memref<1x80xi32, #tpu.memory_space<vmem>> -> memref<80xi32, #tpu.memory_space<vmem>>
      %dma_start3A_566 = arith.constant 0 : i32
      %dma_start3A_567 = arith.constant 0 : i32
      %dma_start3A_568 = tpu.memref_slice %arg10[%dma_start3A_566, %dma_start3A_567] : memref<10000x128xf32, #tpu.memory_space<vmem_shared>> -> memref<10000x128xf32, #tpu.memory_space<vmem_shared>>
      tpu.enqueue_indirect_dma source(%dma_start3A_562 : memref<80x128xf32, #tpu.memory_space<vmem>>) target(%dma_start3A_568 : memref<10000x128xf32, #tpu.memory_space<vmem_shared>>) offsets(%dma_start3A_565 : memref<80xi32, #tpu.memory_space<vmem>>) semaphore(%arg15 : memref<!tpu.dma_semaphore, #tpu.memory_space<semaphore_mem>>) {add = true}
      %add3A_569 = arith.constant 3 : i32
      %add3A_570 = arith.addi %add3A_544, %add3A_569 : i32
      %lt3A = arith.constant 125 : i32
      %lt3A_571 = arith.cmpi slt, %add3A_570, %lt3A : i32
      %convert_element_type3A_572 = arith.extui %lt3A_571 : i1 to i32
      %cond3A_573 = arith.constant 0 : i32
      %cond3A_574 = arith.cmpi ne, %convert_element_type3A_572, %cond3A_573 : i32
      scf.if %cond3A_574 {
        %mul3A_680 = arith.constant 80 : i32
        %mul3A_681 = arith.muli %add3A_570, %mul3A_680 : i32
        %add3A_682 = arith.addi %mul3A_2, %mul3A_681 : i32
        %dma_start3A_683 = arith.constant 3 : i32
        %dma_start3A_684 = arith.constant 0 : i32
        %dma_start3A_685 = tpu.memref_slice %arg5[%dma_start3A_683, %dma_start3A_684] : memref<4x80xi32, #tpu.memory_space<vmem>> -> memref<1x80xi32, #tpu.memory_space<vmem>>
        %dma_start3A_686 = tpu.memref_squeeze %dma_start3A_685 : memref<1x80xi32, #tpu.memory_space<vmem>> -> memref<80xi32, #tpu.memory_space<vmem>>
        %dma_start3A_687 = tpu.memref_slice %arg3[%add3A_682] : memref<320000xi32, #tpu.memory_space<hbm>> -> memref<80xi32, #tpu.memory_space<hbm>>
        %dma_start3A_688 = arith.constant 0 : i32
        %dma_start3A_689 = tpu.memref_slice %arg5[%dma_start3A_683, %dma_start3A_688] : memref<4x80xi32, #tpu.memory_space<vmem>> -> memref<1x80xi32, #tpu.memory_space<vmem>>
        %dma_start3A_690 = tpu.memref_squeeze %dma_start3A_689 : memref<1x80xi32, #tpu.memory_space<vmem>> -> memref<80xi32, #tpu.memory_space<vmem>>
        %dma_start3A_691 = tpu.memref_slice %arg3[%add3A_682] : memref<320000xi32, #tpu.memory_space<hbm>> -> memref<80xi32, #tpu.memory_space<hbm>>
        tpu.enqueue_dma source(%dma_start3A_691 : memref<80xi32, #tpu.memory_space<hbm>>) target(%dma_start3A_690 : memref<80xi32, #tpu.memory_space<vmem>>) target_semaphore(%arg22 : memref<!tpu.dma_semaphore, #tpu.memory_space<semaphore_mem>>)
        %ge3A = arith.constant 4 : i32
        %ge3A_692 = arith.cmpi sge, %add3A_570, %ge3A : i32
        %convert_element_type3A_693 = arith.extui %ge3A_692 : i1 to i32
        %cond3A_694 = arith.constant 0 : i32
        %cond3A_695 = arith.cmpi ne, %convert_element_type3A_693, %cond3A_694 : i32
        scf.if %cond3A_695 {
          %dma_wait3A_832 = arith.constant 3 : i32
          %dma_wait3A_833 = arith.constant 3 : i32
          %dma_wait3A_834 = arith.constant 0 : i32
          %dma_wait3A_835 = arith.constant 0 : i32
          %dma_wait3A_836 = tpu.memref_slice %arg8[%dma_wait3A_832, %dma_wait3A_834, %dma_wait3A_835] : memref<4x80x128xf32, #tpu.memory_space<vmem>> -> memref<1x80x128xf32, #tpu.memory_space<vmem>>
          %dma_wait3A_837 = tpu.memref_squeeze %dma_wait3A_836 : memref<1x80x128xf32, #tpu.memory_space<vmem>> -> memref<80x128xf32, #tpu.memory_space<vmem>>
          %dma_wait3A_838 = arith.constant 0 : i32
          %dma_wait3A_839 = tpu.memref_slice %arg7[%dma_wait3A_833, %dma_wait3A_838] : memref<4x80xi32, #tpu.memory_space<vmem>> -> memref<1x80xi32, #tpu.memory_space<vmem>>
          %dma_wait3A_840 = tpu.memref_squeeze %dma_wait3A_839 : memref<1x80xi32, #tpu.memory_space<vmem>> -> memref<80xi32, #tpu.memory_space<vmem>>
          %dma_wait3A_841 = arith.constant 0 : i32
          %dma_wait3A_842 = arith.constant 0 : i32
          %dma_wait3A_843 = tpu.memref_slice %arg10[%dma_wait3A_841, %dma_wait3A_842] : memref<10000x128xf32, #tpu.memory_space<vmem_shared>> -> memref<10000x128xf32, #tpu.memory_space<vmem_shared>>
          tpu.wait_indirect_dma semaphore(%arg18 : memref<!tpu.dma_semaphore, #tpu.memory_space<semaphore_mem>>) src(%dma_wait3A_837 : memref<80x128xf32, #tpu.memory_space<vmem>>) dst(%dma_wait3A_843 : memref<10000x128xf32, #tpu.memory_space<vmem_shared>>)
        } else {
        }
        %dma_wait3A_696 = arith.constant 3 : i32
        %dma_wait3A_697 = arith.constant 0 : i32
        %dma_wait3A_698 = tpu.memref_slice %arg5[%dma_wait3A_696, %dma_wait3A_697] : memref<4x80xi32, #tpu.memory_space<vmem>> -> memref<1x80xi32, #tpu.memory_space<vmem>>
        %dma_wait3A_699 = tpu.memref_squeeze %dma_wait3A_698 : memref<1x80xi32, #tpu.memory_space<vmem>> -> memref<80xi32, #tpu.memory_space<vmem>>
        %dma_wait3A_700 = tpu.memref_slice %arg3[%mul3A_2] : memref<320000xi32, #tpu.memory_space<hbm>> -> memref<80xi32, #tpu.memory_space<hbm>>
        %dma_wait3A_701 = arith.constant 0 : i32
        %dma_wait3A_702 = tpu.memref_slice %arg5[%dma_wait3A_696, %dma_wait3A_701] : memref<4x80xi32, #tpu.memory_space<vmem>> -> memref<1x80xi32, #tpu.memory_space<vmem>>
        %dma_wait3A_703 = tpu.memref_squeeze %dma_wait3A_702 : memref<1x80xi32, #tpu.memory_space<vmem>> -> memref<80xi32, #tpu.memory_space<vmem>>
        %dma_wait3A_704 = tpu.memref_slice %arg3[%mul3A_2] : memref<320000xi32, #tpu.memory_space<hbm>> -> memref<80xi32, #tpu.memory_space<hbm>>
        tpu.wait_dma2 semaphore(%arg22 : memref<!tpu.dma_semaphore, #tpu.memory_space<semaphore_mem>>) src(%dma_wait3A_704 : memref<80xi32, #tpu.memory_space<hbm>>) dst(%dma_wait3A_703 : memref<80xi32, #tpu.memory_space<vmem>>)
        %get3A_705 = arith.constant 3 : i32
        %get3A_706 = arith.index_cast %get3A_705 : i32 to index
        %get3A_707 = arith.constant 0 : index
        %get3A_708 = tpu.vector_load %arg5[%get3A_706, %get3A_707] {strides = array<i32>} : memref<4x80xi32, #tpu.memory_space<vmem>>, vector<1x16xi32>,
        %get3A_709 = vector.shape_cast %get3A_708 : vector<1x16xi32> to vector<16xi32>
        %and3A_710 = arith.constant 65535 : i32
        %and3A_711 = vector.broadcast %and3A_710 : i32 to vector<16xi32>
        %and3A_712 = arith.andi %get3A_709, %and3A_711 : vector<16xi32>
        %swap3A_713 = arith.constant 3 : i32
        %swap3A_714 = arith.index_cast %swap3A_713 : i32 to index
        %swap3A_715 = arith.constant 0 : index
        %swap3A_716 = tpu.vector_load %arg6[%swap3A_714, %swap3A_715] {strides = array<i32>} : memref<4x80xi32, #tpu.memory_space<vmem>>, vector<1x16xi32>,
        %swap3A_717 = vector.shape_cast %swap3A_716 : vector<1x16xi32> to vector<16xi32>
        %swap3A_718 = vector.shape_cast %and3A_712 : vector<16xi32> to vector<1x16xi32>
        tpu.vector_store %arg6[%swap3A_714, %swap3A_715], %swap3A_718 {strides = array<i32>} : memref<4x80xi32, #tpu.memory_space<vmem>>, vector<1x16xi32>,
        %shift_right_logical3A_719 = arith.constant 16 : i32
        %shift_right_logical3A_720 = vector.broadcast %shift_right_logical3A_719 : i32 to vector<16xi32>
        %shift_right_logical3A_721 = arith.shrui %get3A_709, %shift_right_logical3A_720 : vector<16xi32>
        %swap3A_722 = arith.constant 3 : i32
        %swap3A_723 = arith.index_cast %swap3A_722 : i32 to index
        %swap3A_724 = arith.constant 0 : index
        %swap3A_725 = tpu.vector_load %arg7[%swap3A_723, %swap3A_724] {strides = array<i32>} : memref<4x80xi32, #tpu.memory_space<vmem>>, vector<1x16xi32>,
        %swap3A_726 = vector.shape_cast %swap3A_725 : vector<1x16xi32> to vector<16xi32>
        %swap3A_727 = vector.shape_cast %shift_right_logical3A_721 : vector<16xi32> to vector<1x16xi32>
        tpu.vector_store %arg7[%swap3A_723, %swap3A_724], %swap3A_727 {strides = array<i32>} : memref<4x80xi32, #tpu.memory_space<vmem>>, vector<1x16xi32>,
        %get3A_728 = arith.constant 3 : i32
        %get3A_729 = arith.index_cast %get3A_728 : i32 to index
        %get3A_730 = arith.constant 16 : index
        %get3A_731 = tpu.vector_load %arg5[%get3A_729, %get3A_730] {strides = array<i32>} : memref<4x80xi32, #tpu.memory_space<vmem>>, vector<1x16xi32>,
        %get3A_732 = vector.shape_cast %get3A_731 : vector<1x16xi32> to vector<16xi32>
        %and3A_733 = arith.constant 65535 : i32
        %and3A_734 = vector.broadcast %and3A_733 : i32 to vector<16xi32>
        %and3A_735 = arith.andi %get3A_732, %and3A_734 : vector<16xi32>
        %swap3A_736 = arith.constant 3 : i32
        %swap3A_737 = arith.index_cast %swap3A_736 : i32 to index
        %swap3A_738 = arith.constant 16 : index
        %swap3A_739 = tpu.vector_load %arg6[%swap3A_737, %swap3A_738] {strides = array<i32>} : memref<4x80xi32, #tpu.memory_space<vmem>>, vector<1x16xi32>,
        %swap3A_740 = vector.shape_cast %swap3A_739 : vector<1x16xi32> to vector<16xi32>
        %swap3A_741 = vector.shape_cast %and3A_735 : vector<16xi32> to vector<1x16xi32>
        tpu.vector_store %arg6[%swap3A_737, %swap3A_738], %swap3A_741 {strides = array<i32>} : memref<4x80xi32, #tpu.memory_space<vmem>>, vector<1x16xi32>,
        %shift_right_logical3A_742 = arith.constant 16 : i32
        %shift_right_logical3A_743 = vector.broadcast %shift_right_logical3A_742 : i32 to vector<16xi32>
        %shift_right_logical3A_744 = arith.shrui %get3A_732, %shift_right_logical3A_743 : vector<16xi32>
        %swap3A_745 = arith.constant 3 : i32
        %swap3A_746 = arith.index_cast %swap3A_745 : i32 to index
        %swap3A_747 = arith.constant 16 : index
        %swap3A_748 = tpu.vector_load %arg7[%swap3A_746, %swap3A_747] {strides = array<i32>} : memref<4x80xi32, #tpu.memory_space<vmem>>, vector<1x16xi32>,
        %swap3A_749 = vector.shape_cast %swap3A_748 : vector<1x16xi32> to vector<16xi32>
        %swap3A_750 = vector.shape_cast %shift_right_logical3A_744 : vector<16xi32> to vector<1x16xi32>
        tpu.vector_store %arg7[%swap3A_746, %swap3A_747], %swap3A_750 {strides = array<i32>} : memref<4x80xi32, #tpu.memory_space<vmem>>, vector<1x16xi32>,
        %get3A_751 = arith.constant 3 : i32
        %get3A_752 = arith.index_cast %get3A_751 : i32 to index
        %get3A_753 = arith.constant 32 : index
        %get3A_754 = tpu.vector_load %arg5[%get3A_752, %get3A_753] {strides = array<i32>} : memref<4x80xi32, #tpu.memory_space<vmem>>, vector<1x16xi32>,
        %get3A_755 = vector.shape_cast %get3A_754 : vector<1x16xi32> to vector<16xi32>
        %and3A_756 = arith.constant 65535 : i32
        %and3A_757 = vector.broadcast %and3A_756 : i32 to vector<16xi32>
        %and3A_758 = arith.andi %get3A_755, %and3A_757 : vector<16xi32>
        %swap3A_759 = arith.constant 3 : i32
        %swap3A_760 = arith.index_cast %swap3A_759 : i32 to index
        %swap3A_761 = arith.constant 32 : index
        %swap3A_762 = tpu.vector_load %arg6[%swap3A_760, %swap3A_761] {strides = array<i32>} : memref<4x80xi32, #tpu.memory_space<vmem>>, vector<1x16xi32>,
        %swap3A_763 = vector.shape_cast %swap3A_762 : vector<1x16xi32> to vector<16xi32>
        %swap3A_764 = vector.shape_cast %and3A_758 : vector<16xi32> to vector<1x16xi32>
        tpu.vector_store %arg6[%swap3A_760, %swap3A_761], %swap3A_764 {strides = array<i32>} : memref<4x80xi32, #tpu.memory_space<vmem>>, vector<1x16xi32>,
        %shift_right_logical3A_765 = arith.constant 16 : i32
        %shift_right_logical3A_766 = vector.broadcast %shift_right_logical3A_765 : i32 to vector<16xi32>
        %shift_right_logical3A_767 = arith.shrui %get3A_755, %shift_right_logical3A_766 : vector<16xi32>
        %swap3A_768 = arith.constant 3 : i32
        %swap3A_769 = arith.index_cast %swap3A_768 : i32 to index
        %swap3A_770 = arith.constant 32 : index
        %swap3A_771 = tpu.vector_load %arg7[%swap3A_769, %swap3A_770] {strides = array<i32>} : memref<4x80xi32, #tpu.memory_space<vmem>>, vector<1x16xi32>,
        %swap3A_772 = vector.shape_cast %swap3A_771 : vector<1x16xi32> to vector<16xi32>
        %swap3A_773 = vector.shape_cast %shift_right_logical3A_767 : vector<16xi32> to vector<1x16xi32>
        tpu.vector_store %arg7[%swap3A_769, %swap3A_770], %swap3A_773 {strides = array<i32>} : memref<4x80xi32, #tpu.memory_space<vmem>>, vector<1x16xi32>,
        %get3A_774 = arith.constant 3 : i32
        %get3A_775 = arith.index_cast %get3A_774 : i32 to index
        %get3A_776 = arith.constant 48 : index
        %get3A_777 = tpu.vector_load %arg5[%get3A_775, %get3A_776] {strides = array<i32>} : memref<4x80xi32, #tpu.memory_space<vmem>>, vector<1x16xi32>,
        %get3A_778 = vector.shape_cast %get3A_777 : vector<1x16xi32> to vector<16xi32>
        %and3A_779 = arith.constant 65535 : i32
        %and3A_780 = vector.broadcast %and3A_779 : i32 to vector<16xi32>
        %and3A_781 = arith.andi %get3A_778, %and3A_780 : vector<16xi32>
        %swap3A_782 = arith.constant 3 : i32
        %swap3A_783 = arith.index_cast %swap3A_782 : i32 to index
        %swap3A_784 = arith.constant 48 : index
        %swap3A_785 = tpu.vector_load %arg6[%swap3A_783, %swap3A_784] {strides = array<i32>} : memref<4x80xi32, #tpu.memory_space<vmem>>, vector<1x16xi32>,
        %swap3A_786 = vector.shape_cast %swap3A_785 : vector<1x16xi32> to vector<16xi32>
        %swap3A_787 = vector.shape_cast %and3A_781 : vector<16xi32> to vector<1x16xi32>
        tpu.vector_store %arg6[%swap3A_783, %swap3A_784], %swap3A_787 {strides = array<i32>} : memref<4x80xi32, #tpu.memory_space<vmem>>, vector<1x16xi32>,
        %shift_right_logical3A_788 = arith.constant 16 : i32
        %shift_right_logical3A_789 = vector.broadcast %shift_right_logical3A_788 : i32 to vector<16xi32>
        %shift_right_logical3A_790 = arith.shrui %get3A_778, %shift_right_logical3A_789 : vector<16xi32>
        %swap3A_791 = arith.constant 3 : i32
        %swap3A_792 = arith.index_cast %swap3A_791 : i32 to index
        %swap3A_793 = arith.constant 48 : index
        %swap3A_794 = tpu.vector_load %arg7[%swap3A_792, %swap3A_793] {strides = array<i32>} : memref<4x80xi32, #tpu.memory_space<vmem>>, vector<1x16xi32>,
        %swap3A_795 = vector.shape_cast %swap3A_794 : vector<1x16xi32> to vector<16xi32>
        %swap3A_796 = vector.shape_cast %shift_right_logical3A_790 : vector<16xi32> to vector<1x16xi32>
        tpu.vector_store %arg7[%swap3A_792, %swap3A_793], %swap3A_796 {strides = array<i32>} : memref<4x80xi32, #tpu.memory_space<vmem>>, vector<1x16xi32>,
        %get3A_797 = arith.constant 3 : i32
        %get3A_798 = arith.index_cast %get3A_797 : i32 to index
        %get3A_799 = arith.constant 64 : index
        %get3A_800 = tpu.vector_load %arg5[%get3A_798, %get3A_799] {strides = array<i32>} : memref<4x80xi32, #tpu.memory_space<vmem>>, vector<1x16xi32>,
        %get3A_801 = vector.shape_cast %get3A_800 : vector<1x16xi32> to vector<16xi32>
        %and3A_802 = arith.constant 65535 : i32
        %and3A_803 = vector.broadcast %and3A_802 : i32 to vector<16xi32>
        %and3A_804 = arith.andi %get3A_801, %and3A_803 : vector<16xi32>
        %swap3A_805 = arith.constant 3 : i32
        %swap3A_806 = arith.index_cast %swap3A_805 : i32 to index
        %swap3A_807 = arith.constant 64 : index
        %swap3A_808 = tpu.vector_load %arg6[%swap3A_806, %swap3A_807] {strides = array<i32>} : memref<4x80xi32, #tpu.memory_space<vmem>>, vector<1x16xi32>,
        %swap3A_809 = vector.shape_cast %swap3A_808 : vector<1x16xi32> to vector<16xi32>
        %swap3A_810 = vector.shape_cast %and3A_804 : vector<16xi32> to vector<1x16xi32>
        tpu.vector_store %arg6[%swap3A_806, %swap3A_807], %swap3A_810 {strides = array<i32>} : memref<4x80xi32, #tpu.memory_space<vmem>>, vector<1x16xi32>,
        %shift_right_logical3A_811 = arith.constant 16 : i32
        %shift_right_logical3A_812 = vector.broadcast %shift_right_logical3A_811 : i32 to vector<16xi32>
        %shift_right_logical3A_813 = arith.shrui %get3A_801, %shift_right_logical3A_812 : vector<16xi32>
        %swap3A_814 = arith.constant 3 : i32
        %swap3A_815 = arith.index_cast %swap3A_814 : i32 to index
        %swap3A_816 = arith.constant 64 : index
        %swap3A_817 = tpu.vector_load %arg7[%swap3A_815, %swap3A_816] {strides = array<i32>} : memref<4x80xi32, #tpu.memory_space<vmem>>, vector<1x16xi32>,
        %swap3A_818 = vector.shape_cast %swap3A_817 : vector<1x16xi32> to vector<16xi32>
        %swap3A_819 = vector.shape_cast %shift_right_logical3A_813 : vector<16xi32> to vector<1x16xi32>
        tpu.vector_store %arg7[%swap3A_815, %swap3A_816], %swap3A_819 {strides = array<i32>} : memref<4x80xi32, #tpu.memory_space<vmem>>, vector<1x16xi32>,
        %dma_start3A_820 = arith.constant 3 : i32
        %dma_start3A_821 = arith.constant 3 : i32
        %dma_start3A_822 = arith.constant 0 : i32
        %dma_start3A_823 = arith.constant 0 : i32
        %dma_start3A_824 = tpu.memref_slice %arg8[%dma_start3A_821, %dma_start3A_822, %dma_start3A_823] : memref<4x80x128xf32, #tpu.memory_space<vmem>> -> memref<1x80x128xf32, #tpu.memory_space<vmem>>
        %dma_start3A_825 = tpu.memref_squeeze %dma_start3A_824 : memref<1x80x128xf32, #tpu.memory_space<vmem>> -> memref<80x128xf32, #tpu.memory_space<vmem>>
        %dma_start3A_826 = arith.constant 0 : i32
        %dma_start3A_827 = tpu.memref_slice %arg6[%dma_start3A_820, %dma_start3A_826] : memref<4x80xi32, #tpu.memory_space<vmem>> -> memref<1x80xi32, #tpu.memory_space<vmem>>
        %dma_start3A_828 = tpu.memref_squeeze %dma_start3A_827 : memref<1x80xi32, #tpu.memory_space<vmem>> -> memref<80xi32, #tpu.memory_space<vmem>>
        %dma_start3A_829 = arith.constant 0 : i32
        %dma_start3A_830 = arith.constant 0 : i32
        %dma_start3A_831 = tpu.memref_slice %arg2[%dma_start3A_829, %dma_start3A_830] : memref<10000x128xf32, #tpu.memory_space<hbm>> -> memref<10000x128xf32, #tpu.memory_space<hbm>>
        tpu.enqueue_indirect_dma source(%dma_start3A_831 : memref<10000x128xf32, #tpu.memory_space<hbm>>) target(%dma_start3A_825 : memref<80x128xf32, #tpu.memory_space<vmem>>) offsets(%dma_start3A_828 : memref<80xi32, #tpu.memory_space<vmem>>) semaphore(%arg14 : memref<!tpu.dma_semaphore, #tpu.memory_space<semaphore_mem>>)
      } else {
      }
      %mul3A_575 = arith.constant 4 : i32
      %mul3A_576 = arith.muli %mul3A_575, %scan3A_540 : i32
      %add3A_577 = arith.constant 1 : i32
      %add3A_578 = arith.addi %mul3A_576, %add3A_577 : i32
      %dma_wait3A_579 = arith.constant 1 : i32
      %dma_wait3A_580 = arith.constant 1 : i32
      %dma_wait3A_581 = arith.constant 0 : i32
      %dma_wait3A_582 = arith.constant 0 : i32
      %dma_wait3A_583 = tpu.memref_slice %arg8[%dma_wait3A_580, %dma_wait3A_581, %dma_wait3A_582] : memref<4x80x128xf32, #tpu.memory_space<vmem>> -> memref<1x80x128xf32, #tpu.memory_space<vmem>>
      %dma_wait3A_584 = tpu.memref_squeeze %dma_wait3A_583 : memref<1x80x128xf32, #tpu.memory_space<vmem>> -> memref<80x128xf32, #tpu.memory_space<vmem>>
      %dma_wait3A_585 = arith.constant 0 : i32
      %dma_wait3A_586 = tpu.memref_slice %arg6[%dma_wait3A_579, %dma_wait3A_585] : memref<4x80xi32, #tpu.memory_space<vmem>> -> memref<1x80xi32, #tpu.memory_space<vmem>>
      %dma_wait3A_587 = tpu.memref_squeeze %dma_wait3A_586 : memref<1x80xi32, #tpu.memory_space<vmem>> -> memref<80xi32, #tpu.memory_space<vmem>>
      %dma_wait3A_588 = arith.constant 0 : i32
      %dma_wait3A_589 = arith.constant 0 : i32
      %dma_wait3A_590 = tpu.memref_slice %arg2[%dma_wait3A_588, %dma_wait3A_589] : memref<10000x128xf32, #tpu.memory_space<hbm>> -> memref<10000x128xf32, #tpu.memory_space<hbm>>
      tpu.wait_indirect_dma semaphore(%arg12 : memref<!tpu.dma_semaphore, #tpu.memory_space<semaphore_mem>>) src(%dma_wait3A_590 : memref<10000x128xf32, #tpu.memory_space<hbm>>) dst(%dma_wait3A_584 : memref<80x128xf32, #tpu.memory_space<vmem>>)
      %dma_start3A_591 = arith.constant 1 : i32
      %dma_start3A_592 = arith.constant 1 : i32
      %dma_start3A_593 = arith.constant 0 : i32
      %dma_start3A_594 = arith.constant 0 : i32
      %dma_start3A_595 = tpu.memref_slice %arg8[%dma_start3A_591, %dma_start3A_593, %dma_start3A_594] : memref<4x80x128xf32, #tpu.memory_space<vmem>> -> memref<1x80x128xf32, #tpu.memory_space<vmem>>
      %dma_start3A_596 = tpu.memref_squeeze %dma_start3A_595 : memref<1x80x128xf32, #tpu.memory_space<vmem>> -> memref<80x128xf32, #tpu.memory_space<vmem>>
      %dma_start3A_597 = arith.constant 0 : i32
      %dma_start3A_598 = tpu.memref_slice %arg7[%dma_start3A_592, %dma_start3A_597] : memref<4x80xi32, #tpu.memory_space<vmem>> -> memref<1x80xi32, #tpu.memory_space<vmem>>
      %dma_start3A_599 = tpu.memref_squeeze %dma_start3A_598 : memref<1x80xi32, #tpu.memory_space<vmem>> -> memref<80xi32, #tpu.memory_space<vmem>>
      %dma_start3A_600 = arith.constant 0 : i32
      %dma_start3A_601 = arith.constant 0 : i32
      %dma_start3A_602 = tpu.memref_slice %arg10[%dma_start3A_600, %dma_start3A_601] : memref<10000x128xf32, #tpu.memory_space<vmem_shared>> -> memref<10000x128xf32, #tpu.memory_space<vmem_shared>>
      tpu.enqueue_indirect_dma source(%dma_start3A_596 : memref<80x128xf32, #tpu.memory_space<vmem>>) target(%dma_start3A_602 : memref<10000x128xf32, #tpu.memory_space<vmem_shared>>) offsets(%dma_start3A_599 : memref<80xi32, #tpu.memory_space<vmem>>) semaphore(%arg16 : memref<!tpu.dma_semaphore, #tpu.memory_space<semaphore_mem>>) {add = true}
      %add3A_603 = arith.constant 3 : i32
      %add3A_604 = arith.addi %add3A_578, %add3A_603 : i32
      %lt3A_605 = arith.constant 125 : i32
      %lt3A_606 = arith.cmpi slt, %add3A_604, %lt3A_605 : i32
      %convert_element_type3A_607 = arith.extui %lt3A_606 : i1 to i32
      %cond3A_608 = arith.constant 0 : i32
      %cond3A_609 = arith.cmpi ne, %convert_element_type3A_607, %cond3A_608 : i32
      scf.if %cond3A_609 {
        %mul3A_680 = arith.constant 80 : i32
        %mul3A_681 = arith.muli %add3A_604, %mul3A_680 : i32
        %add3A_682 = arith.addi %mul3A_2, %mul3A_681 : i32
        %dma_start3A_683 = arith.constant 0 : i32
        %dma_start3A_684 = arith.constant 0 : i32
        %dma_start3A_685 = tpu.memref_slice %arg5[%dma_start3A_683, %dma_start3A_684] : memref<4x80xi32, #tpu.memory_space<vmem>> -> memref<1x80xi32, #tpu.memory_space<vmem>>
        %dma_start3A_686 = tpu.memref_squeeze %dma_start3A_685 : memref<1x80xi32, #tpu.memory_space<vmem>> -> memref<80xi32, #tpu.memory_space<vmem>>
        %dma_start3A_687 = tpu.memref_slice %arg3[%add3A_682] : memref<320000xi32, #tpu.memory_space<hbm>> -> memref<80xi32, #tpu.memory_space<hbm>>
        %dma_start3A_688 = arith.constant 0 : i32
        %dma_start3A_689 = tpu.memref_slice %arg5[%dma_start3A_683, %dma_start3A_688] : memref<4x80xi32, #tpu.memory_space<vmem>> -> memref<1x80xi32, #tpu.memory_space<vmem>>
        %dma_start3A_690 = tpu.memref_squeeze %dma_start3A_689 : memref<1x80xi32, #tpu.memory_space<vmem>> -> memref<80xi32, #tpu.memory_space<vmem>>
        %dma_start3A_691 = tpu.memref_slice %arg3[%add3A_682] : memref<320000xi32, #tpu.memory_space<hbm>> -> memref<80xi32, #tpu.memory_space<hbm>>
        tpu.enqueue_dma source(%dma_start3A_691 : memref<80xi32, #tpu.memory_space<hbm>>) target(%dma_start3A_690 : memref<80xi32, #tpu.memory_space<vmem>>) target_semaphore(%arg19 : memref<!tpu.dma_semaphore, #tpu.memory_space<semaphore_mem>>)
        %ge3A = arith.constant 4 : i32
        %ge3A_692 = arith.cmpi sge, %add3A_604, %ge3A : i32
        %convert_element_type3A_693 = arith.extui %ge3A_692 : i1 to i32
        %cond3A_694 = arith.constant 0 : i32
        %cond3A_695 = arith.cmpi ne, %convert_element_type3A_693, %cond3A_694 : i32
        scf.if %cond3A_695 {
          %dma_wait3A_832 = arith.constant 0 : i32
          %dma_wait3A_833 = arith.constant 0 : i32
          %dma_wait3A_834 = arith.constant 0 : i32
          %dma_wait3A_835 = arith.constant 0 : i32
          %dma_wait3A_836 = tpu.memref_slice %arg8[%dma_wait3A_832, %dma_wait3A_834, %dma_wait3A_835] : memref<4x80x128xf32, #tpu.memory_space<vmem>> -> memref<1x80x128xf32, #tpu.memory_space<vmem>>
          %dma_wait3A_837 = tpu.memref_squeeze %dma_wait3A_836 : memref<1x80x128xf32, #tpu.memory_space<vmem>> -> memref<80x128xf32, #tpu.memory_space<vmem>>
          %dma_wait3A_838 = arith.constant 0 : i32
          %dma_wait3A_839 = tpu.memref_slice %arg7[%dma_wait3A_833, %dma_wait3A_838] : memref<4x80xi32, #tpu.memory_space<vmem>> -> memref<1x80xi32, #tpu.memory_space<vmem>>
          %dma_wait3A_840 = tpu.memref_squeeze %dma_wait3A_839 : memref<1x80xi32, #tpu.memory_space<vmem>> -> memref<80xi32, #tpu.memory_space<vmem>>
          %dma_wait3A_841 = arith.constant 0 : i32
          %dma_wait3A_842 = arith.constant 0 : i32
          %dma_wait3A_843 = tpu.memref_slice %arg10[%dma_wait3A_841, %dma_wait3A_842] : memref<10000x128xf32, #tpu.memory_space<vmem_shared>> -> memref<10000x128xf32, #tpu.memory_space<vmem_shared>>
          tpu.wait_indirect_dma semaphore(%arg15 : memref<!tpu.dma_semaphore, #tpu.memory_space<semaphore_mem>>) src(%dma_wait3A_837 : memref<80x128xf32, #tpu.memory_space<vmem>>) dst(%dma_wait3A_843 : memref<10000x128xf32, #tpu.memory_space<vmem_shared>>)
        } else {
        }
        %dma_wait3A_696 = arith.constant 0 : i32
        %dma_wait3A_697 = arith.constant 0 : i32
        %dma_wait3A_698 = tpu.memref_slice %arg5[%dma_wait3A_696, %dma_wait3A_697] : memref<4x80xi32, #tpu.memory_space<vmem>> -> memref<1x80xi32, #tpu.memory_space<vmem>>
        %dma_wait3A_699 = tpu.memref_squeeze %dma_wait3A_698 : memref<1x80xi32, #tpu.memory_space<vmem>> -> memref<80xi32, #tpu.memory_space<vmem>>
        %dma_wait3A_700 = tpu.memref_slice %arg3[%mul3A_2] : memref<320000xi32, #tpu.memory_space<hbm>> -> memref<80xi32, #tpu.memory_space<hbm>>
        %dma_wait3A_701 = arith.constant 0 : i32
        %dma_wait3A_702 = tpu.memref_slice %arg5[%dma_wait3A_696, %dma_wait3A_701] : memref<4x80xi32, #tpu.memory_space<vmem>> -> memref<1x80xi32, #tpu.memory_space<vmem>>
        %dma_wait3A_703 = tpu.memref_squeeze %dma_wait3A_702 : memref<1x80xi32, #tpu.memory_space<vmem>> -> memref<80xi32, #tpu.memory_space<vmem>>
        %dma_wait3A_704 = tpu.memref_slice %arg3[%mul3A_2] : memref<320000xi32, #tpu.memory_space<hbm>> -> memref<80xi32, #tpu.memory_space<hbm>>
        tpu.wait_dma2 semaphore(%arg19 : memref<!tpu.dma_semaphore, #tpu.memory_space<semaphore_mem>>) src(%dma_wait3A_704 : memref<80xi32, #tpu.memory_space<hbm>>) dst(%dma_wait3A_703 : memref<80xi32, #tpu.memory_space<vmem>>)
        %get3A_705 = arith.constant 0 : i32
        %get3A_706 = arith.index_cast %get3A_705 : i32 to index
        %get3A_707 = arith.constant 0 : index
        %get3A_708 = tpu.vector_load %arg5[%get3A_706, %get3A_707] {strides = array<i32>} : memref<4x80xi32, #tpu.memory_space<vmem>>, vector<1x16xi32>,
        %get3A_709 = vector.shape_cast %get3A_708 : vector<1x16xi32> to vector<16xi32>
        %and3A_710 = arith.constant 65535 : i32
        %and3A_711 = vector.broadcast %and3A_710 : i32 to vector<16xi32>
        %and3A_712 = arith.andi %get3A_709, %and3A_711 : vector<16xi32>
        %swap3A_713 = arith.constant 0 : i32
        %swap3A_714 = arith.index_cast %swap3A_713 : i32 to index
        %swap3A_715 = arith.constant 0 : index
        %swap3A_716 = tpu.vector_load %arg6[%swap3A_714, %swap3A_715] {strides = array<i32>} : memref<4x80xi32, #tpu.memory_space<vmem>>, vector<1x16xi32>,
        %swap3A_717 = vector.shape_cast %swap3A_716 : vector<1x16xi32> to vector<16xi32>
        %swap3A_718 = vector.shape_cast %and3A_712 : vector<16xi32> to vector<1x16xi32>
        tpu.vector_store %arg6[%swap3A_714, %swap3A_715], %swap3A_718 {strides = array<i32>} : memref<4x80xi32, #tpu.memory_space<vmem>>, vector<1x16xi32>,
        %shift_right_logical3A_719 = arith.constant 16 : i32
        %shift_right_logical3A_720 = vector.broadcast %shift_right_logical3A_719 : i32 to vector<16xi32>
        %shift_right_logical3A_721 = arith.shrui %get3A_709, %shift_right_logical3A_720 : vector<16xi32>
        %swap3A_722 = arith.constant 0 : i32
        %swap3A_723 = arith.index_cast %swap3A_722 : i32 to index
        %swap3A_724 = arith.constant 0 : index
        %swap3A_725 = tpu.vector_load %arg7[%swap3A_723, %swap3A_724] {strides = array<i32>} : memref<4x80xi32, #tpu.memory_space<vmem>>, vector<1x16xi32>,
        %swap3A_726 = vector.shape_cast %swap3A_725 : vector<1x16xi32> to vector<16xi32>
        %swap3A_727 = vector.shape_cast %shift_right_logical3A_721 : vector<16xi32> to vector<1x16xi32>
        tpu.vector_store %arg7[%swap3A_723, %swap3A_724], %swap3A_727 {strides = array<i32>} : memref<4x80xi32, #tpu.memory_space<vmem>>, vector<1x16xi32>,
        %get3A_728 = arith.constant 0 : i32
        %get3A_729 = arith.index_cast %get3A_728 : i32 to index
        %get3A_730 = arith.constant 16 : index
        %get3A_731 = tpu.vector_load %arg5[%get3A_729, %get3A_730] {strides = array<i32>} : memref<4x80xi32, #tpu.memory_space<vmem>>, vector<1x16xi32>,
        %get3A_732 = vector.shape_cast %get3A_731 : vector<1x16xi32> to vector<16xi32>
        %and3A_733 = arith.constant 65535 : i32
        %and3A_734 = vector.broadcast %and3A_733 : i32 to vector<16xi32>
        %and3A_735 = arith.andi %get3A_732, %and3A_734 : vector<16xi32>
        %swap3A_736 = arith.constant 0 : i32
        %swap3A_737 = arith.index_cast %swap3A_736 : i32 to index
        %swap3A_738 = arith.constant 16 : index
        %swap3A_739 = tpu.vector_load %arg6[%swap3A_737, %swap3A_738] {strides = array<i32>} : memref<4x80xi32, #tpu.memory_space<vmem>>, vector<1x16xi32>,
        %swap3A_740 = vector.shape_cast %swap3A_739 : vector<1x16xi32> to vector<16xi32>
        %swap3A_741 = vector.shape_cast %and3A_735 : vector<16xi32> to vector<1x16xi32>
        tpu.vector_store %arg6[%swap3A_737, %swap3A_738], %swap3A_741 {strides = array<i32>} : memref<4x80xi32, #tpu.memory_space<vmem>>, vector<1x16xi32>,
        %shift_right_logical3A_742 = arith.constant 16 : i32
        %shift_right_logical3A_743 = vector.broadcast %shift_right_logical3A_742 : i32 to vector<16xi32>
        %shift_right_logical3A_744 = arith.shrui %get3A_732, %shift_right_logical3A_743 : vector<16xi32>
        %swap3A_745 = arith.constant 0 : i32
        %swap3A_746 = arith.index_cast %swap3A_745 : i32 to index
        %swap3A_747 = arith.constant 16 : index
        %swap3A_748 = tpu.vector_load %arg7[%swap3A_746, %swap3A_747] {strides = array<i32>} : memref<4x80xi32, #tpu.memory_space<vmem>>, vector<1x16xi32>,
        %swap3A_749 = vector.shape_cast %swap3A_748 : vector<1x16xi32> to vector<16xi32>
        %swap3A_750 = vector.shape_cast %shift_right_logical3A_744 : vector<16xi32> to vector<1x16xi32>
        tpu.vector_store %arg7[%swap3A_746, %swap3A_747], %swap3A_750 {strides = array<i32>} : memref<4x80xi32, #tpu.memory_space<vmem>>, vector<1x16xi32>,
        %get3A_751 = arith.constant 0 : i32
        %get3A_752 = arith.index_cast %get3A_751 : i32 to index
        %get3A_753 = arith.constant 32 : index
        %get3A_754 = tpu.vector_load %arg5[%get3A_752, %get3A_753] {strides = array<i32>} : memref<4x80xi32, #tpu.memory_space<vmem>>, vector<1x16xi32>,
        %get3A_755 = vector.shape_cast %get3A_754 : vector<1x16xi32> to vector<16xi32>
        %and3A_756 = arith.constant 65535 : i32
        %and3A_757 = vector.broadcast %and3A_756 : i32 to vector<16xi32>
        %and3A_758 = arith.andi %get3A_755, %and3A_757 : vector<16xi32>
        %swap3A_759 = arith.constant 0 : i32
        %swap3A_760 = arith.index_cast %swap3A_759 : i32 to index
        %swap3A_761 = arith.constant 32 : index
        %swap3A_762 = tpu.vector_load %arg6[%swap3A_760, %swap3A_761] {strides = array<i32>} : memref<4x80xi32, #tpu.memory_space<vmem>>, vector<1x16xi32>,
        %swap3A_763 = vector.shape_cast %swap3A_762 : vector<1x16xi32> to vector<16xi32>
        %swap3A_764 = vector.shape_cast %and3A_758 : vector<16xi32> to vector<1x16xi32>
        tpu.vector_store %arg6[%swap3A_760, %swap3A_761], %swap3A_764 {strides = array<i32>} : memref<4x80xi32, #tpu.memory_space<vmem>>, vector<1x16xi32>,
        %shift_right_logical3A_765 = arith.constant 16 : i32
        %shift_right_logical3A_766 = vector.broadcast %shift_right_logical3A_765 : i32 to vector<16xi32>
        %shift_right_logical3A_767 = arith.shrui %get3A_755, %shift_right_logical3A_766 : vector<16xi32>
        %swap3A_768 = arith.constant 0 : i32
        %swap3A_769 = arith.index_cast %swap3A_768 : i32 to index
        %swap3A_770 = arith.constant 32 : index
        %swap3A_771 = tpu.vector_load %arg7[%swap3A_769, %swap3A_770] {strides = array<i32>} : memref<4x80xi32, #tpu.memory_space<vmem>>, vector<1x16xi32>,
        %swap3A_772 = vector.shape_cast %swap3A_771 : vector<1x16xi32> to vector<16xi32>
        %swap3A_773 = vector.shape_cast %shift_right_logical3A_767 : vector<16xi32> to vector<1x16xi32>
        tpu.vector_store %arg7[%swap3A_769, %swap3A_770], %swap3A_773 {strides = array<i32>} : memref<4x80xi32, #tpu.memory_space<vmem>>, vector<1x16xi32>,
        %get3A_774 = arith.constant 0 : i32
        %get3A_775 = arith.index_cast %get3A_774 : i32 to index
        %get3A_776 = arith.constant 48 : index
        %get3A_777 = tpu.vector_load %arg5[%get3A_775, %get3A_776] {strides = array<i32>} : memref<4x80xi32, #tpu.memory_space<vmem>>, vector<1x16xi32>,
        %get3A_778 = vector.shape_cast %get3A_777 : vector<1x16xi32> to vector<16xi32>
        %and3A_779 = arith.constant 65535 : i32
        %and3A_780 = vector.broadcast %and3A_779 : i32 to vector<16xi32>
        %and3A_781 = arith.andi %get3A_778, %and3A_780 : vector<16xi32>
        %swap3A_782 = arith.constant 0 : i32
        %swap3A_783 = arith.index_cast %swap3A_782 : i32 to index
        %swap3A_784 = arith.constant 48 : index
        %swap3A_785 = tpu.vector_load %arg6[%swap3A_783, %swap3A_784] {strides = array<i32>} : memref<4x80xi32, #tpu.memory_space<vmem>>, vector<1x16xi32>,
        %swap3A_786 = vector.shape_cast %swap3A_785 : vector<1x16xi32> to vector<16xi32>
        %swap3A_787 = vector.shape_cast %and3A_781 : vector<16xi32> to vector<1x16xi32>
        tpu.vector_store %arg6[%swap3A_783, %swap3A_784], %swap3A_787 {strides = array<i32>} : memref<4x80xi32, #tpu.memory_space<vmem>>, vector<1x16xi32>,
        %shift_right_logical3A_788 = arith.constant 16 : i32
        %shift_right_logical3A_789 = vector.broadcast %shift_right_logical3A_788 : i32 to vector<16xi32>
        %shift_right_logical3A_790 = arith.shrui %get3A_778, %shift_right_logical3A_789 : vector<16xi32>
        %swap3A_791 = arith.constant 0 : i32
        %swap3A_792 = arith.index_cast %swap3A_791 : i32 to index
        %swap3A_793 = arith.constant 48 : index
        %swap3A_794 = tpu.vector_load %arg7[%swap3A_792, %swap3A_793] {strides = array<i32>} : memref<4x80xi32, #tpu.memory_space<vmem>>, vector<1x16xi32>,
        %swap3A_795 = vector.shape_cast %swap3A_794 : vector<1x16xi32> to vector<16xi32>
        %swap3A_796 = vector.shape_cast %shift_right_logical3A_790 : vector<16xi32> to vector<1x16xi32>
        tpu.vector_store %arg7[%swap3A_792, %swap3A_793], %swap3A_796 {strides = array<i32>} : memref<4x80xi32, #tpu.memory_space<vmem>>, vector<1x16xi32>,
        %get3A_797 = arith.constant 0 : i32
        %get3A_798 = arith.index_cast %get3A_797 : i32 to index
        %get3A_799 = arith.constant 64 : index
        %get3A_800 = tpu.vector_load %arg5[%get3A_798, %get3A_799] {strides = array<i32>} : memref<4x80xi32, #tpu.memory_space<vmem>>, vector<1x16xi32>,
        %get3A_801 = vector.shape_cast %get3A_800 : vector<1x16xi32> to vector<16xi32>
        %and3A_802 = arith.constant 65535 : i32
        %and3A_803 = vector.broadcast %and3A_802 : i32 to vector<16xi32>
        %and3A_804 = arith.andi %get3A_801, %and3A_803 : vector<16xi32>
        %swap3A_805 = arith.constant 0 : i32
        %swap3A_806 = arith.index_cast %swap3A_805 : i32 to index
        %swap3A_807 = arith.constant 64 : index
        %swap3A_808 = tpu.vector_load %arg6[%swap3A_806, %swap3A_807] {strides = array<i32>} : memref<4x80xi32, #tpu.memory_space<vmem>>, vector<1x16xi32>,
        %swap3A_809 = vector.shape_cast %swap3A_808 : vector<1x16xi32> to vector<16xi32>
        %swap3A_810 = vector.shape_cast %and3A_804 : vector<16xi32> to vector<1x16xi32>
        tpu.vector_store %arg6[%swap3A_806, %swap3A_807], %swap3A_810 {strides = array<i32>} : memref<4x80xi32, #tpu.memory_space<vmem>>, vector<1x16xi32>,
        %shift_right_logical3A_811 = arith.constant 16 : i32
        %shift_right_logical3A_812 = vector.broadcast %shift_right_logical3A_811 : i32 to vector<16xi32>
        %shift_right_logical3A_813 = arith.shrui %get3A_801, %shift_right_logical3A_812 : vector<16xi32>
        %swap3A_814 = arith.constant 0 : i32
        %swap3A_815 = arith.index_cast %swap3A_814 : i32 to index
        %swap3A_816 = arith.constant 64 : index
        %swap3A_817 = tpu.vector_load %arg7[%swap3A_815, %swap3A_816] {strides = array<i32>} : memref<4x80xi32, #tpu.memory_space<vmem>>, vector<1x16xi32>,
        %swap3A_818 = vector.shape_cast %swap3A_817 : vector<1x16xi32> to vector<16xi32>
        %swap3A_819 = vector.shape_cast %shift_right_logical3A_813 : vector<16xi32> to vector<1x16xi32>
        tpu.vector_store %arg7[%swap3A_815, %swap3A_816], %swap3A_819 {strides = array<i32>} : memref<4x80xi32, #tpu.memory_space<vmem>>, vector<1x16xi32>,
        %dma_start3A_820 = arith.constant 0 : i32
        %dma_start3A_821 = arith.constant 0 : i32
        %dma_start3A_822 = arith.constant 0 : i32
        %dma_start3A_823 = arith.constant 0 : i32
        %dma_start3A_824 = tpu.memref_slice %arg8[%dma_start3A_821, %dma_start3A_822, %dma_start3A_823] : memref<4x80x128xf32, #tpu.memory_space<vmem>> -> memref<1x80x128xf32, #tpu.memory_space<vmem>>
        %dma_start3A_825 = tpu.memref_squeeze %dma_start3A_824 : memref<1x80x128xf32, #tpu.memory_space<vmem>> -> memref<80x128xf32, #tpu.memory_space<vmem>>
        %dma_start3A_826 = arith.constant 0 : i32
        %dma_start3A_827 = tpu.memref_slice %arg6[%dma_start3A_820, %dma_start3A_826] : memref<4x80xi32, #tpu.memory_space<vmem>> -> memref<1x80xi32, #tpu.memory_space<vmem>>
        %dma_start3A_828 = tpu.memref_squeeze %dma_start3A_827 : memref<1x80xi32, #tpu.memory_space<vmem>> -> memref<80xi32, #tpu.memory_space<vmem>>
        %dma_start3A_829 = arith.constant 0 : i32
        %dma_start3A_830 = arith.constant 0 : i32
        %dma_start3A_831 = tpu.memref_slice %arg2[%dma_start3A_829, %dma_start3A_830] : memref<10000x128xf32, #tpu.memory_space<hbm>> -> memref<10000x128xf32, #tpu.memory_space<hbm>>
        tpu.enqueue_indirect_dma source(%dma_start3A_831 : memref<10000x128xf32, #tpu.memory_space<hbm>>) target(%dma_start3A_825 : memref<80x128xf32, #tpu.memory_space<vmem>>) offsets(%dma_start3A_828 : memref<80xi32, #tpu.memory_space<vmem>>) semaphore(%arg11 : memref<!tpu.dma_semaphore, #tpu.memory_space<semaphore_mem>>)
      } else {
      }
      %mul3A_610 = arith.constant 4 : i32
      %mul3A_611 = arith.muli %mul3A_610, %scan3A_540 : i32
      %add3A_612 = arith.constant 2 : i32
      %add3A_613 = arith.addi %mul3A_611, %add3A_612 : i32
      %dma_wait3A_614 = arith.constant 2 : i32
      %dma_wait3A_615 = arith.constant 2 : i32
      %dma_wait3A_616 = arith.constant 0 : i32
      %dma_wait3A_617 = arith.constant 0 : i32
      %dma_wait3A_618 = tpu.memref_slice %arg8[%dma_wait3A_615, %dma_wait3A_616, %dma_wait3A_617] : memref<4x80x128xf32, #tpu.memory_space<vmem>> -> memref<1x80x128xf32, #tpu.memory_space<vmem>>
      %dma_wait3A_619 = tpu.memref_squeeze %dma_wait3A_618 : memref<1x80x128xf32, #tpu.memory_space<vmem>> -> memref<80x128xf32, #tpu.memory_space<vmem>>
      %dma_wait3A_620 = arith.constant 0 : i32
      %dma_wait3A_621 = tpu.memref_slice %arg6[%dma_wait3A_614, %dma_wait3A_620] : memref<4x80xi32, #tpu.memory_space<vmem>> -> memref<1x80xi32, #tpu.memory_space<vmem>>
      %dma_wait3A_622 = tpu.memref_squeeze %dma_wait3A_621 : memref<1x80xi32, #tpu.memory_space<vmem>> -> memref<80xi32, #tpu.memory_space<vmem>>
      %dma_wait3A_623 = arith.constant 0 : i32
      %dma_wait3A_624 = arith.constant 0 : i32
      %dma_wait3A_625 = tpu.memref_slice %arg2[%dma_wait3A_623, %dma_wait3A_624] : memref<10000x128xf32, #tpu.memory_space<hbm>> -> memref<10000x128xf32, #tpu.memory_space<hbm>>
      tpu.wait_indirect_dma semaphore(%arg13 : memref<!tpu.dma_semaphore, #tpu.memory_space<semaphore_mem>>) src(%dma_wait3A_625 : memref<10000x128xf32, #tpu.memory_space<hbm>>) dst(%dma_wait3A_619 : memref<80x128xf32, #tpu.memory_space<vmem>>)
      %dma_start3A_626 = arith.constant 2 : i32
      %dma_start3A_627 = arith.constant 2 : i32
      %dma_start3A_628 = arith.constant 0 : i32
      %dma_start3A_629 = arith.constant 0 : i32
      %dma_start3A_630 = tpu.memref_slice %arg8[%dma_start3A_626, %dma_start3A_628, %dma_start3A_629] : memref<4x80x128xf32, #tpu.memory_space<vmem>> -> memref<1x80x128xf32, #tpu.memory_space<vmem>>
      %dma_start3A_631 = tpu.memref_squeeze %dma_start3A_630 : memref<1x80x128xf32, #tpu.memory_space<vmem>> -> memref<80x128xf32, #tpu.memory_space<vmem>>
      %dma_start3A_632 = arith.constant 0 : i32
      %dma_start3A_633 = tpu.memref_slice %arg7[%dma_start3A_627, %dma_start3A_632] : memref<4x80xi32, #tpu.memory_space<vmem>> -> memref<1x80xi32, #tpu.memory_space<vmem>>
      %dma_start3A_634 = tpu.memref_squeeze %dma_start3A_633 : memref<1x80xi32, #tpu.memory_space<vmem>> -> memref<80xi32, #tpu.memory_space<vmem>>
      %dma_start3A_635 = arith.constant 0 : i32
      %dma_start3A_636 = arith.constant 0 : i32
      %dma_start3A_637 = tpu.memref_slice %arg10[%dma_start3A_635, %dma_start3A_636] : memref<10000x128xf32, #tpu.memory_space<vmem_shared>> -> memref<10000x128xf32, #tpu.memory_space<vmem_shared>>
      tpu.enqueue_indirect_dma source(%dma_start3A_631 : memref<80x128xf32, #tpu.memory_space<vmem>>) target(%dma_start3A_637 : memref<10000x128xf32, #tpu.memory_space<vmem_shared>>) offsets(%dma_start3A_634 : memref<80xi32, #tpu.memory_space<vmem>>) semaphore(%arg17 : memref<!tpu.dma_semaphore, #tpu.memory_space<semaphore_mem>>) {add = true}
      %add3A_638 = arith.constant 3 : i32
      %add3A_639 = arith.addi %add3A_613, %add3A_638 : i32
      %lt3A_640 = arith.constant 125 : i32
      %lt3A_641 = arith.cmpi slt, %add3A_639, %lt3A_640 : i32
      %convert_element_type3A_642 = arith.extui %lt3A_641 : i1 to i32
      %cond3A_643 = arith.constant 0 : i32
      %cond3A_644 = arith.cmpi ne, %convert_element_type3A_642, %cond3A_643 : i32
      scf.if %cond3A_644 {
        %mul3A_680 = arith.constant 80 : i32
        %mul3A_681 = arith.muli %add3A_639, %mul3A_680 : i32
        %add3A_682 = arith.addi %mul3A_2, %mul3A_681 : i32
        %dma_start3A_683 = arith.constant 1 : i32
        %dma_start3A_684 = arith.constant 0 : i32
        %dma_start3A_685 = tpu.memref_slice %arg5[%dma_start3A_683, %dma_start3A_684] : memref<4x80xi32, #tpu.memory_space<vmem>> -> memref<1x80xi32, #tpu.memory_space<vmem>>
        %dma_start3A_686 = tpu.memref_squeeze %dma_start3A_685 : memref<1x80xi32, #tpu.memory_space<vmem>> -> memref<80xi32, #tpu.memory_space<vmem>>
        %dma_start3A_687 = tpu.memref_slice %arg3[%add3A_682] : memref<320000xi32, #tpu.memory_space<hbm>> -> memref<80xi32, #tpu.memory_space<hbm>>
        %dma_start3A_688 = arith.constant 0 : i32
        %dma_start3A_689 = tpu.memref_slice %arg5[%dma_start3A_683, %dma_start3A_688] : memref<4x80xi32, #tpu.memory_space<vmem>> -> memref<1x80xi32, #tpu.memory_space<vmem>>
        %dma_start3A_690 = tpu.memref_squeeze %dma_start3A_689 : memref<1x80xi32, #tpu.memory_space<vmem>> -> memref<80xi32, #tpu.memory_space<vmem>>
        %dma_start3A_691 = tpu.memref_slice %arg3[%add3A_682] : memref<320000xi32, #tpu.memory_space<hbm>> -> memref<80xi32, #tpu.memory_space<hbm>>
        tpu.enqueue_dma source(%dma_start3A_691 : memref<80xi32, #tpu.memory_space<hbm>>) target(%dma_start3A_690 : memref<80xi32, #tpu.memory_space<vmem>>) target_semaphore(%arg20 : memref<!tpu.dma_semaphore, #tpu.memory_space<semaphore_mem>>)
        %ge3A = arith.constant 4 : i32
        %ge3A_692 = arith.cmpi sge, %add3A_639, %ge3A : i32
        %convert_element_type3A_693 = arith.extui %ge3A_692 : i1 to i32
        %cond3A_694 = arith.constant 0 : i32
        %cond3A_695 = arith.cmpi ne, %convert_element_type3A_693, %cond3A_694 : i32
        scf.if %cond3A_695 {
          %dma_wait3A_832 = arith.constant 1 : i32
          %dma_wait3A_833 = arith.constant 1 : i32
          %dma_wait3A_834 = arith.constant 0 : i32
          %dma_wait3A_835 = arith.constant 0 : i32
          %dma_wait3A_836 = tpu.memref_slice %arg8[%dma_wait3A_832, %dma_wait3A_834, %dma_wait3A_835] : memref<4x80x128xf32, #tpu.memory_space<vmem>> -> memref<1x80x128xf32, #tpu.memory_space<vmem>>
          %dma_wait3A_837 = tpu.memref_squeeze %dma_wait3A_836 : memref<1x80x128xf32, #tpu.memory_space<vmem>> -> memref<80x128xf32, #tpu.memory_space<vmem>>
          %dma_wait3A_838 = arith.constant 0 : i32
          %dma_wait3A_839 = tpu.memref_slice %arg7[%dma_wait3A_833, %dma_wait3A_838] : memref<4x80xi32, #tpu.memory_space<vmem>> -> memref<1x80xi32, #tpu.memory_space<vmem>>
          %dma_wait3A_840 = tpu.memref_squeeze %dma_wait3A_839 : memref<1x80xi32, #tpu.memory_space<vmem>> -> memref<80xi32, #tpu.memory_space<vmem>>
          %dma_wait3A_841 = arith.constant 0 : i32
          %dma_wait3A_842 = arith.constant 0 : i32
          %dma_wait3A_843 = tpu.memref_slice %arg10[%dma_wait3A_841, %dma_wait3A_842] : memref<10000x128xf32, #tpu.memory_space<vmem_shared>> -> memref<10000x128xf32, #tpu.memory_space<vmem_shared>>
          tpu.wait_indirect_dma semaphore(%arg16 : memref<!tpu.dma_semaphore, #tpu.memory_space<semaphore_mem>>) src(%dma_wait3A_837 : memref<80x128xf32, #tpu.memory_space<vmem>>) dst(%dma_wait3A_843 : memref<10000x128xf32, #tpu.memory_space<vmem_shared>>)
        } else {
        }
        %dma_wait3A_696 = arith.constant 1 : i32
        %dma_wait3A_697 = arith.constant 0 : i32
        %dma_wait3A_698 = tpu.memref_slice %arg5[%dma_wait3A_696, %dma_wait3A_697] : memref<4x80xi32, #tpu.memory_space<vmem>> -> memref<1x80xi32, #tpu.memory_space<vmem>>
        %dma_wait3A_699 = tpu.memref_squeeze %dma_wait3A_698 : memref<1x80xi32, #tpu.memory_space<vmem>> -> memref<80xi32, #tpu.memory_space<vmem>>
        %dma_wait3A_700 = tpu.memref_slice %arg3[%mul3A_2] : memref<320000xi32, #tpu.memory_space<hbm>> -> memref<80xi32, #tpu.memory_space<hbm>>
        %dma_wait3A_701 = arith.constant 0 : i32
        %dma_wait3A_702 = tpu.memref_slice %arg5[%dma_wait3A_696, %dma_wait3A_701] : memref<4x80xi32, #tpu.memory_space<vmem>> -> memref<1x80xi32, #tpu.memory_space<vmem>>
        %dma_wait3A_703 = tpu.memref_squeeze %dma_wait3A_702 : memref<1x80xi32, #tpu.memory_space<vmem>> -> memref<80xi32, #tpu.memory_space<vmem>>
        %dma_wait3A_704 = tpu.memref_slice %arg3[%mul3A_2] : memref<320000xi32, #tpu.memory_space<hbm>> -> memref<80xi32, #tpu.memory_space<hbm>>
        tpu.wait_dma2 semaphore(%arg20 : memref<!tpu.dma_semaphore, #tpu.memory_space<semaphore_mem>>) src(%dma_wait3A_704 : memref<80xi32, #tpu.memory_space<hbm>>) dst(%dma_wait3A_703 : memref<80xi32, #tpu.memory_space<vmem>>)
        %get3A_705 = arith.constant 1 : i32
        %get3A_706 = arith.index_cast %get3A_705 : i32 to index
        %get3A_707 = arith.constant 0 : index
        %get3A_708 = tpu.vector_load %arg5[%get3A_706, %get3A_707] {strides = array<i32>} : memref<4x80xi32, #tpu.memory_space<vmem>>, vector<1x16xi32>,
        %get3A_709 = vector.shape_cast %get3A_708 : vector<1x16xi32> to vector<16xi32>
        %and3A_710 = arith.constant 65535 : i32
        %and3A_711 = vector.broadcast %and3A_710 : i32 to vector<16xi32>
        %and3A_712 = arith.andi %get3A_709, %and3A_711 : vector<16xi32>
        %swap3A_713 = arith.constant 1 : i32
        %swap3A_714 = arith.index_cast %swap3A_713 : i32 to index
        %swap3A_715 = arith.constant 0 : index
        %swap3A_716 = tpu.vector_load %arg6[%swap3A_714, %swap3A_715] {strides = array<i32>} : memref<4x80xi32, #tpu.memory_space<vmem>>, vector<1x16xi32>,
        %swap3A_717 = vector.shape_cast %swap3A_716 : vector<1x16xi32> to vector<16xi32>
        %swap3A_718 = vector.shape_cast %and3A_712 : vector<16xi32> to vector<1x16xi32>
        tpu.vector_store %arg6[%swap3A_714, %swap3A_715], %swap3A_718 {strides = array<i32>} : memref<4x80xi32, #tpu.memory_space<vmem>>, vector<1x16xi32>,
        %shift_right_logical3A_719 = arith.constant 16 : i32
        %shift_right_logical3A_720 = vector.broadcast %shift_right_logical3A_719 : i32 to vector<16xi32>
        %shift_right_logical3A_721 = arith.shrui %get3A_709, %shift_right_logical3A_720 : vector<16xi32>
        %swap3A_722 = arith.constant 1 : i32
        %swap3A_723 = arith.index_cast %swap3A_722 : i32 to index
        %swap3A_724 = arith.constant 0 : index
        %swap3A_725 = tpu.vector_load %arg7[%swap3A_723, %swap3A_724] {strides = array<i32>} : memref<4x80xi32, #tpu.memory_space<vmem>>, vector<1x16xi32>,
        %swap3A_726 = vector.shape_cast %swap3A_725 : vector<1x16xi32> to vector<16xi32>
        %swap3A_727 = vector.shape_cast %shift_right_logical3A_721 : vector<16xi32> to vector<1x16xi32>
        tpu.vector_store %arg7[%swap3A_723, %swap3A_724], %swap3A_727 {strides = array<i32>} : memref<4x80xi32, #tpu.memory_space<vmem>>, vector<1x16xi32>,
        %get3A_728 = arith.constant 1 : i32
        %get3A_729 = arith.index_cast %get3A_728 : i32 to index
        %get3A_730 = arith.constant 16 : index
        %get3A_731 = tpu.vector_load %arg5[%get3A_729, %get3A_730] {strides = array<i32>} : memref<4x80xi32, #tpu.memory_space<vmem>>, vector<1x16xi32>,
        %get3A_732 = vector.shape_cast %get3A_731 : vector<1x16xi32> to vector<16xi32>
        %and3A_733 = arith.constant 65535 : i32
        %and3A_734 = vector.broadcast %and3A_733 : i32 to vector<16xi32>
        %and3A_735 = arith.andi %get3A_732, %and3A_734 : vector<16xi32>
        %swap3A_736 = arith.constant 1 : i32
        %swap3A_737 = arith.index_cast %swap3A_736 : i32 to index
        %swap3A_738 = arith.constant 16 : index
        %swap3A_739 = tpu.vector_load %arg6[%swap3A_737, %swap3A_738] {strides = array<i32>} : memref<4x80xi32, #tpu.memory_space<vmem>>, vector<1x16xi32>,
        %swap3A_740 = vector.shape_cast %swap3A_739 : vector<1x16xi32> to vector<16xi32>
        %swap3A_741 = vector.shape_cast %and3A_735 : vector<16xi32> to vector<1x16xi32>
        tpu.vector_store %arg6[%swap3A_737, %swap3A_738], %swap3A_741 {strides = array<i32>} : memref<4x80xi32, #tpu.memory_space<vmem>>, vector<1x16xi32>,
        %shift_right_logical3A_742 = arith.constant 16 : i32
        %shift_right_logical3A_743 = vector.broadcast %shift_right_logical3A_742 : i32 to vector<16xi32>
        %shift_right_logical3A_744 = arith.shrui %get3A_732, %shift_right_logical3A_743 : vector<16xi32>
        %swap3A_745 = arith.constant 1 : i32
        %swap3A_746 = arith.index_cast %swap3A_745 : i32 to index
        %swap3A_747 = arith.constant 16 : index
        %swap3A_748 = tpu.vector_load %arg7[%swap3A_746, %swap3A_747] {strides = array<i32>} : memref<4x80xi32, #tpu.memory_space<vmem>>, vector<1x16xi32>,
        %swap3A_749 = vector.shape_cast %swap3A_748 : vector<1x16xi32> to vector<16xi32>
        %swap3A_750 = vector.shape_cast %shift_right_logical3A_744 : vector<16xi32> to vector<1x16xi32>
        tpu.vector_store %arg7[%swap3A_746, %swap3A_747], %swap3A_750 {strides = array<i32>} : memref<4x80xi32, #tpu.memory_space<vmem>>, vector<1x16xi32>,
        %get3A_751 = arith.constant 1 : i32
        %get3A_752 = arith.index_cast %get3A_751 : i32 to index
        %get3A_753 = arith.constant 32 : index
        %get3A_754 = tpu.vector_load %arg5[%get3A_752, %get3A_753] {strides = array<i32>} : memref<4x80xi32, #tpu.memory_space<vmem>>, vector<1x16xi32>,
        %get3A_755 = vector.shape_cast %get3A_754 : vector<1x16xi32> to vector<16xi32>
        %and3A_756 = arith.constant 65535 : i32
        %and3A_757 = vector.broadcast %and3A_756 : i32 to vector<16xi32>
        %and3A_758 = arith.andi %get3A_755, %and3A_757 : vector<16xi32>
        %swap3A_759 = arith.constant 1 : i32
        %swap3A_760 = arith.index_cast %swap3A_759 : i32 to index
        %swap3A_761 = arith.constant 32 : index
        %swap3A_762 = tpu.vector_load %arg6[%swap3A_760, %swap3A_761] {strides = array<i32>} : memref<4x80xi32, #tpu.memory_space<vmem>>, vector<1x16xi32>,
        %swap3A_763 = vector.shape_cast %swap3A_762 : vector<1x16xi32> to vector<16xi32>
        %swap3A_764 = vector.shape_cast %and3A_758 : vector<16xi32> to vector<1x16xi32>
        tpu.vector_store %arg6[%swap3A_760, %swap3A_761], %swap3A_764 {strides = array<i32>} : memref<4x80xi32, #tpu.memory_space<vmem>>, vector<1x16xi32>,
        %shift_right_logical3A_765 = arith.constant 16 : i32
        %shift_right_logical3A_766 = vector.broadcast %shift_right_logical3A_765 : i32 to vector<16xi32>
        %shift_right_logical3A_767 = arith.shrui %get3A_755, %shift_right_logical3A_766 : vector<16xi32>
        %swap3A_768 = arith.constant 1 : i32
        %swap3A_769 = arith.index_cast %swap3A_768 : i32 to index
        %swap3A_770 = arith.constant 32 : index
        %swap3A_771 = tpu.vector_load %arg7[%swap3A_769, %swap3A_770] {strides = array<i32>} : memref<4x80xi32, #tpu.memory_space<vmem>>, vector<1x16xi32>,
        %swap3A_772 = vector.shape_cast %swap3A_771 : vector<1x16xi32> to vector<16xi32>
        %swap3A_773 = vector.shape_cast %shift_right_logical3A_767 : vector<16xi32> to vector<1x16xi32>
        tpu.vector_store %arg7[%swap3A_769, %swap3A_770], %swap3A_773 {strides = array<i32>} : memref<4x80xi32, #tpu.memory_space<vmem>>, vector<1x16xi32>,
        %get3A_774 = arith.constant 1 : i32
        %get3A_775 = arith.index_cast %get3A_774 : i32 to index
        %get3A_776 = arith.constant 48 : index
        %get3A_777 = tpu.vector_load %arg5[%get3A_775, %get3A_776] {strides = array<i32>} : memref<4x80xi32, #tpu.memory_space<vmem>>, vector<1x16xi32>,
        %get3A_778 = vector.shape_cast %get3A_777 : vector<1x16xi32> to vector<16xi32>
        %and3A_779 = arith.constant 65535 : i32
        %and3A_780 = vector.broadcast %and3A_779 : i32 to vector<16xi32>
        %and3A_781 = arith.andi %get3A_778, %and3A_780 : vector<16xi32>
        %swap3A_782 = arith.constant 1 : i32
        %swap3A_783 = arith.index_cast %swap3A_782 : i32 to index
        %swap3A_784 = arith.constant 48 : index
        %swap3A_785 = tpu.vector_load %arg6[%swap3A_783, %swap3A_784] {strides = array<i32>} : memref<4x80xi32, #tpu.memory_space<vmem>>, vector<1x16xi32>,
        %swap3A_786 = vector.shape_cast %swap3A_785 : vector<1x16xi32> to vector<16xi32>
        %swap3A_787 = vector.shape_cast %and3A_781 : vector<16xi32> to vector<1x16xi32>
        tpu.vector_store %arg6[%swap3A_783, %swap3A_784], %swap3A_787 {strides = array<i32>} : memref<4x80xi32, #tpu.memory_space<vmem>>, vector<1x16xi32>,
        %shift_right_logical3A_788 = arith.constant 16 : i32
        %shift_right_logical3A_789 = vector.broadcast %shift_right_logical3A_788 : i32 to vector<16xi32>
        %shift_right_logical3A_790 = arith.shrui %get3A_778, %shift_right_logical3A_789 : vector<16xi32>
        %swap3A_791 = arith.constant 1 : i32
        %swap3A_792 = arith.index_cast %swap3A_791 : i32 to index
        %swap3A_793 = arith.constant 48 : index
        %swap3A_794 = tpu.vector_load %arg7[%swap3A_792, %swap3A_793] {strides = array<i32>} : memref<4x80xi32, #tpu.memory_space<vmem>>, vector<1x16xi32>,
        %swap3A_795 = vector.shape_cast %swap3A_794 : vector<1x16xi32> to vector<16xi32>
        %swap3A_796 = vector.shape_cast %shift_right_logical3A_790 : vector<16xi32> to vector<1x16xi32>
        tpu.vector_store %arg7[%swap3A_792, %swap3A_793], %swap3A_796 {strides = array<i32>} : memref<4x80xi32, #tpu.memory_space<vmem>>, vector<1x16xi32>,
        %get3A_797 = arith.constant 1 : i32
        %get3A_798 = arith.index_cast %get3A_797 : i32 to index
        %get3A_799 = arith.constant 64 : index
        %get3A_800 = tpu.vector_load %arg5[%get3A_798, %get3A_799] {strides = array<i32>} : memref<4x80xi32, #tpu.memory_space<vmem>>, vector<1x16xi32>,
        %get3A_801 = vector.shape_cast %get3A_800 : vector<1x16xi32> to vector<16xi32>
        %and3A_802 = arith.constant 65535 : i32
        %and3A_803 = vector.broadcast %and3A_802 : i32 to vector<16xi32>
        %and3A_804 = arith.andi %get3A_801, %and3A_803 : vector<16xi32>
        %swap3A_805 = arith.constant 1 : i32
        %swap3A_806 = arith.index_cast %swap3A_805 : i32 to index
        %swap3A_807 = arith.constant 64 : index
        %swap3A_808 = tpu.vector_load %arg6[%swap3A_806, %swap3A_807] {strides = array<i32>} : memref<4x80xi32, #tpu.memory_space<vmem>>, vector<1x16xi32>,
        %swap3A_809 = vector.shape_cast %swap3A_808 : vector<1x16xi32> to vector<16xi32>
        %swap3A_810 = vector.shape_cast %and3A_804 : vector<16xi32> to vector<1x16xi32>
        tpu.vector_store %arg6[%swap3A_806, %swap3A_807], %swap3A_810 {strides = array<i32>} : memref<4x80xi32, #tpu.memory_space<vmem>>, vector<1x16xi32>,
        %shift_right_logical3A_811 = arith.constant 16 : i32
        %shift_right_logical3A_812 = vector.broadcast %shift_right_logical3A_811 : i32 to vector<16xi32>
        %shift_right_logical3A_813 = arith.shrui %get3A_801, %shift_right_logical3A_812 : vector<16xi32>
        %swap3A_814 = arith.constant 1 : i32
        %swap3A_815 = arith.index_cast %swap3A_814 : i32 to index
        %swap3A_816 = arith.constant 64 : index
        %swap3A_817 = tpu.vector_load %arg7[%swap3A_815, %swap3A_816] {strides = array<i32>} : memref<4x80xi32, #tpu.memory_space<vmem>>, vector<1x16xi32>,
        %swap3A_818 = vector.shape_cast %swap3A_817 : vector<1x16xi32> to vector<16xi32>
        %swap3A_819 = vector.shape_cast %shift_right_logical3A_813 : vector<16xi32> to vector<1x16xi32>
        tpu.vector_store %arg7[%swap3A_815, %swap3A_816], %swap3A_819 {strides = array<i32>} : memref<4x80xi32, #tpu.memory_space<vmem>>, vector<1x16xi32>,
        %dma_start3A_820 = arith.constant 1 : i32
        %dma_start3A_821 = arith.constant 1 : i32
        %dma_start3A_822 = arith.constant 0 : i32
        %dma_start3A_823 = arith.constant 0 : i32
        %dma_start3A_824 = tpu.memref_slice %arg8[%dma_start3A_821, %dma_start3A_822, %dma_start3A_823] : memref<4x80x128xf32, #tpu.memory_space<vmem>> -> memref<1x80x128xf32, #tpu.memory_space<vmem>>
        %dma_start3A_825 = tpu.memref_squeeze %dma_start3A_824 : memref<1x80x128xf32, #tpu.memory_space<vmem>> -> memref<80x128xf32, #tpu.memory_space<vmem>>
        %dma_start3A_826 = arith.constant 0 : i32
        %dma_start3A_827 = tpu.memref_slice %arg6[%dma_start3A_820, %dma_start3A_826] : memref<4x80xi32, #tpu.memory_space<vmem>> -> memref<1x80xi32, #tpu.memory_space<vmem>>
        %dma_start3A_828 = tpu.memref_squeeze %dma_start3A_827 : memref<1x80xi32, #tpu.memory_space<vmem>> -> memref<80xi32, #tpu.memory_space<vmem>>
        %dma_start3A_829 = arith.constant 0 : i32
        %dma_start3A_830 = arith.constant 0 : i32
        %dma_start3A_831 = tpu.memref_slice %arg2[%dma_start3A_829, %dma_start3A_830] : memref<10000x128xf32, #tpu.memory_space<hbm>> -> memref<10000x128xf32, #tpu.memory_space<hbm>>
        tpu.enqueue_indirect_dma source(%dma_start3A_831 : memref<10000x128xf32, #tpu.memory_space<hbm>>) target(%dma_start3A_825 : memref<80x128xf32, #tpu.memory_space<vmem>>) offsets(%dma_start3A_828 : memref<80xi32, #tpu.memory_space<vmem>>) semaphore(%arg12 : memref<!tpu.dma_semaphore, #tpu.memory_space<semaphore_mem>>)
      } else {
      }
      %mul3A_645 = arith.constant 4 : i32
      %mul3A_646 = arith.muli %mul3A_645, %scan3A_540 : i32
      %add3A_647 = arith.constant 3 : i32
      %add3A_648 = arith.addi %mul3A_646, %add3A_647 : i32
      %dma_wait3A_649 = arith.constant 3 : i32
      %dma_wait3A_650 = arith.constant 3 : i32
      %dma_wait3A_651 = arith.constant 0 : i32
      %dma_wait3A_652 = arith.constant 0 : i32
      %dma_wait3A_653 = tpu.memref_slice %arg8[%dma_wait3A_650, %dma_wait3A_651, %dma_wait3A_652] : memref<4x80x128xf32, #tpu.memory_space<vmem>> -> memref<1x80x128xf32, #tpu.memory_space<vmem>>
      %dma_wait3A_654 = tpu.memref_squeeze %dma_wait3A_653 : memref<1x80x128xf32, #tpu.memory_space<vmem>> -> memref<80x128xf32, #tpu.memory_space<vmem>>
      %dma_wait3A_655 = arith.constant 0 : i32
      %dma_wait3A_656 = tpu.memref_slice %arg6[%dma_wait3A_649, %dma_wait3A_655] : memref<4x80xi32, #tpu.memory_space<vmem>> -> memref<1x80xi32, #tpu.memory_space<vmem>>
      %dma_wait3A_657 = tpu.memref_squeeze %dma_wait3A_656 : memref<1x80xi32, #tpu.memory_space<vmem>> -> memref<80xi32, #tpu.memory_space<vmem>>
      %dma_wait3A_658 = arith.constant 0 : i32
      %dma_wait3A_659 = arith.constant 0 : i32
      %dma_wait3A_660 = tpu.memref_slice %arg2[%dma_wait3A_658, %dma_wait3A_659] : memref<10000x128xf32, #tpu.memory_space<hbm>> -> memref<10000x128xf32, #tpu.memory_space<hbm>>
      tpu.wait_indirect_dma semaphore(%arg14 : memref<!tpu.dma_semaphore, #tpu.memory_space<semaphore_mem>>) src(%dma_wait3A_660 : memref<10000x128xf32, #tpu.memory_space<hbm>>) dst(%dma_wait3A_654 : memref<80x128xf32, #tpu.memory_space<vmem>>)
      %dma_start3A_661 = arith.constant 3 : i32
      %dma_start3A_662 = arith.constant 3 : i32
      %dma_start3A_663 = arith.constant 0 : i32
      %dma_start3A_664 = arith.constant 0 : i32
      %dma_start3A_665 = tpu.memref_slice %arg8[%dma_start3A_661, %dma_start3A_663, %dma_start3A_664] : memref<4x80x128xf32, #tpu.memory_space<vmem>> -> memref<1x80x128xf32, #tpu.memory_space<vmem>>
      %dma_start3A_666 = tpu.memref_squeeze %dma_start3A_665 : memref<1x80x128xf32, #tpu.memory_space<vmem>> -> memref<80x128xf32, #tpu.memory_space<vmem>>
      %dma_start3A_667 = arith.constant 0 : i32
      %dma_start3A_668 = tpu.memref_slice %arg7[%dma_start3A_662, %dma_start3A_667] : memref<4x80xi32, #tpu.memory_space<vmem>> -> memref<1x80xi32, #tpu.memory_space<vmem>>
      %dma_start3A_669 = tpu.memref_squeeze %dma_start3A_668 : memref<1x80xi32, #tpu.memory_space<vmem>> -> memref<80xi32, #tpu.memory_space<vmem>>
      %dma_start3A_670 = arith.constant 0 : i32
      %dma_start3A_671 = arith.constant 0 : i32
      %dma_start3A_672 = tpu.memref_slice %arg10[%dma_start3A_670, %dma_start3A_671] : memref<10000x128xf32, #tpu.memory_space<vmem_shared>> -> memref<10000x128xf32, #tpu.memory_space<vmem_shared>>
      tpu.enqueue_indirect_dma source(%dma_start3A_666 : memref<80x128xf32, #tpu.memory_space<vmem>>) target(%dma_start3A_672 : memref<10000x128xf32, #tpu.memory_space<vmem_shared>>) offsets(%dma_start3A_669 : memref<80xi32, #tpu.memory_space<vmem>>) semaphore(%arg18 : memref<!tpu.dma_semaphore, #tpu.memory_space<semaphore_mem>>) {add = true}
      %add3A_673 = arith.constant 3 : i32
      %add3A_674 = arith.addi %add3A_648, %add3A_673 : i32
      %lt3A_675 = arith.constant 125 : i32
      %lt3A_676 = arith.cmpi slt, %add3A_674, %lt3A_675 : i32
      %convert_element_type3A_677 = arith.extui %lt3A_676 : i1 to i32
      %cond3A_678 = arith.constant 0 : i32
      %cond3A_679 = arith.cmpi ne, %convert_element_type3A_677, %cond3A_678 : i32
      scf.if %cond3A_679 {
        %mul3A_680 = arith.constant 80 : i32
        %mul3A_681 = arith.muli %add3A_674, %mul3A_680 : i32
        %add3A_682 = arith.addi %mul3A_2, %mul3A_681 : i32
        %dma_start3A_683 = arith.constant 2 : i32
        %dma_start3A_684 = arith.constant 0 : i32
        %dma_start3A_685 = tpu.memref_slice %arg5[%dma_start3A_683, %dma_start3A_684] : memref<4x80xi32, #tpu.memory_space<vmem>> -> memref<1x80xi32, #tpu.memory_space<vmem>>
        %dma_start3A_686 = tpu.memref_squeeze %dma_start3A_685 : memref<1x80xi32, #tpu.memory_space<vmem>> -> memref<80xi32, #tpu.memory_space<vmem>>
        %dma_start3A_687 = tpu.memref_slice %arg3[%add3A_682] : memref<320000xi32, #tpu.memory_space<hbm>> -> memref<80xi32, #tpu.memory_space<hbm>>
        %dma_start3A_688 = arith.constant 0 : i32
        %dma_start3A_689 = tpu.memref_slice %arg5[%dma_start3A_683, %dma_start3A_688] : memref<4x80xi32, #tpu.memory_space<vmem>> -> memref<1x80xi32, #tpu.memory_space<vmem>>
        %dma_start3A_690 = tpu.memref_squeeze %dma_start3A_689 : memref<1x80xi32, #tpu.memory_space<vmem>> -> memref<80xi32, #tpu.memory_space<vmem>>
        %dma_start3A_691 = tpu.memref_slice %arg3[%add3A_682] : memref<320000xi32, #tpu.memory_space<hbm>> -> memref<80xi32, #tpu.memory_space<hbm>>
        tpu.enqueue_dma source(%dma_start3A_691 : memref<80xi32, #tpu.memory_space<hbm>>) target(%dma_start3A_690 : memref<80xi32, #tpu.memory_space<vmem>>) target_semaphore(%arg21 : memref<!tpu.dma_semaphore, #tpu.memory_space<semaphore_mem>>)
        %ge3A = arith.constant 4 : i32
        %ge3A_692 = arith.cmpi sge, %add3A_674, %ge3A : i32
        %convert_element_type3A_693 = arith.extui %ge3A_692 : i1 to i32
        %cond3A_694 = arith.constant 0 : i32
        %cond3A_695 = arith.cmpi ne, %convert_element_type3A_693, %cond3A_694 : i32
        scf.if %cond3A_695 {
          %dma_wait3A_832 = arith.constant 2 : i32
          %dma_wait3A_833 = arith.constant 2 : i32
          %dma_wait3A_834 = arith.constant 0 : i32
          %dma_wait3A_835 = arith.constant 0 : i32
          %dma_wait3A_836 = tpu.memref_slice %arg8[%dma_wait3A_832, %dma_wait3A_834, %dma_wait3A_835] : memref<4x80x128xf32, #tpu.memory_space<vmem>> -> memref<1x80x128xf32, #tpu.memory_space<vmem>>
          %dma_wait3A_837 = tpu.memref_squeeze %dma_wait3A_836 : memref<1x80x128xf32, #tpu.memory_space<vmem>> -> memref<80x128xf32, #tpu.memory_space<vmem>>
          %dma_wait3A_838 = arith.constant 0 : i32
          %dma_wait3A_839 = tpu.memref_slice %arg7[%dma_wait3A_833, %dma_wait3A_838] : memref<4x80xi32, #tpu.memory_space<vmem>> -> memref<1x80xi32, #tpu.memory_space<vmem>>
          %dma_wait3A_840 = tpu.memref_squeeze %dma_wait3A_839 : memref<1x80xi32, #tpu.memory_space<vmem>> -> memref<80xi32, #tpu.memory_space<vmem>>
          %dma_wait3A_841 = arith.constant 0 : i32
          %dma_wait3A_842 = arith.constant 0 : i32
          %dma_wait3A_843 = tpu.memref_slice %arg10[%dma_wait3A_841, %dma_wait3A_842] : memref<10000x128xf32, #tpu.memory_space<vmem_shared>> -> memref<10000x128xf32, #tpu.memory_space<vmem_shared>>
          tpu.wait_indirect_dma semaphore(%arg17 : memref<!tpu.dma_semaphore, #tpu.memory_space<semaphore_mem>>) src(%dma_wait3A_837 : memref<80x128xf32, #tpu.memory_space<vmem>>) dst(%dma_wait3A_843 : memref<10000x128xf32, #tpu.memory_space<vmem_shared>>)
        } else {
        }
        %dma_wait3A_696 = arith.constant 2 : i32
        %dma_wait3A_697 = arith.constant 0 : i32
        %dma_wait3A_698 = tpu.memref_slice %arg5[%dma_wait3A_696, %dma_wait3A_697] : memref<4x80xi32, #tpu.memory_space<vmem>> -> memref<1x80xi32, #tpu.memory_space<vmem>>
        %dma_wait3A_699 = tpu.memref_squeeze %dma_wait3A_698 : memref<1x80xi32, #tpu.memory_space<vmem>> -> memref<80xi32, #tpu.memory_space<vmem>>
        %dma_wait3A_700 = tpu.memref_slice %arg3[%mul3A_2] : memref<320000xi32, #tpu.memory_space<hbm>> -> memref<80xi32, #tpu.memory_space<hbm>>
        %dma_wait3A_701 = arith.constant 0 : i32
        %dma_wait3A_702 = tpu.memref_slice %arg5[%dma_wait3A_696, %dma_wait3A_701] : memref<4x80xi32, #tpu.memory_space<vmem>> -> memref<1x80xi32, #tpu.memory_space<vmem>>
        %dma_wait3A_703 = tpu.memref_squeeze %dma_wait3A_702 : memref<1x80xi32, #tpu.memory_space<vmem>> -> memref<80xi32, #tpu.memory_space<vmem>>
        %dma_wait3A_704 = tpu.memref_slice %arg3[%mul3A_2] : memref<320000xi32, #tpu.memory_space<hbm>> -> memref<80xi32, #tpu.memory_space<hbm>>
        tpu.wait_dma2 semaphore(%arg21 : memref<!tpu.dma_semaphore, #tpu.memory_space<semaphore_mem>>) src(%dma_wait3A_704 : memref<80xi32, #tpu.memory_space<hbm>>) dst(%dma_wait3A_703 : memref<80xi32, #tpu.memory_space<vmem>>)
        %get3A_705 = arith.constant 2 : i32
        %get3A_706 = arith.index_cast %get3A_705 : i32 to index
        %get3A_707 = arith.constant 0 : index
        %get3A_708 = tpu.vector_load %arg5[%get3A_706, %get3A_707] {strides = array<i32>} : memref<4x80xi32, #tpu.memory_space<vmem>>, vector<1x16xi32>,
        %get3A_709 = vector.shape_cast %get3A_708 : vector<1x16xi32> to vector<16xi32>
        %and3A_710 = arith.constant 65535 : i32
        %and3A_711 = vector.broadcast %and3A_710 : i32 to vector<16xi32>
        %and3A_712 = arith.andi %get3A_709, %and3A_711 : vector<16xi32>
        %swap3A_713 = arith.constant 2 : i32
        %swap3A_714 = arith.index_cast %swap3A_713 : i32 to index
        %swap3A_715 = arith.constant 0 : index
        %swap3A_716 = tpu.vector_load %arg6[%swap3A_714, %swap3A_715] {strides = array<i32>} : memref<4x80xi32, #tpu.memory_space<vmem>>, vector<1x16xi32>,
        %swap3A_717 = vector.shape_cast %swap3A_716 : vector<1x16xi32> to vector<16xi32>
        %swap3A_718 = vector.shape_cast %and3A_712 : vector<16xi32> to vector<1x16xi32>
        tpu.vector_store %arg6[%swap3A_714, %swap3A_715], %swap3A_718 {strides = array<i32>} : memref<4x80xi32, #tpu.memory_space<vmem>>, vector<1x16xi32>,
        %shift_right_logical3A_719 = arith.constant 16 : i32
        %shift_right_logical3A_720 = vector.broadcast %shift_right_logical3A_719 : i32 to vector<16xi32>
        %shift_right_logical3A_721 = arith.shrui %get3A_709, %shift_right_logical3A_720 : vector<16xi32>
        %swap3A_722 = arith.constant 2 : i32
        %swap3A_723 = arith.index_cast %swap3A_722 : i32 to index
        %swap3A_724 = arith.constant 0 : index
        %swap3A_725 = tpu.vector_load %arg7[%swap3A_723, %swap3A_724] {strides = array<i32>} : memref<4x80xi32, #tpu.memory_space<vmem>>, vector<1x16xi32>,
        %swap3A_726 = vector.shape_cast %swap3A_725 : vector<1x16xi32> to vector<16xi32>
        %swap3A_727 = vector.shape_cast %shift_right_logical3A_721 : vector<16xi32> to vector<1x16xi32>
        tpu.vector_store %arg7[%swap3A_723, %swap3A_724], %swap3A_727 {strides = array<i32>} : memref<4x80xi32, #tpu.memory_space<vmem>>, vector<1x16xi32>,
        %get3A_728 = arith.constant 2 : i32
        %get3A_729 = arith.index_cast %get3A_728 : i32 to index
        %get3A_730 = arith.constant 16 : index
        %get3A_731 = tpu.vector_load %arg5[%get3A_729, %get3A_730] {strides = array<i32>} : memref<4x80xi32, #tpu.memory_space<vmem>>, vector<1x16xi32>,
        %get3A_732 = vector.shape_cast %get3A_731 : vector<1x16xi32> to vector<16xi32>
        %and3A_733 = arith.constant 65535 : i32
        %and3A_734 = vector.broadcast %and3A_733 : i32 to vector<16xi32>
        %and3A_735 = arith.andi %get3A_732, %and3A_734 : vector<16xi32>
        %swap3A_736 = arith.constant 2 : i32
        %swap3A_737 = arith.index_cast %swap3A_736 : i32 to index
        %swap3A_738 = arith.constant 16 : index
        %swap3A_739 = tpu.vector_load %arg6[%swap3A_737, %swap3A_738] {strides = array<i32>} : memref<4x80xi32, #tpu.memory_space<vmem>>, vector<1x16xi32>,
        %swap3A_740 = vector.shape_cast %swap3A_739 : vector<1x16xi32> to vector<16xi32>
        %swap3A_741 = vector.shape_cast %and3A_735 : vector<16xi32> to vector<1x16xi32>
        tpu.vector_store %arg6[%swap3A_737, %swap3A_738], %swap3A_741 {strides = array<i32>} : memref<4x80xi32, #tpu.memory_space<vmem>>, vector<1x16xi32>,
        %shift_right_logical3A_742 = arith.constant 16 : i32
        %shift_right_logical3A_743 = vector.broadcast %shift_right_logical3A_742 : i32 to vector<16xi32>
        %shift_right_logical3A_744 = arith.shrui %get3A_732, %shift_right_logical3A_743 : vector<16xi32>
        %swap3A_745 = arith.constant 2 : i32
        %swap3A_746 = arith.index_cast %swap3A_745 : i32 to index
        %swap3A_747 = arith.constant 16 : index
        %swap3A_748 = tpu.vector_load %arg7[%swap3A_746, %swap3A_747] {strides = array<i32>} : memref<4x80xi32, #tpu.memory_space<vmem>>, vector<1x16xi32>,
        %swap3A_749 = vector.shape_cast %swap3A_748 : vector<1x16xi32> to vector<16xi32>
        %swap3A_750 = vector.shape_cast %shift_right_logical3A_744 : vector<16xi32> to vector<1x16xi32>
        tpu.vector_store %arg7[%swap3A_746, %swap3A_747], %swap3A_750 {strides = array<i32>} : memref<4x80xi32, #tpu.memory_space<vmem>>, vector<1x16xi32>,
        %get3A_751 = arith.constant 2 : i32
        %get3A_752 = arith.index_cast %get3A_751 : i32 to index
        %get3A_753 = arith.constant 32 : index
        %get3A_754 = tpu.vector_load %arg5[%get3A_752, %get3A_753] {strides = array<i32>} : memref<4x80xi32, #tpu.memory_space<vmem>>, vector<1x16xi32>,
        %get3A_755 = vector.shape_cast %get3A_754 : vector<1x16xi32> to vector<16xi32>
        %and3A_756 = arith.constant 65535 : i32
        %and3A_757 = vector.broadcast %and3A_756 : i32 to vector<16xi32>
        %and3A_758 = arith.andi %get3A_755, %and3A_757 : vector<16xi32>
        %swap3A_759 = arith.constant 2 : i32
        %swap3A_760 = arith.index_cast %swap3A_759 : i32 to index
        %swap3A_761 = arith.constant 32 : index
        %swap3A_762 = tpu.vector_load %arg6[%swap3A_760, %swap3A_761] {strides = array<i32>} : memref<4x80xi32, #tpu.memory_space<vmem>>, vector<1x16xi32>,
        %swap3A_763 = vector.shape_cast %swap3A_762 : vector<1x16xi32> to vector<16xi32>
        %swap3A_764 = vector.shape_cast %and3A_758 : vector<16xi32> to vector<1x16xi32>
        tpu.vector_store %arg6[%swap3A_760, %swap3A_761], %swap3A_764 {strides = array<i32>} : memref<4x80xi32, #tpu.memory_space<vmem>>, vector<1x16xi32>,
        %shift_right_logical3A_765 = arith.constant 16 : i32
        %shift_right_logical3A_766 = vector.broadcast %shift_right_logical3A_765 : i32 to vector<16xi32>
        %shift_right_logical3A_767 = arith.shrui %get3A_755, %shift_right_logical3A_766 : vector<16xi32>
        %swap3A_768 = arith.constant 2 : i32
        %swap3A_769 = arith.index_cast %swap3A_768 : i32 to index
        %swap3A_770 = arith.constant 32 : index
        %swap3A_771 = tpu.vector_load %arg7[%swap3A_769, %swap3A_770] {strides = array<i32>} : memref<4x80xi32, #tpu.memory_space<vmem>>, vector<1x16xi32>,
        %swap3A_772 = vector.shape_cast %swap3A_771 : vector<1x16xi32> to vector<16xi32>
        %swap3A_773 = vector.shape_cast %shift_right_logical3A_767 : vector<16xi32> to vector<1x16xi32>
        tpu.vector_store %arg7[%swap3A_769, %swap3A_770], %swap3A_773 {strides = array<i32>} : memref<4x80xi32, #tpu.memory_space<vmem>>, vector<1x16xi32>,
        %get3A_774 = arith.constant 2 : i32
        %get3A_775 = arith.index_cast %get3A_774 : i32 to index
        %get3A_776 = arith.constant 48 : index
        %get3A_777 = tpu.vector_load %arg5[%get3A_775, %get3A_776] {strides = array<i32>} : memref<4x80xi32, #tpu.memory_space<vmem>>, vector<1x16xi32>,
        %get3A_778 = vector.shape_cast %get3A_777 : vector<1x16xi32> to vector<16xi32>
        %and3A_779 = arith.constant 65535 : i32
        %and3A_780 = vector.broadcast %and3A_779 : i32 to vector<16xi32>
        %and3A_781 = arith.andi %get3A_778, %and3A_780 : vector<16xi32>
        %swap3A_782 = arith.constant 2 : i32
        %swap3A_783 = arith.index_cast %swap3A_782 : i32 to index
        %swap3A_784 = arith.constant 48 : index
        %swap3A_785 = tpu.vector_load %arg6[%swap3A_783, %swap3A_784] {strides = array<i32>} : memref<4x80xi32, #tpu.memory_space<vmem>>, vector<1x16xi32>,
        %swap3A_786 = vector.shape_cast %swap3A_785 : vector<1x16xi32> to vector<16xi32>
        %swap3A_787 = vector.shape_cast %and3A_781 : vector<16xi32> to vector<1x16xi32>
        tpu.vector_store %arg6[%swap3A_783, %swap3A_784], %swap3A_787 {strides = array<i32>} : memref<4x80xi32, #tpu.memory_space<vmem>>, vector<1x16xi32>,
        %shift_right_logical3A_788 = arith.constant 16 : i32
        %shift_right_logical3A_789 = vector.broadcast %shift_right_logical3A_788 : i32 to vector<16xi32>
        %shift_right_logical3A_790 = arith.shrui %get3A_778, %shift_right_logical3A_789 : vector<16xi32>
        %swap3A_791 = arith.constant 2 : i32
        %swap3A_792 = arith.index_cast %swap3A_791 : i32 to index
        %swap3A_793 = arith.constant 48 : index
        %swap3A_794 = tpu.vector_load %arg7[%swap3A_792, %swap3A_793] {strides = array<i32>} : memref<4x80xi32, #tpu.memory_space<vmem>>, vector<1x16xi32>,
        %swap3A_795 = vector.shape_cast %swap3A_794 : vector<1x16xi32> to vector<16xi32>
        %swap3A_796 = vector.shape_cast %shift_right_logical3A_790 : vector<16xi32> to vector<1x16xi32>
        tpu.vector_store %arg7[%swap3A_792, %swap3A_793], %swap3A_796 {strides = array<i32>} : memref<4x80xi32, #tpu.memory_space<vmem>>, vector<1x16xi32>,
        %get3A_797 = arith.constant 2 : i32
        %get3A_798 = arith.index_cast %get3A_797 : i32 to index
        %get3A_799 = arith.constant 64 : index
        %get3A_800 = tpu.vector_load %arg5[%get3A_798, %get3A_799] {strides = array<i32>} : memref<4x80xi32, #tpu.memory_space<vmem>>, vector<1x16xi32>,
        %get3A_801 = vector.shape_cast %get3A_800 : vector<1x16xi32> to vector<16xi32>
        %and3A_802 = arith.constant 65535 : i32
        %and3A_803 = vector.broadcast %and3A_802 : i32 to vector<16xi32>
        %and3A_804 = arith.andi %get3A_801, %and3A_803 : vector<16xi32>
        %swap3A_805 = arith.constant 2 : i32
        %swap3A_806 = arith.index_cast %swap3A_805 : i32 to index
        %swap3A_807 = arith.constant 64 : index
        %swap3A_808 = tpu.vector_load %arg6[%swap3A_806, %swap3A_807] {strides = array<i32>} : memref<4x80xi32, #tpu.memory_space<vmem>>, vector<1x16xi32>,
        %swap3A_809 = vector.shape_cast %swap3A_808 : vector<1x16xi32> to vector<16xi32>
        %swap3A_810 = vector.shape_cast %and3A_804 : vector<16xi32> to vector<1x16xi32>
        tpu.vector_store %arg6[%swap3A_806, %swap3A_807], %swap3A_810 {strides = array<i32>} : memref<4x80xi32, #tpu.memory_space<vmem>>, vector<1x16xi32>,
        %shift_right_logical3A_811 = arith.constant 16 : i32
        %shift_right_logical3A_812 = vector.broadcast %shift_right_logical3A_811 : i32 to vector<16xi32>
        %shift_right_logical3A_813 = arith.shrui %get3A_801, %shift_right_logical3A_812 : vector<16xi32>
        %swap3A_814 = arith.constant 2 : i32
        %swap3A_815 = arith.index_cast %swap3A_814 : i32 to index
        %swap3A_816 = arith.constant 64 : index
        %swap3A_817 = tpu.vector_load %arg7[%swap3A_815, %swap3A_816] {strides = array<i32>} : memref<4x80xi32, #tpu.memory_space<vmem>>, vector<1x16xi32>,
        %swap3A_818 = vector.shape_cast %swap3A_817 : vector<1x16xi32> to vector<16xi32>
        %swap3A_819 = vector.shape_cast %shift_right_logical3A_813 : vector<16xi32> to vector<1x16xi32>
        tpu.vector_store %arg7[%swap3A_815, %swap3A_816], %swap3A_819 {strides = array<i32>} : memref<4x80xi32, #tpu.memory_space<vmem>>, vector<1x16xi32>,
        %dma_start3A_820 = arith.constant 2 : i32
        %dma_start3A_821 = arith.constant 2 : i32
        %dma_start3A_822 = arith.constant 0 : i32
        %dma_start3A_823 = arith.constant 0 : i32
        %dma_start3A_824 = tpu.memref_slice %arg8[%dma_start3A_821, %dma_start3A_822, %dma_start3A_823] : memref<4x80x128xf32, #tpu.memory_space<vmem>> -> memref<1x80x128xf32, #tpu.memory_space<vmem>>
        %dma_start3A_825 = tpu.memref_squeeze %dma_start3A_824 : memref<1x80x128xf32, #tpu.memory_space<vmem>> -> memref<80x128xf32, #tpu.memory_space<vmem>>
        %dma_start3A_826 = arith.constant 0 : i32
        %dma_start3A_827 = tpu.memref_slice %arg6[%dma_start3A_820, %dma_start3A_826] : memref<4x80xi32, #tpu.memory_space<vmem>> -> memref<1x80xi32, #tpu.memory_space<vmem>>
        %dma_start3A_828 = tpu.memref_squeeze %dma_start3A_827 : memref<1x80xi32, #tpu.memory_space<vmem>> -> memref<80xi32, #tpu.memory_space<vmem>>
        %dma_start3A_829 = arith.constant 0 : i32
        %dma_start3A_830 = arith.constant 0 : i32
        %dma_start3A_831 = tpu.memref_slice %arg2[%dma_start3A_829, %dma_start3A_830] : memref<10000x128xf32, #tpu.memory_space<hbm>> -> memref<10000x128xf32, #tpu.memory_space<hbm>>
        tpu.enqueue_indirect_dma source(%dma_start3A_831 : memref<10000x128xf32, #tpu.memory_space<hbm>>) target(%dma_start3A_825 : memref<80x128xf32, #tpu.memory_space<vmem>>) offsets(%dma_start3A_828 : memref<80xi32, #tpu.memory_space<vmem>>) semaphore(%arg13 : memref<!tpu.dma_semaphore, #tpu.memory_space<semaphore_mem>>)
      } else {
      }
    }
    %scan3A_457 = arith.constant 31 : i32
    %dma_wait3A_458 = arith.constant 0 : i32
    %dma_wait3A_459 = arith.constant 0 : i32
    %dma_wait3A_460 = arith.constant 0 : i32
    %dma_wait3A_461 = arith.constant 0 : i32
    %dma_wait3A_462 = tpu.memref_slice %arg8[%dma_wait3A_459, %dma_wait3A_460, %dma_wait3A_461] : memref<4x80x128xf32, #tpu.memory_space<vmem>> -> memref<1x80x128xf32, #tpu.memory_space<vmem>>
    %dma_wait3A_463 = tpu.memref_squeeze %dma_wait3A_462 : memref<1x80x128xf32, #tpu.memory_space<vmem>> -> memref<80x128xf32, #tpu.memory_space<vmem>>
    %dma_wait3A_464 = arith.constant 0 : i32
    %dma_wait3A_465 = tpu.memref_slice %arg6[%dma_wait3A_458, %dma_wait3A_464] : memref<4x80xi32, #tpu.memory_space<vmem>> -> memref<1x80xi32, #tpu.memory_space<vmem>>
    %dma_wait3A_466 = tpu.memref_squeeze %dma_wait3A_465 : memref<1x80xi32, #tpu.memory_space<vmem>> -> memref<80xi32, #tpu.memory_space<vmem>>
    %dma_wait3A_467 = arith.constant 0 : i32
    %dma_wait3A_468 = arith.constant 0 : i32
    %dma_wait3A_469 = tpu.memref_slice %arg2[%dma_wait3A_467, %dma_wait3A_468] : memref<10000x128xf32, #tpu.memory_space<hbm>> -> memref<10000x128xf32, #tpu.memory_space<hbm>>
    tpu.wait_indirect_dma semaphore(%arg11 : memref<!tpu.dma_semaphore, #tpu.memory_space<semaphore_mem>>) src(%dma_wait3A_469 : memref<10000x128xf32, #tpu.memory_space<hbm>>) dst(%dma_wait3A_463 : memref<80x128xf32, #tpu.memory_space<vmem>>)
    %dma_start3A_470 = arith.constant 0 : i32
    %dma_start3A_471 = arith.constant 0 : i32
    %dma_start3A_472 = arith.constant 0 : i32
    %dma_start3A_473 = arith.constant 0 : i32
    %dma_start3A_474 = tpu.memref_slice %arg8[%dma_start3A_470, %dma_start3A_472, %dma_start3A_473] : memref<4x80x128xf32, #tpu.memory_space<vmem>> -> memref<1x80x128xf32, #tpu.memory_space<vmem>>
    %dma_start3A_475 = tpu.memref_squeeze %dma_start3A_474 : memref<1x80x128xf32, #tpu.memory_space<vmem>> -> memref<80x128xf32, #tpu.memory_space<vmem>>
    %dma_start3A_476 = arith.constant 0 : i32
    %dma_start3A_477 = tpu.memref_slice %arg7[%dma_start3A_471, %dma_start3A_476] : memref<4x80xi32, #tpu.memory_space<vmem>> -> memref<1x80xi32, #tpu.memory_space<vmem>>
    %dma_start3A_478 = tpu.memref_squeeze %dma_start3A_477 : memref<1x80xi32, #tpu.memory_space<vmem>> -> memref<80xi32, #tpu.memory_space<vmem>>
    %dma_start3A_479 = arith.constant 0 : i32
    %dma_start3A_480 = arith.constant 0 : i32
    %dma_start3A_481 = tpu.memref_slice %arg10[%dma_start3A_479, %dma_start3A_480] : memref<10000x128xf32, #tpu.memory_space<vmem_shared>> -> memref<10000x128xf32, #tpu.memory_space<vmem_shared>>
    tpu.enqueue_indirect_dma source(%dma_start3A_475 : memref<80x128xf32, #tpu.memory_space<vmem>>) target(%dma_start3A_481 : memref<10000x128xf32, #tpu.memory_space<vmem_shared>>) offsets(%dma_start3A_478 : memref<80xi32, #tpu.memory_space<vmem>>) semaphore(%arg15 : memref<!tpu.dma_semaphore, #tpu.memory_space<semaphore_mem>>) {add = true}
    %dma_wait3A_482 = arith.constant 1 : i32
    %dma_wait3A_483 = arith.constant 1 : i32
    %dma_wait3A_484 = arith.constant 0 : i32
    %dma_wait3A_485 = arith.constant 0 : i32
    %dma_wait3A_486 = tpu.memref_slice %arg8[%dma_wait3A_482, %dma_wait3A_484, %dma_wait3A_485] : memref<4x80x128xf32, #tpu.memory_space<vmem>> -> memref<1x80x128xf32, #tpu.memory_space<vmem>>
    %dma_wait3A_487 = tpu.memref_squeeze %dma_wait3A_486 : memref<1x80x128xf32, #tpu.memory_space<vmem>> -> memref<80x128xf32, #tpu.memory_space<vmem>>
    %dma_wait3A_488 = arith.constant 0 : i32
    %dma_wait3A_489 = tpu.memref_slice %arg7[%dma_wait3A_483, %dma_wait3A_488] : memref<4x80xi32, #tpu.memory_space<vmem>> -> memref<1x80xi32, #tpu.memory_space<vmem>>
    %dma_wait3A_490 = tpu.memref_squeeze %dma_wait3A_489 : memref<1x80xi32, #tpu.memory_space<vmem>> -> memref<80xi32, #tpu.memory_space<vmem>>
    %dma_wait3A_491 = arith.constant 0 : i32
    %dma_wait3A_492 = arith.constant 0 : i32
    %dma_wait3A_493 = tpu.memref_slice %arg10[%dma_wait3A_491, %dma_wait3A_492] : memref<10000x128xf32, #tpu.memory_space<vmem_shared>> -> memref<10000x128xf32, #tpu.memory_space<vmem_shared>>
    tpu.wait_indirect_dma semaphore(%arg16 : memref<!tpu.dma_semaphore, #tpu.memory_space<semaphore_mem>>) src(%dma_wait3A_487 : memref<80x128xf32, #tpu.memory_space<vmem>>) dst(%dma_wait3A_493 : memref<10000x128xf32, #tpu.memory_space<vmem_shared>>)
    %dma_wait3A_494 = arith.constant 2 : i32
    %dma_wait3A_495 = arith.constant 2 : i32
    %dma_wait3A_496 = arith.constant 0 : i32
    %dma_wait3A_497 = arith.constant 0 : i32
    %dma_wait3A_498 = tpu.memref_slice %arg8[%dma_wait3A_494, %dma_wait3A_496, %dma_wait3A_497] : memref<4x80x128xf32, #tpu.memory_space<vmem>> -> memref<1x80x128xf32, #tpu.memory_space<vmem>>
    %dma_wait3A_499 = tpu.memref_squeeze %dma_wait3A_498 : memref<1x80x128xf32, #tpu.memory_space<vmem>> -> memref<80x128xf32, #tpu.memory_space<vmem>>
    %dma_wait3A_500 = arith.constant 0 : i32
    %dma_wait3A_501 = tpu.memref_slice %arg7[%dma_wait3A_495, %dma_wait3A_500] : memref<4x80xi32, #tpu.memory_space<vmem>> -> memref<1x80xi32, #tpu.memory_space<vmem>>
    %dma_wait3A_502 = tpu.memref_squeeze %dma_wait3A_501 : memref<1x80xi32, #tpu.memory_space<vmem>> -> memref<80xi32, #tpu.memory_space<vmem>>
    %dma_wait3A_503 = arith.constant 0 : i32
    %dma_wait3A_504 = arith.constant 0 : i32
    %dma_wait3A_505 = tpu.memref_slice %arg10[%dma_wait3A_503, %dma_wait3A_504] : memref<10000x128xf32, #tpu.memory_space<vmem_shared>> -> memref<10000x128xf32, #tpu.memory_space<vmem_shared>>
    tpu.wait_indirect_dma semaphore(%arg17 : memref<!tpu.dma_semaphore, #tpu.memory_space<semaphore_mem>>) src(%dma_wait3A_499 : memref<80x128xf32, #tpu.memory_space<vmem>>) dst(%dma_wait3A_505 : memref<10000x128xf32, #tpu.memory_space<vmem_shared>>)
    %dma_wait3A_506 = arith.constant 3 : i32
    %dma_wait3A_507 = arith.constant 3 : i32
    %dma_wait3A_508 = arith.constant 0 : i32
    %dma_wait3A_509 = arith.constant 0 : i32
    %dma_wait3A_510 = tpu.memref_slice %arg8[%dma_wait3A_506, %dma_wait3A_508, %dma_wait3A_509] : memref<4x80x128xf32, #tpu.memory_space<vmem>> -> memref<1x80x128xf32, #tpu.memory_space<vmem>>
    %dma_wait3A_511 = tpu.memref_squeeze %dma_wait3A_510 : memref<1x80x128xf32, #tpu.memory_space<vmem>> -> memref<80x128xf32, #tpu.memory_space<vmem>>
    %dma_wait3A_512 = arith.constant 0 : i32
    %dma_wait3A_513 = tpu.memref_slice %arg7[%dma_wait3A_507, %dma_wait3A_512] : memref<4x80xi32, #tpu.memory_space<vmem>> -> memref<1x80xi32, #tpu.memory_space<vmem>>
    %dma_wait3A_514 = tpu.memref_squeeze %dma_wait3A_513 : memref<1x80xi32, #tpu.memory_space<vmem>> -> memref<80xi32, #tpu.memory_space<vmem>>
    %dma_wait3A_515 = arith.constant 0 : i32
    %dma_wait3A_516 = arith.constant 0 : i32
    %dma_wait3A_517 = tpu.memref_slice %arg10[%dma_wait3A_515, %dma_wait3A_516] : memref<10000x128xf32, #tpu.memory_space<vmem_shared>> -> memref<10000x128xf32, #tpu.memory_space<vmem_shared>>
    tpu.wait_indirect_dma semaphore(%arg18 : memref<!tpu.dma_semaphore, #tpu.memory_space<semaphore_mem>>) src(%dma_wait3A_511 : memref<80x128xf32, #tpu.memory_space<vmem>>) dst(%dma_wait3A_517 : memref<10000x128xf32, #tpu.memory_space<vmem_shared>>)
    %dma_wait3A_518 = arith.constant 0 : i32
    %dma_wait3A_519 = arith.constant 0 : i32
    %dma_wait3A_520 = arith.constant 0 : i32
    %dma_wait3A_521 = arith.constant 0 : i32
    %dma_wait3A_522 = tpu.memref_slice %arg8[%dma_wait3A_518, %dma_wait3A_520, %dma_wait3A_521] : memref<4x80x128xf32, #tpu.memory_space<vmem>> -> memref<1x80x128xf32, #tpu.memory_space<vmem>>
    %dma_wait3A_523 = tpu.memref_squeeze %dma_wait3A_522 : memref<1x80x128xf32, #tpu.memory_space<vmem>> -> memref<80x128xf32, #tpu.memory_space<vmem>>
    %dma_wait3A_524 = arith.constant 0 : i32
    %dma_wait3A_525 = tpu.memref_slice %arg7[%dma_wait3A_519, %dma_wait3A_524] : memref<4x80xi32, #tpu.memory_space<vmem>> -> memref<1x80xi32, #tpu.memory_space<vmem>>
    %dma_wait3A_526 = tpu.memref_squeeze %dma_wait3A_525 : memref<1x80xi32, #tpu.memory_space<vmem>> -> memref<80xi32, #tpu.memory_space<vmem>>
    %dma_wait3A_527 = arith.constant 0 : i32
    %dma_wait3A_528 = arith.constant 0 : i32
    %dma_wait3A_529 = tpu.memref_slice %arg10[%dma_wait3A_527, %dma_wait3A_528] : memref<10000x128xf32, #tpu.memory_space<vmem_shared>> -> memref<10000x128xf32, #tpu.memory_space<vmem_shared>>
    tpu.wait_indirect_dma semaphore(%arg15 : memref<!tpu.dma_semaphore, #tpu.memory_space<semaphore_mem>>) src(%dma_wait3A_523 : memref<80x128xf32, #tpu.memory_space<vmem>>) dst(%dma_wait3A_529 : memref<10000x128xf32, #tpu.memory_space<vmem_shared>>)
    %barrier3A_530 = arith.constant 0 : index
    tpu.barrier barrier_id(%barrier3A_530)
    %mul3A_531 = arith.constant 624 : i32
    %mul3A_532 = arith.muli %arg1, %mul3A_531 : i32
    %mul3A_533 = arith.constant 624 : i32
    %mul3A_534 = arith.muli %arg1, %mul3A_533 : i32
    "tpu.region"() ({
      %run_scoped3A = tpu.sem_alloc : memref<!tpu.dma_semaphore, #tpu.memory_space<semaphore_mem>>
      %dma_start3A_540 = arith.constant 0 : i32
      %dma_start3A_541 = tpu.memref_slice %arg4[%arg0, %mul3A_534, %dma_start3A_540] : memref<2x10000x128xf32, #tpu.memory_space<hbm>> -> memref<1x624x128xf32, #tpu.memory_space<hbm>>
      %dma_start3A_542 = tpu.memref_squeeze %dma_start3A_541 : memref<1x624x128xf32, #tpu.memory_space<hbm>> -> memref<624x128xf32, #tpu.memory_space<hbm>>
      %dma_start3A_543 = arith.constant 0 : i32
      %dma_start3A_544 = tpu.memref_slice %arg10[%mul3A_532, %dma_start3A_543] : memref<10000x128xf32, #tpu.memory_space<vmem_shared>> -> memref<624x128xf32, #tpu.memory_space<vmem_shared>>
      tpu.enqueue_dma source(%dma_start3A_544 : memref<624x128xf32, #tpu.memory_space<vmem_shared>>) target(%dma_start3A_542 : memref<624x128xf32, #tpu.memory_space<hbm>>) target_semaphore(%run_scoped3A : memref<!tpu.dma_semaphore, #tpu.memory_space<semaphore_mem>>)
      %dma_wait3A_545 = arith.constant 0 : i32
      %dma_wait3A_546 = tpu.memref_slice %arg4[%arg0, %mul3A_534, %dma_wait3A_545] : memref<2x10000x128xf32, #tpu.memory_space<hbm>> -> memref<1x624x128xf32, #tpu.memory_space<hbm>>
      %dma_wait3A_547 = tpu.memref_squeeze %dma_wait3A_546 : memref<1x624x128xf32, #tpu.memory_space<hbm>> -> memref<624x128xf32, #tpu.memory_space<hbm>>
      %dma_wait3A_548 = arith.constant 0 : i32
      %dma_wait3A_549 = tpu.memref_slice %arg10[%mul3A_532, %dma_wait3A_548] : memref<10000x128xf32, #tpu.memory_space<vmem_shared>> -> memref<624x128xf32, #tpu.memory_space<vmem_shared>>
      tpu.wait_dma2 semaphore(%run_scoped3A : memref<!tpu.dma_semaphore, #tpu.memory_space<semaphore_mem>>) src(%dma_wait3A_549 : memref<624x128xf32, #tpu.memory_space<vmem_shared>>) dst(%dma_wait3A_547 : memref<624x128xf32, #tpu.memory_space<hbm>>)
      tpu.yield
    }) : () -> ()
    %eq3A_535 = arith.constant 15 : i32
    %eq3A_536 = arith.cmpi eq, %arg1, %eq3A_535 : i32
    %convert_element_type3A_537 = arith.extui %eq3A_536 : i1 to i32
    %cond3A_538 = arith.constant 0 : i32
    %cond3A_539 = arith.cmpi ne, %convert_element_type3A_537, %cond3A_538 : i32
    scf.if %cond3A_539 {
      "tpu.region"() ({
        %run_scoped3A = tpu.sem_alloc : memref<!tpu.dma_semaphore, #tpu.memory_space<semaphore_mem>>
        %dma_start3A_540 = arith.constant 9984 : i32
        %dma_start3A_541 = arith.constant 0 : i32
        %dma_start3A_542 = tpu.memref_slice %arg4[%arg0, %dma_start3A_540, %dma_start3A_541] : memref<2x10000x128xf32, #tpu.memory_space<hbm>> -> memref<1x16x128xf32, #tpu.memory_space<hbm>>
        %dma_start3A_543 = tpu.memref_squeeze %dma_start3A_542 : memref<1x16x128xf32, #tpu.memory_space<hbm>> -> memref<16x128xf32, #tpu.memory_space<hbm>>
        %dma_start3A_544 = arith.constant 9984 : i32
        %dma_start3A_545 = arith.constant 0 : i32
        %dma_start3A_546 = tpu.memref_slice %arg10[%dma_start3A_544, %dma_start3A_545] : memref<10000x128xf32, #tpu.memory_space<vmem_shared>> -> memref<16x128xf32, #tpu.memory_space<vmem_shared>>
        tpu.enqueue_dma source(%dma_start3A_546 : memref<16x128xf32, #tpu.memory_space<vmem_shared>>) target(%dma_start3A_543 : memref<16x128xf32, #tpu.memory_space<hbm>>) target_semaphore(%run_scoped3A : memref<!tpu.dma_semaphore, #tpu.memory_space<semaphore_mem>>)
        %dma_wait3A_547 = arith.constant 9984 : i32
        %dma_wait3A_548 = arith.constant 0 : i32
        %dma_wait3A_549 = tpu.memref_slice %arg4[%arg0, %dma_wait3A_547, %dma_wait3A_548] : memref<2x10000x128xf32, #tpu.memory_space<hbm>> -> memref<1x16x128xf32, #tpu.memory_space<hbm>>
        %dma_wait3A_550 = tpu.memref_squeeze %dma_wait3A_549 : memref<1x16x128xf32, #tpu.memory_space<hbm>> -> memref<16x128xf32, #tpu.memory_space<hbm>>
        %dma_wait3A_551 = arith.constant 9984 : i32
        %dma_wait3A_552 = arith.constant 0 : i32
        %dma_wait3A_553 = tpu.memref_slice %arg10[%dma_wait3A_551, %dma_wait3A_552] : memref<10000x128xf32, #tpu.memory_space<vmem_shared>> -> memref<16x128xf32, #tpu.memory_space<vmem_shared>>
        tpu.wait_dma2 semaphore(%run_scoped3A : memref<!tpu.dma_semaphore, #tpu.memory_space<semaphore_mem>>) src(%dma_wait3A_553 : memref<16x128xf32, #tpu.memory_space<vmem_shared>>) dst(%dma_wait3A_550 : memref<16x128xf32, #tpu.memory_space<hbm>>)
        tpu.yield
      }) : () -> ()
    } else {
    }
    return
  }
}

module attributes {stable_mosaic.version = 14 : i64} {
  func.func @_pack_body(%arg0: memref<2x320000xi32, #tpu.memory_space<vmem>>, %arg1: memref<320000xi32, #tpu.memory_space<vmem>>) attributes {dimension_semantics = [], scalar_prefetch = 0 : i64, scratch_operands = 0 : i64, tpu.core_type = #tpu.core_type<tc>} {
    %get3A = arith.constant 0 : index
    %get3A_0 = arith.constant 0 : index
    %get3A_1 = vector.load %arg0[%get3A, %get3A_0] : memref<2x320000xi32, #tpu.memory_space<vmem>>, vector<1x320000xi32>
    %get3A_2 = vector.shape_cast %get3A_1 : vector<1x320000xi32> to vector<320000xi32>
    %get3A_3 = arith.constant 1 : index
    %get3A_4 = arith.constant 0 : index
    %get3A_5 = vector.load %arg0[%get3A_3, %get3A_4] : memref<2x320000xi32, #tpu.memory_space<vmem>>, vector<1x320000xi32>
    %get3A_6 = vector.shape_cast %get3A_5 : vector<1x320000xi32> to vector<320000xi32>
    %shift_left3A = arith.constant 16 : i32
    %shift_left3A_7 = vector.broadcast %shift_left3A : i32 to vector<320000xi32>
    %shift_left3A_8 = arith.shli %get3A_6, %shift_left3A_7 : vector<320000xi32>
    %or3A = arith.ori %get3A_2, %shift_left3A_8 : vector<320000xi32>
    %swap3A = arith.constant 0 : index
    %swap3A_9 = vector.load %arg1[%swap3A] : memref<320000xi32, #tpu.memory_space<vmem>>, vector<320000xi32>
    tpu.vector_store %arg1[%swap3A], %or3A {strides = array<i32>} : memref<320000xi32, #tpu.memory_space<vmem>>, vector<320000xi32>,
    return
  }
}

module attributes {stable_mosaic.version = 14 : i64} {
  func.func @_mlp_body_plain(%arg0: i32, %arg1: i32, %arg2: memref<1000x128xf32, #tpu.memory_space<vmem>>, %arg3: memref<2x1000x128xf32, #tpu.memory_space<vmem>>, %arg4: memref<128x128xf32, #tpu.memory_space<vmem>>, %arg5: memref<1x128xf32, #tpu.memory_space<vmem>>, %arg6: memref<1x128xf32, #tpu.memory_space<vmem>>, %arg7: memref<1x128xf32, #tpu.memory_space<vmem>>, %arg8: memref<128x128xf32, #tpu.memory_space<vmem>>, %arg9: memref<1x128xf32, #tpu.memory_space<vmem>>, %arg10: memref<1x128xf32, #tpu.memory_space<vmem>>, %arg11: memref<1x128xf32, #tpu.memory_space<vmem>>, %arg12: memref<1000x128xf32, #tpu.memory_space<vmem>>, %arg13: memref<10000x128xf32, #tpu.memory_space<vmem>>, %arg14: memref<10000x128xf32, #tpu.memory_space<vmem>>, %arg15: memref<1x128xf32, #tpu.memory_space<vmem>>, %arg16: memref<1x128xf32, #tpu.memory_space<vmem>>, %arg17: memref<1x128xf32, #tpu.memory_space<vmem>>, %arg18: memref<1x128xf32, #tpu.memory_space<vmem>>, %arg19: memref<1x128xf32, #tpu.memory_space<vmem>>, %arg20: memref<1x128xf32, #tpu.memory_space<vmem>>, %arg21: memref<1x128xf32, #tpu.memory_space<vmem>>, %arg22: memref<1x128xf32, #tpu.memory_space<vmem>>) attributes {dimension_semantics = [#tpu.dimension_semantics<arbitrary>, #tpu.dimension_semantics<arbitrary>], iteration_bounds = array<i64: 3, 10>, scalar_prefetch = 0 : i64, scratch_operands = 10 : i64, tpu.core_type = #tpu.core_type<tc>, window_params = [{transform_indices = @transform_0, window_bounds = array<i64: 1000, 128>}, {transform_indices = @transform_1, window_bounds = array<i64: 2, 1000, 128>}, {pipeline_mode = #tpu.pipeline_mode<synchronous>, transform_indices = @transform_2, window_bounds = array<i64: 128, 128>}, {pipeline_mode = #tpu.pipeline_mode<synchronous>, transform_indices = @transform_3, window_bounds = array<i64: 1, 128>}, {pipeline_mode = #tpu.pipeline_mode<synchronous>, transform_indices = @transform_4, window_bounds = array<i64: 1, 128>}, {pipeline_mode = #tpu.pipeline_mode<synchronous>, transform_indices = @transform_5, window_bounds = array<i64: 1, 128>}, {pipeline_mode = #tpu.pipeline_mode<synchronous>, transform_indices = @transform_6, window_bounds = array<i64: 128, 128>}, {pipeline_mode = #tpu.pipeline_mode<synchronous>, transform_indices = @transform_7, window_bounds = array<i64: 1, 128>}, {pipeline_mode = #tpu.pipeline_mode<synchronous>, transform_indices = @transform_8, window_bounds = array<i64: 1, 128>}, {pipeline_mode = #tpu.pipeline_mode<synchronous>, transform_indices = @transform_9, window_bounds = array<i64: 1, 128>}, {transform_indices = @transform_10, window_bounds = array<i64: 1000, 128>}]} {
    %mul3A = arith.constant 1000 : i32
    %mul3A_0 = arith.muli %arg1, %mul3A : i32
    %eq3A = arith.constant 0 : i32
    %eq3A_1 = arith.cmpi eq, %arg0, %eq3A : i32
    %eq3A_2 = arith.constant 0 : i32
    %eq3A_3 = arith.cmpi eq, %arg1, %eq3A_2 : i32
    %and3A = arith.andi %eq3A_1, %eq3A_3 : i1
    %convert_element_type3A = arith.extui %and3A : i1 to i32
    %cond3A = arith.constant 0 : i32
    %cond3A_4 = arith.cmpi ne, %convert_element_type3A, %cond3A : i32
    scf.if %cond3A_4 {
      %broadcast_in_dim3A = arith.constant 0.000000e+00 : f32
      %broadcast_in_dim3A_36 = vector.broadcast %broadcast_in_dim3A : f32 to vector<1x128xf32>
      %swap3A = arith.constant 0 : index
      %swap3A_37 = arith.constant 0 : index
      %swap3A_38 = vector.load %arg15[%swap3A, %swap3A_37] : memref<1x128xf32, #tpu.memory_space<vmem>>, vector<1x128xf32>
      tpu.vector_store %arg15[%swap3A, %swap3A_37], %broadcast_in_dim3A_36 {strides = array<i32>} : memref<1x128xf32, #tpu.memory_space<vmem>>, vector<1x128xf32>,
      %broadcast_in_dim3A_39 = arith.constant 0.000000e+00 : f32
      %broadcast_in_dim3A_40 = vector.broadcast %broadcast_in_dim3A_39 : f32 to vector<1x128xf32>
      %swap3A_41 = arith.constant 0 : index
      %swap3A_42 = arith.constant 0 : index
      %swap3A_43 = vector.load %arg16[%swap3A_41, %swap3A_42] : memref<1x128xf32, #tpu.memory_space<vmem>>, vector<1x128xf32>
      tpu.vector_store %arg16[%swap3A_41, %swap3A_42], %broadcast_in_dim3A_40 {strides = array<i32>} : memref<1x128xf32, #tpu.memory_space<vmem>>, vector<1x128xf32>,
    } else {
    }
    %eq3A_5 = arith.constant 0 : i32
    %eq3A_6 = arith.cmpi eq, %arg0, %eq3A_5 : i32
    %convert_element_type3A_7 = arith.extui %eq3A_6 : i1 to i32
    %cond3A_8 = arith.constant 0 : i32
    %cond3A_9 = arith.cmpi ne, %convert_element_type3A_7, %cond3A_8 : i32
    scf.if %cond3A_9 {
      %get3A = arith.constant 0 : index
      %get3A_36 = arith.constant 0 : index
      %get3A_37 = vector.load %arg2[%get3A, %get3A_36] : memref<1000x128xf32, #tpu.memory_space<vmem>>, vector<1000x128xf32>
      %get3A_38 = arith.constant 0 : index
      %get3A_39 = arith.constant 0 : index
      %get3A_40 = arith.constant 0 : index
      %get3A_41 = vector.load %arg3[%get3A_38, %get3A_39, %get3A_40] : memref<2x1000x128xf32, #tpu.memory_space<vmem>>, vector<1x1000x128xf32>
      %get3A_42 = vector.shape_cast %get3A_41 : vector<1x1000x128xf32> to vector<1000x128xf32>
      %add3A = arith.addf %get3A_37, %get3A_42 : vector<1000x128xf32>
      %get3A_43 = arith.constant 1 : index
      %get3A_44 = arith.constant 0 : index
      %get3A_45 = arith.constant 0 : index
      %get3A_46 = vector.load %arg3[%get3A_43, %get3A_44, %get3A_45] : memref<2x1000x128xf32, #tpu.memory_space<vmem>>, vector<1x1000x128xf32>
      %get3A_47 = vector.shape_cast %get3A_46 : vector<1x1000x128xf32> to vector<1000x128xf32>
      %add3A_48 = arith.addf %add3A, %get3A_47 : vector<1000x128xf32>
      %get3A_49 = arith.constant 0 : index
      %get3A_50 = arith.constant 0 : index
      %get3A_51 = vector.load %arg4[%get3A_49, %get3A_50] : memref<128x128xf32, #tpu.memory_space<vmem>>, vector<128x128xf32>
      %dot_general3A = arith.constant dense<0.000000e+00> : vector<1000x128xf32>
      %dot_general3A_52 = tpu.matmul %add3A_48, %get3A_51, %dot_general3A {dimension_numbers = #tpu.dot_dimension_numbers<[1], [0], [0], [1], [0, 0, 1, 1], [], []>, transpose_lhs_hint = false} : vector<1000x128xf32>, vector<128x128xf32>, vector<1000x128xf32> -> vector<1000x128xf32>
      %get3A_53 = arith.constant 0 : index
      %get3A_54 = arith.constant 0 : index
      %get3A_55 = vector.load %arg5[%get3A_53, %get3A_54] : memref<1x128xf32, #tpu.memory_space<vmem>>, vector<1x128xf32>
      %add3A_56 = vector.broadcast %get3A_55 : vector<1x128xf32> to vector<1000x128xf32>
      %add3A_57 = arith.addf %dot_general3A_52, %add3A_56 : vector<1000x128xf32>
      %swap3A = arith.index_cast %mul3A_0 : i32 to index
      %swap3A_58 = arith.constant 0 : index
      %swap3A_59 = vector.load %arg13[%swap3A, %swap3A_58] : memref<10000x128xf32, #tpu.memory_space<vmem>>, vector<1000x128xf32>
      tpu.vector_store %arg13[%swap3A, %swap3A_58], %add3A_57 {strides = array<i32>} : memref<10000x128xf32, #tpu.memory_space<vmem>>, vector<1000x128xf32>,
      %get3A_60 = arith.constant 0 : index
      %get3A_61 = arith.constant 0 : index
      %get3A_62 = vector.load %arg15[%get3A_60, %get3A_61] : memref<1x128xf32, #tpu.memory_space<vmem>>, vector<1x128xf32>
      %reduce_sum3A = arith.constant dense<0.000000e+00> : vector<128xf32>
      %reduce_sum3A_63 = vector.multi_reduction <add>, %add3A_57, %reduce_sum3A [0] : vector<1000x128xf32> to vector<128xf32>
      %broadcast_in_dim3A = vector.shape_cast %reduce_sum3A_63 : vector<128xf32> to vector<1x128xf32>
      %add3A_64 = arith.addf %get3A_62, %broadcast_in_dim3A : vector<1x128xf32>
      %swap3A_65 = arith.constant 0 : index
      %swap3A_66 = arith.constant 0 : index
      %swap3A_67 = vector.load %arg15[%swap3A_65, %swap3A_66] : memref<1x128xf32, #tpu.memory_space<vmem>>, vector<1x128xf32>
      tpu.vector_store %arg15[%swap3A_65, %swap3A_66], %add3A_64 {strides = array<i32>} : memref<1x128xf32, #tpu.memory_space<vmem>>, vector<1x128xf32>,
      %get3A_68 = arith.constant 0 : index
      %get3A_69 = arith.constant 0 : index
      %get3A_70 = vector.load %arg16[%get3A_68, %get3A_69] : memref<1x128xf32, #tpu.memory_space<vmem>>, vector<1x128xf32>
      %mul3A_71 = arith.mulf %add3A_57, %add3A_57 : vector<1000x128xf32>
      %reduce_sum3A_72 = arith.constant dense<0.000000e+00> : vector<128xf32>
      %reduce_sum3A_73 = vector.multi_reduction <add>, %mul3A_71, %reduce_sum3A_72 [0] : vector<1000x128xf32> to vector<128xf32>
      %broadcast_in_dim3A_74 = vector.shape_cast %reduce_sum3A_73 : vector<128xf32> to vector<1x128xf32>
      %add3A_75 = arith.addf %get3A_70, %broadcast_in_dim3A_74 : vector<1x128xf32>
      %swap3A_76 = arith.constant 0 : index
      %swap3A_77 = arith.constant 0 : index
      %swap3A_78 = vector.load %arg16[%swap3A_76, %swap3A_77] : memref<1x128xf32, #tpu.memory_space<vmem>>, vector<1x128xf32>
      tpu.vector_store %arg16[%swap3A_76, %swap3A_77], %add3A_75 {strides = array<i32>} : memref<1x128xf32, #tpu.memory_space<vmem>>, vector<1x128xf32>,
    } else {
    }
    %eq3A_10 = arith.constant 1 : i32
    %eq3A_11 = arith.cmpi eq, %arg0, %eq3A_10 : i32
    %eq3A_12 = arith.constant 0 : i32
    %eq3A_13 = arith.cmpi eq, %arg1, %eq3A_12 : i32
    %and3A_14 = arith.andi %eq3A_11, %eq3A_13 : i1
    %convert_element_type3A_15 = arith.extui %and3A_14 : i1 to i32
    %cond3A_16 = arith.constant 0 : i32
    %cond3A_17 = arith.cmpi ne, %convert_element_type3A_15, %cond3A_16 : i32
    scf.if %cond3A_17 {
      %get3A = arith.constant 0 : index
      %get3A_36 = arith.constant 0 : index
      %get3A_37 = vector.load %arg15[%get3A, %get3A_36] : memref<1x128xf32, #tpu.memory_space<vmem>>, vector<1x128xf32>
      %div3A = arith.constant 1.000000e+04 : f32
      %div3A_38 = vector.broadcast %div3A : f32 to vector<1x128xf32>
      %div3A_39 = arith.divf %get3A_37, %div3A_38 : vector<1x128xf32>
      %get3A_40 = arith.constant 0 : index
      %get3A_41 = arith.constant 0 : index
      %get3A_42 = vector.load %arg16[%get3A_40, %get3A_41] : memref<1x128xf32, #tpu.memory_space<vmem>>, vector<1x128xf32>
      %div3A_43 = arith.constant 1.000000e+04 : f32
      %div3A_44 = vector.broadcast %div3A_43 : f32 to vector<1x128xf32>
      %div3A_45 = arith.divf %get3A_42, %div3A_44 : vector<1x128xf32>
      %mul3A_46 = arith.mulf %div3A_39, %div3A_39 : vector<1x128xf32>
      %sub3A = arith.subf %div3A_45, %mul3A_46 : vector<1x128xf32>
      %get3A_47 = arith.constant 0 : index
      %get3A_48 = arith.constant 0 : index
      %get3A_49 = vector.load %arg6[%get3A_47, %get3A_48] : memref<1x128xf32, #tpu.memory_space<vmem>>, vector<1x128xf32>
      %add3A = arith.constant 9.99999974E-6 : f32
      %add3A_50 = vector.broadcast %add3A : f32 to vector<1x128xf32>
      %add3A_51 = arith.addf %sub3A, %add3A_50 : vector<1x128xf32>
      %rsqrt3A = math.rsqrt %add3A_51 : vector<1x128xf32>
      %mul3A_52 = arith.mulf %get3A_49, %rsqrt3A : vector<1x128xf32>
      %swap3A = arith.constant 0 : index
      %swap3A_53 = arith.constant 0 : index
      %swap3A_54 = vector.load %arg19[%swap3A, %swap3A_53] : memref<1x128xf32, #tpu.memory_space<vmem>>, vector<1x128xf32>
      tpu.vector_store %arg19[%swap3A, %swap3A_53], %mul3A_52 {strides = array<i32>} : memref<1x128xf32, #tpu.memory_space<vmem>>, vector<1x128xf32>,
      %get3A_55 = arith.constant 0 : index
      %get3A_56 = arith.constant 0 : index
      %get3A_57 = vector.load %arg7[%get3A_55, %get3A_56] : memref<1x128xf32, #tpu.memory_space<vmem>>, vector<1x128xf32>
      %mul3A_58 = arith.mulf %div3A_39, %mul3A_52 : vector<1x128xf32>
      %sub3A_59 = arith.subf %get3A_57, %mul3A_58 : vector<1x128xf32>
      %swap3A_60 = arith.constant 0 : index
      %swap3A_61 = arith.constant 0 : index
      %swap3A_62 = vector.load %arg20[%swap3A_60, %swap3A_61] : memref<1x128xf32, #tpu.memory_space<vmem>>, vector<1x128xf32>
      tpu.vector_store %arg20[%swap3A_60, %swap3A_61], %sub3A_59 {strides = array<i32>} : memref<1x128xf32, #tpu.memory_space<vmem>>, vector<1x128xf32>,
      %broadcast_in_dim3A = arith.constant 0.000000e+00 : f32
      %broadcast_in_dim3A_63 = vector.broadcast %broadcast_in_dim3A : f32 to vector<1x128xf32>
      %swap3A_64 = arith.constant 0 : index
      %swap3A_65 = arith.constant 0 : index
      %swap3A_66 = vector.load %arg17[%swap3A_64, %swap3A_65] : memref<1x128xf32, #tpu.memory_space<vmem>>, vector<1x128xf32>
      tpu.vector_store %arg17[%swap3A_64, %swap3A_65], %broadcast_in_dim3A_63 {strides = array<i32>} : memref<1x128xf32, #tpu.memory_space<vmem>>, vector<1x128xf32>,
      %broadcast_in_dim3A_67 = arith.constant 0.000000e+00 : f32
      %broadcast_in_dim3A_68 = vector.broadcast %broadcast_in_dim3A_67 : f32 to vector<1x128xf32>
      %swap3A_69 = arith.constant 0 : index
      %swap3A_70 = arith.constant 0 : index
      %swap3A_71 = vector.load %arg18[%swap3A_69, %swap3A_70] : memref<1x128xf32, #tpu.memory_space<vmem>>, vector<1x128xf32>
      tpu.vector_store %arg18[%swap3A_69, %swap3A_70], %broadcast_in_dim3A_68 {strides = array<i32>} : memref<1x128xf32, #tpu.memory_space<vmem>>, vector<1x128xf32>,
    } else {
    }
    %eq3A_18 = arith.constant 1 : i32
    %eq3A_19 = arith.cmpi eq, %arg0, %eq3A_18 : i32
    %convert_element_type3A_20 = arith.extui %eq3A_19 : i1 to i32
    %cond3A_21 = arith.constant 0 : i32
    %cond3A_22 = arith.cmpi ne, %convert_element_type3A_20, %cond3A_21 : i32
    scf.if %cond3A_22 {
      %get3A = arith.index_cast %mul3A_0 : i32 to index
      %get3A_36 = arith.constant 0 : index
      %get3A_37 = vector.load %arg13[%get3A, %get3A_36] : memref<10000x128xf32, #tpu.memory_space<vmem>>, vector<1000x128xf32>
      %get3A_38 = arith.constant 0 : index
      %get3A_39 = arith.constant 0 : index
      %get3A_40 = vector.load %arg19[%get3A_38, %get3A_39] : memref<1x128xf32, #tpu.memory_space<vmem>>, vector<1x128xf32>
      %mul3A_41 = vector.broadcast %get3A_40 : vector<1x128xf32> to vector<1000x128xf32>
      %mul3A_42 = arith.mulf %get3A_37, %mul3A_41 : vector<1000x128xf32>
      %get3A_43 = arith.constant 0 : index
      %get3A_44 = arith.constant 0 : index
      %get3A_45 = vector.load %arg20[%get3A_43, %get3A_44] : memref<1x128xf32, #tpu.memory_space<vmem>>, vector<1x128xf32>
      %add3A = vector.broadcast %get3A_45 : vector<1x128xf32> to vector<1000x128xf32>
      %add3A_46 = arith.addf %mul3A_42, %add3A : vector<1000x128xf32>
      %max3A = arith.constant 0.000000e+00 : f32
      %max3A_47 = vector.broadcast %max3A : f32 to vector<1000x128xf32>
      %max3A_48 = arith.maximumf %add3A_46, %max3A_47 : vector<1000x128xf32>
      %get3A_49 = arith.constant 0 : index
      %get3A_50 = arith.constant 0 : index
      %get3A_51 = vector.load %arg8[%get3A_49, %get3A_50] : memref<128x128xf32, #tpu.memory_space<vmem>>, vector<128x128xf32>
      %dot_general3A = arith.constant dense<0.000000e+00> : vector<1000x128xf32>
      %dot_general3A_52 = tpu.matmul %max3A_48, %get3A_51, %dot_general3A {dimension_numbers = #tpu.dot_dimension_numbers<[1], [0], [0], [1], [0, 0, 1, 1], [], []>, transpose_lhs_hint = false} : vector<1000x128xf32>, vector<128x128xf32>, vector<1000x128xf32> -> vector<1000x128xf32>
      %get3A_53 = arith.constant 0 : index
      %get3A_54 = arith.constant 0 : index
      %get3A_55 = vector.load %arg9[%get3A_53, %get3A_54] : memref<1x128xf32, #tpu.memory_space<vmem>>, vector<1x128xf32>
      %add3A_56 = vector.broadcast %get3A_55 : vector<1x128xf32> to vector<1000x128xf32>
      %add3A_57 = arith.addf %dot_general3A_52, %add3A_56 : vector<1000x128xf32>
      %swap3A = arith.index_cast %mul3A_0 : i32 to index
      %swap3A_58 = arith.constant 0 : index
      %swap3A_59 = vector.load %arg14[%swap3A, %swap3A_58] : memref<10000x128xf32, #tpu.memory_space<vmem>>, vector<1000x128xf32>
      tpu.vector_store %arg14[%swap3A, %swap3A_58], %add3A_57 {strides = array<i32>} : memref<10000x128xf32, #tpu.memory_space<vmem>>, vector<1000x128xf32>,
      %get3A_60 = arith.constant 0 : index
      %get3A_61 = arith.constant 0 : index
      %get3A_62 = vector.load %arg17[%get3A_60, %get3A_61] : memref<1x128xf32, #tpu.memory_space<vmem>>, vector<1x128xf32>
      %reduce_sum3A = arith.constant dense<0.000000e+00> : vector<128xf32>
      %reduce_sum3A_63 = vector.multi_reduction <add>, %add3A_57, %reduce_sum3A [0] : vector<1000x128xf32> to vector<128xf32>
      %broadcast_in_dim3A = vector.shape_cast %reduce_sum3A_63 : vector<128xf32> to vector<1x128xf32>
      %add3A_64 = arith.addf %get3A_62, %broadcast_in_dim3A : vector<1x128xf32>
      %swap3A_65 = arith.constant 0 : index
      %swap3A_66 = arith.constant 0 : index
      %swap3A_67 = vector.load %arg17[%swap3A_65, %swap3A_66] : memref<1x128xf32, #tpu.memory_space<vmem>>, vector<1x128xf32>
      tpu.vector_store %arg17[%swap3A_65, %swap3A_66], %add3A_64 {strides = array<i32>} : memref<1x128xf32, #tpu.memory_space<vmem>>, vector<1x128xf32>,
      %get3A_68 = arith.constant 0 : index
      %get3A_69 = arith.constant 0 : index
      %get3A_70 = vector.load %arg18[%get3A_68, %get3A_69] : memref<1x128xf32, #tpu.memory_space<vmem>>, vector<1x128xf32>
      %mul3A_71 = arith.mulf %add3A_57, %add3A_57 : vector<1000x128xf32>
      %reduce_sum3A_72 = arith.constant dense<0.000000e+00> : vector<128xf32>
      %reduce_sum3A_73 = vector.multi_reduction <add>, %mul3A_71, %reduce_sum3A_72 [0] : vector<1000x128xf32> to vector<128xf32>
      %broadcast_in_dim3A_74 = vector.shape_cast %reduce_sum3A_73 : vector<128xf32> to vector<1x128xf32>
      %add3A_75 = arith.addf %get3A_70, %broadcast_in_dim3A_74 : vector<1x128xf32>
      %swap3A_76 = arith.constant 0 : index
      %swap3A_77 = arith.constant 0 : index
      %swap3A_78 = vector.load %arg18[%swap3A_76, %swap3A_77] : memref<1x128xf32, #tpu.memory_space<vmem>>, vector<1x128xf32>
      tpu.vector_store %arg18[%swap3A_76, %swap3A_77], %add3A_75 {strides = array<i32>} : memref<1x128xf32, #tpu.memory_space<vmem>>, vector<1x128xf32>,
    } else {
    }
    %eq3A_23 = arith.constant 2 : i32
    %eq3A_24 = arith.cmpi eq, %arg0, %eq3A_23 : i32
    %eq3A_25 = arith.constant 0 : i32
    %eq3A_26 = arith.cmpi eq, %arg1, %eq3A_25 : i32
    %and3A_27 = arith.andi %eq3A_24, %eq3A_26 : i1
    %convert_element_type3A_28 = arith.extui %and3A_27 : i1 to i32
    %cond3A_29 = arith.constant 0 : i32
    %cond3A_30 = arith.cmpi ne, %convert_element_type3A_28, %cond3A_29 : i32
    scf.if %cond3A_30 {
      %get3A = arith.constant 0 : index
      %get3A_36 = arith.constant 0 : index
      %get3A_37 = vector.load %arg17[%get3A, %get3A_36] : memref<1x128xf32, #tpu.memory_space<vmem>>, vector<1x128xf32>
      %div3A = arith.constant 1.000000e+04 : f32
      %div3A_38 = vector.broadcast %div3A : f32 to vector<1x128xf32>
      %div3A_39 = arith.divf %get3A_37, %div3A_38 : vector<1x128xf32>
      %get3A_40 = arith.constant 0 : index
      %get3A_41 = arith.constant 0 : index
      %get3A_42 = vector.load %arg18[%get3A_40, %get3A_41] : memref<1x128xf32, #tpu.memory_space<vmem>>, vector<1x128xf32>
      %div3A_43 = arith.constant 1.000000e+04 : f32
      %div3A_44 = vector.broadcast %div3A_43 : f32 to vector<1x128xf32>
      %div3A_45 = arith.divf %get3A_42, %div3A_44 : vector<1x128xf32>
      %mul3A_46 = arith.mulf %div3A_39, %div3A_39 : vector<1x128xf32>
      %sub3A = arith.subf %div3A_45, %mul3A_46 : vector<1x128xf32>
      %get3A_47 = arith.constant 0 : index
      %get3A_48 = arith.constant 0 : index
      %get3A_49 = vector.load %arg10[%get3A_47, %get3A_48] : memref<1x128xf32, #tpu.memory_space<vmem>>, vector<1x128xf32>
      %add3A = arith.constant 9.99999974E-6 : f32
      %add3A_50 = vector.broadcast %add3A : f32 to vector<1x128xf32>
      %add3A_51 = arith.addf %sub3A, %add3A_50 : vector<1x128xf32>
      %rsqrt3A = math.rsqrt %add3A_51 : vector<1x128xf32>
      %mul3A_52 = arith.mulf %get3A_49, %rsqrt3A : vector<1x128xf32>
      %swap3A = arith.constant 0 : index
      %swap3A_53 = arith.constant 0 : index
      %swap3A_54 = vector.load %arg21[%swap3A, %swap3A_53] : memref<1x128xf32, #tpu.memory_space<vmem>>, vector<1x128xf32>
      tpu.vector_store %arg21[%swap3A, %swap3A_53], %mul3A_52 {strides = array<i32>} : memref<1x128xf32, #tpu.memory_space<vmem>>, vector<1x128xf32>,
      %get3A_55 = arith.constant 0 : index
      %get3A_56 = arith.constant 0 : index
      %get3A_57 = vector.load %arg11[%get3A_55, %get3A_56] : memref<1x128xf32, #tpu.memory_space<vmem>>, vector<1x128xf32>
      %mul3A_58 = arith.mulf %div3A_39, %mul3A_52 : vector<1x128xf32>
      %sub3A_59 = arith.subf %get3A_57, %mul3A_58 : vector<1x128xf32>
      %swap3A_60 = arith.constant 0 : index
      %swap3A_61 = arith.constant 0 : index
      %swap3A_62 = vector.load %arg22[%swap3A_60, %swap3A_61] : memref<1x128xf32, #tpu.memory_space<vmem>>, vector<1x128xf32>
      tpu.vector_store %arg22[%swap3A_60, %swap3A_61], %sub3A_59 {strides = array<i32>} : memref<1x128xf32, #tpu.memory_space<vmem>>, vector<1x128xf32>,
    } else {
    }
    %eq3A_31 = arith.constant 2 : i32
    %eq3A_32 = arith.cmpi eq, %arg0, %eq3A_31 : i32
    %convert_element_type3A_33 = arith.extui %eq3A_32 : i1 to i32
    %cond3A_34 = arith.constant 0 : i32
    %cond3A_35 = arith.cmpi ne, %convert_element_type3A_33, %cond3A_34 : i32
    scf.if %cond3A_35 {
      %get3A = arith.index_cast %mul3A_0 : i32 to index
      %get3A_36 = arith.constant 0 : index
      %get3A_37 = vector.load %arg14[%get3A, %get3A_36] : memref<10000x128xf32, #tpu.memory_space<vmem>>, vector<1000x128xf32>
      %get3A_38 = arith.constant 0 : index
      %get3A_39 = arith.constant 0 : index
      %get3A_40 = vector.load %arg21[%get3A_38, %get3A_39] : memref<1x128xf32, #tpu.memory_space<vmem>>, vector<1x128xf32>
      %mul3A_41 = vector.broadcast %get3A_40 : vector<1x128xf32> to vector<1000x128xf32>
      %mul3A_42 = arith.mulf %get3A_37, %mul3A_41 : vector<1000x128xf32>
      %get3A_43 = arith.constant 0 : index
      %get3A_44 = arith.constant 0 : index
      %get3A_45 = vector.load %arg22[%get3A_43, %get3A_44] : memref<1x128xf32, #tpu.memory_space<vmem>>, vector<1x128xf32>
      %add3A = vector.broadcast %get3A_45 : vector<1x128xf32> to vector<1000x128xf32>
      %add3A_46 = arith.addf %mul3A_42, %add3A : vector<1000x128xf32>
      %max3A = arith.constant 0.000000e+00 : f32
      %max3A_47 = vector.broadcast %max3A : f32 to vector<1000x128xf32>
      %max3A_48 = arith.maximumf %add3A_46, %max3A_47 : vector<1000x128xf32>
      %swap3A = arith.constant 0 : index
      %swap3A_49 = arith.constant 0 : index
      %swap3A_50 = vector.load %arg12[%swap3A, %swap3A_49] : memref<1000x128xf32, #tpu.memory_space<vmem>>, vector<1000x128xf32>
      tpu.vector_store %arg12[%swap3A, %swap3A_49], %max3A_48 {strides = array<i32>} : memref<1000x128xf32, #tpu.memory_space<vmem>>, vector<1000x128xf32>,
    } else {
    }
    return
  }
  func.func @transform_0(%arg0: i32, %arg1: i32) -> (i32, i32) {
    %eq3A = arith.constant 0 : i32
    %eq3A_0 = arith.cmpi eq, %arg0, %eq3A : i32
    %jit3A = arith.constant 9 : i32
    %select_n3A = arith.select %eq3A_0, %arg1, %jit3A : i32
    %c0_i32 = arith.constant 0 : i32
    %c0_i32_1 = arith.constant 0 : i32
    return %select_n3A, %c0_i32 : i32, i32
  }
  func.func @transform_1(%arg0: i32, %arg1: i32) -> (i32, i32, i32) {
    %eq3A = arith.constant 0 : i32
    %eq3A_0 = arith.cmpi eq, %arg0, %eq3A : i32
    %jit3A = arith.constant 9 : i32
    %select_n3A = arith.select %eq3A_0, %arg1, %jit3A : i32
    %c0_i32 = arith.constant 0 : i32
    %c0_i32_1 = arith.constant 0 : i32
    %c0_i32_2 = arith.constant 0 : i32
    return %c0_i32, %select_n3A, %c0_i32_1 : i32, i32, i32
  }
  func.func @transform_2(%arg0: i32, %arg1: i32) -> (i32, i32) {
    %c0_i32 = arith.constant 0 : i32
    %c0_i32_0 = arith.constant 0 : i32
    %c0_i32_1 = arith.constant 0 : i32
    return %c0_i32, %c0_i32_0 : i32, i32
  }
  func.func @transform_3(%arg0: i32, %arg1: i32) -> (i32, i32) {
    %c0_i32 = arith.constant 0 : i32
    %c0_i32_0 = arith.constant 0 : i32
    %c0_i32_1 = arith.constant 0 : i32
    return %c0_i32, %c0_i32_0 : i32, i32
  }
  func.func @transform_4(%arg0: i32, %arg1: i32) -> (i32, i32) {
    %c0_i32 = arith.constant 0 : i32
    %c0_i32_0 = arith.constant 0 : i32
    %c0_i32_1 = arith.constant 0 : i32
    return %c0_i32, %c0_i32_0 : i32, i32
  }
  func.func @transform_5(%arg0: i32, %arg1: i32) -> (i32, i32) {
    %c0_i32 = arith.constant 0 : i32
    %c0_i32_0 = arith.constant 0 : i32
    %c0_i32_1 = arith.constant 0 : i32
    return %c0_i32, %c0_i32_0 : i32, i32
  }
  func.func @transform_6(%arg0: i32, %arg1: i32) -> (i32, i32) {
    %c0_i32 = arith.constant 0 : i32
    %c0_i32_0 = arith.constant 0 : i32
    %c0_i32_1 = arith.constant 0 : i32
    return %c0_i32, %c0_i32_0 : i32, i32
  }
  func.func @transform_7(%arg0: i32, %arg1: i32) -> (i32, i32) {
    %c0_i32 = arith.constant 0 : i32
    %c0_i32_0 = arith.constant 0 : i32
    %c0_i32_1 = arith.constant 0 : i32
    return %c0_i32, %c0_i32_0 : i32, i32
  }
  func.func @transform_8(%arg0: i32, %arg1: i32) -> (i32, i32) {
    %c0_i32 = arith.constant 0 : i32
    %c0_i32_0 = arith.constant 0 : i32
    %c0_i32_1 = arith.constant 0 : i32
    return %c0_i32, %c0_i32_0 : i32, i32
  }
  func.func @transform_9(%arg0: i32, %arg1: i32) -> (i32, i32) {
    %c0_i32 = arith.constant 0 : i32
    %c0_i32_0 = arith.constant 0 : i32
    %c0_i32_1 = arith.constant 0 : i32
    return %c0_i32, %c0_i32_0 : i32, i32
  }
  func.func @transform_10(%arg0: i32, %arg1: i32) -> (i32, i32) {
    %eq3A = arith.constant 2 : i32
    %eq3A_0 = arith.cmpi eq, %arg0, %eq3A : i32
    %jit3A = arith.constant 0 : i32
    %select_n3A = arith.select %eq3A_0, %arg1, %jit3A : i32
    %c0_i32 = arith.constant 0 : i32
    %c0_i32_1 = arith.constant 0 : i32
    return %select_n3A, %c0_i32 : i32, i32
  }
}

module attributes {stable_mosaic.version = 14 : i64} {
  func.func @_mlp_body_heads(%arg0: i32, %arg1: i32, %arg2: memref<1000x128xf32, #tpu.memory_space<vmem>>, %arg3: memref<2x1000x128xf32, #tpu.memory_space<vmem>>, %arg4: memref<128x128xf32, #tpu.memory_space<vmem>>, %arg5: memref<1x128xf32, #tpu.memory_space<vmem>>, %arg6: memref<1x128xf32, #tpu.memory_space<vmem>>, %arg7: memref<1x128xf32, #tpu.memory_space<vmem>>, %arg8: memref<128x128xf32, #tpu.memory_space<vmem>>, %arg9: memref<1x128xf32, #tpu.memory_space<vmem>>, %arg10: memref<1x128xf32, #tpu.memory_space<vmem>>, %arg11: memref<1x128xf32, #tpu.memory_space<vmem>>, %arg12: memref<128x128xf32, #tpu.memory_space<vmem>>, %arg13: memref<1x128xf32, #tpu.memory_space<vmem>>, %arg14: memref<1000x64xf32, #tpu.memory_space<vmem>>, %arg15: memref<1000x64xf32, #tpu.memory_space<vmem>>, %arg16: memref<10000x128xf32, #tpu.memory_space<vmem>>, %arg17: memref<10000x128xf32, #tpu.memory_space<vmem>>, %arg18: memref<1x128xf32, #tpu.memory_space<vmem>>, %arg19: memref<1x128xf32, #tpu.memory_space<vmem>>, %arg20: memref<1x128xf32, #tpu.memory_space<vmem>>, %arg21: memref<1x128xf32, #tpu.memory_space<vmem>>, %arg22: memref<1x128xf32, #tpu.memory_space<vmem>>, %arg23: memref<1x128xf32, #tpu.memory_space<vmem>>, %arg24: memref<1x128xf32, #tpu.memory_space<vmem>>, %arg25: memref<1x128xf32, #tpu.memory_space<vmem>>) attributes {dimension_semantics = [#tpu.dimension_semantics<arbitrary>, #tpu.dimension_semantics<arbitrary>], iteration_bounds = array<i64: 3, 10>, scalar_prefetch = 0 : i64, scratch_operands = 10 : i64, tpu.core_type = #tpu.core_type<tc>, window_params = [{transform_indices = @transform_0, window_bounds = array<i64: 1000, 128>}, {transform_indices = @transform_1, window_bounds = array<i64: 2, 1000, 128>}, {pipeline_mode = #tpu.pipeline_mode<synchronous>, transform_indices = @transform_2, window_bounds = array<i64: 128, 128>}, {pipeline_mode = #tpu.pipeline_mode<synchronous>, transform_indices = @transform_3, window_bounds = array<i64: 1, 128>}, {pipeline_mode = #tpu.pipeline_mode<synchronous>, transform_indices = @transform_4, window_bounds = array<i64: 1, 128>}, {pipeline_mode = #tpu.pipeline_mode<synchronous>, transform_indices = @transform_5, window_bounds = array<i64: 1, 128>}, {pipeline_mode = #tpu.pipeline_mode<synchronous>, transform_indices = @transform_6, window_bounds = array<i64: 128, 128>}, {pipeline_mode = #tpu.pipeline_mode<synchronous>, transform_indices = @transform_7, window_bounds = array<i64: 1, 128>}, {pipeline_mode = #tpu.pipeline_mode<synchronous>, transform_indices = @transform_8, window_bounds = array<i64: 1, 128>}, {pipeline_mode = #tpu.pipeline_mode<synchronous>, transform_indices = @transform_9, window_bounds = array<i64: 1, 128>}, {pipeline_mode = #tpu.pipeline_mode<synchronous>, transform_indices = @transform_10, window_bounds = array<i64: 128, 128>}, {pipeline_mode = #tpu.pipeline_mode<synchronous>, transform_indices = @transform_11, window_bounds = array<i64: 1, 128>}, {transform_indices = @transform_12, window_bounds = array<i64: 1000, 64>}, {transform_indices = @transform_13, window_bounds = array<i64: 1000, 64>}]} {
    %mul3A = arith.constant 1000 : i32
    %mul3A_0 = arith.muli %arg1, %mul3A : i32
    %eq3A = arith.constant 0 : i32
    %eq3A_1 = arith.cmpi eq, %arg0, %eq3A : i32
    %eq3A_2 = arith.constant 0 : i32
    %eq3A_3 = arith.cmpi eq, %arg1, %eq3A_2 : i32
    %and3A = arith.andi %eq3A_1, %eq3A_3 : i1
    %convert_element_type3A = arith.extui %and3A : i1 to i32
    %cond3A = arith.constant 0 : i32
    %cond3A_4 = arith.cmpi ne, %convert_element_type3A, %cond3A : i32
    scf.if %cond3A_4 {
      %broadcast_in_dim3A = arith.constant 0.000000e+00 : f32
      %broadcast_in_dim3A_36 = vector.broadcast %broadcast_in_dim3A : f32 to vector<1x128xf32>
      %swap3A = arith.constant 0 : index
      %swap3A_37 = arith.constant 0 : index
      %swap3A_38 = vector.load %arg18[%swap3A, %swap3A_37] : memref<1x128xf32, #tpu.memory_space<vmem>>, vector<1x128xf32>
      tpu.vector_store %arg18[%swap3A, %swap3A_37], %broadcast_in_dim3A_36 {strides = array<i32>} : memref<1x128xf32, #tpu.memory_space<vmem>>, vector<1x128xf32>,
      %broadcast_in_dim3A_39 = arith.constant 0.000000e+00 : f32
      %broadcast_in_dim3A_40 = vector.broadcast %broadcast_in_dim3A_39 : f32 to vector<1x128xf32>
      %swap3A_41 = arith.constant 0 : index
      %swap3A_42 = arith.constant 0 : index
      %swap3A_43 = vector.load %arg19[%swap3A_41, %swap3A_42] : memref<1x128xf32, #tpu.memory_space<vmem>>, vector<1x128xf32>
      tpu.vector_store %arg19[%swap3A_41, %swap3A_42], %broadcast_in_dim3A_40 {strides = array<i32>} : memref<1x128xf32, #tpu.memory_space<vmem>>, vector<1x128xf32>,
    } else {
    }
    %eq3A_5 = arith.constant 0 : i32
    %eq3A_6 = arith.cmpi eq, %arg0, %eq3A_5 : i32
    %convert_element_type3A_7 = arith.extui %eq3A_6 : i1 to i32
    %cond3A_8 = arith.constant 0 : i32
    %cond3A_9 = arith.cmpi ne, %convert_element_type3A_7, %cond3A_8 : i32
    scf.if %cond3A_9 {
      %get3A = arith.constant 0 : index
      %get3A_36 = arith.constant 0 : index
      %get3A_37 = vector.load %arg2[%get3A, %get3A_36] : memref<1000x128xf32, #tpu.memory_space<vmem>>, vector<1000x128xf32>
      %get3A_38 = arith.constant 0 : index
      %get3A_39 = arith.constant 0 : index
      %get3A_40 = arith.constant 0 : index
      %get3A_41 = vector.load %arg3[%get3A_38, %get3A_39, %get3A_40] : memref<2x1000x128xf32, #tpu.memory_space<vmem>>, vector<1x1000x128xf32>
      %get3A_42 = vector.shape_cast %get3A_41 : vector<1x1000x128xf32> to vector<1000x128xf32>
      %add3A = arith.addf %get3A_37, %get3A_42 : vector<1000x128xf32>
      %get3A_43 = arith.constant 1 : index
      %get3A_44 = arith.constant 0 : index
      %get3A_45 = arith.constant 0 : index
      %get3A_46 = vector.load %arg3[%get3A_43, %get3A_44, %get3A_45] : memref<2x1000x128xf32, #tpu.memory_space<vmem>>, vector<1x1000x128xf32>
      %get3A_47 = vector.shape_cast %get3A_46 : vector<1x1000x128xf32> to vector<1000x128xf32>
      %add3A_48 = arith.addf %add3A, %get3A_47 : vector<1000x128xf32>
      %get3A_49 = arith.constant 0 : index
      %get3A_50 = arith.constant 0 : index
      %get3A_51 = vector.load %arg4[%get3A_49, %get3A_50] : memref<128x128xf32, #tpu.memory_space<vmem>>, vector<128x128xf32>
      %dot_general3A = arith.constant dense<0.000000e+00> : vector<1000x128xf32>
      %dot_general3A_52 = tpu.matmul %add3A_48, %get3A_51, %dot_general3A {dimension_numbers = #tpu.dot_dimension_numbers<[1], [0], [0], [1], [0, 0, 1, 1], [], []>, transpose_lhs_hint = false} : vector<1000x128xf32>, vector<128x128xf32>, vector<1000x128xf32> -> vector<1000x128xf32>
      %get3A_53 = arith.constant 0 : index
      %get3A_54 = arith.constant 0 : index
      %get3A_55 = vector.load %arg5[%get3A_53, %get3A_54] : memref<1x128xf32, #tpu.memory_space<vmem>>, vector<1x128xf32>
      %add3A_56 = vector.broadcast %get3A_55 : vector<1x128xf32> to vector<1000x128xf32>
      %add3A_57 = arith.addf %dot_general3A_52, %add3A_56 : vector<1000x128xf32>
      %swap3A = arith.index_cast %mul3A_0 : i32 to index
      %swap3A_58 = arith.constant 0 : index
      %swap3A_59 = vector.load %arg16[%swap3A, %swap3A_58] : memref<10000x128xf32, #tpu.memory_space<vmem>>, vector<1000x128xf32>
      tpu.vector_store %arg16[%swap3A, %swap3A_58], %add3A_57 {strides = array<i32>} : memref<10000x128xf32, #tpu.memory_space<vmem>>, vector<1000x128xf32>,
      %get3A_60 = arith.constant 0 : index
      %get3A_61 = arith.constant 0 : index
      %get3A_62 = vector.load %arg18[%get3A_60, %get3A_61] : memref<1x128xf32, #tpu.memory_space<vmem>>, vector<1x128xf32>
      %reduce_sum3A = arith.constant dense<0.000000e+00> : vector<128xf32>
      %reduce_sum3A_63 = vector.multi_reduction <add>, %add3A_57, %reduce_sum3A [0] : vector<1000x128xf32> to vector<128xf32>
      %broadcast_in_dim3A = vector.shape_cast %reduce_sum3A_63 : vector<128xf32> to vector<1x128xf32>
      %add3A_64 = arith.addf %get3A_62, %broadcast_in_dim3A : vector<1x128xf32>
      %swap3A_65 = arith.constant 0 : index
      %swap3A_66 = arith.constant 0 : index
      %swap3A_67 = vector.load %arg18[%swap3A_65, %swap3A_66] : memref<1x128xf32, #tpu.memory_space<vmem>>, vector<1x128xf32>
      tpu.vector_store %arg18[%swap3A_65, %swap3A_66], %add3A_64 {strides = array<i32>} : memref<1x128xf32, #tpu.memory_space<vmem>>, vector<1x128xf32>,
      %get3A_68 = arith.constant 0 : index
      %get3A_69 = arith.constant 0 : index
      %get3A_70 = vector.load %arg19[%get3A_68, %get3A_69] : memref<1x128xf32, #tpu.memory_space<vmem>>, vector<1x128xf32>
      %mul3A_71 = arith.mulf %add3A_57, %add3A_57 : vector<1000x128xf32>
      %reduce_sum3A_72 = arith.constant dense<0.000000e+00> : vector<128xf32>
      %reduce_sum3A_73 = vector.multi_reduction <add>, %mul3A_71, %reduce_sum3A_72 [0] : vector<1000x128xf32> to vector<128xf32>
      %broadcast_in_dim3A_74 = vector.shape_cast %reduce_sum3A_73 : vector<128xf32> to vector<1x128xf32>
      %add3A_75 = arith.addf %get3A_70, %broadcast_in_dim3A_74 : vector<1x128xf32>
      %swap3A_76 = arith.constant 0 : index
      %swap3A_77 = arith.constant 0 : index
      %swap3A_78 = vector.load %arg19[%swap3A_76, %swap3A_77] : memref<1x128xf32, #tpu.memory_space<vmem>>, vector<1x128xf32>
      tpu.vector_store %arg19[%swap3A_76, %swap3A_77], %add3A_75 {strides = array<i32>} : memref<1x128xf32, #tpu.memory_space<vmem>>, vector<1x128xf32>,
    } else {
    }
    %eq3A_10 = arith.constant 1 : i32
    %eq3A_11 = arith.cmpi eq, %arg0, %eq3A_10 : i32
    %eq3A_12 = arith.constant 0 : i32
    %eq3A_13 = arith.cmpi eq, %arg1, %eq3A_12 : i32
    %and3A_14 = arith.andi %eq3A_11, %eq3A_13 : i1
    %convert_element_type3A_15 = arith.extui %and3A_14 : i1 to i32
    %cond3A_16 = arith.constant 0 : i32
    %cond3A_17 = arith.cmpi ne, %convert_element_type3A_15, %cond3A_16 : i32
    scf.if %cond3A_17 {
      %get3A = arith.constant 0 : index
      %get3A_36 = arith.constant 0 : index
      %get3A_37 = vector.load %arg18[%get3A, %get3A_36] : memref<1x128xf32, #tpu.memory_space<vmem>>, vector<1x128xf32>
      %div3A = arith.constant 1.000000e+04 : f32
      %div3A_38 = vector.broadcast %div3A : f32 to vector<1x128xf32>
      %div3A_39 = arith.divf %get3A_37, %div3A_38 : vector<1x128xf32>
      %get3A_40 = arith.constant 0 : index
      %get3A_41 = arith.constant 0 : index
      %get3A_42 = vector.load %arg19[%get3A_40, %get3A_41] : memref<1x128xf32, #tpu.memory_space<vmem>>, vector<1x128xf32>
      %div3A_43 = arith.constant 1.000000e+04 : f32
      %div3A_44 = vector.broadcast %div3A_43 : f32 to vector<1x128xf32>
      %div3A_45 = arith.divf %get3A_42, %div3A_44 : vector<1x128xf32>
      %mul3A_46 = arith.mulf %div3A_39, %div3A_39 : vector<1x128xf32>
      %sub3A = arith.subf %div3A_45, %mul3A_46 : vector<1x128xf32>
      %get3A_47 = arith.constant 0 : index
      %get3A_48 = arith.constant 0 : index
      %get3A_49 = vector.load %arg6[%get3A_47, %get3A_48] : memref<1x128xf32, #tpu.memory_space<vmem>>, vector<1x128xf32>
      %add3A = arith.constant 9.99999974E-6 : f32
      %add3A_50 = vector.broadcast %add3A : f32 to vector<1x128xf32>
      %add3A_51 = arith.addf %sub3A, %add3A_50 : vector<1x128xf32>
      %rsqrt3A = math.rsqrt %add3A_51 : vector<1x128xf32>
      %mul3A_52 = arith.mulf %get3A_49, %rsqrt3A : vector<1x128xf32>
      %swap3A = arith.constant 0 : index
      %swap3A_53 = arith.constant 0 : index
      %swap3A_54 = vector.load %arg22[%swap3A, %swap3A_53] : memref<1x128xf32, #tpu.memory_space<vmem>>, vector<1x128xf32>
      tpu.vector_store %arg22[%swap3A, %swap3A_53], %mul3A_52 {strides = array<i32>} : memref<1x128xf32, #tpu.memory_space<vmem>>, vector<1x128xf32>,
      %get3A_55 = arith.constant 0 : index
      %get3A_56 = arith.constant 0 : index
      %get3A_57 = vector.load %arg7[%get3A_55, %get3A_56] : memref<1x128xf32, #tpu.memory_space<vmem>>, vector<1x128xf32>
      %mul3A_58 = arith.mulf %div3A_39, %mul3A_52 : vector<1x128xf32>
      %sub3A_59 = arith.subf %get3A_57, %mul3A_58 : vector<1x128xf32>
      %swap3A_60 = arith.constant 0 : index
      %swap3A_61 = arith.constant 0 : index
      %swap3A_62 = vector.load %arg23[%swap3A_60, %swap3A_61] : memref<1x128xf32, #tpu.memory_space<vmem>>, vector<1x128xf32>
      tpu.vector_store %arg23[%swap3A_60, %swap3A_61], %sub3A_59 {strides = array<i32>} : memref<1x128xf32, #tpu.memory_space<vmem>>, vector<1x128xf32>,
      %broadcast_in_dim3A = arith.constant 0.000000e+00 : f32
      %broadcast_in_dim3A_63 = vector.broadcast %broadcast_in_dim3A : f32 to vector<1x128xf32>
      %swap3A_64 = arith.constant 0 : index
      %swap3A_65 = arith.constant 0 : index
      %swap3A_66 = vector.load %arg20[%swap3A_64, %swap3A_65] : memref<1x128xf32, #tpu.memory_space<vmem>>, vector<1x128xf32>
      tpu.vector_store %arg20[%swap3A_64, %swap3A_65], %broadcast_in_dim3A_63 {strides = array<i32>} : memref<1x128xf32, #tpu.memory_space<vmem>>, vector<1x128xf32>,
      %broadcast_in_dim3A_67 = arith.constant 0.000000e+00 : f32
      %broadcast_in_dim3A_68 = vector.broadcast %broadcast_in_dim3A_67 : f32 to vector<1x128xf32>
      %swap3A_69 = arith.constant 0 : index
      %swap3A_70 = arith.constant 0 : index
      %swap3A_71 = vector.load %arg21[%swap3A_69, %swap3A_70] : memref<1x128xf32, #tpu.memory_space<vmem>>, vector<1x128xf32>
      tpu.vector_store %arg21[%swap3A_69, %swap3A_70], %broadcast_in_dim3A_68 {strides = array<i32>} : memref<1x128xf32, #tpu.memory_space<vmem>>, vector<1x128xf32>,
    } else {
    }
    %eq3A_18 = arith.constant 1 : i32
    %eq3A_19 = arith.cmpi eq, %arg0, %eq3A_18 : i32
    %convert_element_type3A_20 = arith.extui %eq3A_19 : i1 to i32
    %cond3A_21 = arith.constant 0 : i32
    %cond3A_22 = arith.cmpi ne, %convert_element_type3A_20, %cond3A_21 : i32
    scf.if %cond3A_22 {
      %get3A = arith.index_cast %mul3A_0 : i32 to index
      %get3A_36 = arith.constant 0 : index
      %get3A_37 = vector.load %arg16[%get3A, %get3A_36] : memref<10000x128xf32, #tpu.memory_space<vmem>>, vector<1000x128xf32>
      %get3A_38 = arith.constant 0 : index
      %get3A_39 = arith.constant 0 : index
      %get3A_40 = vector.load %arg22[%get3A_38, %get3A_39] : memref<1x128xf32, #tpu.memory_space<vmem>>, vector<1x128xf32>
      %mul3A_41 = vector.broadcast %get3A_40 : vector<1x128xf32> to vector<1000x128xf32>
      %mul3A_42 = arith.mulf %get3A_37, %mul3A_41 : vector<1000x128xf32>
      %get3A_43 = arith.constant 0 : index
      %get3A_44 = arith.constant 0 : index
      %get3A_45 = vector.load %arg23[%get3A_43, %get3A_44] : memref<1x128xf32, #tpu.memory_space<vmem>>, vector<1x128xf32>
      %add3A = vector.broadcast %get3A_45 : vector<1x128xf32> to vector<1000x128xf32>
      %add3A_46 = arith.addf %mul3A_42, %add3A : vector<1000x128xf32>
      %max3A = arith.constant 0.000000e+00 : f32
      %max3A_47 = vector.broadcast %max3A : f32 to vector<1000x128xf32>
      %max3A_48 = arith.maximumf %add3A_46, %max3A_47 : vector<1000x128xf32>
      %get3A_49 = arith.constant 0 : index
      %get3A_50 = arith.constant 0 : index
      %get3A_51 = vector.load %arg8[%get3A_49, %get3A_50] : memref<128x128xf32, #tpu.memory_space<vmem>>, vector<128x128xf32>
      %dot_general3A = arith.constant dense<0.000000e+00> : vector<1000x128xf32>
      %dot_general3A_52 = tpu.matmul %max3A_48, %get3A_51, %dot_general3A {dimension_numbers = #tpu.dot_dimension_numbers<[1], [0], [0], [1], [0, 0, 1, 1], [], []>, transpose_lhs_hint = false} : vector<1000x128xf32>, vector<128x128xf32>, vector<1000x128xf32> -> vector<1000x128xf32>
      %get3A_53 = arith.constant 0 : index
      %get3A_54 = arith.constant 0 : index
      %get3A_55 = vector.load %arg9[%get3A_53, %get3A_54] : memref<1x128xf32, #tpu.memory_space<vmem>>, vector<1x128xf32>
      %add3A_56 = vector.broadcast %get3A_55 : vector<1x128xf32> to vector<1000x128xf32>
      %add3A_57 = arith.addf %dot_general3A_52, %add3A_56 : vector<1000x128xf32>
      %swap3A = arith.index_cast %mul3A_0 : i32 to index
      %swap3A_58 = arith.constant 0 : index
      %swap3A_59 = vector.load %arg17[%swap3A, %swap3A_58] : memref<10000x128xf32, #tpu.memory_space<vmem>>, vector<1000x128xf32>
      tpu.vector_store %arg17[%swap3A, %swap3A_58], %add3A_57 {strides = array<i32>} : memref<10000x128xf32, #tpu.memory_space<vmem>>, vector<1000x128xf32>,
      %get3A_60 = arith.constant 0 : index
      %get3A_61 = arith.constant 0 : index
      %get3A_62 = vector.load %arg20[%get3A_60, %get3A_61] : memref<1x128xf32, #tpu.memory_space<vmem>>, vector<1x128xf32>
      %reduce_sum3A = arith.constant dense<0.000000e+00> : vector<128xf32>
      %reduce_sum3A_63 = vector.multi_reduction <add>, %add3A_57, %reduce_sum3A [0] : vector<1000x128xf32> to vector<128xf32>
      %broadcast_in_dim3A = vector.shape_cast %reduce_sum3A_63 : vector<128xf32> to vector<1x128xf32>
      %add3A_64 = arith.addf %get3A_62, %broadcast_in_dim3A : vector<1x128xf32>
      %swap3A_65 = arith.constant 0 : index
      %swap3A_66 = arith.constant 0 : index
      %swap3A_67 = vector.load %arg20[%swap3A_65, %swap3A_66] : memref<1x128xf32, #tpu.memory_space<vmem>>, vector<1x128xf32>
      tpu.vector_store %arg20[%swap3A_65, %swap3A_66], %add3A_64 {strides = array<i32>} : memref<1x128xf32, #tpu.memory_space<vmem>>, vector<1x128xf32>,
      %get3A_68 = arith.constant 0 : index
      %get3A_69 = arith.constant 0 : index
      %get3A_70 = vector.load %arg21[%get3A_68, %get3A_69] : memref<1x128xf32, #tpu.memory_space<vmem>>, vector<1x128xf32>
      %mul3A_71 = arith.mulf %add3A_57, %add3A_57 : vector<1000x128xf32>
      %reduce_sum3A_72 = arith.constant dense<0.000000e+00> : vector<128xf32>
      %reduce_sum3A_73 = vector.multi_reduction <add>, %mul3A_71, %reduce_sum3A_72 [0] : vector<1000x128xf32> to vector<128xf32>
      %broadcast_in_dim3A_74 = vector.shape_cast %reduce_sum3A_73 : vector<128xf32> to vector<1x128xf32>
      %add3A_75 = arith.addf %get3A_70, %broadcast_in_dim3A_74 : vector<1x128xf32>
      %swap3A_76 = arith.constant 0 : index
      %swap3A_77 = arith.constant 0 : index
      %swap3A_78 = vector.load %arg21[%swap3A_76, %swap3A_77] : memref<1x128xf32, #tpu.memory_space<vmem>>, vector<1x128xf32>
      tpu.vector_store %arg21[%swap3A_76, %swap3A_77], %add3A_75 {strides = array<i32>} : memref<1x128xf32, #tpu.memory_space<vmem>>, vector<1x128xf32>,
    } else {
    }
    %eq3A_23 = arith.constant 2 : i32
    %eq3A_24 = arith.cmpi eq, %arg0, %eq3A_23 : i32
    %eq3A_25 = arith.constant 0 : i32
    %eq3A_26 = arith.cmpi eq, %arg1, %eq3A_25 : i32
    %and3A_27 = arith.andi %eq3A_24, %eq3A_26 : i1
    %convert_element_type3A_28 = arith.extui %and3A_27 : i1 to i32
    %cond3A_29 = arith.constant 0 : i32
    %cond3A_30 = arith.cmpi ne, %convert_element_type3A_28, %cond3A_29 : i32
    scf.if %cond3A_30 {
      %get3A = arith.constant 0 : index
      %get3A_36 = arith.constant 0 : index
      %get3A_37 = vector.load %arg20[%get3A, %get3A_36] : memref<1x128xf32, #tpu.memory_space<vmem>>, vector<1x128xf32>
      %div3A = arith.constant 1.000000e+04 : f32
      %div3A_38 = vector.broadcast %div3A : f32 to vector<1x128xf32>
      %div3A_39 = arith.divf %get3A_37, %div3A_38 : vector<1x128xf32>
      %get3A_40 = arith.constant 0 : index
      %get3A_41 = arith.constant 0 : index
      %get3A_42 = vector.load %arg21[%get3A_40, %get3A_41] : memref<1x128xf32, #tpu.memory_space<vmem>>, vector<1x128xf32>
      %div3A_43 = arith.constant 1.000000e+04 : f32
      %div3A_44 = vector.broadcast %div3A_43 : f32 to vector<1x128xf32>
      %div3A_45 = arith.divf %get3A_42, %div3A_44 : vector<1x128xf32>
      %mul3A_46 = arith.mulf %div3A_39, %div3A_39 : vector<1x128xf32>
      %sub3A = arith.subf %div3A_45, %mul3A_46 : vector<1x128xf32>
      %get3A_47 = arith.constant 0 : index
      %get3A_48 = arith.constant 0 : index
      %get3A_49 = vector.load %arg10[%get3A_47, %get3A_48] : memref<1x128xf32, #tpu.memory_space<vmem>>, vector<1x128xf32>
      %add3A = arith.constant 9.99999974E-6 : f32
      %add3A_50 = vector.broadcast %add3A : f32 to vector<1x128xf32>
      %add3A_51 = arith.addf %sub3A, %add3A_50 : vector<1x128xf32>
      %rsqrt3A = math.rsqrt %add3A_51 : vector<1x128xf32>
      %mul3A_52 = arith.mulf %get3A_49, %rsqrt3A : vector<1x128xf32>
      %swap3A = arith.constant 0 : index
      %swap3A_53 = arith.constant 0 : index
      %swap3A_54 = vector.load %arg24[%swap3A, %swap3A_53] : memref<1x128xf32, #tpu.memory_space<vmem>>, vector<1x128xf32>
      tpu.vector_store %arg24[%swap3A, %swap3A_53], %mul3A_52 {strides = array<i32>} : memref<1x128xf32, #tpu.memory_space<vmem>>, vector<1x128xf32>,
      %get3A_55 = arith.constant 0 : index
      %get3A_56 = arith.constant 0 : index
      %get3A_57 = vector.load %arg11[%get3A_55, %get3A_56] : memref<1x128xf32, #tpu.memory_space<vmem>>, vector<1x128xf32>
      %mul3A_58 = arith.mulf %div3A_39, %mul3A_52 : vector<1x128xf32>
      %sub3A_59 = arith.subf %get3A_57, %mul3A_58 : vector<1x128xf32>
      %swap3A_60 = arith.constant 0 : index
      %swap3A_61 = arith.constant 0 : index
      %swap3A_62 = vector.load %arg25[%swap3A_60, %swap3A_61] : memref<1x128xf32, #tpu.memory_space<vmem>>, vector<1x128xf32>
      tpu.vector_store %arg25[%swap3A_60, %swap3A_61], %sub3A_59 {strides = array<i32>} : memref<1x128xf32, #tpu.memory_space<vmem>>, vector<1x128xf32>,
    } else {
    }
    %eq3A_31 = arith.constant 2 : i32
    %eq3A_32 = arith.cmpi eq, %arg0, %eq3A_31 : i32
    %convert_element_type3A_33 = arith.extui %eq3A_32 : i1 to i32
    %cond3A_34 = arith.constant 0 : i32
    %cond3A_35 = arith.cmpi ne, %convert_element_type3A_33, %cond3A_34 : i32
    scf.if %cond3A_35 {
      %get3A = arith.index_cast %mul3A_0 : i32 to index
      %get3A_36 = arith.constant 0 : index
      %get3A_37 = vector.load %arg17[%get3A, %get3A_36] : memref<10000x128xf32, #tpu.memory_space<vmem>>, vector<1000x128xf32>
      %get3A_38 = arith.constant 0 : index
      %get3A_39 = arith.constant 0 : index
      %get3A_40 = vector.load %arg24[%get3A_38, %get3A_39] : memref<1x128xf32, #tpu.memory_space<vmem>>, vector<1x128xf32>
      %mul3A_41 = vector.broadcast %get3A_40 : vector<1x128xf32> to vector<1000x128xf32>
      %mul3A_42 = arith.mulf %get3A_37, %mul3A_41 : vector<1000x128xf32>
      %get3A_43 = arith.constant 0 : index
      %get3A_44 = arith.constant 0 : index
      %get3A_45 = vector.load %arg25[%get3A_43, %get3A_44] : memref<1x128xf32, #tpu.memory_space<vmem>>, vector<1x128xf32>
      %add3A = vector.broadcast %get3A_45 : vector<1x128xf32> to vector<1000x128xf32>
      %add3A_46 = arith.addf %mul3A_42, %add3A : vector<1000x128xf32>
      %max3A = arith.constant 0.000000e+00 : f32
      %max3A_47 = vector.broadcast %max3A : f32 to vector<1000x128xf32>
      %max3A_48 = arith.maximumf %add3A_46, %max3A_47 : vector<1000x128xf32>
      %get3A_49 = arith.constant 0 : index
      %get3A_50 = arith.constant 0 : index
      %get3A_51 = vector.load %arg12[%get3A_49, %get3A_50] : memref<128x128xf32, #tpu.memory_space<vmem>>, vector<128x128xf32>
      %dot_general3A = arith.constant dense<0.000000e+00> : vector<1000x128xf32>
      %dot_general3A_52 = tpu.matmul %max3A_48, %get3A_51, %dot_general3A {dimension_numbers = #tpu.dot_dimension_numbers<[1], [0], [0], [1], [0, 0, 1, 1], [], []>, transpose_lhs_hint = false} : vector<1000x128xf32>, vector<128x128xf32>, vector<1000x128xf32> -> vector<1000x128xf32>
      %get3A_53 = arith.constant 0 : index
      %get3A_54 = arith.constant 0 : index
      %get3A_55 = vector.load %arg13[%get3A_53, %get3A_54] : memref<1x128xf32, #tpu.memory_space<vmem>>, vector<1x128xf32>
      %add3A_56 = vector.broadcast %get3A_55 : vector<1x128xf32> to vector<1000x128xf32>
      %add3A_57 = arith.addf %dot_general3A_52, %add3A_56 : vector<1000x128xf32>
      %slice3A = vector.extract_strided_slice %add3A_57 {offsets = [0, 0], sizes = [1000, 64], strides = [1, 1]} : vector<1000x128xf32> to vector<1000x64xf32>
      %swap3A = arith.constant 0 : index
      %swap3A_58 = arith.constant 0 : index
      %swap3A_59 = vector.load %arg14[%swap3A, %swap3A_58] : memref<1000x64xf32, #tpu.memory_space<vmem>>, vector<1000x64xf32>
      tpu.vector_store %arg14[%swap3A, %swap3A_58], %slice3A {strides = array<i32>} : memref<1000x64xf32, #tpu.memory_space<vmem>>, vector<1000x64xf32>,
      %slice3A_60 = vector.extract_strided_slice %add3A_57 {offsets = [0, 64], sizes = [1000, 64], strides = [1, 1]} : vector<1000x128xf32> to vector<1000x64xf32>
      %swap3A_61 = arith.constant 0 : index
      %swap3A_62 = arith.constant 0 : index
      %swap3A_63 = vector.load %arg15[%swap3A_61, %swap3A_62] : memref<1000x64xf32, #tpu.memory_space<vmem>>, vector<1000x64xf32>
      tpu.vector_store %arg15[%swap3A_61, %swap3A_62], %slice3A_60 {strides = array<i32>} : memref<1000x64xf32, #tpu.memory_space<vmem>>, vector<1000x64xf32>,
    } else {
    }
    return
  }
  func.func @transform_0(%arg0: i32, %arg1: i32) -> (i32, i32) {
    %eq3A = arith.constant 0 : i32
    %eq3A_0 = arith.cmpi eq, %arg0, %eq3A : i32
    %jit3A = arith.constant 9 : i32
    %select_n3A = arith.select %eq3A_0, %arg1, %jit3A : i32
    %c0_i32 = arith.constant 0 : i32
    %c0_i32_1 = arith.constant 0 : i32
    return %select_n3A, %c0_i32 : i32, i32
  }
  func.func @transform_1(%arg0: i32, %arg1: i32) -> (i32, i32, i32) {
    %eq3A = arith.constant 0 : i32
    %eq3A_0 = arith.cmpi eq, %arg0, %eq3A : i32
    %jit3A = arith.constant 9 : i32
    %select_n3A = arith.select %eq3A_0, %arg1, %jit3A : i32
    %c0_i32 = arith.constant 0 : i32
    %c0_i32_1 = arith.constant 0 : i32
    %c0_i32_2 = arith.constant 0 : i32
    return %c0_i32, %select_n3A, %c0_i32_1 : i32, i32, i32
  }
  func.func @transform_2(%arg0: i32, %arg1: i32) -> (i32, i32) {
    %c0_i32 = arith.constant 0 : i32
    %c0_i32_0 = arith.constant 0 : i32
    %c0_i32_1 = arith.constant 0 : i32
    return %c0_i32, %c0_i32_0 : i32, i32
  }
  func.func @transform_3(%arg0: i32, %arg1: i32) -> (i32, i32) {
    %c0_i32 = arith.constant 0 : i32
    %c0_i32_0 = arith.constant 0 : i32
    %c0_i32_1 = arith.constant 0 : i32
    return %c0_i32, %c0_i32_0 : i32, i32
  }
  func.func @transform_4(%arg0: i32, %arg1: i32) -> (i32, i32) {
    %c0_i32 = arith.constant 0 : i32
    %c0_i32_0 = arith.constant 0 : i32
    %c0_i32_1 = arith.constant 0 : i32
    return %c0_i32, %c0_i32_0 : i32, i32
  }
  func.func @transform_5(%arg0: i32, %arg1: i32) -> (i32, i32) {
    %c0_i32 = arith.constant 0 : i32
    %c0_i32_0 = arith.constant 0 : i32
    %c0_i32_1 = arith.constant 0 : i32
    return %c0_i32, %c0_i32_0 : i32, i32
  }
  func.func @transform_6(%arg0: i32, %arg1: i32) -> (i32, i32) {
    %c0_i32 = arith.constant 0 : i32
    %c0_i32_0 = arith.constant 0 : i32
    %c0_i32_1 = arith.constant 0 : i32
    return %c0_i32, %c0_i32_0 : i32, i32
  }
  func.func @transform_7(%arg0: i32, %arg1: i32) -> (i32, i32) {
    %c0_i32 = arith.constant 0 : i32
    %c0_i32_0 = arith.constant 0 : i32
    %c0_i32_1 = arith.constant 0 : i32
    return %c0_i32, %c0_i32_0 : i32, i32
  }
  func.func @transform_8(%arg0: i32, %arg1: i32) -> (i32, i32) {
    %c0_i32 = arith.constant 0 : i32
    %c0_i32_0 = arith.constant 0 : i32
    %c0_i32_1 = arith.constant 0 : i32
    return %c0_i32, %c0_i32_0 : i32, i32
  }
  func.func @transform_9(%arg0: i32, %arg1: i32) -> (i32, i32) {
    %c0_i32 = arith.constant 0 : i32
    %c0_i32_0 = arith.constant 0 : i32
    %c0_i32_1 = arith.constant 0 : i32
    return %c0_i32, %c0_i32_0 : i32, i32
  }
  func.func @transform_10(%arg0: i32, %arg1: i32) -> (i32, i32) {
    %c0_i32 = arith.constant 0 : i32
    %c0_i32_0 = arith.constant 0 : i32
    %c0_i32_1 = arith.constant 0 : i32
    return %c0_i32, %c0_i32_0 : i32, i32
  }
  func.func @transform_11(%arg0: i32, %arg1: i32) -> (i32, i32) {
    %c0_i32 = arith.constant 0 : i32
    %c0_i32_0 = arith.constant 0 : i32
    %c0_i32_1 = arith.constant 0 : i32
    return %c0_i32, %c0_i32_0 : i32, i32
  }
  func.func @transform_12(%arg0: i32, %arg1: i32) -> (i32, i32) {
    %eq3A = arith.constant 2 : i32
    %eq3A_0 = arith.cmpi eq, %arg0, %eq3A : i32
    %jit3A = arith.constant 0 : i32
    %select_n3A = arith.select %eq3A_0, %arg1, %jit3A : i32
    %c0_i32 = arith.constant 0 : i32
    %c0_i32_1 = arith.constant 0 : i32
    return %select_n3A, %c0_i32 : i32, i32
  }
  func.func @transform_13(%arg0: i32, %arg1: i32) -> (i32, i32) {
    %eq3A = arith.constant 2 : i32
    %eq3A_0 = arith.cmpi eq, %arg0, %eq3A : i32
    %jit3A = arith.constant 0 : i32
    %select_n3A = arith.select %eq3A_0, %arg1, %jit3A : i32
    %c0_i32 = arith.constant 0 : i32
    %c0_i32_1 = arith.constant 0 : i32
    return %select_n3A, %c0_i32 : i32, i32
  }
}

</mosaic_0001>

<sc_bundles>
// kernel: kernel.10.cloned.1.call-start
scs
__scs_entry_jumppad:
0x0: {  	(pc) =	sbr.rel $0x88, $3  }
0x1: {  	(tag) =	ssettag $0x0;
	lr =	simm.s32 $0x1  }
0x2: {  	[smem:$0x3F8B] =	sst lr;
	_ =	strace $0xD0000000  }
0x3: {  	_ = 	snop  }
0x4: {  	_ = 	snop  }
0x5: {  	_ = 	snop  }
0x6: {  	_ = 	snop  }
0x7: {  	_ = 	snop  }
__scs_overlays_trampoline_lowered:
0x8: {  	[smem:$0x3F9A] =	sst s0  }
0x9: {  	[smem:$0x3F9B] =	sst s1  }
0xa: {  	[smem:$0x3F9C] =	sst s2  }
0xb: {  	[smem:$0x3F9D] =	sst s3  }
0xc: {  	[smem:$0x3F9E] =	sst s4  }
0xd: {  	[smem:$0x3F9F] =	sst s5  }
0xe: {  	[smem:$0x3FA0] =	sst s6  }
0xf: {  	[smem:$0x3FA1] =	sst s7  }
0x10: {  	[smem:$0x3FA2] =	sst s8  }
0x11: {  	[smem:$0x3FA3] =	sst s9;
	s0 =	simm.s32 @!p0 $0x0  }
0x12: {  	s1 =	sld [smem:$0x3F89];
	s0 =	simm.s32 @p0 $0x1  }
0x13: {  	[smem:$0x3FA4] =	sst s0;
	s0 =	simm.s32 @!p1 $0x0  }
0x14: {  	s2 =	sld [smem:$0x3F88];
	s0 =	simm.s32 @p1 $0x1  }
0x15: {  	[smem:$0x3FA5] =	sst s0;
	s0 =	simm.s32 @!p2 $0x0  }
0x16: {  	s3 =	sld [smem:$0x3FDB];
	s0 =	simm.s32 @p2 $0x1  }
0x17: {  	s4 =	simm.s32 $0x1BF5;
	[smem:$0x3FA7] =	sst s0  }
0x18: {  	s0 =	sld [smem:$0x3F8A];
	_ =	swait.ge [sflag:s4], $0x0  }
0x19: {  	s7 =	sld [smem:$0x3F8B]  }
0x1a: {  	s8 =	sadd.s32 $0xFFFFE003, lr  }
0x1b: {  	s9 =	sadd.s32 $0xFFFFFEF7, lr;
	s5 =	simm.s32 $0xFFFFFFFF;
	p2 =	slt.u32 s8, $0xFFFFF086  }
0x1c: {  	p1 =	slt.u32 s9, $0xF7A;
	s5 =	simm.s32 @!p2 $0x0  }
0x1d: {  	s5 =	simm.s32 @p1 $0x1;
	p0 =	seq.s32 s7, s2  }
0x1e: {  	s7 =	smul.u32 @!p0 $0xF7A, s2;
	p2 =	seq.s32 @!p0 s5, $0x0  }
0x1f: {  	s9 =	smul.u32 $0xF7A, s1;
	s8 =	simm.s32 @!p0 $0x1BF5;
	p2 =	por !p2, p0  }
0x20: {  	[sflag:s8] =	ssyncset.s32 @!p0 $0xFFFFF086;
	s6 =	sadd.s32 @!p0 s3, s7;
	s7 =	simm.s32 @!p0 $0x108  }
0x21: {  	s3 =	sadd.s32 s3, s9;
	s6 =	sadd.s32 @!p0 $0x88, s6;
	s7 =	simm.s32 @p2 $0x1082  }
0x22: {  	[simem:s7], [sflag:s8] =	dma.local @!p0 [hbm:s6], $0xF7A  }
0x23: {  	s9 =	sor.u32 $0xD0000000, s2;
	s6 =	simm.s32 $0x108;
	_ =	swait.ge @!p0 [sflag:s8], $0x0  }
0x24: {  	s3 =	sadd.s32 $0x88, s3;
	s6 =	simm.s32 @!p1 $0x1082;
	[sflag:s4] =	ssyncset.s32 $0xFFFFF086  }
0x25: {  	[simem:s6], [sflag:s4] =	dma.local [hbm:s3], $0xF7A  }
0x26: {  	[smem:$0x3F8B] =	sst s1;
	(tag) =	ssettag s2;
	_ =	strace s9  }
0x27: {  	s1 =	sld [smem:$0x3F9B]  }
0x28: {  	s2 =	sld [smem:$0x3F9C]  }
0x29: {  	s4 =	sld [smem:$0x3F9E]  }
0x2a: {  	p0 =	seq.s32 s5, $0x0;
	s5 =	sld [smem:$0x3F9F]  }
0x2b: {  	s6 =	sld [smem:$0x3FA0]  }
0x2c: {  	s7 =	sld [smem:$0x3FA1]  }
0x2d: {  	s3 =	simm.s32 $0x108;
	s8 =	sld [smem:$0x3FA2]  }
0x2e: {  	s3 =	simm.s32 @!p0 $0x1082;
	s9 =	sld [smem:$0x3FA3]  }
0x2f: {  	lr =	sadd.s32 s0, s3;
	s0 =	sld [smem:$0x3F9A]  }
0x30: {  	s3 =	sld [smem:$0x3F9D]  }
0x31: {  	[smem:$0x3FA6] =	sst s10  }
0x32: {  	s10 =	sld [smem:$0x3FA4];
	_ =	sdelay $0x3  }
0x33: {  	p0 =	seq.s32 s10, $0x1;
	s10 =	sld [smem:$0x3FA6];
	_ =	sdelay $0x3  }
0x34: {  	[smem:$0x3FA6] =	sst s10  }
0x35: {  	s10 =	sld [smem:$0x3FA5];
	_ =	sdelay $0x3  }
0x36: {  	p1 =	seq.s32 s10, $0x1;
	s10 =	sld [smem:$0x3FA6];
	_ =	sdelay $0x3  }
0x37: {  	[smem:$0x3FA6] =	sst s10  }
0x38: {  	s10 =	sld [smem:$0x3FA7]  }
0x39: {  	_ = 	snop;
	(pc) =	sbr.ind lr, $3  }
0x3a: {  	_ = 	snop  }
0x3b: {  	_ = 	snop  }
0x3c: {  	p2 =	seq.s32 s10, $0x1;
	s10 =	sld [smem:$0x3FA6]  }
0x3d: {  	_ =	shalt  }
0x3e: {  	_ =	shalt  }
0x3f: {  	_ =	shalt  }
0x40: {  	_ =	shalt  }
0x41: {  	_ =	shalt  }
0x42: {  	_ =	shalt  }
0x43: {  	_ =	shalt  }
0x44: {  	_ =	shalt  }
0x45: {  	_ =	shalt  }
0x46: {  	_ =	shalt  }
0x47: {  	_ =	shalt  }
0x48: {  	_ =	shalt  }
0x49: {  	_ =	shalt  }
0x4a: {  	_ =	shalt  }
0x4b: {  	_ =	shalt  }
0x4c: {  	_ =	shalt  }
0x4d: {  	_ =	shalt  }
0x4e: {  	_ =	shalt  }
0x4f: {  	_ =	shalt  }
0x50: {  	_ =	shalt  }
0x51: {  	_ =	shalt  }
0x52: {  	_ =	shalt  }
0x53: {  	_ =	shalt  }
0x54: {  	_ =	shalt  }
0x55: {  	_ =	shalt  }
0x56: {  	_ =	shalt  }
0x57: {  	_ =	shalt  }
0x58: {  	_ =	shalt  }
0x59: {  	_ =	shalt  }
0x5a: {  	_ =	shalt  }
0x5b: {  	_ =	shalt  }
0x5c: {  	_ =	shalt  }
0x5d: {  	_ =	shalt  }
0x5e: {  	_ =	shalt  }
0x5f: {  	_ =	shalt  }
0x60: {  	_ =	shalt  }
0x61: {  	_ =	shalt  }
0x62: {  	_ =	shalt  }
0x63: {  	_ =	shalt  }
0x64: {  	_ =	shalt  }
0x65: {  	_ =	shalt  }
0x66: {  	_ =	shalt  }
0x67: {  	_ =	shalt  }
0x68: {  	_ =	shalt  }
0x69: {  	_ =	shalt  }
0x6a: {  	_ =	shalt  }
0x6b: {  	_ =	shalt  }
0x6c: {  	_ =	shalt  }
0x6d: {  	_ =	shalt  }
0x6e: {  	_ =	shalt  }
0x6f: {  	_ =	shalt  }
0x70: {  	_ =	shalt  }
0x71: {  	_ =	shalt  }
0x72: {  	_ =	shalt  }
0x73: {  	_ =	shalt  }
0x74: {  	_ =	shalt  }
0x75: {  	_ =	shalt  }
0x76: {  	_ =	shalt  }
0x77: {  	_ =	shalt  }
0x78: {  	_ =	shalt  }
0x79: {  	_ =	shalt  }
0x7a: {  	_ =	shalt  }
0x7b: {  	_ =	shalt  }
0x7c: {  	_ =	shalt  }
0x7d: {  	_ =	shalt  }
0x7e: {  	_ =	shalt  }
0x7f: {  	_ =	shalt  }
0x80: {  	_ =	shalt  }
0x81: {  	_ =	shalt  }
0x82: {  	_ =	shalt  }
0x83: {  	_ =	shalt  }
0x84: {  	_ =	shalt  }
0x85: {  	_ =	shalt  }
0x86: {  	_ =	shalt  }
0x87: {  	_ =	shalt  }
.Lfunc_end0:
.L_simem_size_0:
called_computation.1_lowered:
.L_overlay_start_0:
0x88: {  	s2 =	sld [smem:$0x3FD9]  }
0x89: {  	s3 =	sld [smem:$0x3FFE];
	_ =	sdelay $0x1  }
0x8a: {  	s1 =	srdreg.scid  }
0x8b: {  	s0 =	sand.u32 $0x1, s1  }
0x8c: {  	s14 =	sshll.u32 s0, $0xA;
	s2 =	sadd.s32 s3, s2  }
0x8d: {  	s2 =	sadd.s32 s2, s14  }
0x8e: {  	[smem:$0x3FB2] =	sst s2  }
0x8f: {  	_ = 	snop  }
0x90: {  	s2 =	sld [smem:$0x3FD0];
	_ =	sdelay $0x2  }
0x91: {  	s15 =	simm.s32 $0xA;
	s4 =	simm.s32 $0x10  }
0x92: {  	[smem:s4], [sflag:s15] =	dma.local [hbm:s2], $0x1  }
0x93: {  	_ =	swait.eq [sflag:s15], $0x1  }
0x94: {  	[sflag:s15] =	ssyncset.done $0x0  }
0x95: {  	[sflag:s15] =	ssyncadd.s32 $0xFFFFFFFF  }
0x96: {  	s16 =	sld [smem:$0x11];
	(tm) =	ssettm $0x1  }
0x97: {  	s17 =	sld [smem:$0x3FFB];
	_ =	sdelay $0x3  }
0x98: {  	_ =	strace s17  }
0x99: {  	s3 =	sld [smem:$0x3FFC];
	_ =	sdelay $0x3  }
0x9a: {  	_ =	strace s3  }
0x9b: {  	s3 =	sld [smem:$0x3FFD];
	_ =	sdelay $0x3  }
0x9c: {  	_ =	strace s3  }
0x9d: {  	_ =	strace $0x8FFFFFFF  }
0x9e: {  	s18 =	sld [smem:$0x3FDB];
	_ =	sdelay $0x1  }
0x9f: {  	s19 =	simm.s32 $_scs_section_size  }
0xa0: {  	s5 =	simm.s32 $_size__tile_overlayer_lowered;
	s6 =	simm.s32 $_tile_overlayer_lowered  }
0xa1: {  	s22 =	simm.s32 $0x1BFF;
	s21 =	sshll.u32 s6, $0x1;
	s3 =	sadd.s32 s19, s18  }
0xa2: {  	s7 =	simm.s32 $0x0;
	s20 =	sshll.u32 s5, $0x1;
	s5 =	sadd.s32 s21, s3  }
0xa3: {  	[timem:s7], [sflag:s22] =	dma.local [hbm:s5], s20  }
0xa4: {  	_ =	swait.ge [sflag:s22], s20  }
0xa5: {  	s4 =	ssub.s32 $0x0, s20;
	[sflag:s22] =	ssyncset.done $0x0  }
0xa6: {  	[sflag:s22] =	ssyncadd.s32 s4;
	_ =	sdelay $0x1  }
0xa7: {  	s23 =	simm.s32 $0x1B8B  }
0xa8: {  	_ =	swait.ge [sflag:s23], $0x1  }
0xa9: {  	[sflag:s23] =	ssyncset.done $0x0  }
0xaa: {  	s25 =	simm.s32 $0x1B8E;
	s24 =	sld [smem:$0x3FFE];
	[sflag:s23] =	ssyncadd.s32 $0xFFFFFFFF  }
0xab: {  	s26 =	simm.s32 $execute0_lowered;
	[smem:$0x3FD2] =	sst s25  }
0xac: {  	s5 =	sshll.u32 s26, $0x1;
	_ =	strace $0x80000049;
	[dreg:$0x1] =	wrdreg $0xFFFFFFFF  }
0xad: {  	s28 =	simm.s32 $_size_execute0_lowered;
	s3 =	sadd.s32 s3, s5;
	[dreg:$0x0] =	wrdreg $0x0  }
0xae: {  	s5 =	sshll.u32 s28, $0x1;
	[dreg:$0x2] =	wrdreg s3  }
0xaf: {  	[dreg:$0x3] =	wrdreg s5  }
0xb0: {  	[dreg:$0x4] =	wrdreg $0xC0  }
0xb1: {  	_ =	task [dreg:s7], $0x5FFFF  }
0xb2: {  	[dreg:$0x1] =	wrdreg $0xFFFFFFFF  }
0xb3: {  	[dreg:$0x0] =	wrdreg $0x60  }
0xb4: {  	[dreg:$0x2] =	wrdreg s24  }
0xb5: {  	[dreg:$0x3] =	wrdreg s16  }
0xb6: {  	[dreg:$0x4] =	wrdreg $0xBE000  }
0xb7: {  	[dreg:$0x5] =	wrdreg $0x9  }
0xb8: {  	_ =	task.clear_ibuf [dreg:s7], $0x6FFFF;
	_ =	strace $0x90000049  }
0xb9: {  	s29 =	simm.s32 $0x9;
	_ =	strace $0x8000004B  }
0xba: {  	_ =	swait.ge [sflag:s29], $0x1  }
0xbb: {  	[sflag:s29] =	ssyncadd.s32 $0xFFFFFFFF  }
0xbc: {  	_ =	strace $0x9000004B  }
0xbd: {  	_ =	sfence  }
0xbe: {  	s30 =	sld [smem:$0x0];
	_ =	sdelay $0x2  }
0xbf: {  	s31 =	sshll.u32 s1, $0xD;
	s1 =	sshrl.u32 s1, $0x2  }
0xc0: {  	s3 =	sand.u32 $0x4000, s31;
	s1 =	sadd.s32 s1, s30  }
0xc1: {  	s0 =	sor.u32 s3, s0;
	s1 =	sshll.u32 s1, $0x11  }
0xc2: {  	s0 =	sor.u32 s1, s0  }
0xc3: {  	s0 =	sadd.s32 $0x8F2B, s0  }
0xc4: {  	[sflag:s0] =	ssyncadd.remote.s32 $0x1  }
0xc5: {  	_ =	sfence.sel $0xFFFF  }
0xc6: {  	[dreg:$0x0] =	wrdreg $0xFFFFFFFF;
	(pc) =	sbr.abs _section_cstart, $3  }
0xc7: {  	[dreg:$0x1] =	wrdreg $0xFFFFFFFF  }
0xc8: {  	_ =	task.clear_ibuf [dreg:s7], $0x2FFFF;
	_ =	strace $0x9FFFFFFF  }
0xc9: {  	(tm) =	ssettm $0x7FFFFFFF  }
tec
execute0_lowered:
.L_overlay_start_1:
0x0: {  	(tag) =	ssettag $0x1  }
0x1: {  	s0 =	rddreg [dreg:$0x0]  }
0x2: {  	s10 =	rddreg [dreg:$0x1]  }
0x3: {  	s2 =	rddreg [dreg:$0x2];
	s1 =	srdreg.scid;
	s4 =	simm.s32 $0x0  }
0x4: {  	s11 =	stileid.u32;
	s28 =	simm.s32 $0x7E00;
	s29 =	simm.s32 $0x2  }
0x5: {  	s30 =	simm.s32 $0x480;
	s31 =	simm.s32 $0x500;
	s1 =	sand.u32 $0x1, s1  }
0x6: {  	[smem:$0x7FF] =	sst s4;
	s5 =	sadd.s32 $0x4400, s0;
	s22 =	smul.u32 $0x4E000, s11  }
0x7: {  	s9 =	smul.u32 $0x13800, s11;
	s20 =	sadd.s32 $0x138000, s2;
	_ =	strace $0x8000004A  }
0x8: {  	s6 =	ssub.s32 $0x2, s1;
	s7 =	smul.u32 $0x138800, s1;
	s24 =	sshrl.u32 s22, $0x2  }
0x9: {  	[dreg:$0x4] =	wrdreg s20;
	s8 =	sshrl.u32 s6, $0x1;
	s26 =	sadd.s32 s24, s2  }
0xa: {  	s6 =	ssub.s32 s6, s8;
	s8 =	sadd.s32 $0x4800, s26;
	[dreg:$0x9] =	wrdreg s26  }
0xb: {  	s21 =	sadd.s32 s9, s7;
	s9 =	sadd.s32 $0x6000, s26;
	[dreg:$0xe] =	wrdreg s8  }
0xc: {  	s0 =	sadd.s32 $0x2B600, s0;
	s12 =	sadd.s32 $0x7800, s26;
	[dreg:$0xf] =	wrdreg s9  }
0xd: {  	p0 =	sne.s32 s11, $0xF;
	s14 =	sadd.s32 $0xA800, s26;
	[dreg:$0x10] =	wrdreg s12  }
0xe: {  	s3 =	sshll.u32 s1, $0x4;
	s15 =	sadd.s32 $0xC000, s26;
	[dreg:$0x12] =	wrdreg s14  }
0xf: {  	s3 =	sor.u32 s11, s3;
	s19 =	sadd.s32 $0xD800, s26;
	[dreg:$0x13] =	wrdreg s15  }
0x10: {  	s3 =	smul.u32 $0x2710, s3;
	s20 =	sadd.s32 $0xF000, s26;
	[dreg:$0x15] =	wrdreg s19  }
0x11: {  	s25 =	smul.u32 $0x27100, s1;
	s22 =	sadd.s32 $0x12000, s26;
	[dreg:$0x16] =	wrdreg s20  }
0x12: {  	s7 =	sshrl.u32 s7, $0x3;
	s3 =	sshrl.u32 s3, $0x3;
	[dreg:$0x18] =	wrdreg s22  }
0x13: {  	s9 =	simm.s32 $0x9;
	s14 =	simm.s32 $0xA;
	s19 =	simm.s32 $0x5600  }
0x14: {  	s20 =	simm.s32 $0x1;
	s22 =	simm.s32 $0xC;
	s13 =	sadd.s32 s10, s3  }
0x15: {  	s8 =	simm.s32 $0x6;
	s3 =	sadd.s32 $0xA, s13;
	[dreg:$0x5] =	wrdreg s13  }
0x16: {  	s15 =	simm.s32 $0x7;
	s23 =	sadd.s32 $0x14, s13;
	[dreg:$0x6] =	wrdreg s3  }
0x17: {  	s13 =	sadd.s32 $0x9000, s26;
	[dreg:$0x7] =	wrdreg s23;
	s3 =	sshrl.u32 s21, $0x3  }
0x18: {  	[dreg:$0x11] =	wrdreg s13;
	s21 =	sadd.s32 $0x10800, s26;
	s13 =	simm.s32 $0x600  }
0x19: {  	s3 =	sadd.s32 s0, s3;
	s0 =	sadd.s32 s0, s7;
	[dreg:$0x17] =	wrdreg s21  }
0x1a: {  	s7 =	smul.u32 $0x2710, s11;
	[dreg:$0x8] =	wrdreg s3;
	s0 =	sadd.s32 $0x27000, s0  }
0x1b: {  	s21 =	simm.s32 $0x400;
	s3 =	smax.u32 s6, $0x1;
	[dreg:$0xa] =	wrdreg s0  }
0x1c: {  	s11 =	simm.s32 $0x3;
	s6 =	sadd.s32 $0x1800, s26;
	[dreg:$0xb] =	wrdreg s3  }
0x1d: {  	[dreg:$0xc] =	wrdreg s6;
	s3 =	sadd.s32 $0x3000, s26;
	s0 =	sadd.s32 s7, s25  }
0x1e: {  	s6 =	simm.s32 $0x5;
	[dreg:$0xd] =	wrdreg s3;
	s16 =	sadd.s32 $0x140, s0  }
0x1f: {  	s17 =	sadd.s32 $0x190, s0;
	s18 =	sadd.s32 $0x1E0, s0;
	s0 =	sadd.s32 $0xF0, s0  }
.Ltmp0:
0x20: {  	[dreg:$0x14] =	wrdreg s16;
	s1 =	sshrl.u32 s17, $0x3;
	(pc) =	sbr.rel .LBB2_1-.Ltmp0, $4  }
0x21: {  	s3 =	sshrl.u32 s18, $0x3;
	s0 =	sshrl.u32 s0, $0x3;
	s16 =	simm.s32 $0x2E00  }
0x22: {  	s17 =	simm.s32 $0xB;
	s18 =	simm.s32 $0x0;
	s23 =	sadd.s32 s1, s10  }
0x23: {  	s24 =	sadd.s32 s3, s10;
	s25 =	sadd.s32 s0, s10;
	s0 =	simm.s32 $0xD  }
0x24: {  	v0 =	vimm.f32 $0.0e+00;
	s10 =	simm.s32 $0x50;
	s1 =	simm.s32 $0x4;
	s3 =	simm.s32 $0x580  }
.LBB2_6:
0x25: {  	_ =	swait.ge [sflag:s1], $0x2800  }
0x26: {  	[sflag:s1] =	ssyncset.done $0x0  }
0x27: {  	[sflag:s1] =	ssyncadd.s32 $0xFFFFD800  }
0x28: {  	[spmem:s2] =	stream.indirect.scatter.add.f32 [tilespmem:s28], [sflag:$0x8], $0x80, s3, s10, $0xb8;
	[tilespmem:$0x1F680] =	vst v63  }
0x29: {  	_ =	swait.ge [sflag:s20], $0x2800  }
0x2a: {  	[sflag:s20] =	ssyncset.done $0x0  }
0x2b: {  	[sflag:s20] =	ssyncadd.s32 $0xFFFFD800  }
0x2c: {  	[spmem:s2] =	stream.indirect.scatter.add.f32 [tilespmem:s13], [sflag:$0x5], $0x80, s21, s10, $0xb8;
	[tilespmem:$0x1F680] =	vst v63  }
0x2d: {  	_ =	swait.ge [sflag:s8], $0x2800  }
0x2e: {  	[sflag:s8] =	ssyncset.done $0x0  }
0x2f: {  	[sflag:s8] =	ssyncadd.s32 $0xFFFFD800  }
0x30: {  	_ =	swait.ge [sflag:s15], $0x2800  }
0x31: {  	[sflag:s15] =	ssyncset.done $0x0  }
0x32: {  	s7 =	simm.s32 $0x8;
	[sflag:s15] =	ssyncadd.s32 $0xFFFFD800  }
0x33: {  	_ =	swait.ge [sflag:s7], $0x2800  }
0x34: {  	[sflag:s7] =	ssyncset.done $0x0  }
0x35: {  	[sflag:s7] =	ssyncadd.s32 $0xFFFFD800  }
0x36: {  	_ =	swait.ge [sflag:s6], $0x2800  }
0x37: {  	[sflag:s6] =	ssyncset.done $0x0  }
0x38: {  	[sflag:s6] =	ssyncadd.s32 $0xFFFFD800  }
0x39: {  	s26 =	stileid.u32;
	[bflag:$0x0] =	sbarrier.arrive $0xFFFF  }
0x3a: {  	s7 =	sshll.u32 s26, $0x6;
	s26 =	rddreg [dreg:$0x9]  }
0x3b: {  	s7 =	sor.u32 $0x1C0D, s7;
	s12 =	rddreg [dreg:$0x8];
	s18 =	sshrl.u32 s26, $0x3  }
0x3c: {  	[hbm:s12], [sflag:s7] =	dma.local [spmem:s18], $0x2700  }
0x3d: {  	_ =	swait.ge [sflag:s0], $0x2700  }
0x3e: {  	[sflag:s0] =	ssyncset.done $0x0;
	s12 =	rddreg [dreg:$0x4]  }
0x3f: {  	[sflag:s0] =	ssyncadd.s32 $0xFFFFD900;
	s18 =	sshrl.u32 @!p0 s12, $0x3;
	s12 =	rddreg [dreg:$0xa]  }
0x40: {  	[hbm:s12], [sflag:s7] =	dma.local @!p0 [spmem:s18], $0x100  }
0x41: {  	s7 =	simm.s32 @!p0 $0xD  }
0x42: {  	_ =	swait.ge @!p0 [sflag:s7], $0x100  }
0x43: {  	s12 =	rddreg [dreg:$0x19]  }
0x44: {  	s18 =	sadd.s32 $0x1, s12;
	s12 =	rddreg [dreg:$0xb]  }
0x45: {  	p1 =	sne.s32 s18, s12  }
.Ltmp1:
0x46: {  	_ = 	snop;
	(pc) =	sbr.rel @!p1 .LBB2_7-.Ltmp1, $3  }
0x47: {  	_ =	sdelay $0x1  }
0x48: {  	[sflag:s7] =	ssyncset.done @!p0 $0x0  }
0x49: {  	[sflag:s7] =	ssyncadd.s32 @!p0 $0xFFFFFF00  }
.LBB2_1:
0x4a: {  	[dreg:$0x19] =	wrdreg s18;
	s7 =	simm.s32 $0x70;
	s18 =	simm.s32 $0x3C0  }
.LBB2_2:
0x4b: {  	p1 =	sne.s32 s18, $0x5FC0;
	[tilespmem:s7+$0xA600] =	vst v0  }
0x4c: {  	[tilespmem:s7+$0xA590] =	vst v0  }
0x4d: {  	[tilespmem:s7+$0xA5A0] =	vst v0  }
.Ltmp2:
0x4e: {  	[tilespmem:s7+$0xA5B0] =	vst v0;
	(pc) =	sbr.rel @p1 .LBB2_2-.Ltmp2, $4  }
0x4f: {  	[tilespmem:s7+$0xA5C0] =	vst v0  }
0x50: {  	[tilespmem:s7+$0xA5D0] =	vst v0  }
0x51: {  	[tilespmem:s7+$0xA5E0] =	vst v0  }
0x52: {  	[tilespmem:s7+$0xA5F0] =	vst v0;
	s7 =	sshra.s32 s18, $0x2;
	s18 =	sadd.s32 $0x200, s18  }
0x53: {  	[tilespmem:s7+$0xA600] =	vst v0  }
0x54: {  	[tilespmem:s7+$0xA590] =	vst v0  }
0x55: {  	[tilespmem:s7+$0xA5A0] =	vst v0  }
0x56: {  	[tilespmem:s7+$0xA5B0] =	vst v0  }
0x57: {  	[tilespmem:s7+$0xA5C0] =	vst v0  }
0x58: {  	[tilespmem:s7+$0xA5D0] =	vst v0  }
0x59: {  	[tilespmem:s7+$0xA5E0] =	vst v0  }
0x5a: {  	[tilespmem:s7+$0xA5F0] =	vst v0;
	s12 =	simm.s32 $0xA600  }
0x5b: {  	[spmem:s26] =	stream.linear.scatter [tilespmem:s12], [sflag:$0xD], $0x1800, $0x38;
	[tilespmem:$0x1F680] =	vst v63  }
0x5c: {  	_ =	swait.ge [sflag:s0], $0x1800  }
0x5d: {  	[sflag:s0] =	ssyncset.done $0x0  }
0x5e: {  	s26 =	rddreg [dreg:$0xc];
	[sflag:s0] =	ssyncadd.s32 $0xFFFFE800  }
0x5f: {  	[spmem:s26] =	stream.linear.scatter [tilespmem:s12], [sflag:$0xD], $0x1800, $0x38;
	[tilespmem:$0x1F680] =	vst v63  }
0x60: {  	_ =	swait.ge [sflag:s0], $0x1800  }
0x61: {  	[sflag:s0] =	ssyncset.done $0x0  }
0x62: {  	s18 =	rddreg [dreg:$0xd];
	[sflag:s0] =	ssyncadd.s32 $0xFFFFE800  }
0x63: {  	[spmem:s18] =	stream.linear.scatter [tilespmem:s12], [sflag:$0xD], $0x1800, $0x38;
	[tilespmem:$0x1F680] =	vst v63  }
0x64: {  	_ =	swait.ge [sflag:s0], $0x1800  }
0x65: {  	[sflag:s0] =	ssyncset.done $0x0  }
0x66: {  	s26 =	rddreg [dreg:$0xe];
	[sflag:s0] =	ssyncadd.s32 $0xFFFFE800  }
0x67: {  	[spmem:s26] =	stream.linear.scatter [tilespmem:s12], [sflag:$0xD], $0x1800, $0x38;
	[tilespmem:$0x1F680] =	vst v63  }
0x68: {  	_ =	swait.ge [sflag:s0], $0x1800  }
0x69: {  	[sflag:s0] =	ssyncset.done $0x0  }
0x6a: {  	s18 =	rddreg [dreg:$0xf];
	[sflag:s0] =	ssyncadd.s32 $0xFFFFE800  }
0x6b: {  	[spmem:s18] =	stream.linear.scatter [tilespmem:s12], [sflag:$0xD], $0x1800, $0x38;
	[tilespmem:$0x1F680] =	vst v63  }
0x6c: {  	_ =	swait.ge [sflag:s0], $0x1800  }
0x6d: {  	[sflag:s0] =	ssyncset.done $0x0  }
0x6e: {  	s26 =	rddreg [dreg:$0x10];
	[sflag:s0] =	ssyncadd.s32 $0xFFFFE800  }
0x6f: {  	[spmem:s26] =	stream.linear.scatter [tilespmem:s12], [sflag:$0xD], $0x1800, $0x38;
	[tilespmem:$0x1F680] =	vst v63  }
0x70: {  	_ =	swait.ge [sflag:s0], $0x1800  }
0x71: {  	[sflag:s0] =	ssyncset.done $0x0  }
0x72: {  	s18 =	rddreg [dreg:$0x11];
	[sflag:s0] =	ssyncadd.s32 $0xFFFFE800  }
0x73: {  	[spmem:s18] =	stream.linear.scatter [tilespmem:s12], [sflag:$0xD], $0x1800, $0x38;
	[tilespmem:$0x1F680] =	vst v63  }
0x74: {  	_ =	swait.ge [sflag:s0], $0x1800  }
0x75: {  	[sflag:s0] =	ssyncset.done $0x0  }
0x76: {  	s26 =	rddreg [dreg:$0x12];
	[sflag:s0] =	ssyncadd.s32 $0xFFFFE800  }
0x77: {  	[spmem:s26] =	stream.linear.scatter [tilespmem:s12], [sflag:$0xD], $0x1800, $0x38;
	[tilespmem:$0x1F680] =	vst v63  }
0x78: {  	_ =	swait.ge [sflag:s0], $0x1800  }
0x79: {  	[sflag:s0] =	ssyncset.done $0x0  }
0x7a: {  	s18 =	rddreg [dreg:$0x13];
	[sflag:s0] =	ssyncadd.s32 $0xFFFFE800  }
0x7b: {  	[spmem:s18] =	stream.linear.scatter [tilespmem:s12], [sflag:$0xD], $0x1800, $0x38;
	[tilespmem:$0x1F680] =	vst v63  }
0x7c: {  	_ =	swait.ge [sflag:s0], $0x1800  }
0x7d: {  	[sflag:s0] =	ssyncset.done $0x0  }
0x7e: {  	s26 =	rddreg [dreg:$0x15];
	[sflag:s0] =	ssyncadd.s32 $0xFFFFE800  }
0x7f: {  	[spmem:s26] =	stream.linear.scatter [tilespmem:s12], [sflag:$0xD], $0x1800, $0x38;
	[tilespmem:$0x1F680] =	vst v63  }
0x80: {  	_ =	swait.ge [sflag:s0], $0x1800  }
0x81: {  	[sflag:s0] =	ssyncset.done $0x0  }
0x82: {  	s18 =	rddreg [dreg:$0x16];
	[sflag:s0] =	ssyncadd.s32 $0xFFFFE800  }
0x83: {  	[spmem:s18] =	stream.linear.scatter [tilespmem:s12], [sflag:$0xD], $0x1800, $0x38;
	[tilespmem:$0x1F680] =	vst v63  }
0x84: {  	_ =	swait.ge [sflag:s0], $0x1800  }
0x85: {  	[sflag:s0] =	ssyncset.done $0x0  }
0x86: {  	s26 =	rddreg [dreg:$0x17];
	[sflag:s0] =	ssyncadd.s32 $0xFFFFE800  }
0x87: {  	[spmem:s26] =	stream.linear.scatter [tilespmem:s12], [sflag:$0xD], $0x1800, $0x38;
	[tilespmem:$0x1F680] =	vst v63  }
0x88: {  	_ =	swait.ge [sflag:s0], $0x1800  }
0x89: {  	[sflag:s0] =	ssyncset.done $0x0  }
0x8a: {  	s18 =	rddreg [dreg:$0x18];
	[sflag:s0] =	ssyncadd.s32 $0xFFFFE800  }
0x8b: {  	[spmem:s18] =	stream.linear.scatter [tilespmem:s12], [sflag:$0xD], $0x1800, $0x38;
	[tilespmem:$0x1F680] =	vst v63  }
0x8c: {  	_ =	swait.ge [sflag:s0], $0x1800  }
0x8d: {  	[sflag:s0] =	ssyncset.done $0x0  }
0x8e: {  	s7 =	simm.s32 @!p0 $0xA600;
	s12 =	rddreg [dreg:$0x4];
	[sflag:s0] =	ssyncadd.s32 $0xFFFFE800  }
0x8f: {  	[spmem:s12] =	stream.linear.scatter @!p0 [tilespmem:s7], [sflag:$0xD], $0x800, $0x38;
	[tilespmem:$0x1F680] =	vst v63  }
0x90: {  	s7 =	simm.s32 @!p0 $0xD  }
0x91: {  	_ =	swait.ge @!p0 [sflag:s7], $0x800  }
0x92: {  	[sflag:s7] =	ssyncset.done @!p0 $0x0  }
0x93: {  	[sflag:s7] =	ssyncadd.s32 @!p0 $0xFFFFF800  }
0x94: {  	[bflag:$0x0] =	sbarrier.arrive $0xFFFF  }
0x95: {  	s18 =	simm.s32 $0x0;
	s26 =	rddreg [dreg:$0x5]  }
0x96: {  	[tilespmem:s18], [sflag:$0x9] =	stream.linear.gather [hbm4b:s26+s18], $0x50, $0x38;
	[tilespmem:$0x1F680] =	vst v63  }
0x97: {  	s12 =	rddreg [dreg:$0x6];
	s26 =	simm.s32 $0x80  }
0x98: {  	[tilespmem:s26], [sflag:$0xA] =	stream.linear.gather [hbm4b:s12+s18], $0x50, $0x38;
	[tilespmem:$0x1F680] =	vst v63  }
0x99: {  	s12 =	rddreg [dreg:$0x7];
	s26 =	simm.s32 $0x100  }
0x9a: {  	[tilespmem:s26], [sflag:$0xB] =	stream.linear.gather [hbm4b:s12+s18], $0x50, $0x38;
	[tilespmem:$0x1F680] =	vst v63  }
0x9b: {  	_ =	swait.ge [sflag:s9], $0x50  }
0x9c: {  	[sflag:s9] =	ssyncset.done $0x0  }
0x9d: {  	[sflag:s9] =	ssyncadd.s32 $0xFFFFFFB0  }
0x9e: {  	v1 =	vld [tilespmem:$0x0];
	_ =	sdelay $0x1  }
0x9f: {  	v2 =	vld [tilespmem:$0x10];
	_ =	sdelay $0x1  }
0xa0: {  	v3 =	vld [tilespmem:$0x20]  }
0xa1: {  	v4 =	vand.u32 $0xFFFF, v1  }
0xa2: {  	v59 =	vld [tilespmem:$0x30];
	v1 =	vshrl.u32 v1, $0x10;
	[tilespmem:$0x200] =	vst v4  }
0xa3: {  	[tilespmem:$0x400] =	vst v1;
	v1 =	vand.u32 $0xFFFF, v2  }
0xa4: {  	[tilespmem:$0x210] =	vst v1;
	v1 =	vshrl.u32 v2, $0x10;
	v2 =	vld [tilespmem:$0x40]  }
0xa5: {  	[tilespmem:$0x410] =	vst v1;
	v1 =	vand.u32 $0xFFFF, v3  }
0xa6: {  	[tilespmem:$0x220] =	vst v1;
	v1 =	vshrl.u32 v3, $0x10  }
0xa7: {  	[tilespmem:$0x420] =	vst v1;
	v1 =	vand.u32 $0xFFFF, v59  }
0xa8: {  	[tilespmem:$0x230] =	vst v1;
	v1 =	vshrl.u32 v59, $0x10  }
0xa9: {  	[tilespmem:$0x430] =	vst v1;
	v1 =	vand.u32 $0xFFFF, v2  }
0xaa: {  	[tilespmem:$0x240] =	vst v1;
	v1 =	vshrl.u32 v2, $0x10  }
0xab: {  	s26 =	simm.s32 $0x200;
	[tilespmem:$0x440] =	vst v1  }
0xac: {  	[tilespmem:s13], [sflag:$0x1] =	stream.indirect.gather [hbm4b:s5+s10], $0x80, s26, s10, $0xb8;
	[tilespmem:$0x1F680] =	vst v63  }
0xad: {  	_ =	swait.ge [sflag:s14], $0x50  }
0xae: {  	[sflag:s14] =	ssyncset.done $0x0  }
0xaf: {  	[sflag:s14] =	ssyncadd.s32 $0xFFFFFFB0  }
0xb0: {  	v1 =	vld [tilespmem:$0x80];
	_ =	sdelay $0x1  }
0xb1: {  	v2 =	vld [tilespmem:$0x90];
	_ =	sdelay $0x1  }
0xb2: {  	v3 =	vld [tilespmem:$0xA0]  }
0xb3: {  	v60 =	vand.u32 $0xFFFF, v1  }
0xb4: {  	v61 =	vld [tilespmem:$0xB0];
	v1 =	vshrl.u32 v1, $0x10;
	[tilespmem:$0x280] =	vst v60  }
0xb5: {  	[tilespmem:$0x480] =	vst v1;
	v1 =	vand.u32 $0xFFFF, v2  }
0xb6: {  	[tilespmem:$0x290] =	vst v1;
	v1 =	vshrl.u32 v2, $0x10;
	v2 =	vld [tilespmem:$0xC0]  }
0xb7: {  	[tilespmem:$0x490] =	vst v1;
	v1 =	vand.u32 $0xFFFF, v3  }
0xb8: {  	[tilespmem:$0x2A0] =	vst v1;
	v1 =	vshrl.u32 v3, $0x10  }
0xb9: {  	[tilespmem:$0x4A0] =	vst v1;
	v1 =	vand.u32 $0xFFFF, v61  }
0xba: {  	[tilespmem:$0x2B0] =	vst v1;
	v1 =	vshrl.u32 v61, $0x10  }
0xbb: {  	[tilespmem:$0x4B0] =	vst v1;
	v1 =	vand.u32 $0xFFFF, v2  }
0xbc: {  	[tilespmem:$0x2C0] =	vst v1;
	v1 =	vshrl.u32 v2, $0x10  }
0xbd: {  	s12 =	simm.s32 $0x280;
	[tilespmem:$0x4C0] =	vst v1  }
0xbe: {  	[tilespmem:s16], [sflag:$0x2] =	stream.indirect.gather [hbm4b:s5+s10], $0x80, s12, s10, $0xb8;
	[tilespmem:$0x1F680] =	vst v63  }
0xbf: {  	_ =	swait.ge [sflag:s17], $0x50  }
0xc0: {  	[sflag:s17] =	ssyncset.done $0x0  }
0xc1: {  	[sflag:s17] =	ssyncadd.s32 $0xFFFFFFB0  }
0xc2: {  	v1 =	vld [tilespmem:$0x100];
	_ =	sdelay $0x1  }
0xc3: {  	v2 =	vld [tilespmem:$0x110];
	_ =	sdelay $0x1  }
0xc4: {  	v3 =	vld [tilespmem:$0x120]  }
0xc5: {  	v62 =	vand.u32 $0xFFFF, v1  }
0xc6: {  	v63 =	vld [tilespmem:$0x130];
	v1 =	vshrl.u32 v1, $0x10;
	[tilespmem:$0x300] =	vst v62  }
0xc7: {  	[tilespmem:$0x500] =	vst v1;
	v1 =	vand.u32 $0xFFFF, v2  }
0xc8: {  	[tilespmem:$0x310] =	vst v1;
	v1 =	vshrl.u32 v2, $0x10;
	v2 =	vld [tilespmem:$0x140]  }
0xc9: {  	[tilespmem:$0x510] =	vst v1;
	v1 =	vand.u32 $0xFFFF, v3  }
0xca: {  	[tilespmem:$0x320] =	vst v1;
	v1 =	vshrl.u32 v3, $0x10  }
0xcb: {  	[tilespmem:$0x520] =	vst v1;
	v1 =	vand.u32 $0xFFFF, v63  }
0xcc: {  	[tilespmem:$0x330] =	vst v1;
	v1 =	vshrl.u32 v63, $0x10  }
0xcd: {  	[tilespmem:$0x530] =	vst v1;
	v1 =	vand.u32 $0xFFFF, v2  }
0xce: {  	[tilespmem:$0x340] =	vst v1;
	v1 =	vshrl.u32 v2, $0x10  }
0xcf: {  	s26 =	simm.s32 $0x300;
	s7 =	rddreg [dreg:$0x14];
	[tilespmem:$0x540] =	vst v1  }
0xd0: {  	[tilespmem:s19], [sflag:$0x3] =	stream.indirect.gather [hbm4b:s5+s10], $0x80, s26, s10, $0xb8;
	[tilespmem:$0x1F680] =	vst v63  }
.LBB2_4:
0xd1: {  	_ =	swait.ge [sflag:s20], $0x2800  }
0xd2: {  	[sflag:s20] =	ssyncset.done $0x0  }
0xd3: {  	[sflag:s20] =	ssyncadd.s32 $0xFFFFD800  }
0xd4: {  	[spmem:s2] =	stream.indirect.scatter.add.f32 [tilespmem:s13], [sflag:$0x5], $0x80, s21, s10, $0xb8;
	[tilespmem:$0x1F680] =	vst v63  }
0xd5: {  	s26 =	sadd.s32 s18, s25;
	s12 =	simm.s32 $0x180;
	p1 =	seq.s32 s18, $0x0  }
0xd6: {  	[tilespmem:s12], [sflag:$0xC] =	stream.linear.gather [hbm4b:s26+s4], $0x50, $0x38;
	[tilespmem:$0x1F680] =	vst v63  }
0xd7: {  	s26 =	simm.s32 @!p1 $0x8  }
0xd8: {  	_ =	swait.ge @!p1 [sflag:s26], $0x2800  }
0xd9: {  	[sflag:s26] =	ssyncset.done @!p1 $0x0  }
0xda: {  	[sflag:s26] =	ssyncadd.s32 @!p1 $0xFFFFD800  }
0xdb: {  	_ =	swait.ge [sflag:s22], $0x50  }
0xdc: {  	[sflag:s22] =	ssyncset.done $0x0  }
0xdd: {  	[sflag:s22] =	ssyncadd.s32 $0xFFFFFFB0  }
0xde: {  	v1 =	vld [tilespmem:$0x180];
	_ =	sdelay $0x1  }
0xdf: {  	v2 =	vld [tilespmem:$0x190];
	_ =	sdelay $0x1  }
0xe0: {  	v3 =	vld [tilespmem:$0x1A0]  }
0xe1: {  	v4 =	vand.u32 $0xFFFF, v1  }
0xe2: {  	v61 =	vld [tilespmem:$0x1B0];
	v1 =	vshrl.u32 v1, $0x10;
	[tilespmem:$0x380] =	vst v4  }
0xe3: {  	[tilespmem:$0x580] =	vst v1;
	v1 =	vand.u32 $0xFFFF, v2  }
0xe4: {  	[tilespmem:$0x390] =	vst v1;
	v1 =	vshrl.u32 v2, $0x10;
	v2 =	vld [tilespmem:$0x1C0]  }
0xe5: {  	[tilespmem:$0x590] =	vst v1;
	v1 =	vand.u32 $0xFFFF, v3  }
0xe6: {  	[tilespmem:$0x3A0] =	vst v1;
	v1 =	vshrl.u32 v3, $0x10  }
0xe7: {  	[tilespmem:$0x5A0] =	vst v1;
	v1 =	vand.u32 $0xFFFF, v61  }
0xe8: {  	[tilespmem:$0x3B0] =	vst v1;
	v1 =	vshrl.u32 v61, $0x10  }
0xe9: {  	[tilespmem:$0x5B0] =	vst v1;
	v1 =	vand.u32 $0xFFFF, v2  }
0xea: {  	[tilespmem:$0x3C0] =	vst v1;
	v1 =	vshrl.u32 v2, $0x10  }
0xeb: {  	s26 =	simm.s32 $0x380;
	[tilespmem:$0x5C0] =	vst v1  }
0xec: {  	[tilespmem:s28], [sflag:$0x4] =	stream.indirect.gather [hbm4b:s5+s10], $0x80, s26, s10, $0xb8;
	[tilespmem:$0x1F680] =	vst v63  }
0xed: {  	_ =	swait.ge [sflag:s29], $0x2800  }
0xee: {  	[sflag:s29] =	ssyncset.done $0x0  }
0xef: {  	[sflag:s29] =	ssyncadd.s32 $0xFFFFD800  }
0xf0: {  	[spmem:s2] =	stream.indirect.scatter.add.f32 [tilespmem:s16], [sflag:$0x6], $0x80, s30, s10, $0xb8;
	[tilespmem:$0x1F680] =	vst v63  }
0xf1: {  	s26 =	sshrl.u32 s7, $0x3;
	s12 =	rddreg [dreg:$0x1]  }
0xf2: {  	s26 =	sadd.s32 s12, s26  }
0xf3: {  	[tilespmem:s4], [sflag:$0x9] =	stream.linear.gather [hbm4b:s26+s4], $0x50, $0x38;
	[tilespmem:$0x1F680] =	vst v63  }
0xf4: {  	_ =	swait.ge [sflag:s6], $0x2800  }
0xf5: {  	[sflag:s6] =	ssyncset.done $0x0  }
0xf6: {  	[sflag:s6] =	ssyncadd.s32 $0xFFFFD800  }
0xf7: {  	_ =	swait.ge [sflag:s9], $0x50  }
0xf8: {  	[sflag:s9] =	ssyncset.done $0x0  }
0xf9: {  	[sflag:s9] =	ssyncadd.s32 $0xFFFFFFB0  }
0xfa: {  	v1 =	vld [tilespmem:$0x0];
	_ =	sdelay $0x1  }
0xfb: {  	v2 =	vld [tilespmem:$0x10];
	_ =	sdelay $0x1  }
0xfc: {  	v3 =	vld [tilespmem:$0x20]  }
0xfd: {  	v62 =	vand.u32 $0xFFFF, v1  }
0xfe: {  	v63 =	vld [tilespmem:$0x30];
	v1 =	vshrl.u32 v1, $0x10;
	[tilespmem:$0x200] =	vst v62  }
0xff: {  	[tilespmem:$0x400] =	vst v1;
	v1 =	vand.u32 $0xFFFF, v2  }
0x100: {  	[tilespmem:$0x210] =	vst v1;
	v1 =	vshrl.u32 v2, $0x10;
	v2 =	vld [tilespmem:$0x40]  }
0x101: {  	[tilespmem:$0x410] =	vst v1;
	v1 =	vand.u32 $0xFFFF, v3  }
0x102: {  	[tilespmem:$0x220] =	vst v1;
	v1 =	vshrl.u32 v3, $0x10  }
0x103: {  	[tilespmem:$0x420] =	vst v1;
	v1 =	vand.u32 $0xFFFF, v63  }
0x104: {  	[tilespmem:$0x230] =	vst v1;
	v1 =	vshrl.u32 v63, $0x10  }
0x105: {  	[tilespmem:$0x430] =	vst v1;
	v1 =	vand.u32 $0xFFFF, v2  }
0x106: {  	[tilespmem:$0x240] =	vst v1;
	v1 =	vshrl.u32 v2, $0x10  }
0x107: {  	p1 =	seq.s32 s18, $0x4B0;
	s26 =	simm.s32 $0x200;
	[tilespmem:$0x440] =	vst v1  }
0x108: {  	[tilespmem:s13], [sflag:$0x1] =	stream.indirect.gather [hbm4b:s5+s10], $0x80, s26, s10, $0xb8;
	[tilespmem:$0x1F680] =	vst v63  }
.Ltmp3:
0x109: {  	_ = 	snop;
	(pc) =	sbr.rel @p1 .LBB2_6-.Ltmp3, $4  }
0x10a: {  	_ =	swait.ge [sflag:s11], $0x2800  }
0x10b: {  	[sflag:s11] =	ssyncset.done $0x0  }
0x10c: {  	[sflag:s11] =	ssyncadd.s32 $0xFFFFD800  }
0x10d: {  	[spmem:s2] =	stream.indirect.scatter.add.f32 [tilespmem:s19], [sflag:$0x7], $0x80, s31, s10, $0xb8;
	[tilespmem:$0x1F680] =	vst v63  }
0x10e: {  	s26 =	sadd.s32 s18, s23;
	s12 =	simm.s32 $0x80  }
0x10f: {  	[tilespmem:s12], [sflag:$0xA] =	stream.linear.gather [hbm4b:s26+s4], $0x50, $0x38;
	[tilespmem:$0x1F680] =	vst v63  }
0x110: {  	_ =	swait.ge [sflag:s8], $0x2800  }
0x111: {  	[sflag:s8] =	ssyncset.done $0x0  }
0x112: {  	[sflag:s8] =	ssyncadd.s32 $0xFFFFD800  }
0x113: {  	_ =	swait.ge [sflag:s14], $0x50  }
0x114: {  	[sflag:s14] =	ssyncset.done $0x0  }
0x115: {  	[sflag:s14] =	ssyncadd.s32 $0xFFFFFFB0  }
0x116: {  	v1 =	vld [tilespmem:$0x80];
	_ =	sdelay $0x1  }
0x117: {  	v2 =	vld [tilespmem:$0x90];
	_ =	sdelay $0x1  }
0x118: {  	v3 =	vld [tilespmem:$0xA0]  }
0x119: {  	v4 =	vand.u32 $0xFFFF, v1  }
0x11a: {  	v61 =	vld [tilespmem:$0xB0];
	v1 =	vshrl.u32 v1, $0x10;
	[tilespmem:$0x280] =	vst v4  }
0x11b: {  	[tilespmem:$0x480] =	vst v1;
	v1 =	vand.u32 $0xFFFF, v2  }
0x11c: {  	[tilespmem:$0x290] =	vst v1;
	v1 =	vshrl.u32 v2, $0x10;
	v2 =	vld [tilespmem:$0xC0]  }
0x11d: {  	[tilespmem:$0x490] =	vst v1;
	v1 =	vand.u32 $0xFFFF, v3  }
0x11e: {  	[tilespmem:$0x2A0] =	vst v1;
	v1 =	vshrl.u32 v3, $0x10  }
0x11f: {  	[tilespmem:$0x4A0] =	vst v1;
	v1 =	vand.u32 $0xFFFF, v61  }
0x120: {  	[tilespmem:$0x2B0] =	vst v1;
	v1 =	vshrl.u32 v61, $0x10  }
0x121: {  	[tilespmem:$0x4B0] =	vst v1;
	v1 =	vand.u32 $0xFFFF, v2  }
0x122: {  	[tilespmem:$0x2C0] =	vst v1;
	v1 =	vshrl.u32 v2, $0x10  }
0x123: {  	s26 =	simm.s32 $0x280;
	[tilespmem:$0x4C0] =	vst v1  }
0x124: {  	[tilespmem:s16], [sflag:$0x2] =	stream.indirect.gather [hbm4b:s5+s10], $0x80, s26, s10, $0xb8;
	[tilespmem:$0x1F680] =	vst v63  }
0x125: {  	_ =	swait.ge [sflag:s1], $0x2800  }
0x126: {  	[sflag:s1] =	ssyncset.done $0x0  }
0x127: {  	[sflag:s1] =	ssyncadd.s32 $0xFFFFD800  }
0x128: {  	[spmem:s2] =	stream.indirect.scatter.add.f32 [tilespmem:s28], [sflag:$0x8], $0x80, s3, s10, $0xb8;
	[tilespmem:$0x1F680] =	vst v63  }
0x129: {  	s12 =	simm.s32 $0x100;
	s26 =	sadd.s32 s18, s24  }
0x12a: {  	[tilespmem:s12], [sflag:$0xB] =	stream.linear.gather [hbm4b:s26+s4], $0x50, $0x38;
	[tilespmem:$0x1F680] =	vst v63  }
0x12b: {  	_ =	swait.ge [sflag:s15], $0x2800  }
0x12c: {  	[sflag:s15] =	ssyncset.done $0x0  }
0x12d: {  	[sflag:s15] =	ssyncadd.s32 $0xFFFFD800  }
0x12e: {  	_ =	swait.ge [sflag:s17], $0x50  }
0x12f: {  	[sflag:s17] =	ssyncset.done $0x0  }
0x130: {  	[sflag:s17] =	ssyncadd.s32 $0xFFFFFFB0  }
0x131: {  	v1 =	vld [tilespmem:$0x100];
	_ =	sdelay $0x1  }
0x132: {  	v2 =	vld [tilespmem:$0x110];
	_ =	sdelay $0x1  }
0x133: {  	v3 =	vld [tilespmem:$0x120]  }
0x134: {  	v62 =	vand.u32 $0xFFFF, v1  }
0x135: {  	v63 =	vld [tilespmem:$0x130];
	v1 =	vshrl.u32 v1, $0x10;
	[tilespmem:$0x300] =	vst v62  }
0x136: {  	[tilespmem:$0x500] =	vst v1;
	v1 =	vand.u32 $0xFFFF, v2  }
0x137: {  	[tilespmem:$0x310] =	vst v1;
	v1 =	vshrl.u32 v2, $0x10;
	v2 =	vld [tilespmem:$0x140]  }
0x138: {  	[tilespmem:$0x510] =	vst v1;
	v1 =	vand.u32 $0xFFFF, v3  }
0x139: {  	[tilespmem:$0x320] =	vst v1;
	v1 =	vshrl.u32 v3, $0x10  }
0x13a: {  	[tilespmem:$0x520] =	vst v1;
	v1 =	vand.u32 $0xFFFF, v63  }
.Ltmp4:
0x13b: {  	[tilespmem:$0x330] =	vst v1;
	v1 =	vshrl.u32 v63, $0x10;
	(pc) =	sbr.rel .LBB2_4-.Ltmp4, $4  }
0x13c: {  	[tilespmem:$0x530] =	vst v1;
	v1 =	vand.u32 $0xFFFF, v2  }
0x13d: {  	[tilespmem:$0x340] =	vst v1;
	v1 =	vshrl.u32 v2, $0x10  }
0x13e: {  	s7 =	sadd.s32 $0x140, s7;
	s18 =	sadd.s32 $0x28, s18;
	s26 =	simm.s32 $0x300;
	[tilespmem:$0x540] =	vst v1  }
0x13f: {  	[tilespmem:s19], [sflag:$0x3] =	stream.indirect.gather [hbm4b:s5+s10], $0x80, s26, s10, $0xb8;
	[tilespmem:$0x1F680] =	vst v63  }
.LBB2_7:
0x140: {  	_ =	sfence.sel $0x180000  }
0x141: {  	[bflag:$0x0] =	sbarrier.arrive $0xFFFF  }
0x142: {  	_ =	strace $0x9000004A  }
0x143: {  	s0 =	stileid.u32;
	[bflag:$0x2] =	sbarrier.arrive $0xFFFF  }
0x144: {  	p0 =	sne.s32 s0, $0x0;
	s0 =	rddreg [dreg:$0x3]  }
0x145: {  	s0 =	sadd.s32 @!p0 $0x100000, s0  }
0x146: {  	[sflag:s0] =	ssyncadd.tile.s32 @!p0 $0x1;
	_ =	shalt  }
.Lfunc_end2:
_tile_overlayer_lowered:
.L_overlay_start_2:
0x147: {  	(tag) =	ssettag $0x2  }
0x148: {  	s0 =	rddreg [dreg:$0x0];
	s2 =	stileid.u32  }
0x149: {  	s1 =	rddreg [dreg:$0x1];
	p0 =	sne.s32 s2, $0x0  }
0x14a: {  	s3 =	rddreg [dreg:$0x2];
	[bflag:$0x3] =	sbarrier.arrive $0xFFFF;
	s2 =	simm.s32 @!p0 $0x1C0D  }
0x14b: {  	[timem:s3], [sflag:s2] =	dma.local @!p0 [hbm:s0], s1  }
0x14c: {  	s0 =	simm.s32 @!p0 $0xD  }
0x14d: {  	_ =	swait.ge @!p0 [sflag:s0], s1  }
0x14e: {  	s1 =	ssub.s32 @!p0 $0x0, s1;
	[sflag:s0] =	ssyncset.done @!p0 $0x0  }
0x14f: {  	[sflag:s0] =	ssyncadd.s32 @!p0 s1  }
0x150: {  	[bflag:$0x3] =	sbarrier.arrive $0xFFFF  }
0x151: {  	_ =	shalt  }

// kernel: kernel.7.cloned.1.call-start
scs
__scs_entry_jumppad:
0x0: {  	(pc) =	sbr.rel $0x88, $3  }
0x1: {  	(tag) =	ssettag $0x0;
	lr =	simm.s32 $0x1  }
0x2: {  	[smem:$0x3F8B] =	sst lr;
	_ =	strace $0xD0000000  }
0x3: {  	_ = 	snop  }
0x4: {  	_ = 	snop  }
0x5: {  	_ = 	snop  }
0x6: {  	_ = 	snop  }
0x7: {  	_ = 	snop  }
__scs_overlays_trampoline_lowered:
0x8: {  	[smem:$0x3F9A] =	sst s0  }
0x9: {  	[smem:$0x3F9B] =	sst s1  }
0xa: {  	[smem:$0x3F9C] =	sst s2  }
0xb: {  	[smem:$0x3F9D] =	sst s3  }
0xc: {  	[smem:$0x3F9E] =	sst s4  }
0xd: {  	[smem:$0x3F9F] =	sst s5  }
0xe: {  	[smem:$0x3FA0] =	sst s6  }
0xf: {  	[smem:$0x3FA1] =	sst s7  }
0x10: {  	[smem:$0x3FA2] =	sst s8  }
0x11: {  	[smem:$0x3FA3] =	sst s9;
	s0 =	simm.s32 @!p0 $0x0  }
0x12: {  	s1 =	sld [smem:$0x3F89];
	s0 =	simm.s32 @p0 $0x1  }
0x13: {  	[smem:$0x3FA4] =	sst s0;
	s0 =	simm.s32 @!p1 $0x0  }
0x14: {  	s2 =	sld [smem:$0x3F88];
	s0 =	simm.s32 @p1 $0x1  }
0x15: {  	[smem:$0x3FA5] =	sst s0;
	s0 =	simm.s32 @!p2 $0x0  }
0x16: {  	s3 =	sld [smem:$0x3FDB];
	s0 =	simm.s32 @p2 $0x1  }
0x17: {  	s4 =	simm.s32 $0x1BF5;
	[smem:$0x3FA7] =	sst s0  }
0x18: {  	s0 =	sld [smem:$0x3F8A];
	_ =	swait.ge [sflag:s4], $0x0  }
0x19: {  	s7 =	sld [smem:$0x3F8B]  }
0x1a: {  	s8 =	sadd.s32 $0xFFFFE003, lr  }
0x1b: {  	s9 =	sadd.s32 $0xFFFFFEF7, lr;
	s5 =	simm.s32 $0xFFFFFFFF;
	p2 =	slt.u32 s8, $0xFFFFF086  }
0x1c: {  	p1 =	slt.u32 s9, $0xF7A;
	s5 =	simm.s32 @!p2 $0x0  }
0x1d: {  	s5 =	simm.s32 @p1 $0x1;
	p0 =	seq.s32 s7, s2  }
0x1e: {  	s7 =	smul.u32 @!p0 $0xF7A, s2;
	p2 =	seq.s32 @!p0 s5, $0x0  }
0x1f: {  	s9 =	smul.u32 $0xF7A, s1;
	s8 =	simm.s32 @!p0 $0x1BF5;
	p2 =	por !p2, p0  }
0x20: {  	[sflag:s8] =	ssyncset.s32 @!p0 $0xFFFFF086;
	s6 =	sadd.s32 @!p0 s3, s7;
	s7 =	simm.s32 @!p0 $0x108  }
0x21: {  	s3 =	sadd.s32 s3, s9;
	s6 =	sadd.s32 @!p0 $0x88, s6;
	s7 =	simm.s32 @p2 $0x1082  }
0x22: {  	[simem:s7], [sflag:s8] =	dma.local @!p0 [hbm:s6], $0xF7A  }
0x23: {  	s9 =	sor.u32 $0xD0000000, s2;
	s6 =	simm.s32 $0x108;
	_ =	swait.ge @!p0 [sflag:s8], $0x0  }
0x24: {  	s3 =	sadd.s32 $0x88, s3;
	s6 =	simm.s32 @!p1 $0x1082;
	[sflag:s4] =	ssyncset.s32 $0xFFFFF086  }
0x25: {  	[simem:s6], [sflag:s4] =	dma.local [hbm:s3], $0xF7A  }
0x26: {  	[smem:$0x3F8B] =	sst s1;
	(tag) =	ssettag s2;
	_ =	strace s9  }
0x27: {  	s1 =	sld [smem:$0x3F9B]  }
0x28: {  	s2 =	sld [smem:$0x3F9C]  }
0x29: {  	s4 =	sld [smem:$0x3F9E]  }
0x2a: {  	p0 =	seq.s32 s5, $0x0;
	s5 =	sld [smem:$0x3F9F]  }
0x2b: {  	s6 =	sld [smem:$0x3FA0]  }
0x2c: {  	s7 =	sld [smem:$0x3FA1]  }
0x2d: {  	s3 =	simm.s32 $0x108;
	s8 =	sld [smem:$0x3FA2]  }
0x2e: {  	s3 =	simm.s32 @!p0 $0x1082;
	s9 =	sld [smem:$0x3FA3]  }
0x2f: {  	lr =	sadd.s32 s0, s3;
	s0 =	sld [smem:$0x3F9A]  }
0x30: {  	s3 =	sld [smem:$0x3F9D]  }
0x31: {  	[smem:$0x3FA6] =	sst s10  }
0x32: {  	s10 =	sld [smem:$0x3FA4];
	_ =	sdelay $0x3  }
0x33: {  	p0 =	seq.s32 s10, $0x1;
	s10 =	sld [smem:$0x3FA6];
	_ =	sdelay $0x3  }
0x34: {  	[smem:$0x3FA6] =	sst s10  }
0x35: {  	s10 =	sld [smem:$0x3FA5];
	_ =	sdelay $0x3  }
0x36: {  	p1 =	seq.s32 s10, $0x1;
	s10 =	sld [smem:$0x3FA6];
	_ =	sdelay $0x3  }
0x37: {  	[smem:$0x3FA6] =	sst s10  }
0x38: {  	s10 =	sld [smem:$0x3FA7]  }
0x39: {  	_ = 	snop;
	(pc) =	sbr.ind lr, $3  }
0x3a: {  	_ = 	snop  }
0x3b: {  	_ = 	snop  }
0x3c: {  	p2 =	seq.s32 s10, $0x1;
	s10 =	sld [smem:$0x3FA6]  }
0x3d: {  	_ =	shalt  }
0x3e: {  	_ =	shalt  }
0x3f: {  	_ =	shalt  }
0x40: {  	_ =	shalt  }
0x41: {  	_ =	shalt  }
0x42: {  	_ =	shalt  }
0x43: {  	_ =	shalt  }
0x44: {  	_ =	shalt  }
0x45: {  	_ =	shalt  }
0x46: {  	_ =	shalt  }
0x47: {  	_ =	shalt  }
0x48: {  	_ =	shalt  }
0x49: {  	_ =	shalt  }
0x4a: {  	_ =	shalt  }
0x4b: {  	_ =	shalt  }
0x4c: {  	_ =	shalt  }
0x4d: {  	_ =	shalt  }
0x4e: {  	_ =	shalt  }
0x4f: {  	_ =	shalt  }
0x50: {  	_ =	shalt  }
0x51: {  	_ =	shalt  }
0x52: {  	_ =	shalt  }
0x53: {  	_ =	shalt  }
0x54: {  	_ =	shalt  }
0x55: {  	_ =	shalt  }
0x56: {  	_ =	shalt  }
0x57: {  	_ =	shalt  }
0x58: {  	_ =	shalt  }
0x59: {  	_ =	shalt  }
0x5a: {  	_ =	shalt  }
0x5b: {  	_ =	shalt  }
0x5c: {  	_ =	shalt  }
0x5d: {  	_ =	shalt  }
0x5e: {  	_ =	shalt  }
0x5f: {  	_ =	shalt  }
0x60: {  	_ =	shalt  }
0x61: {  	_ =	shalt  }
0x62: {  	_ =	shalt  }
0x63: {  	_ =	shalt  }
0x64: {  	_ =	shalt  }
0x65: {  	_ =	shalt  }
0x66: {  	_ =	shalt  }
0x67: {  	_ =	shalt  }
0x68: {  	_ =	shalt  }
0x69: {  	_ =	shalt  }
0x6a: {  	_ =	shalt  }
0x6b: {  	_ =	shalt  }
0x6c: {  	_ =	shalt  }
0x6d: {  	_ =	shalt  }
0x6e: {  	_ =	shalt  }
0x6f: {  	_ =	shalt  }
0x70: {  	_ =	shalt  }
0x71: {  	_ =	shalt  }
0x72: {  	_ =	shalt  }
0x73: {  	_ =	shalt  }
0x74: {  	_ =	shalt  }
0x75: {  	_ =	shalt  }
0x76: {  	_ =	shalt  }
0x77: {  	_ =	shalt  }
0x78: {  	_ =	shalt  }
0x79: {  	_ =	shalt  }
0x7a: {  	_ =	shalt  }
0x7b: {  	_ =	shalt  }
0x7c: {  	_ =	shalt  }
0x7d: {  	_ =	shalt  }
0x7e: {  	_ =	shalt  }
0x7f: {  	_ =	shalt  }
0x80: {  	_ =	shalt  }
0x81: {  	_ =	shalt  }
0x82: {  	_ =	shalt  }
0x83: {  	_ =	shalt  }
0x84: {  	_ =	shalt  }
0x85: {  	_ =	shalt  }
0x86: {  	_ =	shalt  }
0x87: {  	_ =	shalt  }
.Lfunc_end0:
.L_simem_size_0:
called_computation_lowered:
.L_overlay_start_0:
0x88: {  	s2 =	sld [smem:$0x3FD9]  }
0x89: {  	s3 =	sld [smem:$0x3FFE];
	_ =	sdelay $0x1  }
0x8a: {  	s1 =	srdreg.scid  }
0x8b: {  	s0 =	sand.u32 $0x1, s1  }
0x8c: {  	s14 =	sshll.u32 s0, $0xA;
	s2 =	sadd.s32 s3, s2  }
0x8d: {  	s2 =	sadd.s32 s2, s14  }
0x8e: {  	[smem:$0x3FB2] =	sst s2  }
0x8f: {  	_ = 	snop  }
0x90: {  	s2 =	sld [smem:$0x3FD0];
	_ =	sdelay $0x2  }
0x91: {  	s4 =	simm.s32 $0xA;
	s5 =	simm.s32 $0x10;
	s15 =	sld [smem:$0x3FC9]  }
0x92: {  	[smem:s5], [sflag:s4] =	dma.local [hbm:s2], $0x1  }
0x93: {  	_ =	swait.eq [sflag:s4], $0x1  }
0x94: {  	[sflag:s4] =	ssyncset.done $0x0  }
0x95: {  	[sflag:s4] =	ssyncadd.s32 $0xFFFFFFFF  }
0x96: {  	s16 =	sld [smem:$0x11];
	(tm) =	ssettm $0x1  }
0x97: {  	s17 =	sld [smem:$0x3FFB];
	_ =	sdelay $0x3  }
0x98: {  	_ =	strace s17  }
0x99: {  	s4 =	sld [smem:$0x3FFC];
	_ =	sdelay $0x3  }
0x9a: {  	_ =	strace s4  }
0x9b: {  	s4 =	sld [smem:$0x3FFD];
	_ =	sdelay $0x3  }
0x9c: {  	_ =	strace s4  }
0x9d: {  	_ =	strace $0x8FFFFFFF  }
0x9e: {  	s18 =	sld [smem:$0x3FDB];
	_ =	sdelay $0x1  }
0x9f: {  	s19 =	simm.s32 $_scs_section_size  }
0xa0: {  	s6 =	simm.s32 $_size__tile_overlayer_lowered;
	s7 =	simm.s32 $_tile_overlayer_lowered  }
0xa1: {  	s22 =	simm.s32 $0x1BFF;
	s21 =	sshll.u32 s7, $0x1;
	s4 =	sadd.s32 s19, s18  }
0xa2: {  	s8 =	simm.s32 $0x0;
	s20 =	sshll.u32 s6, $0x1;
	s6 =	sadd.s32 s21, s4  }
0xa3: {  	[timem:s8], [sflag:s22] =	dma.local [hbm:s6], s20  }
0xa4: {  	_ =	swait.ge [sflag:s22], s20  }
0xa5: {  	s5 =	ssub.s32 $0x0, s20;
	[sflag:s22] =	ssyncset.done $0x0  }
0xa6: {  	[sflag:s22] =	ssyncadd.s32 s5;
	_ =	sdelay $0x1  }
0xa7: {  	s23 =	simm.s32 $0x1B8B  }
0xa8: {  	_ =	swait.ge [sflag:s23], $0x1  }
0xa9: {  	[sflag:s23] =	ssyncset.done $0x0  }
0xaa: {  	s25 =	simm.s32 $0x1B8E;
	s24 =	sld [smem:$0x3FFE];
	[sflag:s23] =	ssyncadd.s32 $0xFFFFFFFF  }
0xab: {  	s26 =	simm.s32 $execute0_lowered;
	[smem:$0x3FD2] =	sst s25  }
0xac: {  	s6 =	sshll.u32 s26, $0x1;
	_ =	strace $0x80000046;
	[dreg:$0x1] =	wrdreg $0xFFFFFFFF  }
0xad: {  	s28 =	simm.s32 $_size_execute0_lowered;
	s4 =	sadd.s32 s4, s6;
	[dreg:$0x0] =	wrdreg $0x0  }
0xae: {  	s6 =	sshll.u32 s28, $0x1;
	[dreg:$0x2] =	wrdreg s4  }
0xaf: {  	[dreg:$0x3] =	wrdreg s6  }
0xb0: {  	[dreg:$0x4] =	wrdreg $0xC0  }
0xb1: {  	_ =	task [dreg:s8], $0x5FFFF  }
0xb2: {  	[dreg:$0x1] =	wrdreg $0xFFFFFFFF  }
0xb3: {  	[dreg:$0x0] =	wrdreg $0x60  }
0xb4: {  	[dreg:$0x2] =	wrdreg s15  }
0xb5: {  	[dreg:$0x3] =	wrdreg s16  }
0xb6: {  	[dreg:$0x4] =	wrdreg s24  }
0xb7: {  	[dreg:$0x5] =	wrdreg $0xBE000  }
0xb8: {  	[dreg:$0x6] =	wrdreg $0x9  }
0xb9: {  	_ =	task.clear_ibuf [dreg:s8], $0x7FFFF;
	_ =	strace $0x90000046  }
0xba: {  	s29 =	simm.s32 $0x9;
	_ =	strace $0x80000048  }
0xbb: {  	_ =	swait.ge [sflag:s29], $0x1  }
0xbc: {  	[sflag:s29] =	ssyncadd.s32 $0xFFFFFFFF  }
0xbd: {  	_ =	strace $0x90000048  }
0xbe: {  	_ =	sfence  }
0xbf: {  	s30 =	sld [smem:$0x0];
	_ =	sdelay $0x2  }
0xc0: {  	s31 =	sshll.u32 s1, $0xD;
	s1 =	sshrl.u32 s1, $0x2  }
0xc1: {  	s3 =	sand.u32 $0x4000, s31;
	s1 =	sadd.s32 s1, s30  }
0xc2: {  	s0 =	sor.u32 s3, s0;
	s1 =	sshll.u32 s1, $0x11  }
0xc3: {  	s0 =	sor.u32 s1, s0  }
0xc4: {  	s0 =	sadd.s32 $0x8F2B, s0  }
0xc5: {  	[sflag:s0] =	ssyncadd.remote.s32 $0x1  }
0xc6: {  	_ =	sfence.sel $0xFFFF  }
0xc7: {  	[dreg:$0x0] =	wrdreg $0xFFFFFFFF;
	(pc) =	sbr.abs _section_cstart, $3  }
0xc8: {  	[dreg:$0x1] =	wrdreg $0xFFFFFFFF  }
0xc9: {  	_ =	task.clear_ibuf [dreg:s8], $0x2FFFF;
	_ =	strace $0x9FFFFFFF  }
0xca: {  	(tm) =	ssettm $0x7FFFFFFF  }
0xcb: {  	_ =	shalt  }
tec
execute0_lowered:
.L_overlay_start_1:
0x0: {  	(tag) =	ssettag $0x1  }
0x1: {  	s1 =	rddreg [dreg:$0x0]  }
0x2: {  	s10 =	rddreg [dreg:$0x1]  }
0x3: {  	s0 =	rddreg [dreg:$0x2]  }
0x4: {  	s3 =	rddreg [dreg:$0x3];
	s2 =	srdreg.scid  }
0x5: {  	s5 =	simm.s32 $0x0;
	s11 =	stileid.u32;
	s28 =	simm.s32 $0x7E00  }
0x6: {  	s29 =	simm.s32 $0x2;
	s30 =	simm.s32 $0x480;
	s31 =	simm.s32 $0x500  }
0x7: {  	s2 =	sand.u32 $0x1, s2;
	[smem:$0x7FF] =	sst s5;
	s22 =	smul.u32 $0x4E000, s11  }
0x8: {  	s9 =	smul.u32 $0x13800, s11;
	s20 =	sadd.s32 $0x138000, s3;
	_ =	strace $0x80000047  }
0x9: {  	s6 =	ssub.s32 $0x2, s2;
	s7 =	smul.u32 $0x138800, s2;
	s24 =	sshrl.u32 s22, $0x2  }
0xa: {  	[dreg:$0x5] =	wrdreg s20;
	s8 =	sshrl.u32 s6, $0x1;
	s26 =	sadd.s32 s24, s3  }
0xb: {  	s6 =	ssub.s32 s6, s8;
	s8 =	sadd.s32 $0x4800, s26;
	[dreg:$0xa] =	wrdreg s26  }
0xc: {  	s21 =	sadd.s32 s9, s7;
	s9 =	sadd.s32 $0x6000, s26;
	[dreg:$0xf] =	wrdreg s8  }
0xd: {  	s0 =	sadd.s32 $0x4400, s0;
	s12 =	sadd.s32 $0x7800, s26;
	[dreg:$0x10] =	wrdreg s9  }
0xe: {  	p0 =	sne.s32 s11, $0xF;
	s14 =	sadd.s32 $0xA800, s26;
	[dreg:$0x11] =	wrdreg s12  }
0xf: {  	s4 =	sshll.u32 s2, $0x4;
	s15 =	sadd.s32 $0xC000, s26;
	[dreg:$0x13] =	wrdreg s14  }
0x10: {  	s4 =	sor.u32 s11, s4;
	s19 =	sadd.s32 $0xD800, s26;
	[dreg:$0x14] =	wrdreg s15  }
0x11: {  	s4 =	smul.u32 $0x2710, s4;
	s20 =	sadd.s32 $0xF000, s26;
	[dreg:$0x16] =	wrdreg s19  }
0x12: {  	s25 =	smul.u32 $0x27100, s2;
	s22 =	sadd.s32 $0x12000, s26;
	[dreg:$0x17] =	wrdreg s20  }
0x13: {  	s7 =	sshrl.u32 s7, $0x3;
	s4 =	sshrl.u32 s4, $0x3;
	[dreg:$0x19] =	wrdreg s22  }
0x14: {  	s9 =	simm.s32 $0x9;
	s14 =	simm.s32 $0xA;
	s19 =	simm.s32 $0x5600  }
0x15: {  	s20 =	simm.s32 $0x1;
	s22 =	simm.s32 $0xC;
	s13 =	sadd.s32 s10, s4  }
0x16: {  	s8 =	simm.s32 $0x6;
	s4 =	sadd.s32 $0xA, s13;
	[dreg:$0x6] =	wrdreg s13  }
0x17: {  	s15 =	simm.s32 $0x7;
	s23 =	sadd.s32 $0x14, s13;
	[dreg:$0x7] =	wrdreg s4  }
0x18: {  	s13 =	sadd.s32 $0x9000, s26;
	[dreg:$0x8] =	wrdreg s23;
	s4 =	sshrl.u32 s21, $0x3  }
0x19: {  	[dreg:$0x12] =	wrdreg s13;
	s21 =	sadd.s32 $0x10800, s26;
	s13 =	simm.s32 $0x600  }
0x1a: {  	s4 =	sadd.s32 s0, s4;
	s0 =	sadd.s32 s0, s7;
	[dreg:$0x18] =	wrdreg s21  }
0x1b: {  	s7 =	smul.u32 $0x2710, s11;
	[dreg:$0x9] =	wrdreg s4;
	s0 =	sadd.s32 $0x27000, s0  }
0x1c: {  	s21 =	simm.s32 $0x400;
	s4 =	smax.u32 s6, $0x1;
	[dreg:$0xb] =	wrdreg s0  }
0x1d: {  	s11 =	simm.s32 $0x3;
	s6 =	sadd.s32 $0x1800, s26;
	[dreg:$0xc] =	wrdreg s4  }
0x1e: {  	[dreg:$0xd] =	wrdreg s6;
	s4 =	sadd.s32 $0x3000, s26;
	s0 =	sadd.s32 s7, s25  }
0x1f: {  	s6 =	simm.s32 $0x5;
	[dreg:$0xe] =	wrdreg s4;
	s16 =	sadd.s32 $0x140, s0  }
0x20: {  	s17 =	sadd.s32 $0x190, s0;
	s18 =	sadd.s32 $0x1E0, s0;
	s0 =	sadd.s32 $0xF0, s0  }
.Ltmp0:
0x21: {  	[dreg:$0x15] =	wrdreg s16;
	s2 =	sshrl.u32 s17, $0x3;
	(pc) =	sbr.rel .LBB2_1-.Ltmp0, $4  }
0x22: {  	s4 =	sshrl.u32 s18, $0x3;
	s0 =	sshrl.u32 s0, $0x3;
	s16 =	simm.s32 $0x2E00  }
0x23: {  	s17 =	simm.s32 $0xB;
	s18 =	simm.s32 $0x0;
	s23 =	sadd.s32 s2, s10  }
0x24: {  	s24 =	sadd.s32 s4, s10;
	s25 =	sadd.s32 s0, s10;
	s0 =	simm.s32 $0xD  }
0x25: {  	v0 =	vimm.f32 $0.0e+00;
	s10 =	simm.s32 $0x50;
	s2 =	simm.s32 $0x4;
	s4 =	simm.s32 $0x580  }
.LBB2_6:
0x26: {  	_ =	swait.ge [sflag:s2], $0x2800  }
0x27: {  	[sflag:s2] =	ssyncset.done $0x0  }
0x28: {  	[sflag:s2] =	ssyncadd.s32 $0xFFFFD800  }
0x29: {  	[spmem:s3] =	stream.indirect.scatter.add.f32 [tilespmem:s28], [sflag:$0x8], $0x80, s4, s10, $0xb8;
	[tilespmem:$0x1F680] =	vst v63  }
0x2a: {  	_ =	swait.ge [sflag:s20], $0x2800  }
0x2b: {  	[sflag:s20] =	ssyncset.done $0x0  }
0x2c: {  	[sflag:s20] =	ssyncadd.s32 $0xFFFFD800  }
0x2d: {  	[spmem:s3] =	stream.indirect.scatter.add.f32 [tilespmem:s13], [sflag:$0x5], $0x80, s21, s10, $0xb8;
	[tilespmem:$0x1F680] =	vst v63  }
0x2e: {  	_ =	swait.ge [sflag:s8], $0x2800  }
0x2f: {  	[sflag:s8] =	ssyncset.done $0x0  }
0x30: {  	[sflag:s8] =	ssyncadd.s32 $0xFFFFD800  }
0x31: {  	_ =	swait.ge [sflag:s15], $0x2800  }
0x32: {  	[sflag:s15] =	ssyncset.done $0x0  }
0x33: {  	s7 =	simm.s32 $0x8;
	[sflag:s15] =	ssyncadd.s32 $0xFFFFD800  }
0x34: {  	_ =	swait.ge [sflag:s7], $0x2800  }
0x35: {  	[sflag:s7] =	ssyncset.done $0x0  }
0x36: {  	[sflag:s7] =	ssyncadd.s32 $0xFFFFD800  }
0x37: {  	_ =	swait.ge [sflag:s6], $0x2800  }
0x38: {  	[sflag:s6] =	ssyncset.done $0x0  }
0x39: {  	[sflag:s6] =	ssyncadd.s32 $0xFFFFD800  }
0x3a: {  	s26 =	stileid.u32;
	[bflag:$0x0] =	sbarrier.arrive $0xFFFF  }
0x3b: {  	s7 =	sshll.u32 s26, $0x6;
	s26 =	rddreg [dreg:$0xa]  }
0x3c: {  	s7 =	sor.u32 $0x1C0D, s7;
	s12 =	rddreg [dreg:$0x9];
	s18 =	sshrl.u32 s26, $0x3  }
0x3d: {  	[hbm:s12], [sflag:s7] =	dma.local [spmem:s18], $0x2700  }
0x3e: {  	_ =	swait.ge [sflag:s0], $0x2700  }
0x3f: {  	[sflag:s0] =	ssyncset.done $0x0;
	s12 =	rddreg [dreg:$0x5]  }
0x40: {  	[sflag:s0] =	ssyncadd.s32 $0xFFFFD900;
	s18 =	sshrl.u32 @!p0 s12, $0x3;
	s12 =	rddreg [dreg:$0xb]  }
0x41: {  	[hbm:s12], [sflag:s7] =	dma.local @!p0 [spmem:s18], $0x100  }
0x42: {  	s7 =	simm.s32 @!p0 $0xD  }
0x43: {  	_ =	swait.ge @!p0 [sflag:s7], $0x100  }
0x44: {  	s12 =	rddreg [dreg:$0x1a]  }
0x45: {  	s18 =	sadd.s32 $0x1, s12;
	s12 =	rddreg [dreg:$0xc]  }
0x46: {  	p1 =	sne.s32 s18, s12  }
.Ltmp1:
0x47: {  	_ = 	snop;
	(pc) =	sbr.rel @!p1 .LBB2_7-.Ltmp1, $3  }
0x48: {  	_ =	sdelay $0x1  }
0x49: {  	[sflag:s7] =	ssyncset.done @!p0 $0x0  }
0x4a: {  	[sflag:s7] =	ssyncadd.s32 @!p0 $0xFFFFFF00  }
.LBB2_1:
0x4b: {  	[dreg:$0x1a] =	wrdreg s18;
	s7 =	simm.s32 $0x70;
	s18 =	simm.s32 $0x3C0  }
.LBB2_2:
0x4c: {  	p1 =	sne.s32 s18, $0x5FC0;
	[tilespmem:s7+$0xA600] =	vst v0  }
0x4d: {  	[tilespmem:s7+$0xA590] =	vst v0  }
0x4e: {  	[tilespmem:s7+$0xA5A0] =	vst v0  }
.Ltmp2:
0x4f: {  	[tilespmem:s7+$0xA5B0] =	vst v0;
	(pc) =	sbr.rel @p1 .LBB2_2-.Ltmp2, $4  }
0x50: {  	[tilespmem:s7+$0xA5C0] =	vst v0  }
0x51: {  	[tilespmem:s7+$0xA5D0] =	vst v0  }
0x52: {  	[tilespmem:s7+$0xA5E0] =	vst v0  }
0x53: {  	[tilespmem:s7+$0xA5F0] =	vst v0;
	s7 =	sshra.s32 s18, $0x2;
	s18 =	sadd.s32 $0x200, s18  }
0x54: {  	[tilespmem:s7+$0xA600] =	vst v0  }
0x55: {  	[tilespmem:s7+$0xA590] =	vst v0  }
0x56: {  	[tilespmem:s7+$0xA5A0] =	vst v0  }
0x57: {  	[tilespmem:s7+$0xA5B0] =	vst v0  }
0x58: {  	[tilespmem:s7+$0xA5C0] =	vst v0  }
0x59: {  	[tilespmem:s7+$0xA5D0] =	vst v0  }
0x5a: {  	[tilespmem:s7+$0xA5E0] =	vst v0  }
0x5b: {  	[tilespmem:s7+$0xA5F0] =	vst v0;
	s12 =	simm.s32 $0xA600  }
0x5c: {  	[spmem:s26] =	stream.linear.scatter [tilespmem:s12], [sflag:$0xD], $0x1800, $0x38;
	[tilespmem:$0x1F680] =	vst v63  }
0x5d: {  	_ =	swait.ge [sflag:s0], $0x1800  }
0x5e: {  	[sflag:s0] =	ssyncset.done $0x0  }
0x5f: {  	s26 =	rddreg [dreg:$0xd];
	[sflag:s0] =	ssyncadd.s32 $0xFFFFE800  }
0x60: {  	[spmem:s26] =	stream.linear.scatter [tilespmem:s12], [sflag:$0xD], $0x1800, $0x38;
	[tilespmem:$0x1F680] =	vst v63  }
0x61: {  	_ =	swait.ge [sflag:s0], $0x1800  }
0x62: {  	[sflag:s0] =	ssyncset.done $0x0  }
0x63: {  	s18 =	rddreg [dreg:$0xe];
	[sflag:s0] =	ssyncadd.s32 $0xFFFFE800  }
0x64: {  	[spmem:s18] =	stream.linear.scatter [tilespmem:s12], [sflag:$0xD], $0x1800, $0x38;
	[tilespmem:$0x1F680] =	vst v63  }
0x65: {  	_ =	swait.ge [sflag:s0], $0x1800  }
0x66: {  	[sflag:s0] =	ssyncset.done $0x0  }
0x67: {  	s26 =	rddreg [dreg:$0xf];
	[sflag:s0] =	ssyncadd.s32 $0xFFFFE800  }
0x68: {  	[spmem:s26] =	stream.linear.scatter [tilespmem:s12], [sflag:$0xD], $0x1800, $0x38;
	[tilespmem:$0x1F680] =	vst v63  }
0x69: {  	_ =	swait.ge [sflag:s0], $0x1800  }
0x6a: {  	[sflag:s0] =	ssyncset.done $0x0  }
0x6b: {  	s18 =	rddreg [dreg:$0x10];
	[sflag:s0] =	ssyncadd.s32 $0xFFFFE800  }
0x6c: {  	[spmem:s18] =	stream.linear.scatter [tilespmem:s12], [sflag:$0xD], $0x1800, $0x38;
	[tilespmem:$0x1F680] =	vst v63  }
0x6d: {  	_ =	swait.ge [sflag:s0], $0x1800  }
0x6e: {  	[sflag:s0] =	ssyncset.done $0x0  }
0x6f: {  	s26 =	rddreg [dreg:$0x11];
	[sflag:s0] =	ssyncadd.s32 $0xFFFFE800  }
0x70: {  	[spmem:s26] =	stream.linear.scatter [tilespmem:s12], [sflag:$0xD], $0x1800, $0x38;
	[tilespmem:$0x1F680] =	vst v63  }
0x71: {  	_ =	swait.ge [sflag:s0], $0x1800  }
0x72: {  	[sflag:s0] =	ssyncset.done $0x0  }
0x73: {  	s18 =	rddreg [dreg:$0x12];
	[sflag:s0] =	ssyncadd.s32 $0xFFFFE800  }
0x74: {  	[spmem:s18] =	stream.linear.scatter [tilespmem:s12], [sflag:$0xD], $0x1800, $0x38;
	[tilespmem:$0x1F680] =	vst v63  }
0x75: {  	_ =	swait.ge [sflag:s0], $0x1800  }
0x76: {  	[sflag:s0] =	ssyncset.done $0x0  }
0x77: {  	s26 =	rddreg [dreg:$0x13];
	[sflag:s0] =	ssyncadd.s32 $0xFFFFE800  }
0x78: {  	[spmem:s26] =	stream.linear.scatter [tilespmem:s12], [sflag:$0xD], $0x1800, $0x38;
	[tilespmem:$0x1F680] =	vst v63  }
0x79: {  	_ =	swait.ge [sflag:s0], $0x1800  }
0x7a: {  	[sflag:s0] =	ssyncset.done $0x0  }
0x7b: {  	s18 =	rddreg [dreg:$0x14];
	[sflag:s0] =	ssyncadd.s32 $0xFFFFE800  }
0x7c: {  	[spmem:s18] =	stream.linear.scatter [tilespmem:s12], [sflag:$0xD], $0x1800, $0x38;
	[tilespmem:$0x1F680] =	vst v63  }
0x7d: {  	_ =	swait.ge [sflag:s0], $0x1800  }
0x7e: {  	[sflag:s0] =	ssyncset.done $0x0  }
0x7f: {  	s26 =	rddreg [dreg:$0x16];
	[sflag:s0] =	ssyncadd.s32 $0xFFFFE800  }
0x80: {  	[spmem:s26] =	stream.linear.scatter [tilespmem:s12], [sflag:$0xD], $0x1800, $0x38;
	[tilespmem:$0x1F680] =	vst v63  }
0x81: {  	_ =	swait.ge [sflag:s0], $0x1800  }
0x82: {  	[sflag:s0] =	ssyncset.done $0x0  }
0x83: {  	s18 =	rddreg [dreg:$0x17];
	[sflag:s0] =	ssyncadd.s32 $0xFFFFE800  }
0x84: {  	[spmem:s18] =	stream.linear.scatter [tilespmem:s12], [sflag:$0xD], $0x1800, $0x38;
	[tilespmem:$0x1F680] =	vst v63  }
0x85: {  	_ =	swait.ge [sflag:s0], $0x1800  }
0x86: {  	[sflag:s0] =	ssyncset.done $0x0  }
0x87: {  	s26 =	rddreg [dreg:$0x18];
	[sflag:s0] =	ssyncadd.s32 $0xFFFFE800  }
0x88: {  	[spmem:s26] =	stream.linear.scatter [tilespmem:s12], [sflag:$0xD], $0x1800, $0x38;
	[tilespmem:$0x1F680] =	vst v63  }
0x89: {  	_ =	swait.ge [sflag:s0], $0x1800  }
0x8a: {  	[sflag:s0] =	ssyncset.done $0x0  }
0x8b: {  	s18 =	rddreg [dreg:$0x19];
	[sflag:s0] =	ssyncadd.s32 $0xFFFFE800  }
0x8c: {  	[spmem:s18] =	stream.linear.scatter [tilespmem:s12], [sflag:$0xD], $0x1800, $0x38;
	[tilespmem:$0x1F680] =	vst v63  }
0x8d: {  	_ =	swait.ge [sflag:s0], $0x1800  }
0x8e: {  	[sflag:s0] =	ssyncset.done $0x0  }
0x8f: {  	s7 =	simm.s32 @!p0 $0xA600;
	s12 =	rddreg [dreg:$0x5];
	[sflag:s0] =	ssyncadd.s32 $0xFFFFE800  }
0x90: {  	[spmem:s12] =	stream.linear.scatter @!p0 [tilespmem:s7], [sflag:$0xD], $0x800, $0x38;
	[tilespmem:$0x1F680] =	vst v63  }
0x91: {  	s7 =	simm.s32 @!p0 $0xD  }
0x92: {  	_ =	swait.ge @!p0 [sflag:s7], $0x800  }
0x93: {  	[sflag:s7] =	ssyncset.done @!p0 $0x0  }
0x94: {  	[sflag:s7] =	ssyncadd.s32 @!p0 $0xFFFFF800  }
0x95: {  	[bflag:$0x0] =	sbarrier.arrive $0xFFFF  }
0x96: {  	s18 =	simm.s32 $0x0;
	s26 =	rddreg [dreg:$0x6]  }
0x97: {  	[tilespmem:s18], [sflag:$0x9] =	stream.linear.gather [hbm4b:s26+s18], $0x50, $0x38;
	[tilespmem:$0x1F680] =	vst v63  }
0x98: {  	s12 =	rddreg [dreg:$0x7];
	s26 =	simm.s32 $0x80  }
0x99: {  	[tilespmem:s26], [sflag:$0xA] =	stream.linear.gather [hbm4b:s12+s18], $0x50, $0x38;
	[tilespmem:$0x1F680] =	vst v63  }
0x9a: {  	s12 =	rddreg [dreg:$0x8];
	s26 =	simm.s32 $0x100  }
0x9b: {  	[tilespmem:s26], [sflag:$0xB] =	stream.linear.gather [hbm4b:s12+s18], $0x50, $0x38;
	[tilespmem:$0x1F680] =	vst v63  }
0x9c: {  	_ =	swait.ge [sflag:s9], $0x50  }
0x9d: {  	[sflag:s9] =	ssyncset.done $0x0  }
0x9e: {  	[sflag:s9] =	ssyncadd.s32 $0xFFFFFFB0  }
0x9f: {  	v1 =	vld [tilespmem:$0x0];
	_ =	sdelay $0x1  }
0xa0: {  	v2 =	vld [tilespmem:$0x10];
	_ =	sdelay $0x1  }
0xa1: {  	v3 =	vld [tilespmem:$0x20]  }
0xa2: {  	v4 =	vand.u32 $0xFFFF, v1  }
0xa3: {  	v59 =	vld [tilespmem:$0x30];
	v1 =	vshrl.u32 v1, $0x10;
	[tilespmem:$0x200] =	vst v4  }
0xa4: {  	[tilespmem:$0x400] =	vst v1;
	v1 =	vand.u32 $0xFFFF, v2  }
0xa5: {  	[tilespmem:$0x210] =	vst v1;
	v1 =	vshrl.u32 v2, $0x10;
	v2 =	vld [tilespmem:$0x40]  }
0xa6: {  	[tilespmem:$0x410] =	vst v1;
	v1 =	vand.u32 $0xFFFF, v3  }
0xa7: {  	[tilespmem:$0x220] =	vst v1;
	v1 =	vshrl.u32 v3, $0x10  }
0xa8: {  	[tilespmem:$0x420] =	vst v1;
	v1 =	vand.u32 $0xFFFF, v59  }
0xa9: {  	[tilespmem:$0x230] =	vst v1;
	v1 =	vshrl.u32 v59, $0x10  }
0xaa: {  	[tilespmem:$0x430] =	vst v1;
	v1 =	vand.u32 $0xFFFF, v2  }
0xab: {  	[tilespmem:$0x240] =	vst v1;
	v1 =	vshrl.u32 v2, $0x10  }
0xac: {  	s26 =	simm.s32 $0x200;
	[tilespmem:$0x440] =	vst v1  }
0xad: {  	[tilespmem:s13], [sflag:$0x1] =	stream.indirect.gather [hbm4b:s1+s10], $0x80, s26, s10, $0xb8;
	[tilespmem:$0x1F680] =	vst v63  }
0xae: {  	_ =	swait.ge [sflag:s14], $0x50  }
0xaf: {  	[sflag:s14] =	ssyncset.done $0x0  }
0xb0: {  	[sflag:s14] =	ssyncadd.s32 $0xFFFFFFB0  }
0xb1: {  	v1 =	vld [tilespmem:$0x80];
	_ =	sdelay $0x1  }
0xb2: {  	v2 =	vld [tilespmem:$0x90];
	_ =	sdelay $0x1  }
0xb3: {  	v3 =	vld [tilespmem:$0xA0]  }
0xb4: {  	v60 =	vand.u32 $0xFFFF, v1  }
0xb5: {  	v61 =	vld [tilespmem:$0xB0];
	v1 =	vshrl.u32 v1, $0x10;
	[tilespmem:$0x280] =	vst v60  }
0xb6: {  	[tilespmem:$0x480] =	vst v1;
	v1 =	vand.u32 $0xFFFF, v2  }
0xb7: {  	[tilespmem:$0x290] =	vst v1;
	v1 =	vshrl.u32 v2, $0x10;
	v2 =	vld [tilespmem:$0xC0]  }
0xb8: {  	[tilespmem:$0x490] =	vst v1;
	v1 =	vand.u32 $0xFFFF, v3  }
0xb9: {  	[tilespmem:$0x2A0] =	vst v1;
	v1 =	vshrl.u32 v3, $0x10  }
0xba: {  	[tilespmem:$0x4A0] =	vst v1;
	v1 =	vand.u32 $0xFFFF, v61  }
0xbb: {  	[tilespmem:$0x2B0] =	vst v1;
	v1 =	vshrl.u32 v61, $0x10  }
0xbc: {  	[tilespmem:$0x4B0] =	vst v1;
	v1 =	vand.u32 $0xFFFF, v2  }
0xbd: {  	[tilespmem:$0x2C0] =	vst v1;
	v1 =	vshrl.u32 v2, $0x10  }
0xbe: {  	s12 =	simm.s32 $0x280;
	[tilespmem:$0x4C0] =	vst v1  }
0xbf: {  	[tilespmem:s16], [sflag:$0x2] =	stream.indirect.gather [hbm4b:s1+s10], $0x80, s12, s10, $0xb8;
	[tilespmem:$0x1F680] =	vst v63  }
0xc0: {  	_ =	swait.ge [sflag:s17], $0x50  }
0xc1: {  	[sflag:s17] =	ssyncset.done $0x0  }
0xc2: {  	[sflag:s17] =	ssyncadd.s32 $0xFFFFFFB0  }
0xc3: {  	v1 =	vld [tilespmem:$0x100];
	_ =	sdelay $0x1  }
0xc4: {  	v2 =	vld [tilespmem:$0x110];
	_ =	sdelay $0x1  }
0xc5: {  	v3 =	vld [tilespmem:$0x120]  }
0xc6: {  	v62 =	vand.u32 $0xFFFF, v1  }
0xc7: {  	v63 =	vld [tilespmem:$0x130];
	v1 =	vshrl.u32 v1, $0x10;
	[tilespmem:$0x300] =	vst v62  }
0xc8: {  	[tilespmem:$0x500] =	vst v1;
	v1 =	vand.u32 $0xFFFF, v2  }
0xc9: {  	[tilespmem:$0x310] =	vst v1;
	v1 =	vshrl.u32 v2, $0x10;
	v2 =	vld [tilespmem:$0x140]  }
0xca: {  	[tilespmem:$0x510] =	vst v1;
	v1 =	vand.u32 $0xFFFF, v3  }
0xcb: {  	[tilespmem:$0x320] =	vst v1;
	v1 =	vshrl.u32 v3, $0x10  }
0xcc: {  	[tilespmem:$0x520] =	vst v1;
	v1 =	vand.u32 $0xFFFF, v63  }
0xcd: {  	[tilespmem:$0x330] =	vst v1;
	v1 =	vshrl.u32 v63, $0x10  }
0xce: {  	[tilespmem:$0x530] =	vst v1;
	v1 =	vand.u32 $0xFFFF, v2  }
0xcf: {  	[tilespmem:$0x340] =	vst v1;
	v1 =	vshrl.u32 v2, $0x10  }
0xd0: {  	s26 =	simm.s32 $0x300;
	s7 =	rddreg [dreg:$0x15];
	[tilespmem:$0x540] =	vst v1  }
0xd1: {  	[tilespmem:s19], [sflag:$0x3] =	stream.indirect.gather [hbm4b:s1+s10], $0x80, s26, s10, $0xb8;
	[tilespmem:$0x1F680] =	vst v63  }
.LBB2_4:
0xd2: {  	_ =	swait.ge [sflag:s20], $0x2800  }
0xd3: {  	[sflag:s20] =	ssyncset.done $0x0  }
0xd4: {  	[sflag:s20] =	ssyncadd.s32 $0xFFFFD800  }
0xd5: {  	[spmem:s3] =	stream.indirect.scatter.add.f32 [tilespmem:s13], [sflag:$0x5], $0x80, s21, s10, $0xb8;
	[tilespmem:$0x1F680] =	vst v63  }
0xd6: {  	s26 =	sadd.s32 s18, s25;
	s12 =	simm.s32 $0x180;
	p1 =	seq.s32 s18, $0x0  }
0xd7: {  	[tilespmem:s12], [sflag:$0xC] =	stream.linear.gather [hbm4b:s26+s5], $0x50, $0x38;
	[tilespmem:$0x1F680] =	vst v63  }
0xd8: {  	s26 =	simm.s32 @!p1 $0x8  }
0xd9: {  	_ =	swait.ge @!p1 [sflag:s26], $0x2800  }
0xda: {  	[sflag:s26] =	ssyncset.done @!p1 $0x0  }
0xdb: {  	[sflag:s26] =	ssyncadd.s32 @!p1 $0xFFFFD800  }
0xdc: {  	_ =	swait.ge [sflag:s22], $0x50  }
0xdd: {  	[sflag:s22] =	ssyncset.done $0x0  }
0xde: {  	[sflag:s22] =	ssyncadd.s32 $0xFFFFFFB0  }
0xdf: {  	v1 =	vld [tilespmem:$0x180];
	_ =	sdelay $0x1  }
0xe0: {  	v2 =	vld [tilespmem:$0x190];
	_ =	sdelay $0x1  }
0xe1: {  	v3 =	vld [tilespmem:$0x1A0]  }
0xe2: {  	v4 =	vand.u32 $0xFFFF, v1  }
0xe3: {  	v61 =	vld [tilespmem:$0x1B0];
	v1 =	vshrl.u32 v1, $0x10;
	[tilespmem:$0x380] =	vst v4  }
0xe4: {  	[tilespmem:$0x580] =	vst v1;
	v1 =	vand.u32 $0xFFFF, v2  }
0xe5: {  	[tilespmem:$0x390] =	vst v1;
	v1 =	vshrl.u32 v2, $0x10;
	v2 =	vld [tilespmem:$0x1C0]  }
0xe6: {  	[tilespmem:$0x590] =	vst v1;
	v1 =	vand.u32 $0xFFFF, v3  }
0xe7: {  	[tilespmem:$0x3A0] =	vst v1;
	v1 =	vshrl.u32 v3, $0x10  }
0xe8: {  	[tilespmem:$0x5A0] =	vst v1;
	v1 =	vand.u32 $0xFFFF, v61  }
0xe9: {  	[tilespmem:$0x3B0] =	vst v1;
	v1 =	vshrl.u32 v61, $0x10  }
0xea: {  	[tilespmem:$0x5B0] =	vst v1;
	v1 =	vand.u32 $0xFFFF, v2  }
0xeb: {  	[tilespmem:$0x3C0] =	vst v1;
	v1 =	vshrl.u32 v2, $0x10  }
0xec: {  	s26 =	simm.s32 $0x380;
	[tilespmem:$0x5C0] =	vst v1  }
0xed: {  	[tilespmem:s28], [sflag:$0x4] =	stream.indirect.gather [hbm4b:s1+s10], $0x80, s26, s10, $0xb8;
	[tilespmem:$0x1F680] =	vst v63  }
0xee: {  	_ =	swait.ge [sflag:s29], $0x2800  }
0xef: {  	[sflag:s29] =	ssyncset.done $0x0  }
0xf0: {  	[sflag:s29] =	ssyncadd.s32 $0xFFFFD800  }
0xf1: {  	[spmem:s3] =	stream.indirect.scatter.add.f32 [tilespmem:s16], [sflag:$0x6], $0x80, s30, s10, $0xb8;
	[tilespmem:$0x1F680] =	vst v63  }
0xf2: {  	s26 =	sshrl.u32 s7, $0x3;
	s12 =	rddreg [dreg:$0x1]  }
0xf3: {  	s26 =	sadd.s32 s12, s26  }
0xf4: {  	[tilespmem:s5], [sflag:$0x9] =	stream.linear.gather [hbm4b:s26+s5], $0x50, $0x38;
	[tilespmem:$0x1F680] =	vst v63  }
0xf5: {  	_ =	swait.ge [sflag:s6], $0x2800  }
0xf6: {  	[sflag:s6] =	ssyncset.done $0x0  }
0xf7: {  	[sflag:s6] =	ssyncadd.s32 $0xFFFFD800  }
0xf8: {  	_ =	swait.ge [sflag:s9], $0x50  }
0xf9: {  	[sflag:s9] =	ssyncset.done $0x0  }
0xfa: {  	[sflag:s9] =	ssyncadd.s32 $0xFFFFFFB0  }
0xfb: {  	v1 =	vld [tilespmem:$0x0];
	_ =	sdelay $0x1  }
0xfc: {  	v2 =	vld [tilespmem:$0x10];
	_ =	sdelay $0x1  }
0xfd: {  	v3 =	vld [tilespmem:$0x20]  }
0xfe: {  	v62 =	vand.u32 $0xFFFF, v1  }
0xff: {  	v63 =	vld [tilespmem:$0x30];
	v1 =	vshrl.u32 v1, $0x10;
	[tilespmem:$0x200] =	vst v62  }
0x100: {  	[tilespmem:$0x400] =	vst v1;
	v1 =	vand.u32 $0xFFFF, v2  }
0x101: {  	[tilespmem:$0x210] =	vst v1;
	v1 =	vshrl.u32 v2, $0x10;
	v2 =	vld [tilespmem:$0x40]  }
0x102: {  	[tilespmem:$0x410] =	vst v1;
	v1 =	vand.u32 $0xFFFF, v3  }
0x103: {  	[tilespmem:$0x220] =	vst v1;
	v1 =	vshrl.u32 v3, $0x10  }
0x104: {  	[tilespmem:$0x420] =	vst v1;
	v1 =	vand.u32 $0xFFFF, v63  }
0x105: {  	[tilespmem:$0x230] =	vst v1;
	v1 =	vshrl.u32 v63, $0x10  }
0x106: {  	[tilespmem:$0x430] =	vst v1;
	v1 =	vand.u32 $0xFFFF, v2  }
0x107: {  	[tilespmem:$0x240] =	vst v1;
	v1 =	vshrl.u32 v2, $0x10  }
0x108: {  	p1 =	seq.s32 s18, $0x4B0;
	s26 =	simm.s32 $0x200;
	[tilespmem:$0x440] =	vst v1  }
0x109: {  	[tilespmem:s13], [sflag:$0x1] =	stream.indirect.gather [hbm4b:s1+s10], $0x80, s26, s10, $0xb8;
	[tilespmem:$0x1F680] =	vst v63  }
.Ltmp3:
0x10a: {  	_ = 	snop;
	(pc) =	sbr.rel @p1 .LBB2_6-.Ltmp3, $4  }
0x10b: {  	_ =	swait.ge [sflag:s11], $0x2800  }
0x10c: {  	[sflag:s11] =	ssyncset.done $0x0  }
0x10d: {  	[sflag:s11] =	ssyncadd.s32 $0xFFFFD800  }
0x10e: {  	[spmem:s3] =	stream.indirect.scatter.add.f32 [tilespmem:s19], [sflag:$0x7], $0x80, s31, s10, $0xb8;
	[tilespmem:$0x1F680] =	vst v63  }
0x10f: {  	s26 =	sadd.s32 s18, s23;
	s12 =	simm.s32 $0x80  }
0x110: {  	[tilespmem:s12], [sflag:$0xA] =	stream.linear.gather [hbm4b:s26+s5], $0x50, $0x38;
	[tilespmem:$0x1F680] =	vst v63  }
0x111: {  	_ =	swait.ge [sflag:s8], $0x2800  }
0x112: {  	[sflag:s8] =	ssyncset.done $0x0  }
0x113: {  	[sflag:s8] =	ssyncadd.s32 $0xFFFFD800  }
0x114: {  	_ =	swait.ge [sflag:s14], $0x50  }
0x115: {  	[sflag:s14] =	ssyncset.done $0x0  }
0x116: {  	[sflag:s14] =	ssyncadd.s32 $0xFFFFFFB0  }
0x117: {  	v1 =	vld [tilespmem:$0x80];
	_ =	sdelay $0x1  }
0x118: {  	v2 =	vld [tilespmem:$0x90];
	_ =	sdelay $0x1  }
0x119: {  	v3 =	vld [tilespmem:$0xA0]  }
0x11a: {  	v4 =	vand.u32 $0xFFFF, v1  }
0x11b: {  	v61 =	vld [tilespmem:$0xB0];
	v1 =	vshrl.u32 v1, $0x10;
	[tilespmem:$0x280] =	vst v4  }
0x11c: {  	[tilespmem:$0x480] =	vst v1;
	v1 =	vand.u32 $0xFFFF, v2  }
0x11d: {  	[tilespmem:$0x290] =	vst v1;
	v1 =	vshrl.u32 v2, $0x10;
	v2 =	vld [tilespmem:$0xC0]  }
0x11e: {  	[tilespmem:$0x490] =	vst v1;
	v1 =	vand.u32 $0xFFFF, v3  }
0x11f: {  	[tilespmem:$0x2A0] =	vst v1;
	v1 =	vshrl.u32 v3, $0x10  }
0x120: {  	[tilespmem:$0x4A0] =	vst v1;
	v1 =	vand.u32 $0xFFFF, v61  }
0x121: {  	[tilespmem:$0x2B0] =	vst v1;
	v1 =	vshrl.u32 v61, $0x10  }
0x122: {  	[tilespmem:$0x4B0] =	vst v1;
	v1 =	vand.u32 $0xFFFF, v2  }
0x123: {  	[tilespmem:$0x2C0] =	vst v1;
	v1 =	vshrl.u32 v2, $0x10  }
0x124: {  	s26 =	simm.s32 $0x280;
	[tilespmem:$0x4C0] =	vst v1  }
0x125: {  	[tilespmem:s16], [sflag:$0x2] =	stream.indirect.gather [hbm4b:s1+s10], $0x80, s26, s10, $0xb8;
	[tilespmem:$0x1F680] =	vst v63  }
0x126: {  	_ =	swait.ge [sflag:s2], $0x2800  }
0x127: {  	[sflag:s2] =	ssyncset.done $0x0  }
0x128: {  	[sflag:s2] =	ssyncadd.s32 $0xFFFFD800  }
0x129: {  	[spmem:s3] =	stream.indirect.scatter.add.f32 [tilespmem:s28], [sflag:$0x8], $0x80, s4, s10, $0xb8;
	[tilespmem:$0x1F680] =	vst v63  }
0x12a: {  	s12 =	simm.s32 $0x100;
	s26 =	sadd.s32 s18, s24  }
0x12b: {  	[tilespmem:s12], [sflag:$0xB] =	stream.linear.gather [hbm4b:s26+s5], $0x50, $0x38;
	[tilespmem:$0x1F680] =	vst v63  }
0x12c: {  	_ =	swait.ge [sflag:s15], $0x2800  }
0x12d: {  	[sflag:s15] =	ssyncset.done $0x0  }
0x12e: {  	[sflag:s15] =	ssyncadd.s32 $0xFFFFD800  }
0x12f: {  	_ =	swait.ge [sflag:s17], $0x50  }
0x130: {  	[sflag:s17] =	ssyncset.done $0x0  }
0x131: {  	[sflag:s17] =	ssyncadd.s32 $0xFFFFFFB0  }
0x132: {  	v1 =	vld [tilespmem:$0x100];
	_ =	sdelay $0x1  }
0x133: {  	v2 =	vld [tilespmem:$0x110];
	_ =	sdelay $0x1  }
0x134: {  	v3 =	vld [tilespmem:$0x120]  }
0x135: {  	v62 =	vand.u32 $0xFFFF, v1  }
0x136: {  	v63 =	vld [tilespmem:$0x130];
	v1 =	vshrl.u32 v1, $0x10;
	[tilespmem:$0x300] =	vst v62  }
0x137: {  	[tilespmem:$0x500] =	vst v1;
	v1 =	vand.u32 $0xFFFF, v2  }
0x138: {  	[tilespmem:$0x310] =	vst v1;
	v1 =	vshrl.u32 v2, $0x10;
	v2 =	vld [tilespmem:$0x140]  }
0x139: {  	[tilespmem:$0x510] =	vst v1;
	v1 =	vand.u32 $0xFFFF, v3  }
0x13a: {  	[tilespmem:$0x320] =	vst v1;
	v1 =	vshrl.u32 v3, $0x10  }
0x13b: {  	[tilespmem:$0x520] =	vst v1;
	v1 =	vand.u32 $0xFFFF, v63  }
.Ltmp4:
0x13c: {  	[tilespmem:$0x330] =	vst v1;
	v1 =	vshrl.u32 v63, $0x10;
	(pc) =	sbr.rel .LBB2_4-.Ltmp4, $4  }
0x13d: {  	[tilespmem:$0x530] =	vst v1;
	v1 =	vand.u32 $0xFFFF, v2  }
0x13e: {  	[tilespmem:$0x340] =	vst v1;
	v1 =	vshrl.u32 v2, $0x10  }
0x13f: {  	s7 =	sadd.s32 $0x140, s7;
	s18 =	sadd.s32 $0x28, s18;
	s26 =	simm.s32 $0x300;
	[tilespmem:$0x540] =	vst v1  }
0x140: {  	[tilespmem:s19], [sflag:$0x3] =	stream.indirect.gather [hbm4b:s1+s10], $0x80, s26, s10, $0xb8;
	[tilespmem:$0x1F680] =	vst v63  }
.LBB2_7:
0x141: {  	_ =	sfence.sel $0x180000  }
0x142: {  	[bflag:$0x0] =	sbarrier.arrive $0xFFFF  }
0x143: {  	_ =	strace $0x90000047  }
0x144: {  	s0 =	stileid.u32;
	[bflag:$0x2] =	sbarrier.arrive $0xFFFF  }
0x145: {  	p0 =	sne.s32 s0, $0x0;
	s0 =	rddreg [dreg:$0x4]  }
0x146: {  	s0 =	sadd.s32 @!p0 $0x100000, s0  }
0x147: {  	[sflag:s0] =	ssyncadd.tile.s32 @!p0 $0x1;
	_ =	shalt  }
.Lfunc_end2:
_tile_overlayer_lowered:
.L_overlay_start_2:
0x148: {  	(tag) =	ssettag $0x2  }
0x149: {  	s0 =	rddreg [dreg:$0x0];
	s2 =	stileid.u32  }
0x14a: {  	s1 =	rddreg [dreg:$0x1];
	p0 =	sne.s32 s2, $0x0  }
0x14b: {  	s3 =	rddreg [dreg:$0x2];
	[bflag:$0x3] =	sbarrier.arrive $0xFFFF;
	s2 =	simm.s32 @!p0 $0x1C0D  }
0x14c: {  	[timem:s3], [sflag:s2] =	dma.local @!p0 [hbm:s0], s1  }
0x14d: {  	s0 =	simm.s32 @!p0 $0xD  }
0x14e: {  	_ =	swait.ge @!p0 [sflag:s0], s1  }
0x14f: {  	s1 =	ssub.s32 @!p0 $0x0, s1;
	[sflag:s0] =	ssyncset.done @!p0 $0x0  }
0x150: {  	[sflag:s0] =	ssyncadd.s32 @!p0 s1  }
0x151: {  	[bflag:$0x3] =	sbarrier.arrive $0xFFFF  }
0x152: {  	_ =	shalt  }

</sc_bundles>
